<compile_context>
chip_gen: v7x
topology: tpu7x:2x2x1
jax: 0.10.2.dev20260603
libtpu: 0.0.44.dev20260713+nightly
codegen_flags: <defaults>
</compile_context>

<pallas_src>
import functools

import jax
import jax.numpy as jnp
from jax.experimental import pallas as pl
from jax.experimental.pallas import tpu as pltpu
from jax.experimental.pallas import tpu_sc as plsc

B, T, D = 4, 1024, 1024
H = 512
LAT = 1024
K = 8192
CD = 8

K_SC = 512
KC = 512

_f32 = jnp.float32
_bf16 = jnp.bfloat16

_NW = 32
_TPW = (B * T) // _NW
_NGRP = _TPW // 16
_GPP = 4


def _bdot(a_bf, b_bf):
    return jnp.dot(a_bf, b_bf, preferred_element_type=_f32)


def _enc_body(x_ref, w1_ref, b1_ref, w2_ref, b2_ref, w3_ref, b3_ref,
              pw_ref, pb_ref, zn_ref):
    x = x_ref[0]

    def conv3tap(inp_bf, w_ref, b_row, width):
        y0 = _bdot(inp_bf, w_ref[0])
        y1 = _bdot(inp_bf, w_ref[1])
        y2 = _bdot(inp_bf, w_ref[2])
        zrow = jnp.zeros((1, width), _f32)
        return (jnp.concatenate([zrow, y0[:-1]], axis=0) + y1
                + jnp.concatenate([y2[1:], zrow], axis=0) + b_row)

    h1 = jax.nn.gelu(conv3tap(x, w1_ref, b1_ref[...], H))
    h2 = jax.nn.gelu(conv3tap(h1.astype(_bf16), w2_ref, b2_ref[...], H) + h1)
    z = _bdot(h2.astype(_bf16), w3_ref[...]) + b3_ref[...]
    zp = _bdot(z.astype(_bf16), pw_ref[...]) + pb_ref[...]
    zn = zp / (jnp.sqrt(jnp.sum(zp * zp, axis=1, keepdims=True)) + 1e-8)
    zn_ref[0] = zn.astype(_bf16)


def _scan_tc_body(zn_ref, cbn_ref, bv_ref, bi_ref):
    zn_bf = zn_ref[0]
    best_v = jnp.full((T, 1), -jnp.inf, _f32)
    best_i = jnp.zeros((T, 1), jnp.int32)
    for kc in range(0, K - K_SC, KC):
        s = _bdot(zn_bf, cbn_ref[:, kc:kc + KC])
        m = jnp.max(s, axis=1, keepdims=True)
        idx = jax.lax.broadcasted_iota(jnp.int32, s.shape, 1) + (K_SC + kc)
        cand = jnp.min(jnp.where(s == m, idx, K), axis=1, keepdims=True)
        upd = m > best_v
        best_v = jnp.where(upd, m, best_v)
        best_i = jnp.where(upd, cand, best_i)
    bv_ref[0] = best_v
    bi_ref[0] = best_i


def _tok_body(zt_hbm, cb_hbm, bv_hbm, bi_hbm, cb_v, z_v, val_v, idx_v):
    cid = jax.lax.axis_index("c")
    sid = jax.lax.axis_index("s")
    wid = sid * 2 + cid
    base = wid * _TPW
    pltpu.sync_copy(cb_hbm, cb_v)
    pltpu.sync_copy(zt_hbm.at[:, pl.ds(base, _TPW)], z_v)
    ninf = jnp.full((16,), -jnp.inf, _f32)
    zero = jnp.zeros((16,), jnp.int32)
    for g0 in range(0, _NGRP, _GPP):
        zs = [[z_v[c, pl.ds((g0 + j) * 16, 16)] for c in range(CD)]
              for j in range(_GPP)]

        def body(k0, carry, zs=zs):
            kbase = k0 * 16
            cvecs = [cb_v[c, pl.ds(kbase, 16)] for c in range(CD)]
            kvec0 = jnp.full((16,), kbase, jnp.int32)
            out = list(carry)
            for t in range(16):
                s = [cvecs[c][t] for c in range(CD)]
                kvec = kvec0 + t
                for j in range(_GPP):
                    bv, bi = out[2 * j], out[2 * j + 1]
                    sim = zs[j][0] * s[0]
                    for c in range(1, CD):
                        sim = sim + zs[j][c] * s[c]
                    m = sim > bv
                    out[2 * j] = jnp.where(m, sim, bv)
                    out[2 * j + 1] = jnp.where(m, kvec, bi)
            return tuple(out)

        carry = jax.lax.fori_loop(0, K_SC // 16, body, (ninf, zero) * _GPP)
        for j in range(_GPP):
            val_v[pl.ds((g0 + j) * 16, 16)] = carry[2 * j]
            idx_v[pl.ds((g0 + j) * 16, 16)] = carry[2 * j + 1]
    pltpu.sync_copy(val_v, bv_hbm.at[pl.ds(base, _TPW)])
    pltpu.sync_copy(idx_v, bi_hbm.at[pl.ds(base, _TPW)])


def kernel(features, w1, b1, w2, b2, w3, b3, proj_w, proj_b, codebook):
    x_bf = features.astype(_bf16)
    w1k = jnp.transpose(w1, (2, 1, 0)).astype(_bf16)
    w2k = jnp.transpose(w2, (2, 1, 0)).astype(_bf16)
    w3t = jnp.transpose(w3[:, :, 0], (1, 0)).astype(_bf16)
    pwt = jnp.transpose(proj_w, (1, 0)).astype(_bf16)
    cbn = codebook / (jnp.linalg.norm(codebook, axis=-1, keepdims=True) + 1e-8)
    cb_bf = jnp.transpose(cbn, (1, 0)).astype(_bf16)
    cb_sc = jax.lax.optimization_barrier(cb_bf[:, :K_SC]).astype(_f32)
    cb_tc = cb_bf[:, K_SC:]
    b1r = b1.reshape(1, H)
    b2r = b2.reshape(1, H)
    b3r = b3.reshape(1, LAT)
    pbr = proj_b.reshape(1, CD)
    zn = pl.pallas_call(
        _enc_body,
        grid=(B,),
        in_specs=[
            pl.BlockSpec((1, T, D), lambda b: (b, 0, 0)),
            pl.BlockSpec((3, D, H), lambda b: (0, 0, 0)),
            pl.BlockSpec((1, H), lambda b: (0, 0)),
            pl.BlockSpec((3, H, H), lambda b: (0, 0, 0)),
            pl.BlockSpec((1, H), lambda b: (0, 0)),
            pl.BlockSpec((H, LAT), lambda b: (0, 0)),
            pl.BlockSpec((1, LAT), lambda b: (0, 0)),
            pl.BlockSpec((LAT, CD), lambda b: (0, 0)),
            pl.BlockSpec((1, CD), lambda b: (0, 0)),
        ],
        out_specs=pl.BlockSpec((1, T, CD), lambda b: (b, 0, 0)),
        out_shape=jax.ShapeDtypeStruct((B, T, CD), _bf16),
    )(x_bf, w1k, b1r, w2k, b2r, w3t, b3r, pwt, pbr)
    zt = jnp.transpose(zn.reshape(B * T, CD), (1, 0)).astype(_f32)
    sc_v, sc_i = pl.kernel(
        _tok_body,
        out_type=[
            jax.ShapeDtypeStruct((B * T,), _f32),
            jax.ShapeDtypeStruct((B * T,), jnp.int32),
        ],
        mesh=plsc.VectorSubcoreMesh(core_axis_name="c", subcore_axis_name="s"),
        scratch_types=[
            pltpu.VMEM((CD, K_SC), _f32),
            pltpu.VMEM((CD, _TPW), _f32),
            pltpu.VMEM((_TPW,), _f32),
            pltpu.VMEM((_TPW,), jnp.int32),
        ],
    )(zt, cb_sc)
    tc_v, tc_i = pl.pallas_call(
        _scan_tc_body,
        grid=(B,),
        in_specs=[
            pl.BlockSpec((1, T, CD), lambda b: (b, 0, 0)),
            pl.BlockSpec((CD, K - K_SC), lambda b: (0, 0)),
        ],
        out_specs=[
            pl.BlockSpec((1, T, 1), lambda b: (b, 0, 0)),
            pl.BlockSpec((1, T, 1), lambda b: (b, 0, 0)),
        ],
        out_shape=[
            jax.ShapeDtypeStruct((B, T, 1), _f32),
            jax.ShapeDtypeStruct((B, T, 1), jnp.int32),
        ],
    )(zn, cb_tc)
    tc_vf = tc_v.reshape(B * T)
    tc_if = tc_i.reshape(B * T)
    tok = jnp.where(sc_v >= tc_vf, sc_i, tc_if)
    return tok.reshape(B, T)

# --- scband reference (transcript-rebuilt; emitter-appended) ---
"""Pipeline reference for scband-bi-codec-encoder-quantizer-wrapper-6811818132049 (READ-ONLY COPY).

The authoritative reference and input builder live on the scoring server;
editing this copy changes nothing except your own understanding.
"""

import jax, jax.numpy as jnp
import numpy as np

B, T, D = 4, 1024, 1024
H = 512
LAT = 1024
K = 8192
CD = 8

def conv1d(x, w, b):
    # x: [B, C_in, T], w: [C_out, C_in, k]
    out = jax.lax.conv_general_dilated(
        x, w, window_strides=(1,), padding='SAME',
        dimension_numbers=('NCH', 'OIH', 'NCH'))
    return out + b[None, :, None]

def setup_inputs(seed: int = 0) -> dict:
    key = jax.random.key(seed)
    ks = jax.random.split(key, 10)
    features = jax.random.normal(ks[0], (B, T, D), dtype=jnp.float32)
    w1 = jax.random.normal(ks[1], (H, D, 3), dtype=jnp.float32) * 0.02
    b1 = jnp.zeros((H,), dtype=jnp.float32)
    w2 = jax.random.normal(ks[2], (H, H, 3), dtype=jnp.float32) * 0.02
    b2 = jnp.zeros((H,), dtype=jnp.float32)
    w3 = jax.random.normal(ks[3], (LAT, H, 1), dtype=jnp.float32) * 0.02
    b3 = jnp.zeros((LAT,), dtype=jnp.float32)
    proj_w = jax.random.normal(ks[4], (CD, LAT), dtype=jnp.float32) * 0.02
    proj_b = jnp.zeros((CD,), dtype=jnp.float32)
    codebook = jax.random.normal(ks[5], (K, CD), dtype=jnp.float32)
    return {
        'features': features,
        'w1': w1, 'b1': b1,
        'w2': w2, 'b2': b2,
        'w3': w3, 'b3': b3,
        'proj_w': proj_w, 'proj_b': proj_b,
        'codebook': codebook,
    }

def reference(features, w1, b1, w2, b2, w3, b3, proj_w, proj_b, codebook):
    # features: [B, T, D] -> transpose(1, 2) -> [B, D, T]
    x = jnp.transpose(features, (0, 2, 1))
    # BiCodec encoder: conv stack producing latent z [B, LAT, T]
    h = jax.nn.gelu(conv1d(x, w1, b1))
    h = jax.nn.gelu(conv1d(h, w2, b2) + h)  # residual block
    z = conv1d(h, w3, b3)  # [B, LAT, T]
    # FactorizedVectorQuantize.tokenize:
    # project latent to low-dim codebook space, L2-normalize, cosine sim argmax
    z_e = jnp.transpose(z, (0, 2, 1))  # [B, T, LAT]
    z_p = jnp.einsum('btl,cl->btc', z_e, proj_w) + proj_b  # [B, T, CD]
    z_n = z_p / (jnp.linalg.norm(z_p, axis=-1, keepdims=True) + 1e-8)
    cb_n = codebook / (jnp.linalg.norm(codebook, axis=-1, keepdims=True) + 1e-8)
    sims = jnp.einsum('btc,kc->btk', z_n, cb_n)  # [B, T, K]
    semantic_tokens = jnp.argmax(sims, axis=-1).astype(jnp.int32)  # [B, T]
    return semantic_tokens

if __name__ == "__main__":
    import jax
    _d = setup_inputs()
    print(jax.jit(kernel)(*tuple(_d.values())))

</pallas_src>

<mosaic_0001>
#map = affine_map<(d0, d1) -> (0, 0)>
#map1 = affine_map<(d0, d1) -> (0)>
module attributes {stable_mosaic.version = 14 : i64} {
  func.func @_tok_body(%arg0: i32, %arg1: i32, %arg2: memref<8x4096xf32, #tpu.memory_space<hbm>>, %arg3: memref<8x512xf32, #tpu.memory_space<hbm>>, %arg4: memref<4096xf32, #tpu.memory_space<hbm>>, %arg5: memref<4096xi32, #tpu.memory_space<hbm>>, %arg6: memref<8x512xf32, #tpu.memory_space<vmem>>, %arg7: memref<8x128xf32, #tpu.memory_space<vmem>>, %arg8: memref<128xf32, #tpu.memory_space<vmem>>, %arg9: memref<128xi32, #tpu.memory_space<vmem>>) attributes {dimension_semantics = [#tpu.dimension_semantics<core_parallel>, #tpu.dimension_semantics<subcore_parallel>], iteration_bounds = array<i64: 2, 16>, scalar_prefetch = 0 : i64, scratch_operands = 4 : i64, tpu.core_type = #tpu.core_type<sc_vector_subcore>, window_params = [{transform_indices = #map}, {transform_indices = #map}, {transform_indices = #map1}, {transform_indices = #map1}]} {
    %mul3A = arith.constant 2 : i32
    %mul3A_0 = arith.muli %arg1, %mul3A : i32
    %add3A = arith.addi %mul3A_0, %arg0 : i32
    %mul3A_1 = arith.constant 128 : i32
    %mul3A_2 = arith.muli %add3A, %mul3A_1 : i32
    "tpu.region"() ({
      %run_scoped3A = tpu.sem_alloc : memref<!tpu.dma_semaphore, #tpu.memory_space<semaphore_mem>>
      tpu.enqueue_dma source(%arg3 : memref<8x512xf32, #tpu.memory_space<hbm>>) target(%arg6 : memref<8x512xf32, #tpu.memory_space<vmem>>) target_semaphore(%run_scoped3A : memref<!tpu.dma_semaphore, #tpu.memory_space<semaphore_mem>>)
      tpu.wait_dma2 semaphore(%run_scoped3A : memref<!tpu.dma_semaphore, #tpu.memory_space<semaphore_mem>>) src(%arg3 : memref<8x512xf32, #tpu.memory_space<hbm>>) dst(%arg6 : memref<8x512xf32, #tpu.memory_space<vmem>>)
      tpu.yield
    }) : () -> ()
    "tpu.region"() ({
      %run_scoped3A = tpu.sem_alloc : memref<!tpu.dma_semaphore, #tpu.memory_space<semaphore_mem>>
      %dma_start3A = arith.constant 0 : i32
      %dma_start3A_399 = tpu.memref_slice %arg2[%dma_start3A, %mul3A_2] : memref<8x4096xf32, #tpu.memory_space<hbm>> -> memref<8x128xf32, #tpu.memory_space<hbm>>
      %dma_start3A_400 = arith.constant 0 : i32
      %dma_start3A_401 = tpu.memref_slice %arg2[%dma_start3A_400, %mul3A_2] : memref<8x4096xf32, #tpu.memory_space<hbm>> -> memref<8x128xf32, #tpu.memory_space<hbm>>
      tpu.enqueue_dma source(%dma_start3A_401 : memref<8x128xf32, #tpu.memory_space<hbm>>) target(%arg7 : memref<8x128xf32, #tpu.memory_space<vmem>>) target_semaphore(%run_scoped3A : memref<!tpu.dma_semaphore, #tpu.memory_space<semaphore_mem>>)
      %dma_wait3A = arith.constant 0 : i32
      %dma_wait3A_402 = tpu.memref_slice %arg2[%dma_wait3A, %mul3A_2] : memref<8x4096xf32, #tpu.memory_space<hbm>> -> memref<8x128xf32, #tpu.memory_space<hbm>>
      %dma_wait3A_403 = arith.constant 0 : i32
      %dma_wait3A_404 = tpu.memref_slice %arg2[%dma_wait3A_403, %mul3A_2] : memref<8x4096xf32, #tpu.memory_space<hbm>> -> memref<8x128xf32, #tpu.memory_space<hbm>>
      tpu.wait_dma2 semaphore(%run_scoped3A : memref<!tpu.dma_semaphore, #tpu.memory_space<semaphore_mem>>) src(%dma_wait3A_404 : memref<8x128xf32, #tpu.memory_space<hbm>>) dst(%arg7 : memref<8x128xf32, #tpu.memory_space<vmem>>)
      tpu.yield
    }) : () -> ()
    %broadcast_in_dim3A = arith.constant 0xFF800000 : f32
    %broadcast_in_dim3A_3 = vector.broadcast %broadcast_in_dim3A : f32 to vector<16xf32>
    %broadcast_in_dim3A_4 = arith.constant 0 : i32
    %broadcast_in_dim3A_5 = vector.broadcast %broadcast_in_dim3A_4 : i32 to vector<16xi32>
    %get3A = arith.constant 0 : i32
    %get3A_6 = arith.index_cast %get3A : i32 to index
    %get3A_7 = arith.constant 0 : index
    %get3A_8 = tpu.vector_load %arg7[%get3A_6, %get3A_7] {strides = array<i32>} : memref<8x128xf32, #tpu.memory_space<vmem>>, vector<1x16xf32>,
    %get3A_9 = vector.shape_cast %get3A_8 : vector<1x16xf32> to vector<16xf32>
    %get3A_10 = arith.constant 1 : i32
    %get3A_11 = arith.index_cast %get3A_10 : i32 to index
    %get3A_12 = arith.constant 0 : index
    %get3A_13 = tpu.vector_load %arg7[%get3A_11, %get3A_12] {strides = array<i32>} : memref<8x128xf32, #tpu.memory_space<vmem>>, vector<1x16xf32>,
    %get3A_14 = vector.shape_cast %get3A_13 : vector<1x16xf32> to vector<16xf32>
    %get3A_15 = arith.constant 2 : i32
    %get3A_16 = arith.index_cast %get3A_15 : i32 to index
    %get3A_17 = arith.constant 0 : index
    %get3A_18 = tpu.vector_load %arg7[%get3A_16, %get3A_17] {strides = array<i32>} : memref<8x128xf32, #tpu.memory_space<vmem>>, vector<1x16xf32>,
    %get3A_19 = vector.shape_cast %get3A_18 : vector<1x16xf32> to vector<16xf32>
    %get3A_20 = arith.constant 3 : i32
    %get3A_21 = arith.index_cast %get3A_20 : i32 to index
    %get3A_22 = arith.constant 0 : index
    %get3A_23 = tpu.vector_load %arg7[%get3A_21, %get3A_22] {strides = array<i32>} : memref<8x128xf32, #tpu.memory_space<vmem>>, vector<1x16xf32>,
    %get3A_24 = vector.shape_cast %get3A_23 : vector<1x16xf32> to vector<16xf32>
    %get3A_25 = arith.constant 4 : i32
    %get3A_26 = arith.index_cast %get3A_25 : i32 to index
    %get3A_27 = arith.constant 0 : index
    %get3A_28 = tpu.vector_load %arg7[%get3A_26, %get3A_27] {strides = array<i32>} : memref<8x128xf32, #tpu.memory_space<vmem>>, vector<1x16xf32>,
    %get3A_29 = vector.shape_cast %get3A_28 : vector<1x16xf32> to vector<16xf32>
    %get3A_30 = arith.constant 5 : i32
    %get3A_31 = arith.index_cast %get3A_30 : i32 to index
    %get3A_32 = arith.constant 0 : index
    %get3A_33 = tpu.vector_load %arg7[%get3A_31, %get3A_32] {strides = array<i32>} : memref<8x128xf32, #tpu.memory_space<vmem>>, vector<1x16xf32>,
    %get3A_34 = vector.shape_cast %get3A_33 : vector<1x16xf32> to vector<16xf32>
    %get3A_35 = arith.constant 6 : i32
    %get3A_36 = arith.index_cast %get3A_35 : i32 to index
    %get3A_37 = arith.constant 0 : index
    %get3A_38 = tpu.vector_load %arg7[%get3A_36, %get3A_37] {strides = array<i32>} : memref<8x128xf32, #tpu.memory_space<vmem>>, vector<1x16xf32>,
    %get3A_39 = vector.shape_cast %get3A_38 : vector<1x16xf32> to vector<16xf32>
    %get3A_40 = arith.constant 7 : i32
    %get3A_41 = arith.index_cast %get3A_40 : i32 to index
    %get3A_42 = arith.constant 0 : index
    %get3A_43 = tpu.vector_load %arg7[%get3A_41, %get3A_42] {strides = array<i32>} : memref<8x128xf32, #tpu.memory_space<vmem>>, vector<1x16xf32>,
    %get3A_44 = vector.shape_cast %get3A_43 : vector<1x16xf32> to vector<16xf32>
    %get3A_45 = arith.constant 0 : i32
    %get3A_46 = arith.index_cast %get3A_45 : i32 to index
    %get3A_47 = arith.constant 16 : index
    %get3A_48 = tpu.vector_load %arg7[%get3A_46, %get3A_47] {strides = array<i32>} : memref<8x128xf32, #tpu.memory_space<vmem>>, vector<1x16xf32>,
    %get3A_49 = vector.shape_cast %get3A_48 : vector<1x16xf32> to vector<16xf32>
    %get3A_50 = arith.constant 1 : i32
    %get3A_51 = arith.index_cast %get3A_50 : i32 to index
    %get3A_52 = arith.constant 16 : index
    %get3A_53 = tpu.vector_load %arg7[%get3A_51, %get3A_52] {strides = array<i32>} : memref<8x128xf32, #tpu.memory_space<vmem>>, vector<1x16xf32>,
    %get3A_54 = vector.shape_cast %get3A_53 : vector<1x16xf32> to vector<16xf32>
    %get3A_55 = arith.constant 2 : i32
    %get3A_56 = arith.index_cast %get3A_55 : i32 to index
    %get3A_57 = arith.constant 16 : index
    %get3A_58 = tpu.vector_load %arg7[%get3A_56, %get3A_57] {strides = array<i32>} : memref<8x128xf32, #tpu.memory_space<vmem>>, vector<1x16xf32>,
    %get3A_59 = vector.shape_cast %get3A_58 : vector<1x16xf32> to vector<16xf32>
    %get3A_60 = arith.constant 3 : i32
    %get3A_61 = arith.index_cast %get3A_60 : i32 to index
    %get3A_62 = arith.constant 16 : index
    %get3A_63 = tpu.vector_load %arg7[%get3A_61, %get3A_62] {strides = array<i32>} : memref<8x128xf32, #tpu.memory_space<vmem>>, vector<1x16xf32>,
    %get3A_64 = vector.shape_cast %get3A_63 : vector<1x16xf32> to vector<16xf32>
    %get3A_65 = arith.constant 4 : i32
    %get3A_66 = arith.index_cast %get3A_65 : i32 to index
    %get3A_67 = arith.constant 16 : index
    %get3A_68 = tpu.vector_load %arg7[%get3A_66, %get3A_67] {strides = array<i32>} : memref<8x128xf32, #tpu.memory_space<vmem>>, vector<1x16xf32>,
    %get3A_69 = vector.shape_cast %get3A_68 : vector<1x16xf32> to vector<16xf32>
    %get3A_70 = arith.constant 5 : i32
    %get3A_71 = arith.index_cast %get3A_70 : i32 to index
    %get3A_72 = arith.constant 16 : index
    %get3A_73 = tpu.vector_load %arg7[%get3A_71, %get3A_72] {strides = array<i32>} : memref<8x128xf32, #tpu.memory_space<vmem>>, vector<1x16xf32>,
    %get3A_74 = vector.shape_cast %get3A_73 : vector<1x16xf32> to vector<16xf32>
    %get3A_75 = arith.constant 6 : i32
    %get3A_76 = arith.index_cast %get3A_75 : i32 to index
    %get3A_77 = arith.constant 16 : index
    %get3A_78 = tpu.vector_load %arg7[%get3A_76, %get3A_77] {strides = array<i32>} : memref<8x128xf32, #tpu.memory_space<vmem>>, vector<1x16xf32>,
    %get3A_79 = vector.shape_cast %get3A_78 : vector<1x16xf32> to vector<16xf32>
    %get3A_80 = arith.constant 7 : i32
    %get3A_81 = arith.index_cast %get3A_80 : i32 to index
    %get3A_82 = arith.constant 16 : index
    %get3A_83 = tpu.vector_load %arg7[%get3A_81, %get3A_82] {strides = array<i32>} : memref<8x128xf32, #tpu.memory_space<vmem>>, vector<1x16xf32>,
    %get3A_84 = vector.shape_cast %get3A_83 : vector<1x16xf32> to vector<16xf32>
    %get3A_85 = arith.constant 0 : i32
    %get3A_86 = arith.index_cast %get3A_85 : i32 to index
    %get3A_87 = arith.constant 32 : index
    %get3A_88 = tpu.vector_load %arg7[%get3A_86, %get3A_87] {strides = array<i32>} : memref<8x128xf32, #tpu.memory_space<vmem>>, vector<1x16xf32>,
    %get3A_89 = vector.shape_cast %get3A_88 : vector<1x16xf32> to vector<16xf32>
    %get3A_90 = arith.constant 1 : i32
    %get3A_91 = arith.index_cast %get3A_90 : i32 to index
    %get3A_92 = arith.constant 32 : index
    %get3A_93 = tpu.vector_load %arg7[%get3A_91, %get3A_92] {strides = array<i32>} : memref<8x128xf32, #tpu.memory_space<vmem>>, vector<1x16xf32>,
    %get3A_94 = vector.shape_cast %get3A_93 : vector<1x16xf32> to vector<16xf32>
    %get3A_95 = arith.constant 2 : i32
    %get3A_96 = arith.index_cast %get3A_95 : i32 to index
    %get3A_97 = arith.constant 32 : index
    %get3A_98 = tpu.vector_load %arg7[%get3A_96, %get3A_97] {strides = array<i32>} : memref<8x128xf32, #tpu.memory_space<vmem>>, vector<1x16xf32>,
    %get3A_99 = vector.shape_cast %get3A_98 : vector<1x16xf32> to vector<16xf32>
    %get3A_100 = arith.constant 3 : i32
    %get3A_101 = arith.index_cast %get3A_100 : i32 to index
    %get3A_102 = arith.constant 32 : index
    %get3A_103 = tpu.vector_load %arg7[%get3A_101, %get3A_102] {strides = array<i32>} : memref<8x128xf32, #tpu.memory_space<vmem>>, vector<1x16xf32>,
    %get3A_104 = vector.shape_cast %get3A_103 : vector<1x16xf32> to vector<16xf32>
    %get3A_105 = arith.constant 4 : i32
    %get3A_106 = arith.index_cast %get3A_105 : i32 to index
    %get3A_107 = arith.constant 32 : index
    %get3A_108 = tpu.vector_load %arg7[%get3A_106, %get3A_107] {strides = array<i32>} : memref<8x128xf32, #tpu.memory_space<vmem>>, vector<1x16xf32>,
    %get3A_109 = vector.shape_cast %get3A_108 : vector<1x16xf32> to vector<16xf32>
    %get3A_110 = arith.constant 5 : i32
    %get3A_111 = arith.index_cast %get3A_110 : i32 to index
    %get3A_112 = arith.constant 32 : index
    %get3A_113 = tpu.vector_load %arg7[%get3A_111, %get3A_112] {strides = array<i32>} : memref<8x128xf32, #tpu.memory_space<vmem>>, vector<1x16xf32>,
    %get3A_114 = vector.shape_cast %get3A_113 : vector<1x16xf32> to vector<16xf32>
    %get3A_115 = arith.constant 6 : i32
    %get3A_116 = arith.index_cast %get3A_115 : i32 to index
    %get3A_117 = arith.constant 32 : index
    %get3A_118 = tpu.vector_load %arg7[%get3A_116, %get3A_117] {strides = array<i32>} : memref<8x128xf32, #tpu.memory_space<vmem>>, vector<1x16xf32>,
    %get3A_119 = vector.shape_cast %get3A_118 : vector<1x16xf32> to vector<16xf32>
    %get3A_120 = arith.constant 7 : i32
    %get3A_121 = arith.index_cast %get3A_120 : i32 to index
    %get3A_122 = arith.constant 32 : index
    %get3A_123 = tpu.vector_load %arg7[%get3A_121, %get3A_122] {strides = array<i32>} : memref<8x128xf32, #tpu.memory_space<vmem>>, vector<1x16xf32>,
    %get3A_124 = vector.shape_cast %get3A_123 : vector<1x16xf32> to vector<16xf32>
    %get3A_125 = arith.constant 0 : i32
    %get3A_126 = arith.index_cast %get3A_125 : i32 to index
    %get3A_127 = arith.constant 48 : index
    %get3A_128 = tpu.vector_load %arg7[%get3A_126, %get3A_127] {strides = array<i32>} : memref<8x128xf32, #tpu.memory_space<vmem>>, vector<1x16xf32>,
    %get3A_129 = vector.shape_cast %get3A_128 : vector<1x16xf32> to vector<16xf32>
    %get3A_130 = arith.constant 1 : i32
    %get3A_131 = arith.index_cast %get3A_130 : i32 to index
    %get3A_132 = arith.constant 48 : index
    %get3A_133 = tpu.vector_load %arg7[%get3A_131, %get3A_132] {strides = array<i32>} : memref<8x128xf32, #tpu.memory_space<vmem>>, vector<1x16xf32>,
    %get3A_134 = vector.shape_cast %get3A_133 : vector<1x16xf32> to vector<16xf32>
    %get3A_135 = arith.constant 2 : i32
    %get3A_136 = arith.index_cast %get3A_135 : i32 to index
    %get3A_137 = arith.constant 48 : index
    %get3A_138 = tpu.vector_load %arg7[%get3A_136, %get3A_137] {strides = array<i32>} : memref<8x128xf32, #tpu.memory_space<vmem>>, vector<1x16xf32>,
    %get3A_139 = vector.shape_cast %get3A_138 : vector<1x16xf32> to vector<16xf32>
    %get3A_140 = arith.constant 3 : i32
    %get3A_141 = arith.index_cast %get3A_140 : i32 to index
    %get3A_142 = arith.constant 48 : index
    %get3A_143 = tpu.vector_load %arg7[%get3A_141, %get3A_142] {strides = array<i32>} : memref<8x128xf32, #tpu.memory_space<vmem>>, vector<1x16xf32>,
    %get3A_144 = vector.shape_cast %get3A_143 : vector<1x16xf32> to vector<16xf32>
    %get3A_145 = arith.constant 4 : i32
    %get3A_146 = arith.index_cast %get3A_145 : i32 to index
    %get3A_147 = arith.constant 48 : index
    %get3A_148 = tpu.vector_load %arg7[%get3A_146, %get3A_147] {strides = array<i32>} : memref<8x128xf32, #tpu.memory_space<vmem>>, vector<1x16xf32>,
    %get3A_149 = vector.shape_cast %get3A_148 : vector<1x16xf32> to vector<16xf32>
    %get3A_150 = arith.constant 5 : i32
    %get3A_151 = arith.index_cast %get3A_150 : i32 to index
    %get3A_152 = arith.constant 48 : index
    %get3A_153 = tpu.vector_load %arg7[%get3A_151, %get3A_152] {strides = array<i32>} : memref<8x128xf32, #tpu.memory_space<vmem>>, vector<1x16xf32>,
    %get3A_154 = vector.shape_cast %get3A_153 : vector<1x16xf32> to vector<16xf32>
    %get3A_155 = arith.constant 6 : i32
    %get3A_156 = arith.index_cast %get3A_155 : i32 to index
    %get3A_157 = arith.constant 48 : index
    %get3A_158 = tpu.vector_load %arg7[%get3A_156, %get3A_157] {strides = array<i32>} : memref<8x128xf32, #tpu.memory_space<vmem>>, vector<1x16xf32>,
    %get3A_159 = vector.shape_cast %get3A_158 : vector<1x16xf32> to vector<16xf32>
    %get3A_160 = arith.constant 7 : i32
    %get3A_161 = arith.index_cast %get3A_160 : i32 to index
    %get3A_162 = arith.constant 48 : index
    %get3A_163 = tpu.vector_load %arg7[%get3A_161, %get3A_162] {strides = array<i32>} : memref<8x128xf32, #tpu.memory_space<vmem>>, vector<1x16xf32>,
    %get3A_164 = vector.shape_cast %get3A_163 : vector<1x16xf32> to vector<16xf32>
    %scan3A = arith.constant 0 : i32
    %scan3A_165 = arith.constant 32 : i32
    %scan3A_166 = arith.addi %scan3A, %scan3A_165 : i32
    %scan3A_167 = arith.constant 1 : i32
    %scan3A_168:8 = scf.for %scan3A_399 = %scan3A to %scan3A_166 step %scan3A_167 iter_args(%scan3A_400 = %broadcast_in_dim3A_3, %scan3A_401 = %broadcast_in_dim3A_5, %scan3A_402 = %broadcast_in_dim3A_3, %scan3A_403 = %broadcast_in_dim3A_5, %scan3A_404 = %broadcast_in_dim3A_3, %scan3A_405 = %broadcast_in_dim3A_5, %scan3A_406 = %broadcast_in_dim3A_3, %scan3A_407 = %broadcast_in_dim3A_5) -> (vector<16xf32>, vector<16xi32>, vector<16xf32>, vector<16xi32>, vector<16xf32>, vector<16xi32>, vector<16xf32>, vector<16xi32>)  : i32 {
      %mul3A_408 = arith.constant 16 : i32
      %mul3A_409 = arith.muli %scan3A_399, %mul3A_408 : i32
      %get3A_410 = arith.constant 0 : i32
      %get3A_411 = arith.index_cast %get3A_410 : i32 to index
      %get3A_412 = arith.index_cast %mul3A_409 : i32 to index
      %get3A_413 = tpu.vector_load %arg6[%get3A_411, %get3A_412] {strides = array<i32>} : memref<8x512xf32, #tpu.memory_space<vmem>>, vector<1x16xf32>,
      %get3A_414 = vector.shape_cast %get3A_413 : vector<1x16xf32> to vector<16xf32>
      %get3A_415 = arith.constant 1 : i32
      %get3A_416 = arith.index_cast %get3A_415 : i32 to index
      %get3A_417 = arith.index_cast %mul3A_409 : i32 to index
      %get3A_418 = tpu.vector_load %arg6[%get3A_416, %get3A_417] {strides = array<i32>} : memref<8x512xf32, #tpu.memory_space<vmem>>, vector<1x16xf32>,
      %get3A_419 = vector.shape_cast %get3A_418 : vector<1x16xf32> to vector<16xf32>
      %get3A_420 = arith.constant 2 : i32
      %get3A_421 = arith.index_cast %get3A_420 : i32 to index
      %get3A_422 = arith.index_cast %mul3A_409 : i32 to index
      %get3A_423 = tpu.vector_load %arg6[%get3A_421, %get3A_422] {strides = array<i32>} : memref<8x512xf32, #tpu.memory_space<vmem>>, vector<1x16xf32>,
      %get3A_424 = vector.shape_cast %get3A_423 : vector<1x16xf32> to vector<16xf32>
      %get3A_425 = arith.constant 3 : i32
      %get3A_426 = arith.index_cast %get3A_425 : i32 to index
      %get3A_427 = arith.index_cast %mul3A_409 : i32 to index
      %get3A_428 = tpu.vector_load %arg6[%get3A_426, %get3A_427] {strides = array<i32>} : memref<8x512xf32, #tpu.memory_space<vmem>>, vector<1x16xf32>,
      %get3A_429 = vector.shape_cast %get3A_428 : vector<1x16xf32> to vector<16xf32>
      %get3A_430 = arith.constant 4 : i32
      %get3A_431 = arith.index_cast %get3A_430 : i32 to index
      %get3A_432 = arith.index_cast %mul3A_409 : i32 to index
      %get3A_433 = tpu.vector_load %arg6[%get3A_431, %get3A_432] {strides = array<i32>} : memref<8x512xf32, #tpu.memory_space<vmem>>, vector<1x16xf32>,
      %get3A_434 = vector.shape_cast %get3A_433 : vector<1x16xf32> to vector<16xf32>
      %get3A_435 = arith.constant 5 : i32
      %get3A_436 = arith.index_cast %get3A_435 : i32 to index
      %get3A_437 = arith.index_cast %mul3A_409 : i32 to index
      %get3A_438 = tpu.vector_load %arg6[%get3A_436, %get3A_437] {strides = array<i32>} : memref<8x512xf32, #tpu.memory_space<vmem>>, vector<1x16xf32>,
      %get3A_439 = vector.shape_cast %get3A_438 : vector<1x16xf32> to vector<16xf32>
      %get3A_440 = arith.constant 6 : i32
      %get3A_441 = arith.index_cast %get3A_440 : i32 to index
      %get3A_442 = arith.index_cast %mul3A_409 : i32 to index
      %get3A_443 = tpu.vector_load %arg6[%get3A_441, %get3A_442] {strides = array<i32>} : memref<8x512xf32, #tpu.memory_space<vmem>>, vector<1x16xf32>,
      %get3A_444 = vector.shape_cast %get3A_443 : vector<1x16xf32> to vector<16xf32>
      %get3A_445 = arith.constant 7 : i32
      %get3A_446 = arith.index_cast %get3A_445 : i32 to index
      %get3A_447 = arith.index_cast %mul3A_409 : i32 to index
      %get3A_448 = tpu.vector_load %arg6[%get3A_446, %get3A_447] {strides = array<i32>} : memref<8x512xf32, #tpu.memory_space<vmem>>, vector<1x16xf32>,
      %get3A_449 = vector.shape_cast %get3A_448 : vector<1x16xf32> to vector<16xf32>
      %broadcast_in_dim3A_450 = vector.broadcast %mul3A_409 : i32 to vector<16xi32>
      %slice3A = vector.extract_strided_slice %get3A_414 {offsets = [0], sizes = [1], strides = [1]} : vector<16xf32> to vector<1xf32>
      %squeeze3A = vector.extract %slice3A[0] : f32 from vector<1xf32>
      %slice3A_451 = vector.extract_strided_slice %get3A_419 {offsets = [0], sizes = [1], strides = [1]} : vector<16xf32> to vector<1xf32>
      %squeeze3A_452 = vector.extract %slice3A_451[0] : f32 from vector<1xf32>
      %slice3A_453 = vector.extract_strided_slice %get3A_424 {offsets = [0], sizes = [1], strides = [1]} : vector<16xf32> to vector<1xf32>
      %squeeze3A_454 = vector.extract %slice3A_453[0] : f32 from vector<1xf32>
      %slice3A_455 = vector.extract_strided_slice %get3A_429 {offsets = [0], sizes = [1], strides = [1]} : vector<16xf32> to vector<1xf32>
      %squeeze3A_456 = vector.extract %slice3A_455[0] : f32 from vector<1xf32>
      %slice3A_457 = vector.extract_strided_slice %get3A_434 {offsets = [0], sizes = [1], strides = [1]} : vector<16xf32> to vector<1xf32>
      %squeeze3A_458 = vector.extract %slice3A_457[0] : f32 from vector<1xf32>
      %slice3A_459 = vector.extract_strided_slice %get3A_439 {offsets = [0], sizes = [1], strides = [1]} : vector<16xf32> to vector<1xf32>
      %squeeze3A_460 = vector.extract %slice3A_459[0] : f32 from vector<1xf32>
      %slice3A_461 = vector.extract_strided_slice %get3A_444 {offsets = [0], sizes = [1], strides = [1]} : vector<16xf32> to vector<1xf32>
      %squeeze3A_462 = vector.extract %slice3A_461[0] : f32 from vector<1xf32>
      %slice3A_463 = vector.extract_strided_slice %get3A_449 {offsets = [0], sizes = [1], strides = [1]} : vector<16xf32> to vector<1xf32>
      %squeeze3A_464 = vector.extract %slice3A_463[0] : f32 from vector<1xf32>
      %add3A_465 = arith.constant 0 : i32
      %add3A_466 = vector.broadcast %add3A_465 : i32 to vector<16xi32>
      %add3A_467 = arith.addi %broadcast_in_dim3A_450, %add3A_466 : vector<16xi32>
      %mul3A_468 = vector.broadcast %squeeze3A : f32 to vector<16xf32>
      %mul3A_469 = arith.mulf %get3A_9, %mul3A_468 : vector<16xf32>
      %mul3A_470 = vector.broadcast %squeeze3A_452 : f32 to vector<16xf32>
      %mul3A_471 = arith.mulf %get3A_14, %mul3A_470 : vector<16xf32>
      %add3A_472 = arith.addf %mul3A_469, %mul3A_471 : vector<16xf32>
      %mul3A_473 = vector.broadcast %squeeze3A_454 : f32 to vector<16xf32>
      %mul3A_474 = arith.mulf %get3A_19, %mul3A_473 : vector<16xf32>
      %add3A_475 = arith.addf %add3A_472, %mul3A_474 : vector<16xf32>
      %mul3A_476 = vector.broadcast %squeeze3A_456 : f32 to vector<16xf32>
      %mul3A_477 = arith.mulf %get3A_24, %mul3A_476 : vector<16xf32>
      %add3A_478 = arith.addf %add3A_475, %mul3A_477 : vector<16xf32>
      %mul3A_479 = vector.broadcast %squeeze3A_458 : f32 to vector<16xf32>
      %mul3A_480 = arith.mulf %get3A_29, %mul3A_479 : vector<16xf32>
      %add3A_481 = arith.addf %add3A_478, %mul3A_480 : vector<16xf32>
      %mul3A_482 = vector.broadcast %squeeze3A_460 : f32 to vector<16xf32>
      %mul3A_483 = arith.mulf %get3A_34, %mul3A_482 : vector<16xf32>
      %add3A_484 = arith.addf %add3A_481, %mul3A_483 : vector<16xf32>
      %mul3A_485 = vector.broadcast %squeeze3A_462 : f32 to vector<16xf32>
      %mul3A_486 = arith.mulf %get3A_39, %mul3A_485 : vector<16xf32>
      %add3A_487 = arith.addf %add3A_484, %mul3A_486 : vector<16xf32>
      %mul3A_488 = vector.broadcast %squeeze3A_464 : f32 to vector<16xf32>
      %mul3A_489 = arith.mulf %get3A_44, %mul3A_488 : vector<16xf32>
      %add3A_490 = arith.addf %add3A_487, %mul3A_489 : vector<16xf32>
      %gt3A = arith.cmpf ogt, %add3A_490, %scan3A_400 : vector<16xf32>
      %select_n3A = arith.select %gt3A, %add3A_490, %scan3A_400 : vector<16xi1>, vector<16xf32>
      %select_n3A_491 = arith.select %gt3A, %add3A_467, %scan3A_401 : vector<16xi1>, vector<16xi32>
      %mul3A_492 = vector.broadcast %squeeze3A : f32 to vector<16xf32>
      %mul3A_493 = arith.mulf %get3A_49, %mul3A_492 : vector<16xf32>
      %mul3A_494 = vector.broadcast %squeeze3A_452 : f32 to vector<16xf32>
      %mul3A_495 = arith.mulf %get3A_54, %mul3A_494 : vector<16xf32>
      %add3A_496 = arith.addf %mul3A_493, %mul3A_495 : vector<16xf32>
      %mul3A_497 = vector.broadcast %squeeze3A_454 : f32 to vector<16xf32>
      %mul3A_498 = arith.mulf %get3A_59, %mul3A_497 : vector<16xf32>
      %add3A_499 = arith.addf %add3A_496, %mul3A_498 : vector<16xf32>
      %mul3A_500 = vector.broadcast %squeeze3A_456 : f32 to vector<16xf32>
      %mul3A_501 = arith.mulf %get3A_64, %mul3A_500 : vector<16xf32>
      %add3A_502 = arith.addf %add3A_499, %mul3A_501 : vector<16xf32>
      %mul3A_503 = vector.broadcast %squeeze3A_458 : f32 to vector<16xf32>
      %mul3A_504 = arith.mulf %get3A_69, %mul3A_503 : vector<16xf32>
      %add3A_505 = arith.addf %add3A_502, %mul3A_504 : vector<16xf32>
      %mul3A_506 = vector.broadcast %squeeze3A_460 : f32 to vector<16xf32>
      %mul3A_507 = arith.mulf %get3A_74, %mul3A_506 : vector<16xf32>
      %add3A_508 = arith.addf %add3A_505, %mul3A_507 : vector<16xf32>
      %mul3A_509 = vector.broadcast %squeeze3A_462 : f32 to vector<16xf32>
      %mul3A_510 = arith.mulf %get3A_79, %mul3A_509 : vector<16xf32>
      %add3A_511 = arith.addf %add3A_508, %mul3A_510 : vector<16xf32>
      %mul3A_512 = vector.broadcast %squeeze3A_464 : f32 to vector<16xf32>
      %mul3A_513 = arith.mulf %get3A_84, %mul3A_512 : vector<16xf32>
      %add3A_514 = arith.addf %add3A_511, %mul3A_513 : vector<16xf32>
      %gt3A_515 = arith.cmpf ogt, %add3A_514, %scan3A_402 : vector<16xf32>
      %select_n3A_516 = arith.select %gt3A_515, %add3A_514, %scan3A_402 : vector<16xi1>, vector<16xf32>
      %select_n3A_517 = arith.select %gt3A_515, %add3A_467, %scan3A_403 : vector<16xi1>, vector<16xi32>
      %mul3A_518 = vector.broadcast %squeeze3A : f32 to vector<16xf32>
      %mul3A_519 = arith.mulf %get3A_89, %mul3A_518 : vector<16xf32>
      %mul3A_520 = vector.broadcast %squeeze3A_452 : f32 to vector<16xf32>
      %mul3A_521 = arith.mulf %get3A_94, %mul3A_520 : vector<16xf32>
      %add3A_522 = arith.addf %mul3A_519, %mul3A_521 : vector<16xf32>
      %mul3A_523 = vector.broadcast %squeeze3A_454 : f32 to vector<16xf32>
      %mul3A_524 = arith.mulf %get3A_99, %mul3A_523 : vector<16xf32>
      %add3A_525 = arith.addf %add3A_522, %mul3A_524 : vector<16xf32>
      %mul3A_526 = vector.broadcast %squeeze3A_456 : f32 to vector<16xf32>
      %mul3A_527 = arith.mulf %get3A_104, %mul3A_526 : vector<16xf32>
      %add3A_528 = arith.addf %add3A_525, %mul3A_527 : vector<16xf32>
      %mul3A_529 = vector.broadcast %squeeze3A_458 : f32 to vector<16xf32>
      %mul3A_530 = arith.mulf %get3A_109, %mul3A_529 : vector<16xf32>
      %add3A_531 = arith.addf %add3A_528, %mul3A_530 : vector<16xf32>
      %mul3A_532 = vector.broadcast %squeeze3A_460 : f32 to vector<16xf32>
      %mul3A_533 = arith.mulf %get3A_114, %mul3A_532 : vector<16xf32>
      %add3A_534 = arith.addf %add3A_531, %mul3A_533 : vector<16xf32>
      %mul3A_535 = vector.broadcast %squeeze3A_462 : f32 to vector<16xf32>
      %mul3A_536 = arith.mulf %get3A_119, %mul3A_535 : vector<16xf32>
      %add3A_537 = arith.addf %add3A_534, %mul3A_536 : vector<16xf32>
      %mul3A_538 = vector.broadcast %squeeze3A_464 : f32 to vector<16xf32>
      %mul3A_539 = arith.mulf %get3A_124, %mul3A_538 : vector<16xf32>
      %add3A_540 = arith.addf %add3A_537, %mul3A_539 : vector<16xf32>
      %gt3A_541 = arith.cmpf ogt, %add3A_540, %scan3A_404 : vector<16xf32>
      %select_n3A_542 = arith.select %gt3A_541, %add3A_540, %scan3A_404 : vector<16xi1>, vector<16xf32>
      %select_n3A_543 = arith.select %gt3A_541, %add3A_467, %scan3A_405 : vector<16xi1>, vector<16xi32>
      %mul3A_544 = vector.broadcast %squeeze3A : f32 to vector<16xf32>
      %mul3A_545 = arith.mulf %get3A_129, %mul3A_544 : vector<16xf32>
      %mul3A_546 = vector.broadcast %squeeze3A_452 : f32 to vector<16xf32>
      %mul3A_547 = arith.mulf %get3A_134, %mul3A_546 : vector<16xf32>
      %add3A_548 = arith.addf %mul3A_545, %mul3A_547 : vector<16xf32>
      %mul3A_549 = vector.broadcast %squeeze3A_454 : f32 to vector<16xf32>
      %mul3A_550 = arith.mulf %get3A_139, %mul3A_549 : vector<16xf32>
      %add3A_551 = arith.addf %add3A_548, %mul3A_550 : vector<16xf32>
      %mul3A_552 = vector.broadcast %squeeze3A_456 : f32 to vector<16xf32>
      %mul3A_553 = arith.mulf %get3A_144, %mul3A_552 : vector<16xf32>
      %add3A_554 = arith.addf %add3A_551, %mul3A_553 : vector<16xf32>
      %mul3A_555 = vector.broadcast %squeeze3A_458 : f32 to vector<16xf32>
      %mul3A_556 = arith.mulf %get3A_149, %mul3A_555 : vector<16xf32>
      %add3A_557 = arith.addf %add3A_554, %mul3A_556 : vector<16xf32>
      %mul3A_558 = vector.broadcast %squeeze3A_460 : f32 to vector<16xf32>
      %mul3A_559 = arith.mulf %get3A_154, %mul3A_558 : vector<16xf32>
      %add3A_560 = arith.addf %add3A_557, %mul3A_559 : vector<16xf32>
      %mul3A_561 = vector.broadcast %squeeze3A_462 : f32 to vector<16xf32>
      %mul3A_562 = arith.mulf %get3A_159, %mul3A_561 : vector<16xf32>
      %add3A_563 = arith.addf %add3A_560, %mul3A_562 : vector<16xf32>
      %mul3A_564 = vector.broadcast %squeeze3A_464 : f32 to vector<16xf32>
      %mul3A_565 = arith.mulf %get3A_164, %mul3A_564 : vector<16xf32>
      %add3A_566 = arith.addf %add3A_563, %mul3A_565 : vector<16xf32>
      %gt3A_567 = arith.cmpf ogt, %add3A_566, %scan3A_406 : vector<16xf32>
      %select_n3A_568 = arith.select %gt3A_567, %add3A_566, %scan3A_406 : vector<16xi1>, vector<16xf32>
      %select_n3A_569 = arith.select %gt3A_567, %add3A_467, %scan3A_407 : vector<16xi1>, vector<16xi32>
      %slice3A_570 = vector.extract_strided_slice %get3A_414 {offsets = [1], sizes = [1], strides = [1]} : vector<16xf32> to vector<1xf32>
      %squeeze3A_571 = vector.extract %slice3A_570[0] : f32 from vector<1xf32>
      %slice3A_572 = vector.extract_strided_slice %get3A_419 {offsets = [1], sizes = [1], strides = [1]} : vector<16xf32> to vector<1xf32>
      %squeeze3A_573 = vector.extract %slice3A_572[0] : f32 from vector<1xf32>
      %slice3A_574 = vector.extract_strided_slice %get3A_424 {offsets = [1], sizes = [1], strides = [1]} : vector<16xf32> to vector<1xf32>
      %squeeze3A_575 = vector.extract %slice3A_574[0] : f32 from vector<1xf32>
      %slice3A_576 = vector.extract_strided_slice %get3A_429 {offsets = [1], sizes = [1], strides = [1]} : vector<16xf32> to vector<1xf32>
      %squeeze3A_577 = vector.extract %slice3A_576[0] : f32 from vector<1xf32>
      %slice3A_578 = vector.extract_strided_slice %get3A_434 {offsets = [1], sizes = [1], strides = [1]} : vector<16xf32> to vector<1xf32>
      %squeeze3A_579 = vector.extract %slice3A_578[0] : f32 from vector<1xf32>
      %slice3A_580 = vector.extract_strided_slice %get3A_439 {offsets = [1], sizes = [1], strides = [1]} : vector<16xf32> to vector<1xf32>
      %squeeze3A_581 = vector.extract %slice3A_580[0] : f32 from vector<1xf32>
      %slice3A_582 = vector.extract_strided_slice %get3A_444 {offsets = [1], sizes = [1], strides = [1]} : vector<16xf32> to vector<1xf32>
      %squeeze3A_583 = vector.extract %slice3A_582[0] : f32 from vector<1xf32>
      %slice3A_584 = vector.extract_strided_slice %get3A_449 {offsets = [1], sizes = [1], strides = [1]} : vector<16xf32> to vector<1xf32>
      %squeeze3A_585 = vector.extract %slice3A_584[0] : f32 from vector<1xf32>
      %add3A_586 = arith.constant 1 : i32
      %add3A_587 = vector.broadcast %add3A_586 : i32 to vector<16xi32>
      %add3A_588 = arith.addi %broadcast_in_dim3A_450, %add3A_587 : vector<16xi32>
      %mul3A_589 = vector.broadcast %squeeze3A_571 : f32 to vector<16xf32>
      %mul3A_590 = arith.mulf %get3A_9, %mul3A_589 : vector<16xf32>
      %mul3A_591 = vector.broadcast %squeeze3A_573 : f32 to vector<16xf32>
      %mul3A_592 = arith.mulf %get3A_14, %mul3A_591 : vector<16xf32>
      %add3A_593 = arith.addf %mul3A_590, %mul3A_592 : vector<16xf32>
      %mul3A_594 = vector.broadcast %squeeze3A_575 : f32 to vector<16xf32>
      %mul3A_595 = arith.mulf %get3A_19, %mul3A_594 : vector<16xf32>
      %add3A_596 = arith.addf %add3A_593, %mul3A_595 : vector<16xf32>
      %mul3A_597 = vector.broadcast %squeeze3A_577 : f32 to vector<16xf32>
      %mul3A_598 = arith.mulf %get3A_24, %mul3A_597 : vector<16xf32>
      %add3A_599 = arith.addf %add3A_596, %mul3A_598 : vector<16xf32>
      %mul3A_600 = vector.broadcast %squeeze3A_579 : f32 to vector<16xf32>
      %mul3A_601 = arith.mulf %get3A_29, %mul3A_600 : vector<16xf32>
      %add3A_602 = arith.addf %add3A_599, %mul3A_601 : vector<16xf32>
      %mul3A_603 = vector.broadcast %squeeze3A_581 : f32 to vector<16xf32>
      %mul3A_604 = arith.mulf %get3A_34, %mul3A_603 : vector<16xf32>
      %add3A_605 = arith.addf %add3A_602, %mul3A_604 : vector<16xf32>
      %mul3A_606 = vector.broadcast %squeeze3A_583 : f32 to vector<16xf32>
      %mul3A_607 = arith.mulf %get3A_39, %mul3A_606 : vector<16xf32>
      %add3A_608 = arith.addf %add3A_605, %mul3A_607 : vector<16xf32>
      %mul3A_609 = vector.broadcast %squeeze3A_585 : f32 to vector<16xf32>
      %mul3A_610 = arith.mulf %get3A_44, %mul3A_609 : vector<16xf32>
      %add3A_611 = arith.addf %add3A_608, %mul3A_610 : vector<16xf32>
      %gt3A_612 = arith.cmpf ogt, %add3A_611, %select_n3A : vector<16xf32>
      %select_n3A_613 = arith.select %gt3A_612, %add3A_611, %select_n3A : vector<16xi1>, vector<16xf32>
      %select_n3A_614 = arith.select %gt3A_612, %add3A_588, %select_n3A_491 : vector<16xi1>, vector<16xi32>
      %mul3A_615 = vector.broadcast %squeeze3A_571 : f32 to vector<16xf32>
      %mul3A_616 = arith.mulf %get3A_49, %mul3A_615 : vector<16xf32>
      %mul3A_617 = vector.broadcast %squeeze3A_573 : f32 to vector<16xf32>
      %mul3A_618 = arith.mulf %get3A_54, %mul3A_617 : vector<16xf32>
      %add3A_619 = arith.addf %mul3A_616, %mul3A_618 : vector<16xf32>
      %mul3A_620 = vector.broadcast %squeeze3A_575 : f32 to vector<16xf32>
      %mul3A_621 = arith.mulf %get3A_59, %mul3A_620 : vector<16xf32>
      %add3A_622 = arith.addf %add3A_619, %mul3A_621 : vector<16xf32>
      %mul3A_623 = vector.broadcast %squeeze3A_577 : f32 to vector<16xf32>
      %mul3A_624 = arith.mulf %get3A_64, %mul3A_623 : vector<16xf32>
      %add3A_625 = arith.addf %add3A_622, %mul3A_624 : vector<16xf32>
      %mul3A_626 = vector.broadcast %squeeze3A_579 : f32 to vector<16xf32>
      %mul3A_627 = arith.mulf %get3A_69, %mul3A_626 : vector<16xf32>
      %add3A_628 = arith.addf %add3A_625, %mul3A_627 : vector<16xf32>
      %mul3A_629 = vector.broadcast %squeeze3A_581 : f32 to vector<16xf32>
      %mul3A_630 = arith.mulf %get3A_74, %mul3A_629 : vector<16xf32>
      %add3A_631 = arith.addf %add3A_628, %mul3A_630 : vector<16xf32>
      %mul3A_632 = vector.broadcast %squeeze3A_583 : f32 to vector<16xf32>
      %mul3A_633 = arith.mulf %get3A_79, %mul3A_632 : vector<16xf32>
      %add3A_634 = arith.addf %add3A_631, %mul3A_633 : vector<16xf32>
      %mul3A_635 = vector.broadcast %squeeze3A_585 : f32 to vector<16xf32>
      %mul3A_636 = arith.mulf %get3A_84, %mul3A_635 : vector<16xf32>
      %add3A_637 = arith.addf %add3A_634, %mul3A_636 : vector<16xf32>
      %gt3A_638 = arith.cmpf ogt, %add3A_637, %select_n3A_516 : vector<16xf32>
      %select_n3A_639 = arith.select %gt3A_638, %add3A_637, %select_n3A_516 : vector<16xi1>, vector<16xf32>
      %select_n3A_640 = arith.select %gt3A_638, %add3A_588, %select_n3A_517 : vector<16xi1>, vector<16xi32>
      %mul3A_641 = vector.broadcast %squeeze3A_571 : f32 to vector<16xf32>
      %mul3A_642 = arith.mulf %get3A_89, %mul3A_641 : vector<16xf32>
      %mul3A_643 = vector.broadcast %squeeze3A_573 : f32 to vector<16xf32>
      %mul3A_644 = arith.mulf %get3A_94, %mul3A_643 : vector<16xf32>
      %add3A_645 = arith.addf %mul3A_642, %mul3A_644 : vector<16xf32>
      %mul3A_646 = vector.broadcast %squeeze3A_575 : f32 to vector<16xf32>
      %mul3A_647 = arith.mulf %get3A_99, %mul3A_646 : vector<16xf32>
      %add3A_648 = arith.addf %add3A_645, %mul3A_647 : vector<16xf32>
      %mul3A_649 = vector.broadcast %squeeze3A_577 : f32 to vector<16xf32>
      %mul3A_650 = arith.mulf %get3A_104, %mul3A_649 : vector<16xf32>
      %add3A_651 = arith.addf %add3A_648, %mul3A_650 : vector<16xf32>
      %mul3A_652 = vector.broadcast %squeeze3A_579 : f32 to vector<16xf32>
      %mul3A_653 = arith.mulf %get3A_109, %mul3A_652 : vector<16xf32>
      %add3A_654 = arith.addf %add3A_651, %mul3A_653 : vector<16xf32>
      %mul3A_655 = vector.broadcast %squeeze3A_581 : f32 to vector<16xf32>
      %mul3A_656 = arith.mulf %get3A_114, %mul3A_655 : vector<16xf32>
      %add3A_657 = arith.addf %add3A_654, %mul3A_656 : vector<16xf32>
      %mul3A_658 = vector.broadcast %squeeze3A_583 : f32 to vector<16xf32>
      %mul3A_659 = arith.mulf %get3A_119, %mul3A_658 : vector<16xf32>
      %add3A_660 = arith.addf %add3A_657, %mul3A_659 : vector<16xf32>
      %mul3A_661 = vector.broadcast %squeeze3A_585 : f32 to vector<16xf32>
      %mul3A_662 = arith.mulf %get3A_124, %mul3A_661 : vector<16xf32>
      %add3A_663 = arith.addf %add3A_660, %mul3A_662 : vector<16xf32>
      %gt3A_664 = arith.cmpf ogt, %add3A_663, %select_n3A_542 : vector<16xf32>
      %select_n3A_665 = arith.select %gt3A_664, %add3A_663, %select_n3A_542 : vector<16xi1>, vector<16xf32>
      %select_n3A_666 = arith.select %gt3A_664, %add3A_588, %select_n3A_543 : vector<16xi1>, vector<16xi32>
      %mul3A_667 = vector.broadcast %squeeze3A_571 : f32 to vector<16xf32>
      %mul3A_668 = arith.mulf %get3A_129, %mul3A_667 : vector<16xf32>
      %mul3A_669 = vector.broadcast %squeeze3A_573 : f32 to vector<16xf32>
      %mul3A_670 = arith.mulf %get3A_134, %mul3A_669 : vector<16xf32>
      %add3A_671 = arith.addf %mul3A_668, %mul3A_670 : vector<16xf32>
      %mul3A_672 = vector.broadcast %squeeze3A_575 : f32 to vector<16xf32>
      %mul3A_673 = arith.mulf %get3A_139, %mul3A_672 : vector<16xf32>
      %add3A_674 = arith.addf %add3A_671, %mul3A_673 : vector<16xf32>
      %mul3A_675 = vector.broadcast %squeeze3A_577 : f32 to vector<16xf32>
      %mul3A_676 = arith.mulf %get3A_144, %mul3A_675 : vector<16xf32>
      %add3A_677 = arith.addf %add3A_674, %mul3A_676 : vector<16xf32>
      %mul3A_678 = vector.broadcast %squeeze3A_579 : f32 to vector<16xf32>
      %mul3A_679 = arith.mulf %get3A_149, %mul3A_678 : vector<16xf32>
      %add3A_680 = arith.addf %add3A_677, %mul3A_679 : vector<16xf32>
      %mul3A_681 = vector.broadcast %squeeze3A_581 : f32 to vector<16xf32>
      %mul3A_682 = arith.mulf %get3A_154, %mul3A_681 : vector<16xf32>
      %add3A_683 = arith.addf %add3A_680, %mul3A_682 : vector<16xf32>
      %mul3A_684 = vector.broadcast %squeeze3A_583 : f32 to vector<16xf32>
      %mul3A_685 = arith.mulf %get3A_159, %mul3A_684 : vector<16xf32>
      %add3A_686 = arith.addf %add3A_683, %mul3A_685 : vector<16xf32>
      %mul3A_687 = vector.broadcast %squeeze3A_585 : f32 to vector<16xf32>
      %mul3A_688 = arith.mulf %get3A_164, %mul3A_687 : vector<16xf32>
      %add3A_689 = arith.addf %add3A_686, %mul3A_688 : vector<16xf32>
      %gt3A_690 = arith.cmpf ogt, %add3A_689, %select_n3A_568 : vector<16xf32>
      %select_n3A_691 = arith.select %gt3A_690, %add3A_689, %select_n3A_568 : vector<16xi1>, vector<16xf32>
      %select_n3A_692 = arith.select %gt3A_690, %add3A_588, %select_n3A_569 : vector<16xi1>, vector<16xi32>
      %slice3A_693 = vector.extract_strided_slice %get3A_414 {offsets = [2], sizes = [1], strides = [1]} : vector<16xf32> to vector<1xf32>
      %squeeze3A_694 = vector.extract %slice3A_693[0] : f32 from vector<1xf32>
      %slice3A_695 = vector.extract_strided_slice %get3A_419 {offsets = [2], sizes = [1], strides = [1]} : vector<16xf32> to vector<1xf32>
      %squeeze3A_696 = vector.extract %slice3A_695[0] : f32 from vector<1xf32>
      %slice3A_697 = vector.extract_strided_slice %get3A_424 {offsets = [2], sizes = [1], strides = [1]} : vector<16xf32> to vector<1xf32>
      %squeeze3A_698 = vector.extract %slice3A_697[0] : f32 from vector<1xf32>
      %slice3A_699 = vector.extract_strided_slice %get3A_429 {offsets = [2], sizes = [1], strides = [1]} : vector<16xf32> to vector<1xf32>
      %squeeze3A_700 = vector.extract %slice3A_699[0] : f32 from vector<1xf32>
      %slice3A_701 = vector.extract_strided_slice %get3A_434 {offsets = [2], sizes = [1], strides = [1]} : vector<16xf32> to vector<1xf32>
      %squeeze3A_702 = vector.extract %slice3A_701[0] : f32 from vector<1xf32>
      %slice3A_703 = vector.extract_strided_slice %get3A_439 {offsets = [2], sizes = [1], strides = [1]} : vector<16xf32> to vector<1xf32>
      %squeeze3A_704 = vector.extract %slice3A_703[0] : f32 from vector<1xf32>
      %slice3A_705 = vector.extract_strided_slice %get3A_444 {offsets = [2], sizes = [1], strides = [1]} : vector<16xf32> to vector<1xf32>
      %squeeze3A_706 = vector.extract %slice3A_705[0] : f32 from vector<1xf32>
      %slice3A_707 = vector.extract_strided_slice %get3A_449 {offsets = [2], sizes = [1], strides = [1]} : vector<16xf32> to vector<1xf32>
      %squeeze3A_708 = vector.extract %slice3A_707[0] : f32 from vector<1xf32>
      %add3A_709 = arith.constant 2 : i32
      %add3A_710 = vector.broadcast %add3A_709 : i32 to vector<16xi32>
      %add3A_711 = arith.addi %broadcast_in_dim3A_450, %add3A_710 : vector<16xi32>
      %mul3A_712 = vector.broadcast %squeeze3A_694 : f32 to vector<16xf32>
      %mul3A_713 = arith.mulf %get3A_9, %mul3A_712 : vector<16xf32>
      %mul3A_714 = vector.broadcast %squeeze3A_696 : f32 to vector<16xf32>
      %mul3A_715 = arith.mulf %get3A_14, %mul3A_714 : vector<16xf32>
      %add3A_716 = arith.addf %mul3A_713, %mul3A_715 : vector<16xf32>
      %mul3A_717 = vector.broadcast %squeeze3A_698 : f32 to vector<16xf32>
      %mul3A_718 = arith.mulf %get3A_19, %mul3A_717 : vector<16xf32>
      %add3A_719 = arith.addf %add3A_716, %mul3A_718 : vector<16xf32>
      %mul3A_720 = vector.broadcast %squeeze3A_700 : f32 to vector<16xf32>
      %mul3A_721 = arith.mulf %get3A_24, %mul3A_720 : vector<16xf32>
      %add3A_722 = arith.addf %add3A_719, %mul3A_721 : vector<16xf32>
      %mul3A_723 = vector.broadcast %squeeze3A_702 : f32 to vector<16xf32>
      %mul3A_724 = arith.mulf %get3A_29, %mul3A_723 : vector<16xf32>
      %add3A_725 = arith.addf %add3A_722, %mul3A_724 : vector<16xf32>
      %mul3A_726 = vector.broadcast %squeeze3A_704 : f32 to vector<16xf32>
      %mul3A_727 = arith.mulf %get3A_34, %mul3A_726 : vector<16xf32>
      %add3A_728 = arith.addf %add3A_725, %mul3A_727 : vector<16xf32>
      %mul3A_729 = vector.broadcast %squeeze3A_706 : f32 to vector<16xf32>
      %mul3A_730 = arith.mulf %get3A_39, %mul3A_729 : vector<16xf32>
      %add3A_731 = arith.addf %add3A_728, %mul3A_730 : vector<16xf32>
      %mul3A_732 = vector.broadcast %squeeze3A_708 : f32 to vector<16xf32>
      %mul3A_733 = arith.mulf %get3A_44, %mul3A_732 : vector<16xf32>
      %add3A_734 = arith.addf %add3A_731, %mul3A_733 : vector<16xf32>
      %gt3A_735 = arith.cmpf ogt, %add3A_734, %select_n3A_613 : vector<16xf32>
      %select_n3A_736 = arith.select %gt3A_735, %add3A_734, %select_n3A_613 : vector<16xi1>, vector<16xf32>
      %select_n3A_737 = arith.select %gt3A_735, %add3A_711, %select_n3A_614 : vector<16xi1>, vector<16xi32>
      %mul3A_738 = vector.broadcast %squeeze3A_694 : f32 to vector<16xf32>
      %mul3A_739 = arith.mulf %get3A_49, %mul3A_738 : vector<16xf32>
      %mul3A_740 = vector.broadcast %squeeze3A_696 : f32 to vector<16xf32>
      %mul3A_741 = arith.mulf %get3A_54, %mul3A_740 : vector<16xf32>
      %add3A_742 = arith.addf %mul3A_739, %mul3A_741 : vector<16xf32>
      %mul3A_743 = vector.broadcast %squeeze3A_698 : f32 to vector<16xf32>
      %mul3A_744 = arith.mulf %get3A_59, %mul3A_743 : vector<16xf32>
      %add3A_745 = arith.addf %add3A_742, %mul3A_744 : vector<16xf32>
      %mul3A_746 = vector.broadcast %squeeze3A_700 : f32 to vector<16xf32>
      %mul3A_747 = arith.mulf %get3A_64, %mul3A_746 : vector<16xf32>
      %add3A_748 = arith.addf %add3A_745, %mul3A_747 : vector<16xf32>
      %mul3A_749 = vector.broadcast %squeeze3A_702 : f32 to vector<16xf32>
      %mul3A_750 = arith.mulf %get3A_69, %mul3A_749 : vector<16xf32>
      %add3A_751 = arith.addf %add3A_748, %mul3A_750 : vector<16xf32>
      %mul3A_752 = vector.broadcast %squeeze3A_704 : f32 to vector<16xf32>
      %mul3A_753 = arith.mulf %get3A_74, %mul3A_752 : vector<16xf32>
      %add3A_754 = arith.addf %add3A_751, %mul3A_753 : vector<16xf32>
      %mul3A_755 = vector.broadcast %squeeze3A_706 : f32 to vector<16xf32>
      %mul3A_756 = arith.mulf %get3A_79, %mul3A_755 : vector<16xf32>
      %add3A_757 = arith.addf %add3A_754, %mul3A_756 : vector<16xf32>
      %mul3A_758 = vector.broadcast %squeeze3A_708 : f32 to vector<16xf32>
      %mul3A_759 = arith.mulf %get3A_84, %mul3A_758 : vector<16xf32>
      %add3A_760 = arith.addf %add3A_757, %mul3A_759 : vector<16xf32>
      %gt3A_761 = arith.cmpf ogt, %add3A_760, %select_n3A_639 : vector<16xf32>
      %select_n3A_762 = arith.select %gt3A_761, %add3A_760, %select_n3A_639 : vector<16xi1>, vector<16xf32>
      %select_n3A_763 = arith.select %gt3A_761, %add3A_711, %select_n3A_640 : vector<16xi1>, vector<16xi32>
      %mul3A_764 = vector.broadcast %squeeze3A_694 : f32 to vector<16xf32>
      %mul3A_765 = arith.mulf %get3A_89, %mul3A_764 : vector<16xf32>
      %mul3A_766 = vector.broadcast %squeeze3A_696 : f32 to vector<16xf32>
      %mul3A_767 = arith.mulf %get3A_94, %mul3A_766 : vector<16xf32>
      %add3A_768 = arith.addf %mul3A_765, %mul3A_767 : vector<16xf32>
      %mul3A_769 = vector.broadcast %squeeze3A_698 : f32 to vector<16xf32>
      %mul3A_770 = arith.mulf %get3A_99, %mul3A_769 : vector<16xf32>
      %add3A_771 = arith.addf %add3A_768, %mul3A_770 : vector<16xf32>
      %mul3A_772 = vector.broadcast %squeeze3A_700 : f32 to vector<16xf32>
      %mul3A_773 = arith.mulf %get3A_104, %mul3A_772 : vector<16xf32>
      %add3A_774 = arith.addf %add3A_771, %mul3A_773 : vector<16xf32>
      %mul3A_775 = vector.broadcast %squeeze3A_702 : f32 to vector<16xf32>
      %mul3A_776 = arith.mulf %get3A_109, %mul3A_775 : vector<16xf32>
      %add3A_777 = arith.addf %add3A_774, %mul3A_776 : vector<16xf32>
      %mul3A_778 = vector.broadcast %squeeze3A_704 : f32 to vector<16xf32>
      %mul3A_779 = arith.mulf %get3A_114, %mul3A_778 : vector<16xf32>
      %add3A_780 = arith.addf %add3A_777, %mul3A_779 : vector<16xf32>
      %mul3A_781 = vector.broadcast %squeeze3A_706 : f32 to vector<16xf32>
      %mul3A_782 = arith.mulf %get3A_119, %mul3A_781 : vector<16xf32>
      %add3A_783 = arith.addf %add3A_780, %mul3A_782 : vector<16xf32>
      %mul3A_784 = vector.broadcast %squeeze3A_708 : f32 to vector<16xf32>
      %mul3A_785 = arith.mulf %get3A_124, %mul3A_784 : vector<16xf32>
      %add3A_786 = arith.addf %add3A_783, %mul3A_785 : vector<16xf32>
      %gt3A_787 = arith.cmpf ogt, %add3A_786, %select_n3A_665 : vector<16xf32>
      %select_n3A_788 = arith.select %gt3A_787, %add3A_786, %select_n3A_665 : vector<16xi1>, vector<16xf32>
      %select_n3A_789 = arith.select %gt3A_787, %add3A_711, %select_n3A_666 : vector<16xi1>, vector<16xi32>
      %mul3A_790 = vector.broadcast %squeeze3A_694 : f32 to vector<16xf32>
      %mul3A_791 = arith.mulf %get3A_129, %mul3A_790 : vector<16xf32>
      %mul3A_792 = vector.broadcast %squeeze3A_696 : f32 to vector<16xf32>
      %mul3A_793 = arith.mulf %get3A_134, %mul3A_792 : vector<16xf32>
      %add3A_794 = arith.addf %mul3A_791, %mul3A_793 : vector<16xf32>
      %mul3A_795 = vector.broadcast %squeeze3A_698 : f32 to vector<16xf32>
      %mul3A_796 = arith.mulf %get3A_139, %mul3A_795 : vector<16xf32>
      %add3A_797 = arith.addf %add3A_794, %mul3A_796 : vector<16xf32>
      %mul3A_798 = vector.broadcast %squeeze3A_700 : f32 to vector<16xf32>
      %mul3A_799 = arith.mulf %get3A_144, %mul3A_798 : vector<16xf32>
      %add3A_800 = arith.addf %add3A_797, %mul3A_799 : vector<16xf32>
      %mul3A_801 = vector.broadcast %squeeze3A_702 : f32 to vector<16xf32>
      %mul3A_802 = arith.mulf %get3A_149, %mul3A_801 : vector<16xf32>
      %add3A_803 = arith.addf %add3A_800, %mul3A_802 : vector<16xf32>
      %mul3A_804 = vector.broadcast %squeeze3A_704 : f32 to vector<16xf32>
      %mul3A_805 = arith.mulf %get3A_154, %mul3A_804 : vector<16xf32>
      %add3A_806 = arith.addf %add3A_803, %mul3A_805 : vector<16xf32>
      %mul3A_807 = vector.broadcast %squeeze3A_706 : f32 to vector<16xf32>
      %mul3A_808 = arith.mulf %get3A_159, %mul3A_807 : vector<16xf32>
      %add3A_809 = arith.addf %add3A_806, %mul3A_808 : vector<16xf32>
      %mul3A_810 = vector.broadcast %squeeze3A_708 : f32 to vector<16xf32>
      %mul3A_811 = arith.mulf %get3A_164, %mul3A_810 : vector<16xf32>
      %add3A_812 = arith.addf %add3A_809, %mul3A_811 : vector<16xf32>
      %gt3A_813 = arith.cmpf ogt, %add3A_812, %select_n3A_691 : vector<16xf32>
      %select_n3A_814 = arith.select %gt3A_813, %add3A_812, %select_n3A_691 : vector<16xi1>, vector<16xf32>
      %select_n3A_815 = arith.select %gt3A_813, %add3A_711, %select_n3A_692 : vector<16xi1>, vector<16xi32>
      %slice3A_816 = vector.extract_strided_slice %get3A_414 {offsets = [3], sizes = [1], strides = [1]} : vector<16xf32> to vector<1xf32>
      %squeeze3A_817 = vector.extract %slice3A_816[0] : f32 from vector<1xf32>
      %slice3A_818 = vector.extract_strided_slice %get3A_419 {offsets = [3], sizes = [1], strides = [1]} : vector<16xf32> to vector<1xf32>
      %squeeze3A_819 = vector.extract %slice3A_818[0] : f32 from vector<1xf32>
      %slice3A_820 = vector.extract_strided_slice %get3A_424 {offsets = [3], sizes = [1], strides = [1]} : vector<16xf32> to vector<1xf32>
      %squeeze3A_821 = vector.extract %slice3A_820[0] : f32 from vector<1xf32>
      %slice3A_822 = vector.extract_strided_slice %get3A_429 {offsets = [3], sizes = [1], strides = [1]} : vector<16xf32> to vector<1xf32>
      %squeeze3A_823 = vector.extract %slice3A_822[0] : f32 from vector<1xf32>
      %slice3A_824 = vector.extract_strided_slice %get3A_434 {offsets = [3], sizes = [1], strides = [1]} : vector<16xf32> to vector<1xf32>
      %squeeze3A_825 = vector.extract %slice3A_824[0] : f32 from vector<1xf32>
      %slice3A_826 = vector.extract_strided_slice %get3A_439 {offsets = [3], sizes = [1], strides = [1]} : vector<16xf32> to vector<1xf32>
      %squeeze3A_827 = vector.extract %slice3A_826[0] : f32 from vector<1xf32>
      %slice3A_828 = vector.extract_strided_slice %get3A_444 {offsets = [3], sizes = [1], strides = [1]} : vector<16xf32> to vector<1xf32>
      %squeeze3A_829 = vector.extract %slice3A_828[0] : f32 from vector<1xf32>
      %slice3A_830 = vector.extract_strided_slice %get3A_449 {offsets = [3], sizes = [1], strides = [1]} : vector<16xf32> to vector<1xf32>
      %squeeze3A_831 = vector.extract %slice3A_830[0] : f32 from vector<1xf32>
      %add3A_832 = arith.constant 3 : i32
      %add3A_833 = vector.broadcast %add3A_832 : i32 to vector<16xi32>
      %add3A_834 = arith.addi %broadcast_in_dim3A_450, %add3A_833 : vector<16xi32>
      %mul3A_835 = vector.broadcast %squeeze3A_817 : f32 to vector<16xf32>
      %mul3A_836 = arith.mulf %get3A_9, %mul3A_835 : vector<16xf32>
      %mul3A_837 = vector.broadcast %squeeze3A_819 : f32 to vector<16xf32>
      %mul3A_838 = arith.mulf %get3A_14, %mul3A_837 : vector<16xf32>
      %add3A_839 = arith.addf %mul3A_836, %mul3A_838 : vector<16xf32>
      %mul3A_840 = vector.broadcast %squeeze3A_821 : f32 to vector<16xf32>
      %mul3A_841 = arith.mulf %get3A_19, %mul3A_840 : vector<16xf32>
      %add3A_842 = arith.addf %add3A_839, %mul3A_841 : vector<16xf32>
      %mul3A_843 = vector.broadcast %squeeze3A_823 : f32 to vector<16xf32>
      %mul3A_844 = arith.mulf %get3A_24, %mul3A_843 : vector<16xf32>
      %add3A_845 = arith.addf %add3A_842, %mul3A_844 : vector<16xf32>
      %mul3A_846 = vector.broadcast %squeeze3A_825 : f32 to vector<16xf32>
      %mul3A_847 = arith.mulf %get3A_29, %mul3A_846 : vector<16xf32>
      %add3A_848 = arith.addf %add3A_845, %mul3A_847 : vector<16xf32>
      %mul3A_849 = vector.broadcast %squeeze3A_827 : f32 to vector<16xf32>
      %mul3A_850 = arith.mulf %get3A_34, %mul3A_849 : vector<16xf32>
      %add3A_851 = arith.addf %add3A_848, %mul3A_850 : vector<16xf32>
      %mul3A_852 = vector.broadcast %squeeze3A_829 : f32 to vector<16xf32>
      %mul3A_853 = arith.mulf %get3A_39, %mul3A_852 : vector<16xf32>
      %add3A_854 = arith.addf %add3A_851, %mul3A_853 : vector<16xf32>
      %mul3A_855 = vector.broadcast %squeeze3A_831 : f32 to vector<16xf32>
      %mul3A_856 = arith.mulf %get3A_44, %mul3A_855 : vector<16xf32>
      %add3A_857 = arith.addf %add3A_854, %mul3A_856 : vector<16xf32>
      %gt3A_858 = arith.cmpf ogt, %add3A_857, %select_n3A_736 : vector<16xf32>
      %select_n3A_859 = arith.select %gt3A_858, %add3A_857, %select_n3A_736 : vector<16xi1>, vector<16xf32>
      %select_n3A_860 = arith.select %gt3A_858, %add3A_834, %select_n3A_737 : vector<16xi1>, vector<16xi32>
      %mul3A_861 = vector.broadcast %squeeze3A_817 : f32 to vector<16xf32>
      %mul3A_862 = arith.mulf %get3A_49, %mul3A_861 : vector<16xf32>
      %mul3A_863 = vector.broadcast %squeeze3A_819 : f32 to vector<16xf32>
      %mul3A_864 = arith.mulf %get3A_54, %mul3A_863 : vector<16xf32>
      %add3A_865 = arith.addf %mul3A_862, %mul3A_864 : vector<16xf32>
      %mul3A_866 = vector.broadcast %squeeze3A_821 : f32 to vector<16xf32>
      %mul3A_867 = arith.mulf %get3A_59, %mul3A_866 : vector<16xf32>
      %add3A_868 = arith.addf %add3A_865, %mul3A_867 : vector<16xf32>
      %mul3A_869 = vector.broadcast %squeeze3A_823 : f32 to vector<16xf32>
      %mul3A_870 = arith.mulf %get3A_64, %mul3A_869 : vector<16xf32>
      %add3A_871 = arith.addf %add3A_868, %mul3A_870 : vector<16xf32>
      %mul3A_872 = vector.broadcast %squeeze3A_825 : f32 to vector<16xf32>
      %mul3A_873 = arith.mulf %get3A_69, %mul3A_872 : vector<16xf32>
      %add3A_874 = arith.addf %add3A_871, %mul3A_873 : vector<16xf32>
      %mul3A_875 = vector.broadcast %squeeze3A_827 : f32 to vector<16xf32>
      %mul3A_876 = arith.mulf %get3A_74, %mul3A_875 : vector<16xf32>
      %add3A_877 = arith.addf %add3A_874, %mul3A_876 : vector<16xf32>
      %mul3A_878 = vector.broadcast %squeeze3A_829 : f32 to vector<16xf32>
      %mul3A_879 = arith.mulf %get3A_79, %mul3A_878 : vector<16xf32>
      %add3A_880 = arith.addf %add3A_877, %mul3A_879 : vector<16xf32>
      %mul3A_881 = vector.broadcast %squeeze3A_831 : f32 to vector<16xf32>
      %mul3A_882 = arith.mulf %get3A_84, %mul3A_881 : vector<16xf32>
      %add3A_883 = arith.addf %add3A_880, %mul3A_882 : vector<16xf32>
      %gt3A_884 = arith.cmpf ogt, %add3A_883, %select_n3A_762 : vector<16xf32>
      %select_n3A_885 = arith.select %gt3A_884, %add3A_883, %select_n3A_762 : vector<16xi1>, vector<16xf32>
      %select_n3A_886 = arith.select %gt3A_884, %add3A_834, %select_n3A_763 : vector<16xi1>, vector<16xi32>
      %mul3A_887 = vector.broadcast %squeeze3A_817 : f32 to vector<16xf32>
      %mul3A_888 = arith.mulf %get3A_89, %mul3A_887 : vector<16xf32>
      %mul3A_889 = vector.broadcast %squeeze3A_819 : f32 to vector<16xf32>
      %mul3A_890 = arith.mulf %get3A_94, %mul3A_889 : vector<16xf32>
      %add3A_891 = arith.addf %mul3A_888, %mul3A_890 : vector<16xf32>
      %mul3A_892 = vector.broadcast %squeeze3A_821 : f32 to vector<16xf32>
      %mul3A_893 = arith.mulf %get3A_99, %mul3A_892 : vector<16xf32>
      %add3A_894 = arith.addf %add3A_891, %mul3A_893 : vector<16xf32>
      %mul3A_895 = vector.broadcast %squeeze3A_823 : f32 to vector<16xf32>
      %mul3A_896 = arith.mulf %get3A_104, %mul3A_895 : vector<16xf32>
      %add3A_897 = arith.addf %add3A_894, %mul3A_896 : vector<16xf32>
      %mul3A_898 = vector.broadcast %squeeze3A_825 : f32 to vector<16xf32>
      %mul3A_899 = arith.mulf %get3A_109, %mul3A_898 : vector<16xf32>
      %add3A_900 = arith.addf %add3A_897, %mul3A_899 : vector<16xf32>
      %mul3A_901 = vector.broadcast %squeeze3A_827 : f32 to vector<16xf32>
      %mul3A_902 = arith.mulf %get3A_114, %mul3A_901 : vector<16xf32>
      %add3A_903 = arith.addf %add3A_900, %mul3A_902 : vector<16xf32>
      %mul3A_904 = vector.broadcast %squeeze3A_829 : f32 to vector<16xf32>
      %mul3A_905 = arith.mulf %get3A_119, %mul3A_904 : vector<16xf32>
      %add3A_906 = arith.addf %add3A_903, %mul3A_905 : vector<16xf32>
      %mul3A_907 = vector.broadcast %squeeze3A_831 : f32 to vector<16xf32>
      %mul3A_908 = arith.mulf %get3A_124, %mul3A_907 : vector<16xf32>
      %add3A_909 = arith.addf %add3A_906, %mul3A_908 : vector<16xf32>
      %gt3A_910 = arith.cmpf ogt, %add3A_909, %select_n3A_788 : vector<16xf32>
      %select_n3A_911 = arith.select %gt3A_910, %add3A_909, %select_n3A_788 : vector<16xi1>, vector<16xf32>
      %select_n3A_912 = arith.select %gt3A_910, %add3A_834, %select_n3A_789 : vector<16xi1>, vector<16xi32>
      %mul3A_913 = vector.broadcast %squeeze3A_817 : f32 to vector<16xf32>
      %mul3A_914 = arith.mulf %get3A_129, %mul3A_913 : vector<16xf32>
      %mul3A_915 = vector.broadcast %squeeze3A_819 : f32 to vector<16xf32>
      %mul3A_916 = arith.mulf %get3A_134, %mul3A_915 : vector<16xf32>
      %add3A_917 = arith.addf %mul3A_914, %mul3A_916 : vector<16xf32>
      %mul3A_918 = vector.broadcast %squeeze3A_821 : f32 to vector<16xf32>
      %mul3A_919 = arith.mulf %get3A_139, %mul3A_918 : vector<16xf32>
      %add3A_920 = arith.addf %add3A_917, %mul3A_919 : vector<16xf32>
      %mul3A_921 = vector.broadcast %squeeze3A_823 : f32 to vector<16xf32>
      %mul3A_922 = arith.mulf %get3A_144, %mul3A_921 : vector<16xf32>
      %add3A_923 = arith.addf %add3A_920, %mul3A_922 : vector<16xf32>
      %mul3A_924 = vector.broadcast %squeeze3A_825 : f32 to vector<16xf32>
      %mul3A_925 = arith.mulf %get3A_149, %mul3A_924 : vector<16xf32>
      %add3A_926 = arith.addf %add3A_923, %mul3A_925 : vector<16xf32>
      %mul3A_927 = vector.broadcast %squeeze3A_827 : f32 to vector<16xf32>
      %mul3A_928 = arith.mulf %get3A_154, %mul3A_927 : vector<16xf32>
      %add3A_929 = arith.addf %add3A_926, %mul3A_928 : vector<16xf32>
      %mul3A_930 = vector.broadcast %squeeze3A_829 : f32 to vector<16xf32>
      %mul3A_931 = arith.mulf %get3A_159, %mul3A_930 : vector<16xf32>
      %add3A_932 = arith.addf %add3A_929, %mul3A_931 : vector<16xf32>
      %mul3A_933 = vector.broadcast %squeeze3A_831 : f32 to vector<16xf32>
      %mul3A_934 = arith.mulf %get3A_164, %mul3A_933 : vector<16xf32>
      %add3A_935 = arith.addf %add3A_932, %mul3A_934 : vector<16xf32>
      %gt3A_936 = arith.cmpf ogt, %add3A_935, %select_n3A_814 : vector<16xf32>
      %select_n3A_937 = arith.select %gt3A_936, %add3A_935, %select_n3A_814 : vector<16xi1>, vector<16xf32>
      %select_n3A_938 = arith.select %gt3A_936, %add3A_834, %select_n3A_815 : vector<16xi1>, vector<16xi32>
      %slice3A_939 = vector.extract_strided_slice %get3A_414 {offsets = [4], sizes = [1], strides = [1]} : vector<16xf32> to vector<1xf32>
      %squeeze3A_940 = vector.extract %slice3A_939[0] : f32 from vector<1xf32>
      %slice3A_941 = vector.extract_strided_slice %get3A_419 {offsets = [4], sizes = [1], strides = [1]} : vector<16xf32> to vector<1xf32>
      %squeeze3A_942 = vector.extract %slice3A_941[0] : f32 from vector<1xf32>
      %slice3A_943 = vector.extract_strided_slice %get3A_424 {offsets = [4], sizes = [1], strides = [1]} : vector<16xf32> to vector<1xf32>
      %squeeze3A_944 = vector.extract %slice3A_943[0] : f32 from vector<1xf32>
      %slice3A_945 = vector.extract_strided_slice %get3A_429 {offsets = [4], sizes = [1], strides = [1]} : vector<16xf32> to vector<1xf32>
      %squeeze3A_946 = vector.extract %slice3A_945[0] : f32 from vector<1xf32>
      %slice3A_947 = vector.extract_strided_slice %get3A_434 {offsets = [4], sizes = [1], strides = [1]} : vector<16xf32> to vector<1xf32>
      %squeeze3A_948 = vector.extract %slice3A_947[0] : f32 from vector<1xf32>
      %slice3A_949 = vector.extract_strided_slice %get3A_439 {offsets = [4], sizes = [1], strides = [1]} : vector<16xf32> to vector<1xf32>
      %squeeze3A_950 = vector.extract %slice3A_949[0] : f32 from vector<1xf32>
      %slice3A_951 = vector.extract_strided_slice %get3A_444 {offsets = [4], sizes = [1], strides = [1]} : vector<16xf32> to vector<1xf32>
      %squeeze3A_952 = vector.extract %slice3A_951[0] : f32 from vector<1xf32>
      %slice3A_953 = vector.extract_strided_slice %get3A_449 {offsets = [4], sizes = [1], strides = [1]} : vector<16xf32> to vector<1xf32>
      %squeeze3A_954 = vector.extract %slice3A_953[0] : f32 from vector<1xf32>
      %add3A_955 = arith.constant 4 : i32
      %add3A_956 = vector.broadcast %add3A_955 : i32 to vector<16xi32>
      %add3A_957 = arith.addi %broadcast_in_dim3A_450, %add3A_956 : vector<16xi32>
      %mul3A_958 = vector.broadcast %squeeze3A_940 : f32 to vector<16xf32>
      %mul3A_959 = arith.mulf %get3A_9, %mul3A_958 : vector<16xf32>
      %mul3A_960 = vector.broadcast %squeeze3A_942 : f32 to vector<16xf32>
      %mul3A_961 = arith.mulf %get3A_14, %mul3A_960 : vector<16xf32>
      %add3A_962 = arith.addf %mul3A_959, %mul3A_961 : vector<16xf32>
      %mul3A_963 = vector.broadcast %squeeze3A_944 : f32 to vector<16xf32>
      %mul3A_964 = arith.mulf %get3A_19, %mul3A_963 : vector<16xf32>
      %add3A_965 = arith.addf %add3A_962, %mul3A_964 : vector<16xf32>
      %mul3A_966 = vector.broadcast %squeeze3A_946 : f32 to vector<16xf32>
      %mul3A_967 = arith.mulf %get3A_24, %mul3A_966 : vector<16xf32>
      %add3A_968 = arith.addf %add3A_965, %mul3A_967 : vector<16xf32>
      %mul3A_969 = vector.broadcast %squeeze3A_948 : f32 to vector<16xf32>
      %mul3A_970 = arith.mulf %get3A_29, %mul3A_969 : vector<16xf32>
      %add3A_971 = arith.addf %add3A_968, %mul3A_970 : vector<16xf32>
      %mul3A_972 = vector.broadcast %squeeze3A_950 : f32 to vector<16xf32>
      %mul3A_973 = arith.mulf %get3A_34, %mul3A_972 : vector<16xf32>
      %add3A_974 = arith.addf %add3A_971, %mul3A_973 : vector<16xf32>
      %mul3A_975 = vector.broadcast %squeeze3A_952 : f32 to vector<16xf32>
      %mul3A_976 = arith.mulf %get3A_39, %mul3A_975 : vector<16xf32>
      %add3A_977 = arith.addf %add3A_974, %mul3A_976 : vector<16xf32>
      %mul3A_978 = vector.broadcast %squeeze3A_954 : f32 to vector<16xf32>
      %mul3A_979 = arith.mulf %get3A_44, %mul3A_978 : vector<16xf32>
      %add3A_980 = arith.addf %add3A_977, %mul3A_979 : vector<16xf32>
      %gt3A_981 = arith.cmpf ogt, %add3A_980, %select_n3A_859 : vector<16xf32>
      %select_n3A_982 = arith.select %gt3A_981, %add3A_980, %select_n3A_859 : vector<16xi1>, vector<16xf32>
      %select_n3A_983 = arith.select %gt3A_981, %add3A_957, %select_n3A_860 : vector<16xi1>, vector<16xi32>
      %mul3A_984 = vector.broadcast %squeeze3A_940 : f32 to vector<16xf32>
      %mul3A_985 = arith.mulf %get3A_49, %mul3A_984 : vector<16xf32>
      %mul3A_986 = vector.broadcast %squeeze3A_942 : f32 to vector<16xf32>
      %mul3A_987 = arith.mulf %get3A_54, %mul3A_986 : vector<16xf32>
      %add3A_988 = arith.addf %mul3A_985, %mul3A_987 : vector<16xf32>
      %mul3A_989 = vector.broadcast %squeeze3A_944 : f32 to vector<16xf32>
      %mul3A_990 = arith.mulf %get3A_59, %mul3A_989 : vector<16xf32>
      %add3A_991 = arith.addf %add3A_988, %mul3A_990 : vector<16xf32>
      %mul3A_992 = vector.broadcast %squeeze3A_946 : f32 to vector<16xf32>
      %mul3A_993 = arith.mulf %get3A_64, %mul3A_992 : vector<16xf32>
      %add3A_994 = arith.addf %add3A_991, %mul3A_993 : vector<16xf32>
      %mul3A_995 = vector.broadcast %squeeze3A_948 : f32 to vector<16xf32>
      %mul3A_996 = arith.mulf %get3A_69, %mul3A_995 : vector<16xf32>
      %add3A_997 = arith.addf %add3A_994, %mul3A_996 : vector<16xf32>
      %mul3A_998 = vector.broadcast %squeeze3A_950 : f32 to vector<16xf32>
      %mul3A_999 = arith.mulf %get3A_74, %mul3A_998 : vector<16xf32>
      %add3A_1000 = arith.addf %add3A_997, %mul3A_999 : vector<16xf32>
      %mul3A_1001 = vector.broadcast %squeeze3A_952 : f32 to vector<16xf32>
      %mul3A_1002 = arith.mulf %get3A_79, %mul3A_1001 : vector<16xf32>
      %add3A_1003 = arith.addf %add3A_1000, %mul3A_1002 : vector<16xf32>
      %mul3A_1004 = vector.broadcast %squeeze3A_954 : f32 to vector<16xf32>
      %mul3A_1005 = arith.mulf %get3A_84, %mul3A_1004 : vector<16xf32>
      %add3A_1006 = arith.addf %add3A_1003, %mul3A_1005 : vector<16xf32>
      %gt3A_1007 = arith.cmpf ogt, %add3A_1006, %select_n3A_885 : vector<16xf32>
      %select_n3A_1008 = arith.select %gt3A_1007, %add3A_1006, %select_n3A_885 : vector<16xi1>, vector<16xf32>
      %select_n3A_1009 = arith.select %gt3A_1007, %add3A_957, %select_n3A_886 : vector<16xi1>, vector<16xi32>
      %mul3A_1010 = vector.broadcast %squeeze3A_940 : f32 to vector<16xf32>
      %mul3A_1011 = arith.mulf %get3A_89, %mul3A_1010 : vector<16xf32>
      %mul3A_1012 = vector.broadcast %squeeze3A_942 : f32 to vector<16xf32>
      %mul3A_1013 = arith.mulf %get3A_94, %mul3A_1012 : vector<16xf32>
      %add3A_1014 = arith.addf %mul3A_1011, %mul3A_1013 : vector<16xf32>
      %mul3A_1015 = vector.broadcast %squeeze3A_944 : f32 to vector<16xf32>
      %mul3A_1016 = arith.mulf %get3A_99, %mul3A_1015 : vector<16xf32>
      %add3A_1017 = arith.addf %add3A_1014, %mul3A_1016 : vector<16xf32>
      %mul3A_1018 = vector.broadcast %squeeze3A_946 : f32 to vector<16xf32>
      %mul3A_1019 = arith.mulf %get3A_104, %mul3A_1018 : vector<16xf32>
      %add3A_1020 = arith.addf %add3A_1017, %mul3A_1019 : vector<16xf32>
      %mul3A_1021 = vector.broadcast %squeeze3A_948 : f32 to vector<16xf32>
      %mul3A_1022 = arith.mulf %get3A_109, %mul3A_1021 : vector<16xf32>
      %add3A_1023 = arith.addf %add3A_1020, %mul3A_1022 : vector<16xf32>
      %mul3A_1024 = vector.broadcast %squeeze3A_950 : f32 to vector<16xf32>
      %mul3A_1025 = arith.mulf %get3A_114, %mul3A_1024 : vector<16xf32>
      %add3A_1026 = arith.addf %add3A_1023, %mul3A_1025 : vector<16xf32>
      %mul3A_1027 = vector.broadcast %squeeze3A_952 : f32 to vector<16xf32>
      %mul3A_1028 = arith.mulf %get3A_119, %mul3A_1027 : vector<16xf32>
      %add3A_1029 = arith.addf %add3A_1026, %mul3A_1028 : vector<16xf32>
      %mul3A_1030 = vector.broadcast %squeeze3A_954 : f32 to vector<16xf32>
      %mul3A_1031 = arith.mulf %get3A_124, %mul3A_1030 : vector<16xf32>
      %add3A_1032 = arith.addf %add3A_1029, %mul3A_1031 : vector<16xf32>
      %gt3A_1033 = arith.cmpf ogt, %add3A_1032, %select_n3A_911 : vector<16xf32>
      %select_n3A_1034 = arith.select %gt3A_1033, %add3A_1032, %select_n3A_911 : vector<16xi1>, vector<16xf32>
      %select_n3A_1035 = arith.select %gt3A_1033, %add3A_957, %select_n3A_912 : vector<16xi1>, vector<16xi32>
      %mul3A_1036 = vector.broadcast %squeeze3A_940 : f32 to vector<16xf32>
      %mul3A_1037 = arith.mulf %get3A_129, %mul3A_1036 : vector<16xf32>
      %mul3A_1038 = vector.broadcast %squeeze3A_942 : f32 to vector<16xf32>
      %mul3A_1039 = arith.mulf %get3A_134, %mul3A_1038 : vector<16xf32>
      %add3A_1040 = arith.addf %mul3A_1037, %mul3A_1039 : vector<16xf32>
      %mul3A_1041 = vector.broadcast %squeeze3A_944 : f32 to vector<16xf32>
      %mul3A_1042 = arith.mulf %get3A_139, %mul3A_1041 : vector<16xf32>
      %add3A_1043 = arith.addf %add3A_1040, %mul3A_1042 : vector<16xf32>
      %mul3A_1044 = vector.broadcast %squeeze3A_946 : f32 to vector<16xf32>
      %mul3A_1045 = arith.mulf %get3A_144, %mul3A_1044 : vector<16xf32>
      %add3A_1046 = arith.addf %add3A_1043, %mul3A_1045 : vector<16xf32>
      %mul3A_1047 = vector.broadcast %squeeze3A_948 : f32 to vector<16xf32>
      %mul3A_1048 = arith.mulf %get3A_149, %mul3A_1047 : vector<16xf32>
      %add3A_1049 = arith.addf %add3A_1046, %mul3A_1048 : vector<16xf32>
      %mul3A_1050 = vector.broadcast %squeeze3A_950 : f32 to vector<16xf32>
      %mul3A_1051 = arith.mulf %get3A_154, %mul3A_1050 : vector<16xf32>
      %add3A_1052 = arith.addf %add3A_1049, %mul3A_1051 : vector<16xf32>
      %mul3A_1053 = vector.broadcast %squeeze3A_952 : f32 to vector<16xf32>
      %mul3A_1054 = arith.mulf %get3A_159, %mul3A_1053 : vector<16xf32>
      %add3A_1055 = arith.addf %add3A_1052, %mul3A_1054 : vector<16xf32>
      %mul3A_1056 = vector.broadcast %squeeze3A_954 : f32 to vector<16xf32>
      %mul3A_1057 = arith.mulf %get3A_164, %mul3A_1056 : vector<16xf32>
      %add3A_1058 = arith.addf %add3A_1055, %mul3A_1057 : vector<16xf32>
      %gt3A_1059 = arith.cmpf ogt, %add3A_1058, %select_n3A_937 : vector<16xf32>
      %select_n3A_1060 = arith.select %gt3A_1059, %add3A_1058, %select_n3A_937 : vector<16xi1>, vector<16xf32>
      %select_n3A_1061 = arith.select %gt3A_1059, %add3A_957, %select_n3A_938 : vector<16xi1>, vector<16xi32>
      %slice3A_1062 = vector.extract_strided_slice %get3A_414 {offsets = [5], sizes = [1], strides = [1]} : vector<16xf32> to vector<1xf32>
      %squeeze3A_1063 = vector.extract %slice3A_1062[0] : f32 from vector<1xf32>
      %slice3A_1064 = vector.extract_strided_slice %get3A_419 {offsets = [5], sizes = [1], strides = [1]} : vector<16xf32> to vector<1xf32>
      %squeeze3A_1065 = vector.extract %slice3A_1064[0] : f32 from vector<1xf32>
      %slice3A_1066 = vector.extract_strided_slice %get3A_424 {offsets = [5], sizes = [1], strides = [1]} : vector<16xf32> to vector<1xf32>
      %squeeze3A_1067 = vector.extract %slice3A_1066[0] : f32 from vector<1xf32>
      %slice3A_1068 = vector.extract_strided_slice %get3A_429 {offsets = [5], sizes = [1], strides = [1]} : vector<16xf32> to vector<1xf32>
      %squeeze3A_1069 = vector.extract %slice3A_1068[0] : f32 from vector<1xf32>
      %slice3A_1070 = vector.extract_strided_slice %get3A_434 {offsets = [5], sizes = [1], strides = [1]} : vector<16xf32> to vector<1xf32>
      %squeeze3A_1071 = vector.extract %slice3A_1070[0] : f32 from vector<1xf32>
      %slice3A_1072 = vector.extract_strided_slice %get3A_439 {offsets = [5], sizes = [1], strides = [1]} : vector<16xf32> to vector<1xf32>
      %squeeze3A_1073 = vector.extract %slice3A_1072[0] : f32 from vector<1xf32>
      %slice3A_1074 = vector.extract_strided_slice %get3A_444 {offsets = [5], sizes = [1], strides = [1]} : vector<16xf32> to vector<1xf32>
      %squeeze3A_1075 = vector.extract %slice3A_1074[0] : f32 from vector<1xf32>
      %slice3A_1076 = vector.extract_strided_slice %get3A_449 {offsets = [5], sizes = [1], strides = [1]} : vector<16xf32> to vector<1xf32>
      %squeeze3A_1077 = vector.extract %slice3A_1076[0] : f32 from vector<1xf32>
      %add3A_1078 = arith.constant 5 : i32
      %add3A_1079 = vector.broadcast %add3A_1078 : i32 to vector<16xi32>
      %add3A_1080 = arith.addi %broadcast_in_dim3A_450, %add3A_1079 : vector<16xi32>
      %mul3A_1081 = vector.broadcast %squeeze3A_1063 : f32 to vector<16xf32>
      %mul3A_1082 = arith.mulf %get3A_9, %mul3A_1081 : vector<16xf32>
      %mul3A_1083 = vector.broadcast %squeeze3A_1065 : f32 to vector<16xf32>
      %mul3A_1084 = arith.mulf %get3A_14, %mul3A_1083 : vector<16xf32>
      %add3A_1085 = arith.addf %mul3A_1082, %mul3A_1084 : vector<16xf32>
      %mul3A_1086 = vector.broadcast %squeeze3A_1067 : f32 to vector<16xf32>
      %mul3A_1087 = arith.mulf %get3A_19, %mul3A_1086 : vector<16xf32>
      %add3A_1088 = arith.addf %add3A_1085, %mul3A_1087 : vector<16xf32>
      %mul3A_1089 = vector.broadcast %squeeze3A_1069 : f32 to vector<16xf32>
      %mul3A_1090 = arith.mulf %get3A_24, %mul3A_1089 : vector<16xf32>
      %add3A_1091 = arith.addf %add3A_1088, %mul3A_1090 : vector<16xf32>
      %mul3A_1092 = vector.broadcast %squeeze3A_1071 : f32 to vector<16xf32>
      %mul3A_1093 = arith.mulf %get3A_29, %mul3A_1092 : vector<16xf32>
      %add3A_1094 = arith.addf %add3A_1091, %mul3A_1093 : vector<16xf32>
      %mul3A_1095 = vector.broadcast %squeeze3A_1073 : f32 to vector<16xf32>
      %mul3A_1096 = arith.mulf %get3A_34, %mul3A_1095 : vector<16xf32>
      %add3A_1097 = arith.addf %add3A_1094, %mul3A_1096 : vector<16xf32>
      %mul3A_1098 = vector.broadcast %squeeze3A_1075 : f32 to vector<16xf32>
      %mul3A_1099 = arith.mulf %get3A_39, %mul3A_1098 : vector<16xf32>
      %add3A_1100 = arith.addf %add3A_1097, %mul3A_1099 : vector<16xf32>
      %mul3A_1101 = vector.broadcast %squeeze3A_1077 : f32 to vector<16xf32>
      %mul3A_1102 = arith.mulf %get3A_44, %mul3A_1101 : vector<16xf32>
      %add3A_1103 = arith.addf %add3A_1100, %mul3A_1102 : vector<16xf32>
      %gt3A_1104 = arith.cmpf ogt, %add3A_1103, %select_n3A_982 : vector<16xf32>
      %select_n3A_1105 = arith.select %gt3A_1104, %add3A_1103, %select_n3A_982 : vector<16xi1>, vector<16xf32>
      %select_n3A_1106 = arith.select %gt3A_1104, %add3A_1080, %select_n3A_983 : vector<16xi1>, vector<16xi32>
      %mul3A_1107 = vector.broadcast %squeeze3A_1063 : f32 to vector<16xf32>
      %mul3A_1108 = arith.mulf %get3A_49, %mul3A_1107 : vector<16xf32>
      %mul3A_1109 = vector.broadcast %squeeze3A_1065 : f32 to vector<16xf32>
      %mul3A_1110 = arith.mulf %get3A_54, %mul3A_1109 : vector<16xf32>
      %add3A_1111 = arith.addf %mul3A_1108, %mul3A_1110 : vector<16xf32>
      %mul3A_1112 = vector.broadcast %squeeze3A_1067 : f32 to vector<16xf32>
      %mul3A_1113 = arith.mulf %get3A_59, %mul3A_1112 : vector<16xf32>
      %add3A_1114 = arith.addf %add3A_1111, %mul3A_1113 : vector<16xf32>
      %mul3A_1115 = vector.broadcast %squeeze3A_1069 : f32 to vector<16xf32>
      %mul3A_1116 = arith.mulf %get3A_64, %mul3A_1115 : vector<16xf32>
      %add3A_1117 = arith.addf %add3A_1114, %mul3A_1116 : vector<16xf32>
      %mul3A_1118 = vector.broadcast %squeeze3A_1071 : f32 to vector<16xf32>
      %mul3A_1119 = arith.mulf %get3A_69, %mul3A_1118 : vector<16xf32>
      %add3A_1120 = arith.addf %add3A_1117, %mul3A_1119 : vector<16xf32>
      %mul3A_1121 = vector.broadcast %squeeze3A_1073 : f32 to vector<16xf32>
      %mul3A_1122 = arith.mulf %get3A_74, %mul3A_1121 : vector<16xf32>
      %add3A_1123 = arith.addf %add3A_1120, %mul3A_1122 : vector<16xf32>
      %mul3A_1124 = vector.broadcast %squeeze3A_1075 : f32 to vector<16xf32>
      %mul3A_1125 = arith.mulf %get3A_79, %mul3A_1124 : vector<16xf32>
      %add3A_1126 = arith.addf %add3A_1123, %mul3A_1125 : vector<16xf32>
      %mul3A_1127 = vector.broadcast %squeeze3A_1077 : f32 to vector<16xf32>
      %mul3A_1128 = arith.mulf %get3A_84, %mul3A_1127 : vector<16xf32>
      %add3A_1129 = arith.addf %add3A_1126, %mul3A_1128 : vector<16xf32>
      %gt3A_1130 = arith.cmpf ogt, %add3A_1129, %select_n3A_1008 : vector<16xf32>
      %select_n3A_1131 = arith.select %gt3A_1130, %add3A_1129, %select_n3A_1008 : vector<16xi1>, vector<16xf32>
      %select_n3A_1132 = arith.select %gt3A_1130, %add3A_1080, %select_n3A_1009 : vector<16xi1>, vector<16xi32>
      %mul3A_1133 = vector.broadcast %squeeze3A_1063 : f32 to vector<16xf32>
      %mul3A_1134 = arith.mulf %get3A_89, %mul3A_1133 : vector<16xf32>
      %mul3A_1135 = vector.broadcast %squeeze3A_1065 : f32 to vector<16xf32>
      %mul3A_1136 = arith.mulf %get3A_94, %mul3A_1135 : vector<16xf32>
      %add3A_1137 = arith.addf %mul3A_1134, %mul3A_1136 : vector<16xf32>
      %mul3A_1138 = vector.broadcast %squeeze3A_1067 : f32 to vector<16xf32>
      %mul3A_1139 = arith.mulf %get3A_99, %mul3A_1138 : vector<16xf32>
      %add3A_1140 = arith.addf %add3A_1137, %mul3A_1139 : vector<16xf32>
      %mul3A_1141 = vector.broadcast %squeeze3A_1069 : f32 to vector<16xf32>
      %mul3A_1142 = arith.mulf %get3A_104, %mul3A_1141 : vector<16xf32>
      %add3A_1143 = arith.addf %add3A_1140, %mul3A_1142 : vector<16xf32>
      %mul3A_1144 = vector.broadcast %squeeze3A_1071 : f32 to vector<16xf32>
      %mul3A_1145 = arith.mulf %get3A_109, %mul3A_1144 : vector<16xf32>
      %add3A_1146 = arith.addf %add3A_1143, %mul3A_1145 : vector<16xf32>
      %mul3A_1147 = vector.broadcast %squeeze3A_1073 : f32 to vector<16xf32>
      %mul3A_1148 = arith.mulf %get3A_114, %mul3A_1147 : vector<16xf32>
      %add3A_1149 = arith.addf %add3A_1146, %mul3A_1148 : vector<16xf32>
      %mul3A_1150 = vector.broadcast %squeeze3A_1075 : f32 to vector<16xf32>
      %mul3A_1151 = arith.mulf %get3A_119, %mul3A_1150 : vector<16xf32>
      %add3A_1152 = arith.addf %add3A_1149, %mul3A_1151 : vector<16xf32>
      %mul3A_1153 = vector.broadcast %squeeze3A_1077 : f32 to vector<16xf32>
      %mul3A_1154 = arith.mulf %get3A_124, %mul3A_1153 : vector<16xf32>
      %add3A_1155 = arith.addf %add3A_1152, %mul3A_1154 : vector<16xf32>
      %gt3A_1156 = arith.cmpf ogt, %add3A_1155, %select_n3A_1034 : vector<16xf32>
      %select_n3A_1157 = arith.select %gt3A_1156, %add3A_1155, %select_n3A_1034 : vector<16xi1>, vector<16xf32>
      %select_n3A_1158 = arith.select %gt3A_1156, %add3A_1080, %select_n3A_1035 : vector<16xi1>, vector<16xi32>
      %mul3A_1159 = vector.broadcast %squeeze3A_1063 : f32 to vector<16xf32>
      %mul3A_1160 = arith.mulf %get3A_129, %mul3A_1159 : vector<16xf32>
      %mul3A_1161 = vector.broadcast %squeeze3A_1065 : f32 to vector<16xf32>
      %mul3A_1162 = arith.mulf %get3A_134, %mul3A_1161 : vector<16xf32>
      %add3A_1163 = arith.addf %mul3A_1160, %mul3A_1162 : vector<16xf32>
      %mul3A_1164 = vector.broadcast %squeeze3A_1067 : f32 to vector<16xf32>
      %mul3A_1165 = arith.mulf %get3A_139, %mul3A_1164 : vector<16xf32>
      %add3A_1166 = arith.addf %add3A_1163, %mul3A_1165 : vector<16xf32>
      %mul3A_1167 = vector.broadcast %squeeze3A_1069 : f32 to vector<16xf32>
      %mul3A_1168 = arith.mulf %get3A_144, %mul3A_1167 : vector<16xf32>
      %add3A_1169 = arith.addf %add3A_1166, %mul3A_1168 : vector<16xf32>
      %mul3A_1170 = vector.broadcast %squeeze3A_1071 : f32 to vector<16xf32>
      %mul3A_1171 = arith.mulf %get3A_149, %mul3A_1170 : vector<16xf32>
      %add3A_1172 = arith.addf %add3A_1169, %mul3A_1171 : vector<16xf32>
      %mul3A_1173 = vector.broadcast %squeeze3A_1073 : f32 to vector<16xf32>
      %mul3A_1174 = arith.mulf %get3A_154, %mul3A_1173 : vector<16xf32>
      %add3A_1175 = arith.addf %add3A_1172, %mul3A_1174 : vector<16xf32>
      %mul3A_1176 = vector.broadcast %squeeze3A_1075 : f32 to vector<16xf32>
      %mul3A_1177 = arith.mulf %get3A_159, %mul3A_1176 : vector<16xf32>
      %add3A_1178 = arith.addf %add3A_1175, %mul3A_1177 : vector<16xf32>
      %mul3A_1179 = vector.broadcast %squeeze3A_1077 : f32 to vector<16xf32>
      %mul3A_1180 = arith.mulf %get3A_164, %mul3A_1179 : vector<16xf32>
      %add3A_1181 = arith.addf %add3A_1178, %mul3A_1180 : vector<16xf32>
      %gt3A_1182 = arith.cmpf ogt, %add3A_1181, %select_n3A_1060 : vector<16xf32>
      %select_n3A_1183 = arith.select %gt3A_1182, %add3A_1181, %select_n3A_1060 : vector<16xi1>, vector<16xf32>
      %select_n3A_1184 = arith.select %gt3A_1182, %add3A_1080, %select_n3A_1061 : vector<16xi1>, vector<16xi32>
      %slice3A_1185 = vector.extract_strided_slice %get3A_414 {offsets = [6], sizes = [1], strides = [1]} : vector<16xf32> to vector<1xf32>
      %squeeze3A_1186 = vector.extract %slice3A_1185[0] : f32 from vector<1xf32>
      %slice3A_1187 = vector.extract_strided_slice %get3A_419 {offsets = [6], sizes = [1], strides = [1]} : vector<16xf32> to vector<1xf32>
      %squeeze3A_1188 = vector.extract %slice3A_1187[0] : f32 from vector<1xf32>
      %slice3A_1189 = vector.extract_strided_slice %get3A_424 {offsets = [6], sizes = [1], strides = [1]} : vector<16xf32> to vector<1xf32>
      %squeeze3A_1190 = vector.extract %slice3A_1189[0] : f32 from vector<1xf32>
      %slice3A_1191 = vector.extract_strided_slice %get3A_429 {offsets = [6], sizes = [1], strides = [1]} : vector<16xf32> to vector<1xf32>
      %squeeze3A_1192 = vector.extract %slice3A_1191[0] : f32 from vector<1xf32>
      %slice3A_1193 = vector.extract_strided_slice %get3A_434 {offsets = [6], sizes = [1], strides = [1]} : vector<16xf32> to vector<1xf32>
      %squeeze3A_1194 = vector.extract %slice3A_1193[0] : f32 from vector<1xf32>
      %slice3A_1195 = vector.extract_strided_slice %get3A_439 {offsets = [6], sizes = [1], strides = [1]} : vector<16xf32> to vector<1xf32>
      %squeeze3A_1196 = vector.extract %slice3A_1195[0] : f32 from vector<1xf32>
      %slice3A_1197 = vector.extract_strided_slice %get3A_444 {offsets = [6], sizes = [1], strides = [1]} : vector<16xf32> to vector<1xf32>
      %squeeze3A_1198 = vector.extract %slice3A_1197[0] : f32 from vector<1xf32>
      %slice3A_1199 = vector.extract_strided_slice %get3A_449 {offsets = [6], sizes = [1], strides = [1]} : vector<16xf32> to vector<1xf32>
      %squeeze3A_1200 = vector.extract %slice3A_1199[0] : f32 from vector<1xf32>
      %add3A_1201 = arith.constant 6 : i32
      %add3A_1202 = vector.broadcast %add3A_1201 : i32 to vector<16xi32>
      %add3A_1203 = arith.addi %broadcast_in_dim3A_450, %add3A_1202 : vector<16xi32>
      %mul3A_1204 = vector.broadcast %squeeze3A_1186 : f32 to vector<16xf32>
      %mul3A_1205 = arith.mulf %get3A_9, %mul3A_1204 : vector<16xf32>
      %mul3A_1206 = vector.broadcast %squeeze3A_1188 : f32 to vector<16xf32>
      %mul3A_1207 = arith.mulf %get3A_14, %mul3A_1206 : vector<16xf32>
      %add3A_1208 = arith.addf %mul3A_1205, %mul3A_1207 : vector<16xf32>
      %mul3A_1209 = vector.broadcast %squeeze3A_1190 : f32 to vector<16xf32>
      %mul3A_1210 = arith.mulf %get3A_19, %mul3A_1209 : vector<16xf32>
      %add3A_1211 = arith.addf %add3A_1208, %mul3A_1210 : vector<16xf32>
      %mul3A_1212 = vector.broadcast %squeeze3A_1192 : f32 to vector<16xf32>
      %mul3A_1213 = arith.mulf %get3A_24, %mul3A_1212 : vector<16xf32>
      %add3A_1214 = arith.addf %add3A_1211, %mul3A_1213 : vector<16xf32>
      %mul3A_1215 = vector.broadcast %squeeze3A_1194 : f32 to vector<16xf32>
      %mul3A_1216 = arith.mulf %get3A_29, %mul3A_1215 : vector<16xf32>
      %add3A_1217 = arith.addf %add3A_1214, %mul3A_1216 : vector<16xf32>
      %mul3A_1218 = vector.broadcast %squeeze3A_1196 : f32 to vector<16xf32>
      %mul3A_1219 = arith.mulf %get3A_34, %mul3A_1218 : vector<16xf32>
      %add3A_1220 = arith.addf %add3A_1217, %mul3A_1219 : vector<16xf32>
      %mul3A_1221 = vector.broadcast %squeeze3A_1198 : f32 to vector<16xf32>
      %mul3A_1222 = arith.mulf %get3A_39, %mul3A_1221 : vector<16xf32>
      %add3A_1223 = arith.addf %add3A_1220, %mul3A_1222 : vector<16xf32>
      %mul3A_1224 = vector.broadcast %squeeze3A_1200 : f32 to vector<16xf32>
      %mul3A_1225 = arith.mulf %get3A_44, %mul3A_1224 : vector<16xf32>
      %add3A_1226 = arith.addf %add3A_1223, %mul3A_1225 : vector<16xf32>
      %gt3A_1227 = arith.cmpf ogt, %add3A_1226, %select_n3A_1105 : vector<16xf32>
      %select_n3A_1228 = arith.select %gt3A_1227, %add3A_1226, %select_n3A_1105 : vector<16xi1>, vector<16xf32>
      %select_n3A_1229 = arith.select %gt3A_1227, %add3A_1203, %select_n3A_1106 : vector<16xi1>, vector<16xi32>
      %mul3A_1230 = vector.broadcast %squeeze3A_1186 : f32 to vector<16xf32>
      %mul3A_1231 = arith.mulf %get3A_49, %mul3A_1230 : vector<16xf32>
      %mul3A_1232 = vector.broadcast %squeeze3A_1188 : f32 to vector<16xf32>
      %mul3A_1233 = arith.mulf %get3A_54, %mul3A_1232 : vector<16xf32>
      %add3A_1234 = arith.addf %mul3A_1231, %mul3A_1233 : vector<16xf32>
      %mul3A_1235 = vector.broadcast %squeeze3A_1190 : f32 to vector<16xf32>
      %mul3A_1236 = arith.mulf %get3A_59, %mul3A_1235 : vector<16xf32>
      %add3A_1237 = arith.addf %add3A_1234, %mul3A_1236 : vector<16xf32>
      %mul3A_1238 = vector.broadcast %squeeze3A_1192 : f32 to vector<16xf32>
      %mul3A_1239 = arith.mulf %get3A_64, %mul3A_1238 : vector<16xf32>
      %add3A_1240 = arith.addf %add3A_1237, %mul3A_1239 : vector<16xf32>
      %mul3A_1241 = vector.broadcast %squeeze3A_1194 : f32 to vector<16xf32>
      %mul3A_1242 = arith.mulf %get3A_69, %mul3A_1241 : vector<16xf32>
      %add3A_1243 = arith.addf %add3A_1240, %mul3A_1242 : vector<16xf32>
      %mul3A_1244 = vector.broadcast %squeeze3A_1196 : f32 to vector<16xf32>
      %mul3A_1245 = arith.mulf %get3A_74, %mul3A_1244 : vector<16xf32>
      %add3A_1246 = arith.addf %add3A_1243, %mul3A_1245 : vector<16xf32>
      %mul3A_1247 = vector.broadcast %squeeze3A_1198 : f32 to vector<16xf32>
      %mul3A_1248 = arith.mulf %get3A_79, %mul3A_1247 : vector<16xf32>
      %add3A_1249 = arith.addf %add3A_1246, %mul3A_1248 : vector<16xf32>
      %mul3A_1250 = vector.broadcast %squeeze3A_1200 : f32 to vector<16xf32>
      %mul3A_1251 = arith.mulf %get3A_84, %mul3A_1250 : vector<16xf32>
      %add3A_1252 = arith.addf %add3A_1249, %mul3A_1251 : vector<16xf32>
      %gt3A_1253 = arith.cmpf ogt, %add3A_1252, %select_n3A_1131 : vector<16xf32>
      %select_n3A_1254 = arith.select %gt3A_1253, %add3A_1252, %select_n3A_1131 : vector<16xi1>, vector<16xf32>
      %select_n3A_1255 = arith.select %gt3A_1253, %add3A_1203, %select_n3A_1132 : vector<16xi1>, vector<16xi32>
      %mul3A_1256 = vector.broadcast %squeeze3A_1186 : f32 to vector<16xf32>
      %mul3A_1257 = arith.mulf %get3A_89, %mul3A_1256 : vector<16xf32>
      %mul3A_1258 = vector.broadcast %squeeze3A_1188 : f32 to vector<16xf32>
      %mul3A_1259 = arith.mulf %get3A_94, %mul3A_1258 : vector<16xf32>
      %add3A_1260 = arith.addf %mul3A_1257, %mul3A_1259 : vector<16xf32>
      %mul3A_1261 = vector.broadcast %squeeze3A_1190 : f32 to vector<16xf32>
      %mul3A_1262 = arith.mulf %get3A_99, %mul3A_1261 : vector<16xf32>
      %add3A_1263 = arith.addf %add3A_1260, %mul3A_1262 : vector<16xf32>
      %mul3A_1264 = vector.broadcast %squeeze3A_1192 : f32 to vector<16xf32>
      %mul3A_1265 = arith.mulf %get3A_104, %mul3A_1264 : vector<16xf32>
      %add3A_1266 = arith.addf %add3A_1263, %mul3A_1265 : vector<16xf32>
      %mul3A_1267 = vector.broadcast %squeeze3A_1194 : f32 to vector<16xf32>
      %mul3A_1268 = arith.mulf %get3A_109, %mul3A_1267 : vector<16xf32>
      %add3A_1269 = arith.addf %add3A_1266, %mul3A_1268 : vector<16xf32>
      %mul3A_1270 = vector.broadcast %squeeze3A_1196 : f32 to vector<16xf32>
      %mul3A_1271 = arith.mulf %get3A_114, %mul3A_1270 : vector<16xf32>
      %add3A_1272 = arith.addf %add3A_1269, %mul3A_1271 : vector<16xf32>
      %mul3A_1273 = vector.broadcast %squeeze3A_1198 : f32 to vector<16xf32>
      %mul3A_1274 = arith.mulf %get3A_119, %mul3A_1273 : vector<16xf32>
      %add3A_1275 = arith.addf %add3A_1272, %mul3A_1274 : vector<16xf32>
      %mul3A_1276 = vector.broadcast %squeeze3A_1200 : f32 to vector<16xf32>
      %mul3A_1277 = arith.mulf %get3A_124, %mul3A_1276 : vector<16xf32>
      %add3A_1278 = arith.addf %add3A_1275, %mul3A_1277 : vector<16xf32>
      %gt3A_1279 = arith.cmpf ogt, %add3A_1278, %select_n3A_1157 : vector<16xf32>
      %select_n3A_1280 = arith.select %gt3A_1279, %add3A_1278, %select_n3A_1157 : vector<16xi1>, vector<16xf32>
      %select_n3A_1281 = arith.select %gt3A_1279, %add3A_1203, %select_n3A_1158 : vector<16xi1>, vector<16xi32>
      %mul3A_1282 = vector.broadcast %squeeze3A_1186 : f32 to vector<16xf32>
      %mul3A_1283 = arith.mulf %get3A_129, %mul3A_1282 : vector<16xf32>
      %mul3A_1284 = vector.broadcast %squeeze3A_1188 : f32 to vector<16xf32>
      %mul3A_1285 = arith.mulf %get3A_134, %mul3A_1284 : vector<16xf32>
      %add3A_1286 = arith.addf %mul3A_1283, %mul3A_1285 : vector<16xf32>
      %mul3A_1287 = vector.broadcast %squeeze3A_1190 : f32 to vector<16xf32>
      %mul3A_1288 = arith.mulf %get3A_139, %mul3A_1287 : vector<16xf32>
      %add3A_1289 = arith.addf %add3A_1286, %mul3A_1288 : vector<16xf32>
      %mul3A_1290 = vector.broadcast %squeeze3A_1192 : f32 to vector<16xf32>
      %mul3A_1291 = arith.mulf %get3A_144, %mul3A_1290 : vector<16xf32>
      %add3A_1292 = arith.addf %add3A_1289, %mul3A_1291 : vector<16xf32>
      %mul3A_1293 = vector.broadcast %squeeze3A_1194 : f32 to vector<16xf32>
      %mul3A_1294 = arith.mulf %get3A_149, %mul3A_1293 : vector<16xf32>
      %add3A_1295 = arith.addf %add3A_1292, %mul3A_1294 : vector<16xf32>
      %mul3A_1296 = vector.broadcast %squeeze3A_1196 : f32 to vector<16xf32>
      %mul3A_1297 = arith.mulf %get3A_154, %mul3A_1296 : vector<16xf32>
      %add3A_1298 = arith.addf %add3A_1295, %mul3A_1297 : vector<16xf32>
      %mul3A_1299 = vector.broadcast %squeeze3A_1198 : f32 to vector<16xf32>
      %mul3A_1300 = arith.mulf %get3A_159, %mul3A_1299 : vector<16xf32>
      %add3A_1301 = arith.addf %add3A_1298, %mul3A_1300 : vector<16xf32>
      %mul3A_1302 = vector.broadcast %squeeze3A_1200 : f32 to vector<16xf32>
      %mul3A_1303 = arith.mulf %get3A_164, %mul3A_1302 : vector<16xf32>
      %add3A_1304 = arith.addf %add3A_1301, %mul3A_1303 : vector<16xf32>
      %gt3A_1305 = arith.cmpf ogt, %add3A_1304, %select_n3A_1183 : vector<16xf32>
      %select_n3A_1306 = arith.select %gt3A_1305, %add3A_1304, %select_n3A_1183 : vector<16xi1>, vector<16xf32>
      %select_n3A_1307 = arith.select %gt3A_1305, %add3A_1203, %select_n3A_1184 : vector<16xi1>, vector<16xi32>
      %slice3A_1308 = vector.extract_strided_slice %get3A_414 {offsets = [7], sizes = [1], strides = [1]} : vector<16xf32> to vector<1xf32>
      %squeeze3A_1309 = vector.extract %slice3A_1308[0] : f32 from vector<1xf32>
      %slice3A_1310 = vector.extract_strided_slice %get3A_419 {offsets = [7], sizes = [1], strides = [1]} : vector<16xf32> to vector<1xf32>
      %squeeze3A_1311 = vector.extract %slice3A_1310[0] : f32 from vector<1xf32>
      %slice3A_1312 = vector.extract_strided_slice %get3A_424 {offsets = [7], sizes = [1], strides = [1]} : vector<16xf32> to vector<1xf32>
      %squeeze3A_1313 = vector.extract %slice3A_1312[0] : f32 from vector<1xf32>
      %slice3A_1314 = vector.extract_strided_slice %get3A_429 {offsets = [7], sizes = [1], strides = [1]} : vector<16xf32> to vector<1xf32>
      %squeeze3A_1315 = vector.extract %slice3A_1314[0] : f32 from vector<1xf32>
      %slice3A_1316 = vector.extract_strided_slice %get3A_434 {offsets = [7], sizes = [1], strides = [1]} : vector<16xf32> to vector<1xf32>
      %squeeze3A_1317 = vector.extract %slice3A_1316[0] : f32 from vector<1xf32>
      %slice3A_1318 = vector.extract_strided_slice %get3A_439 {offsets = [7], sizes = [1], strides = [1]} : vector<16xf32> to vector<1xf32>
      %squeeze3A_1319 = vector.extract %slice3A_1318[0] : f32 from vector<1xf32>
      %slice3A_1320 = vector.extract_strided_slice %get3A_444 {offsets = [7], sizes = [1], strides = [1]} : vector<16xf32> to vector<1xf32>
      %squeeze3A_1321 = vector.extract %slice3A_1320[0] : f32 from vector<1xf32>
      %slice3A_1322 = vector.extract_strided_slice %get3A_449 {offsets = [7], sizes = [1], strides = [1]} : vector<16xf32> to vector<1xf32>
      %squeeze3A_1323 = vector.extract %slice3A_1322[0] : f32 from vector<1xf32>
      %add3A_1324 = arith.constant 7 : i32
      %add3A_1325 = vector.broadcast %add3A_1324 : i32 to vector<16xi32>
      %add3A_1326 = arith.addi %broadcast_in_dim3A_450, %add3A_1325 : vector<16xi32>
      %mul3A_1327 = vector.broadcast %squeeze3A_1309 : f32 to vector<16xf32>
      %mul3A_1328 = arith.mulf %get3A_9, %mul3A_1327 : vector<16xf32>
      %mul3A_1329 = vector.broadcast %squeeze3A_1311 : f32 to vector<16xf32>
      %mul3A_1330 = arith.mulf %get3A_14, %mul3A_1329 : vector<16xf32>
      %add3A_1331 = arith.addf %mul3A_1328, %mul3A_1330 : vector<16xf32>
      %mul3A_1332 = vector.broadcast %squeeze3A_1313 : f32 to vector<16xf32>
      %mul3A_1333 = arith.mulf %get3A_19, %mul3A_1332 : vector<16xf32>
      %add3A_1334 = arith.addf %add3A_1331, %mul3A_1333 : vector<16xf32>
      %mul3A_1335 = vector.broadcast %squeeze3A_1315 : f32 to vector<16xf32>
      %mul3A_1336 = arith.mulf %get3A_24, %mul3A_1335 : vector<16xf32>
      %add3A_1337 = arith.addf %add3A_1334, %mul3A_1336 : vector<16xf32>
      %mul3A_1338 = vector.broadcast %squeeze3A_1317 : f32 to vector<16xf32>
      %mul3A_1339 = arith.mulf %get3A_29, %mul3A_1338 : vector<16xf32>
      %add3A_1340 = arith.addf %add3A_1337, %mul3A_1339 : vector<16xf32>
      %mul3A_1341 = vector.broadcast %squeeze3A_1319 : f32 to vector<16xf32>
      %mul3A_1342 = arith.mulf %get3A_34, %mul3A_1341 : vector<16xf32>
      %add3A_1343 = arith.addf %add3A_1340, %mul3A_1342 : vector<16xf32>
      %mul3A_1344 = vector.broadcast %squeeze3A_1321 : f32 to vector<16xf32>
      %mul3A_1345 = arith.mulf %get3A_39, %mul3A_1344 : vector<16xf32>
      %add3A_1346 = arith.addf %add3A_1343, %mul3A_1345 : vector<16xf32>
      %mul3A_1347 = vector.broadcast %squeeze3A_1323 : f32 to vector<16xf32>
      %mul3A_1348 = arith.mulf %get3A_44, %mul3A_1347 : vector<16xf32>
      %add3A_1349 = arith.addf %add3A_1346, %mul3A_1348 : vector<16xf32>
      %gt3A_1350 = arith.cmpf ogt, %add3A_1349, %select_n3A_1228 : vector<16xf32>
      %select_n3A_1351 = arith.select %gt3A_1350, %add3A_1349, %select_n3A_1228 : vector<16xi1>, vector<16xf32>
      %select_n3A_1352 = arith.select %gt3A_1350, %add3A_1326, %select_n3A_1229 : vector<16xi1>, vector<16xi32>
      %mul3A_1353 = vector.broadcast %squeeze3A_1309 : f32 to vector<16xf32>
      %mul3A_1354 = arith.mulf %get3A_49, %mul3A_1353 : vector<16xf32>
      %mul3A_1355 = vector.broadcast %squeeze3A_1311 : f32 to vector<16xf32>
      %mul3A_1356 = arith.mulf %get3A_54, %mul3A_1355 : vector<16xf32>
      %add3A_1357 = arith.addf %mul3A_1354, %mul3A_1356 : vector<16xf32>
      %mul3A_1358 = vector.broadcast %squeeze3A_1313 : f32 to vector<16xf32>
      %mul3A_1359 = arith.mulf %get3A_59, %mul3A_1358 : vector<16xf32>
      %add3A_1360 = arith.addf %add3A_1357, %mul3A_1359 : vector<16xf32>
      %mul3A_1361 = vector.broadcast %squeeze3A_1315 : f32 to vector<16xf32>
      %mul3A_1362 = arith.mulf %get3A_64, %mul3A_1361 : vector<16xf32>
      %add3A_1363 = arith.addf %add3A_1360, %mul3A_1362 : vector<16xf32>
      %mul3A_1364 = vector.broadcast %squeeze3A_1317 : f32 to vector<16xf32>
      %mul3A_1365 = arith.mulf %get3A_69, %mul3A_1364 : vector<16xf32>
      %add3A_1366 = arith.addf %add3A_1363, %mul3A_1365 : vector<16xf32>
      %mul3A_1367 = vector.broadcast %squeeze3A_1319 : f32 to vector<16xf32>
      %mul3A_1368 = arith.mulf %get3A_74, %mul3A_1367 : vector<16xf32>
      %add3A_1369 = arith.addf %add3A_1366, %mul3A_1368 : vector<16xf32>
      %mul3A_1370 = vector.broadcast %squeeze3A_1321 : f32 to vector<16xf32>
      %mul3A_1371 = arith.mulf %get3A_79, %mul3A_1370 : vector<16xf32>
      %add3A_1372 = arith.addf %add3A_1369, %mul3A_1371 : vector<16xf32>
      %mul3A_1373 = vector.broadcast %squeeze3A_1323 : f32 to vector<16xf32>
      %mul3A_1374 = arith.mulf %get3A_84, %mul3A_1373 : vector<16xf32>
      %add3A_1375 = arith.addf %add3A_1372, %mul3A_1374 : vector<16xf32>
      %gt3A_1376 = arith.cmpf ogt, %add3A_1375, %select_n3A_1254 : vector<16xf32>
      %select_n3A_1377 = arith.select %gt3A_1376, %add3A_1375, %select_n3A_1254 : vector<16xi1>, vector<16xf32>
      %select_n3A_1378 = arith.select %gt3A_1376, %add3A_1326, %select_n3A_1255 : vector<16xi1>, vector<16xi32>
      %mul3A_1379 = vector.broadcast %squeeze3A_1309 : f32 to vector<16xf32>
      %mul3A_1380 = arith.mulf %get3A_89, %mul3A_1379 : vector<16xf32>
      %mul3A_1381 = vector.broadcast %squeeze3A_1311 : f32 to vector<16xf32>
      %mul3A_1382 = arith.mulf %get3A_94, %mul3A_1381 : vector<16xf32>
      %add3A_1383 = arith.addf %mul3A_1380, %mul3A_1382 : vector<16xf32>
      %mul3A_1384 = vector.broadcast %squeeze3A_1313 : f32 to vector<16xf32>
      %mul3A_1385 = arith.mulf %get3A_99, %mul3A_1384 : vector<16xf32>
      %add3A_1386 = arith.addf %add3A_1383, %mul3A_1385 : vector<16xf32>
      %mul3A_1387 = vector.broadcast %squeeze3A_1315 : f32 to vector<16xf32>
      %mul3A_1388 = arith.mulf %get3A_104, %mul3A_1387 : vector<16xf32>
      %add3A_1389 = arith.addf %add3A_1386, %mul3A_1388 : vector<16xf32>
      %mul3A_1390 = vector.broadcast %squeeze3A_1317 : f32 to vector<16xf32>
      %mul3A_1391 = arith.mulf %get3A_109, %mul3A_1390 : vector<16xf32>
      %add3A_1392 = arith.addf %add3A_1389, %mul3A_1391 : vector<16xf32>
      %mul3A_1393 = vector.broadcast %squeeze3A_1319 : f32 to vector<16xf32>
      %mul3A_1394 = arith.mulf %get3A_114, %mul3A_1393 : vector<16xf32>
      %add3A_1395 = arith.addf %add3A_1392, %mul3A_1394 : vector<16xf32>
      %mul3A_1396 = vector.broadcast %squeeze3A_1321 : f32 to vector<16xf32>
      %mul3A_1397 = arith.mulf %get3A_119, %mul3A_1396 : vector<16xf32>
      %add3A_1398 = arith.addf %add3A_1395, %mul3A_1397 : vector<16xf32>
      %mul3A_1399 = vector.broadcast %squeeze3A_1323 : f32 to vector<16xf32>
      %mul3A_1400 = arith.mulf %get3A_124, %mul3A_1399 : vector<16xf32>
      %add3A_1401 = arith.addf %add3A_1398, %mul3A_1400 : vector<16xf32>
      %gt3A_1402 = arith.cmpf ogt, %add3A_1401, %select_n3A_1280 : vector<16xf32>
      %select_n3A_1403 = arith.select %gt3A_1402, %add3A_1401, %select_n3A_1280 : vector<16xi1>, vector<16xf32>
      %select_n3A_1404 = arith.select %gt3A_1402, %add3A_1326, %select_n3A_1281 : vector<16xi1>, vector<16xi32>
      %mul3A_1405 = vector.broadcast %squeeze3A_1309 : f32 to vector<16xf32>
      %mul3A_1406 = arith.mulf %get3A_129, %mul3A_1405 : vector<16xf32>
      %mul3A_1407 = vector.broadcast %squeeze3A_1311 : f32 to vector<16xf32>
      %mul3A_1408 = arith.mulf %get3A_134, %mul3A_1407 : vector<16xf32>
      %add3A_1409 = arith.addf %mul3A_1406, %mul3A_1408 : vector<16xf32>
      %mul3A_1410 = vector.broadcast %squeeze3A_1313 : f32 to vector<16xf32>
      %mul3A_1411 = arith.mulf %get3A_139, %mul3A_1410 : vector<16xf32>
      %add3A_1412 = arith.addf %add3A_1409, %mul3A_1411 : vector<16xf32>
      %mul3A_1413 = vector.broadcast %squeeze3A_1315 : f32 to vector<16xf32>
      %mul3A_1414 = arith.mulf %get3A_144, %mul3A_1413 : vector<16xf32>
      %add3A_1415 = arith.addf %add3A_1412, %mul3A_1414 : vector<16xf32>
      %mul3A_1416 = vector.broadcast %squeeze3A_1317 : f32 to vector<16xf32>
      %mul3A_1417 = arith.mulf %get3A_149, %mul3A_1416 : vector<16xf32>
      %add3A_1418 = arith.addf %add3A_1415, %mul3A_1417 : vector<16xf32>
      %mul3A_1419 = vector.broadcast %squeeze3A_1319 : f32 to vector<16xf32>
      %mul3A_1420 = arith.mulf %get3A_154, %mul3A_1419 : vector<16xf32>
      %add3A_1421 = arith.addf %add3A_1418, %mul3A_1420 : vector<16xf32>
      %mul3A_1422 = vector.broadcast %squeeze3A_1321 : f32 to vector<16xf32>
      %mul3A_1423 = arith.mulf %get3A_159, %mul3A_1422 : vector<16xf32>
      %add3A_1424 = arith.addf %add3A_1421, %mul3A_1423 : vector<16xf32>
      %mul3A_1425 = vector.broadcast %squeeze3A_1323 : f32 to vector<16xf32>
      %mul3A_1426 = arith.mulf %get3A_164, %mul3A_1425 : vector<16xf32>
      %add3A_1427 = arith.addf %add3A_1424, %mul3A_1426 : vector<16xf32>
      %gt3A_1428 = arith.cmpf ogt, %add3A_1427, %select_n3A_1306 : vector<16xf32>
      %select_n3A_1429 = arith.select %gt3A_1428, %add3A_1427, %select_n3A_1306 : vector<16xi1>, vector<16xf32>
      %select_n3A_1430 = arith.select %gt3A_1428, %add3A_1326, %select_n3A_1307 : vector<16xi1>, vector<16xi32>
      %slice3A_1431 = vector.extract_strided_slice %get3A_414 {offsets = [8], sizes = [1], strides = [1]} : vector<16xf32> to vector<1xf32>
      %squeeze3A_1432 = vector.extract %slice3A_1431[0] : f32 from vector<1xf32>
      %slice3A_1433 = vector.extract_strided_slice %get3A_419 {offsets = [8], sizes = [1], strides = [1]} : vector<16xf32> to vector<1xf32>
      %squeeze3A_1434 = vector.extract %slice3A_1433[0] : f32 from vector<1xf32>
      %slice3A_1435 = vector.extract_strided_slice %get3A_424 {offsets = [8], sizes = [1], strides = [1]} : vector<16xf32> to vector<1xf32>
      %squeeze3A_1436 = vector.extract %slice3A_1435[0] : f32 from vector<1xf32>
      %slice3A_1437 = vector.extract_strided_slice %get3A_429 {offsets = [8], sizes = [1], strides = [1]} : vector<16xf32> to vector<1xf32>
      %squeeze3A_1438 = vector.extract %slice3A_1437[0] : f32 from vector<1xf32>
      %slice3A_1439 = vector.extract_strided_slice %get3A_434 {offsets = [8], sizes = [1], strides = [1]} : vector<16xf32> to vector<1xf32>
      %squeeze3A_1440 = vector.extract %slice3A_1439[0] : f32 from vector<1xf32>
      %slice3A_1441 = vector.extract_strided_slice %get3A_439 {offsets = [8], sizes = [1], strides = [1]} : vector<16xf32> to vector<1xf32>
      %squeeze3A_1442 = vector.extract %slice3A_1441[0] : f32 from vector<1xf32>
      %slice3A_1443 = vector.extract_strided_slice %get3A_444 {offsets = [8], sizes = [1], strides = [1]} : vector<16xf32> to vector<1xf32>
      %squeeze3A_1444 = vector.extract %slice3A_1443[0] : f32 from vector<1xf32>
      %slice3A_1445 = vector.extract_strided_slice %get3A_449 {offsets = [8], sizes = [1], strides = [1]} : vector<16xf32> to vector<1xf32>
      %squeeze3A_1446 = vector.extract %slice3A_1445[0] : f32 from vector<1xf32>
      %add3A_1447 = arith.constant 8 : i32
      %add3A_1448 = vector.broadcast %add3A_1447 : i32 to vector<16xi32>
      %add3A_1449 = arith.addi %broadcast_in_dim3A_450, %add3A_1448 : vector<16xi32>
      %mul3A_1450 = vector.broadcast %squeeze3A_1432 : f32 to vector<16xf32>
      %mul3A_1451 = arith.mulf %get3A_9, %mul3A_1450 : vector<16xf32>
      %mul3A_1452 = vector.broadcast %squeeze3A_1434 : f32 to vector<16xf32>
      %mul3A_1453 = arith.mulf %get3A_14, %mul3A_1452 : vector<16xf32>
      %add3A_1454 = arith.addf %mul3A_1451, %mul3A_1453 : vector<16xf32>
      %mul3A_1455 = vector.broadcast %squeeze3A_1436 : f32 to vector<16xf32>
      %mul3A_1456 = arith.mulf %get3A_19, %mul3A_1455 : vector<16xf32>
      %add3A_1457 = arith.addf %add3A_1454, %mul3A_1456 : vector<16xf32>
      %mul3A_1458 = vector.broadcast %squeeze3A_1438 : f32 to vector<16xf32>
      %mul3A_1459 = arith.mulf %get3A_24, %mul3A_1458 : vector<16xf32>
      %add3A_1460 = arith.addf %add3A_1457, %mul3A_1459 : vector<16xf32>
      %mul3A_1461 = vector.broadcast %squeeze3A_1440 : f32 to vector<16xf32>
      %mul3A_1462 = arith.mulf %get3A_29, %mul3A_1461 : vector<16xf32>
      %add3A_1463 = arith.addf %add3A_1460, %mul3A_1462 : vector<16xf32>
      %mul3A_1464 = vector.broadcast %squeeze3A_1442 : f32 to vector<16xf32>
      %mul3A_1465 = arith.mulf %get3A_34, %mul3A_1464 : vector<16xf32>
      %add3A_1466 = arith.addf %add3A_1463, %mul3A_1465 : vector<16xf32>
      %mul3A_1467 = vector.broadcast %squeeze3A_1444 : f32 to vector<16xf32>
      %mul3A_1468 = arith.mulf %get3A_39, %mul3A_1467 : vector<16xf32>
      %add3A_1469 = arith.addf %add3A_1466, %mul3A_1468 : vector<16xf32>
      %mul3A_1470 = vector.broadcast %squeeze3A_1446 : f32 to vector<16xf32>
      %mul3A_1471 = arith.mulf %get3A_44, %mul3A_1470 : vector<16xf32>
      %add3A_1472 = arith.addf %add3A_1469, %mul3A_1471 : vector<16xf32>
      %gt3A_1473 = arith.cmpf ogt, %add3A_1472, %select_n3A_1351 : vector<16xf32>
      %select_n3A_1474 = arith.select %gt3A_1473, %add3A_1472, %select_n3A_1351 : vector<16xi1>, vector<16xf32>
      %select_n3A_1475 = arith.select %gt3A_1473, %add3A_1449, %select_n3A_1352 : vector<16xi1>, vector<16xi32>
      %mul3A_1476 = vector.broadcast %squeeze3A_1432 : f32 to vector<16xf32>
      %mul3A_1477 = arith.mulf %get3A_49, %mul3A_1476 : vector<16xf32>
      %mul3A_1478 = vector.broadcast %squeeze3A_1434 : f32 to vector<16xf32>
      %mul3A_1479 = arith.mulf %get3A_54, %mul3A_1478 : vector<16xf32>
      %add3A_1480 = arith.addf %mul3A_1477, %mul3A_1479 : vector<16xf32>
      %mul3A_1481 = vector.broadcast %squeeze3A_1436 : f32 to vector<16xf32>
      %mul3A_1482 = arith.mulf %get3A_59, %mul3A_1481 : vector<16xf32>
      %add3A_1483 = arith.addf %add3A_1480, %mul3A_1482 : vector<16xf32>
      %mul3A_1484 = vector.broadcast %squeeze3A_1438 : f32 to vector<16xf32>
      %mul3A_1485 = arith.mulf %get3A_64, %mul3A_1484 : vector<16xf32>
      %add3A_1486 = arith.addf %add3A_1483, %mul3A_1485 : vector<16xf32>
      %mul3A_1487 = vector.broadcast %squeeze3A_1440 : f32 to vector<16xf32>
      %mul3A_1488 = arith.mulf %get3A_69, %mul3A_1487 : vector<16xf32>
      %add3A_1489 = arith.addf %add3A_1486, %mul3A_1488 : vector<16xf32>
      %mul3A_1490 = vector.broadcast %squeeze3A_1442 : f32 to vector<16xf32>
      %mul3A_1491 = arith.mulf %get3A_74, %mul3A_1490 : vector<16xf32>
      %add3A_1492 = arith.addf %add3A_1489, %mul3A_1491 : vector<16xf32>
      %mul3A_1493 = vector.broadcast %squeeze3A_1444 : f32 to vector<16xf32>
      %mul3A_1494 = arith.mulf %get3A_79, %mul3A_1493 : vector<16xf32>
      %add3A_1495 = arith.addf %add3A_1492, %mul3A_1494 : vector<16xf32>
      %mul3A_1496 = vector.broadcast %squeeze3A_1446 : f32 to vector<16xf32>
      %mul3A_1497 = arith.mulf %get3A_84, %mul3A_1496 : vector<16xf32>
      %add3A_1498 = arith.addf %add3A_1495, %mul3A_1497 : vector<16xf32>
      %gt3A_1499 = arith.cmpf ogt, %add3A_1498, %select_n3A_1377 : vector<16xf32>
      %select_n3A_1500 = arith.select %gt3A_1499, %add3A_1498, %select_n3A_1377 : vector<16xi1>, vector<16xf32>
      %select_n3A_1501 = arith.select %gt3A_1499, %add3A_1449, %select_n3A_1378 : vector<16xi1>, vector<16xi32>
      %mul3A_1502 = vector.broadcast %squeeze3A_1432 : f32 to vector<16xf32>
      %mul3A_1503 = arith.mulf %get3A_89, %mul3A_1502 : vector<16xf32>
      %mul3A_1504 = vector.broadcast %squeeze3A_1434 : f32 to vector<16xf32>
      %mul3A_1505 = arith.mulf %get3A_94, %mul3A_1504 : vector<16xf32>
      %add3A_1506 = arith.addf %mul3A_1503, %mul3A_1505 : vector<16xf32>
      %mul3A_1507 = vector.broadcast %squeeze3A_1436 : f32 to vector<16xf32>
      %mul3A_1508 = arith.mulf %get3A_99, %mul3A_1507 : vector<16xf32>
      %add3A_1509 = arith.addf %add3A_1506, %mul3A_1508 : vector<16xf32>
      %mul3A_1510 = vector.broadcast %squeeze3A_1438 : f32 to vector<16xf32>
      %mul3A_1511 = arith.mulf %get3A_104, %mul3A_1510 : vector<16xf32>
      %add3A_1512 = arith.addf %add3A_1509, %mul3A_1511 : vector<16xf32>
      %mul3A_1513 = vector.broadcast %squeeze3A_1440 : f32 to vector<16xf32>
      %mul3A_1514 = arith.mulf %get3A_109, %mul3A_1513 : vector<16xf32>
      %add3A_1515 = arith.addf %add3A_1512, %mul3A_1514 : vector<16xf32>
      %mul3A_1516 = vector.broadcast %squeeze3A_1442 : f32 to vector<16xf32>
      %mul3A_1517 = arith.mulf %get3A_114, %mul3A_1516 : vector<16xf32>
      %add3A_1518 = arith.addf %add3A_1515, %mul3A_1517 : vector<16xf32>
      %mul3A_1519 = vector.broadcast %squeeze3A_1444 : f32 to vector<16xf32>
      %mul3A_1520 = arith.mulf %get3A_119, %mul3A_1519 : vector<16xf32>
      %add3A_1521 = arith.addf %add3A_1518, %mul3A_1520 : vector<16xf32>
      %mul3A_1522 = vector.broadcast %squeeze3A_1446 : f32 to vector<16xf32>
      %mul3A_1523 = arith.mulf %get3A_124, %mul3A_1522 : vector<16xf32>
      %add3A_1524 = arith.addf %add3A_1521, %mul3A_1523 : vector<16xf32>
      %gt3A_1525 = arith.cmpf ogt, %add3A_1524, %select_n3A_1403 : vector<16xf32>
      %select_n3A_1526 = arith.select %gt3A_1525, %add3A_1524, %select_n3A_1403 : vector<16xi1>, vector<16xf32>
      %select_n3A_1527 = arith.select %gt3A_1525, %add3A_1449, %select_n3A_1404 : vector<16xi1>, vector<16xi32>
      %mul3A_1528 = vector.broadcast %squeeze3A_1432 : f32 to vector<16xf32>
      %mul3A_1529 = arith.mulf %get3A_129, %mul3A_1528 : vector<16xf32>
      %mul3A_1530 = vector.broadcast %squeeze3A_1434 : f32 to vector<16xf32>
      %mul3A_1531 = arith.mulf %get3A_134, %mul3A_1530 : vector<16xf32>
      %add3A_1532 = arith.addf %mul3A_1529, %mul3A_1531 : vector<16xf32>
      %mul3A_1533 = vector.broadcast %squeeze3A_1436 : f32 to vector<16xf32>
      %mul3A_1534 = arith.mulf %get3A_139, %mul3A_1533 : vector<16xf32>
      %add3A_1535 = arith.addf %add3A_1532, %mul3A_1534 : vector<16xf32>
      %mul3A_1536 = vector.broadcast %squeeze3A_1438 : f32 to vector<16xf32>
      %mul3A_1537 = arith.mulf %get3A_144, %mul3A_1536 : vector<16xf32>
      %add3A_1538 = arith.addf %add3A_1535, %mul3A_1537 : vector<16xf32>
      %mul3A_1539 = vector.broadcast %squeeze3A_1440 : f32 to vector<16xf32>
      %mul3A_1540 = arith.mulf %get3A_149, %mul3A_1539 : vector<16xf32>
      %add3A_1541 = arith.addf %add3A_1538, %mul3A_1540 : vector<16xf32>
      %mul3A_1542 = vector.broadcast %squeeze3A_1442 : f32 to vector<16xf32>
      %mul3A_1543 = arith.mulf %get3A_154, %mul3A_1542 : vector<16xf32>
      %add3A_1544 = arith.addf %add3A_1541, %mul3A_1543 : vector<16xf32>
      %mul3A_1545 = vector.broadcast %squeeze3A_1444 : f32 to vector<16xf32>
      %mul3A_1546 = arith.mulf %get3A_159, %mul3A_1545 : vector<16xf32>
      %add3A_1547 = arith.addf %add3A_1544, %mul3A_1546 : vector<16xf32>
      %mul3A_1548 = vector.broadcast %squeeze3A_1446 : f32 to vector<16xf32>
      %mul3A_1549 = arith.mulf %get3A_164, %mul3A_1548 : vector<16xf32>
      %add3A_1550 = arith.addf %add3A_1547, %mul3A_1549 : vector<16xf32>
      %gt3A_1551 = arith.cmpf ogt, %add3A_1550, %select_n3A_1429 : vector<16xf32>
      %select_n3A_1552 = arith.select %gt3A_1551, %add3A_1550, %select_n3A_1429 : vector<16xi1>, vector<16xf32>
      %select_n3A_1553 = arith.select %gt3A_1551, %add3A_1449, %select_n3A_1430 : vector<16xi1>, vector<16xi32>
      %slice3A_1554 = vector.extract_strided_slice %get3A_414 {offsets = [9], sizes = [1], strides = [1]} : vector<16xf32> to vector<1xf32>
      %squeeze3A_1555 = vector.extract %slice3A_1554[0] : f32 from vector<1xf32>
      %slice3A_1556 = vector.extract_strided_slice %get3A_419 {offsets = [9], sizes = [1], strides = [1]} : vector<16xf32> to vector<1xf32>
      %squeeze3A_1557 = vector.extract %slice3A_1556[0] : f32 from vector<1xf32>
      %slice3A_1558 = vector.extract_strided_slice %get3A_424 {offsets = [9], sizes = [1], strides = [1]} : vector<16xf32> to vector<1xf32>
      %squeeze3A_1559 = vector.extract %slice3A_1558[0] : f32 from vector<1xf32>
      %slice3A_1560 = vector.extract_strided_slice %get3A_429 {offsets = [9], sizes = [1], strides = [1]} : vector<16xf32> to vector<1xf32>
      %squeeze3A_1561 = vector.extract %slice3A_1560[0] : f32 from vector<1xf32>
      %slice3A_1562 = vector.extract_strided_slice %get3A_434 {offsets = [9], sizes = [1], strides = [1]} : vector<16xf32> to vector<1xf32>
      %squeeze3A_1563 = vector.extract %slice3A_1562[0] : f32 from vector<1xf32>
      %slice3A_1564 = vector.extract_strided_slice %get3A_439 {offsets = [9], sizes = [1], strides = [1]} : vector<16xf32> to vector<1xf32>
      %squeeze3A_1565 = vector.extract %slice3A_1564[0] : f32 from vector<1xf32>
      %slice3A_1566 = vector.extract_strided_slice %get3A_444 {offsets = [9], sizes = [1], strides = [1]} : vector<16xf32> to vector<1xf32>
      %squeeze3A_1567 = vector.extract %slice3A_1566[0] : f32 from vector<1xf32>
      %slice3A_1568 = vector.extract_strided_slice %get3A_449 {offsets = [9], sizes = [1], strides = [1]} : vector<16xf32> to vector<1xf32>
      %squeeze3A_1569 = vector.extract %slice3A_1568[0] : f32 from vector<1xf32>
      %add3A_1570 = arith.constant 9 : i32
      %add3A_1571 = vector.broadcast %add3A_1570 : i32 to vector<16xi32>
      %add3A_1572 = arith.addi %broadcast_in_dim3A_450, %add3A_1571 : vector<16xi32>
      %mul3A_1573 = vector.broadcast %squeeze3A_1555 : f32 to vector<16xf32>
      %mul3A_1574 = arith.mulf %get3A_9, %mul3A_1573 : vector<16xf32>
      %mul3A_1575 = vector.broadcast %squeeze3A_1557 : f32 to vector<16xf32>
      %mul3A_1576 = arith.mulf %get3A_14, %mul3A_1575 : vector<16xf32>
      %add3A_1577 = arith.addf %mul3A_1574, %mul3A_1576 : vector<16xf32>
      %mul3A_1578 = vector.broadcast %squeeze3A_1559 : f32 to vector<16xf32>
      %mul3A_1579 = arith.mulf %get3A_19, %mul3A_1578 : vector<16xf32>
      %add3A_1580 = arith.addf %add3A_1577, %mul3A_1579 : vector<16xf32>
      %mul3A_1581 = vector.broadcast %squeeze3A_1561 : f32 to vector<16xf32>
      %mul3A_1582 = arith.mulf %get3A_24, %mul3A_1581 : vector<16xf32>
      %add3A_1583 = arith.addf %add3A_1580, %mul3A_1582 : vector<16xf32>
      %mul3A_1584 = vector.broadcast %squeeze3A_1563 : f32 to vector<16xf32>
      %mul3A_1585 = arith.mulf %get3A_29, %mul3A_1584 : vector<16xf32>
      %add3A_1586 = arith.addf %add3A_1583, %mul3A_1585 : vector<16xf32>
      %mul3A_1587 = vector.broadcast %squeeze3A_1565 : f32 to vector<16xf32>
      %mul3A_1588 = arith.mulf %get3A_34, %mul3A_1587 : vector<16xf32>
      %add3A_1589 = arith.addf %add3A_1586, %mul3A_1588 : vector<16xf32>
      %mul3A_1590 = vector.broadcast %squeeze3A_1567 : f32 to vector<16xf32>
      %mul3A_1591 = arith.mulf %get3A_39, %mul3A_1590 : vector<16xf32>
      %add3A_1592 = arith.addf %add3A_1589, %mul3A_1591 : vector<16xf32>
      %mul3A_1593 = vector.broadcast %squeeze3A_1569 : f32 to vector<16xf32>
      %mul3A_1594 = arith.mulf %get3A_44, %mul3A_1593 : vector<16xf32>
      %add3A_1595 = arith.addf %add3A_1592, %mul3A_1594 : vector<16xf32>
      %gt3A_1596 = arith.cmpf ogt, %add3A_1595, %select_n3A_1474 : vector<16xf32>
      %select_n3A_1597 = arith.select %gt3A_1596, %add3A_1595, %select_n3A_1474 : vector<16xi1>, vector<16xf32>
      %select_n3A_1598 = arith.select %gt3A_1596, %add3A_1572, %select_n3A_1475 : vector<16xi1>, vector<16xi32>
      %mul3A_1599 = vector.broadcast %squeeze3A_1555 : f32 to vector<16xf32>
      %mul3A_1600 = arith.mulf %get3A_49, %mul3A_1599 : vector<16xf32>
      %mul3A_1601 = vector.broadcast %squeeze3A_1557 : f32 to vector<16xf32>
      %mul3A_1602 = arith.mulf %get3A_54, %mul3A_1601 : vector<16xf32>
      %add3A_1603 = arith.addf %mul3A_1600, %mul3A_1602 : vector<16xf32>
      %mul3A_1604 = vector.broadcast %squeeze3A_1559 : f32 to vector<16xf32>
      %mul3A_1605 = arith.mulf %get3A_59, %mul3A_1604 : vector<16xf32>
      %add3A_1606 = arith.addf %add3A_1603, %mul3A_1605 : vector<16xf32>
      %mul3A_1607 = vector.broadcast %squeeze3A_1561 : f32 to vector<16xf32>
      %mul3A_1608 = arith.mulf %get3A_64, %mul3A_1607 : vector<16xf32>
      %add3A_1609 = arith.addf %add3A_1606, %mul3A_1608 : vector<16xf32>
      %mul3A_1610 = vector.broadcast %squeeze3A_1563 : f32 to vector<16xf32>
      %mul3A_1611 = arith.mulf %get3A_69, %mul3A_1610 : vector<16xf32>
      %add3A_1612 = arith.addf %add3A_1609, %mul3A_1611 : vector<16xf32>
      %mul3A_1613 = vector.broadcast %squeeze3A_1565 : f32 to vector<16xf32>
      %mul3A_1614 = arith.mulf %get3A_74, %mul3A_1613 : vector<16xf32>
      %add3A_1615 = arith.addf %add3A_1612, %mul3A_1614 : vector<16xf32>
      %mul3A_1616 = vector.broadcast %squeeze3A_1567 : f32 to vector<16xf32>
      %mul3A_1617 = arith.mulf %get3A_79, %mul3A_1616 : vector<16xf32>
      %add3A_1618 = arith.addf %add3A_1615, %mul3A_1617 : vector<16xf32>
      %mul3A_1619 = vector.broadcast %squeeze3A_1569 : f32 to vector<16xf32>
      %mul3A_1620 = arith.mulf %get3A_84, %mul3A_1619 : vector<16xf32>
      %add3A_1621 = arith.addf %add3A_1618, %mul3A_1620 : vector<16xf32>
      %gt3A_1622 = arith.cmpf ogt, %add3A_1621, %select_n3A_1500 : vector<16xf32>
      %select_n3A_1623 = arith.select %gt3A_1622, %add3A_1621, %select_n3A_1500 : vector<16xi1>, vector<16xf32>
      %select_n3A_1624 = arith.select %gt3A_1622, %add3A_1572, %select_n3A_1501 : vector<16xi1>, vector<16xi32>
      %mul3A_1625 = vector.broadcast %squeeze3A_1555 : f32 to vector<16xf32>
      %mul3A_1626 = arith.mulf %get3A_89, %mul3A_1625 : vector<16xf32>
      %mul3A_1627 = vector.broadcast %squeeze3A_1557 : f32 to vector<16xf32>
      %mul3A_1628 = arith.mulf %get3A_94, %mul3A_1627 : vector<16xf32>
      %add3A_1629 = arith.addf %mul3A_1626, %mul3A_1628 : vector<16xf32>
      %mul3A_1630 = vector.broadcast %squeeze3A_1559 : f32 to vector<16xf32>
      %mul3A_1631 = arith.mulf %get3A_99, %mul3A_1630 : vector<16xf32>
      %add3A_1632 = arith.addf %add3A_1629, %mul3A_1631 : vector<16xf32>
      %mul3A_1633 = vector.broadcast %squeeze3A_1561 : f32 to vector<16xf32>
      %mul3A_1634 = arith.mulf %get3A_104, %mul3A_1633 : vector<16xf32>
      %add3A_1635 = arith.addf %add3A_1632, %mul3A_1634 : vector<16xf32>
      %mul3A_1636 = vector.broadcast %squeeze3A_1563 : f32 to vector<16xf32>
      %mul3A_1637 = arith.mulf %get3A_109, %mul3A_1636 : vector<16xf32>
      %add3A_1638 = arith.addf %add3A_1635, %mul3A_1637 : vector<16xf32>
      %mul3A_1639 = vector.broadcast %squeeze3A_1565 : f32 to vector<16xf32>
      %mul3A_1640 = arith.mulf %get3A_114, %mul3A_1639 : vector<16xf32>
      %add3A_1641 = arith.addf %add3A_1638, %mul3A_1640 : vector<16xf32>
      %mul3A_1642 = vector.broadcast %squeeze3A_1567 : f32 to vector<16xf32>
      %mul3A_1643 = arith.mulf %get3A_119, %mul3A_1642 : vector<16xf32>
      %add3A_1644 = arith.addf %add3A_1641, %mul3A_1643 : vector<16xf32>
      %mul3A_1645 = vector.broadcast %squeeze3A_1569 : f32 to vector<16xf32>
      %mul3A_1646 = arith.mulf %get3A_124, %mul3A_1645 : vector<16xf32>
      %add3A_1647 = arith.addf %add3A_1644, %mul3A_1646 : vector<16xf32>
      %gt3A_1648 = arith.cmpf ogt, %add3A_1647, %select_n3A_1526 : vector<16xf32>
      %select_n3A_1649 = arith.select %gt3A_1648, %add3A_1647, %select_n3A_1526 : vector<16xi1>, vector<16xf32>
      %select_n3A_1650 = arith.select %gt3A_1648, %add3A_1572, %select_n3A_1527 : vector<16xi1>, vector<16xi32>
      %mul3A_1651 = vector.broadcast %squeeze3A_1555 : f32 to vector<16xf32>
      %mul3A_1652 = arith.mulf %get3A_129, %mul3A_1651 : vector<16xf32>
      %mul3A_1653 = vector.broadcast %squeeze3A_1557 : f32 to vector<16xf32>
      %mul3A_1654 = arith.mulf %get3A_134, %mul3A_1653 : vector<16xf32>
      %add3A_1655 = arith.addf %mul3A_1652, %mul3A_1654 : vector<16xf32>
      %mul3A_1656 = vector.broadcast %squeeze3A_1559 : f32 to vector<16xf32>
      %mul3A_1657 = arith.mulf %get3A_139, %mul3A_1656 : vector<16xf32>
      %add3A_1658 = arith.addf %add3A_1655, %mul3A_1657 : vector<16xf32>
      %mul3A_1659 = vector.broadcast %squeeze3A_1561 : f32 to vector<16xf32>
      %mul3A_1660 = arith.mulf %get3A_144, %mul3A_1659 : vector<16xf32>
      %add3A_1661 = arith.addf %add3A_1658, %mul3A_1660 : vector<16xf32>
      %mul3A_1662 = vector.broadcast %squeeze3A_1563 : f32 to vector<16xf32>
      %mul3A_1663 = arith.mulf %get3A_149, %mul3A_1662 : vector<16xf32>
      %add3A_1664 = arith.addf %add3A_1661, %mul3A_1663 : vector<16xf32>
      %mul3A_1665 = vector.broadcast %squeeze3A_1565 : f32 to vector<16xf32>
      %mul3A_1666 = arith.mulf %get3A_154, %mul3A_1665 : vector<16xf32>
      %add3A_1667 = arith.addf %add3A_1664, %mul3A_1666 : vector<16xf32>
      %mul3A_1668 = vector.broadcast %squeeze3A_1567 : f32 to vector<16xf32>
      %mul3A_1669 = arith.mulf %get3A_159, %mul3A_1668 : vector<16xf32>
      %add3A_1670 = arith.addf %add3A_1667, %mul3A_1669 : vector<16xf32>
      %mul3A_1671 = vector.broadcast %squeeze3A_1569 : f32 to vector<16xf32>
      %mul3A_1672 = arith.mulf %get3A_164, %mul3A_1671 : vector<16xf32>
      %add3A_1673 = arith.addf %add3A_1670, %mul3A_1672 : vector<16xf32>
      %gt3A_1674 = arith.cmpf ogt, %add3A_1673, %select_n3A_1552 : vector<16xf32>
      %select_n3A_1675 = arith.select %gt3A_1674, %add3A_1673, %select_n3A_1552 : vector<16xi1>, vector<16xf32>
      %select_n3A_1676 = arith.select %gt3A_1674, %add3A_1572, %select_n3A_1553 : vector<16xi1>, vector<16xi32>
      %slice3A_1677 = vector.extract_strided_slice %get3A_414 {offsets = [10], sizes = [1], strides = [1]} : vector<16xf32> to vector<1xf32>
      %squeeze3A_1678 = vector.extract %slice3A_1677[0] : f32 from vector<1xf32>
      %slice3A_1679 = vector.extract_strided_slice %get3A_419 {offsets = [10], sizes = [1], strides = [1]} : vector<16xf32> to vector<1xf32>
      %squeeze3A_1680 = vector.extract %slice3A_1679[0] : f32 from vector<1xf32>
      %slice3A_1681 = vector.extract_strided_slice %get3A_424 {offsets = [10], sizes = [1], strides = [1]} : vector<16xf32> to vector<1xf32>
      %squeeze3A_1682 = vector.extract %slice3A_1681[0] : f32 from vector<1xf32>
      %slice3A_1683 = vector.extract_strided_slice %get3A_429 {offsets = [10], sizes = [1], strides = [1]} : vector<16xf32> to vector<1xf32>
      %squeeze3A_1684 = vector.extract %slice3A_1683[0] : f32 from vector<1xf32>
      %slice3A_1685 = vector.extract_strided_slice %get3A_434 {offsets = [10], sizes = [1], strides = [1]} : vector<16xf32> to vector<1xf32>
      %squeeze3A_1686 = vector.extract %slice3A_1685[0] : f32 from vector<1xf32>
      %slice3A_1687 = vector.extract_strided_slice %get3A_439 {offsets = [10], sizes = [1], strides = [1]} : vector<16xf32> to vector<1xf32>
      %squeeze3A_1688 = vector.extract %slice3A_1687[0] : f32 from vector<1xf32>
      %slice3A_1689 = vector.extract_strided_slice %get3A_444 {offsets = [10], sizes = [1], strides = [1]} : vector<16xf32> to vector<1xf32>
      %squeeze3A_1690 = vector.extract %slice3A_1689[0] : f32 from vector<1xf32>
      %slice3A_1691 = vector.extract_strided_slice %get3A_449 {offsets = [10], sizes = [1], strides = [1]} : vector<16xf32> to vector<1xf32>
      %squeeze3A_1692 = vector.extract %slice3A_1691[0] : f32 from vector<1xf32>
      %add3A_1693 = arith.constant 10 : i32
      %add3A_1694 = vector.broadcast %add3A_1693 : i32 to vector<16xi32>
      %add3A_1695 = arith.addi %broadcast_in_dim3A_450, %add3A_1694 : vector<16xi32>
      %mul3A_1696 = vector.broadcast %squeeze3A_1678 : f32 to vector<16xf32>
      %mul3A_1697 = arith.mulf %get3A_9, %mul3A_1696 : vector<16xf32>
      %mul3A_1698 = vector.broadcast %squeeze3A_1680 : f32 to vector<16xf32>
      %mul3A_1699 = arith.mulf %get3A_14, %mul3A_1698 : vector<16xf32>
      %add3A_1700 = arith.addf %mul3A_1697, %mul3A_1699 : vector<16xf32>
      %mul3A_1701 = vector.broadcast %squeeze3A_1682 : f32 to vector<16xf32>
      %mul3A_1702 = arith.mulf %get3A_19, %mul3A_1701 : vector<16xf32>
      %add3A_1703 = arith.addf %add3A_1700, %mul3A_1702 : vector<16xf32>
      %mul3A_1704 = vector.broadcast %squeeze3A_1684 : f32 to vector<16xf32>
      %mul3A_1705 = arith.mulf %get3A_24, %mul3A_1704 : vector<16xf32>
      %add3A_1706 = arith.addf %add3A_1703, %mul3A_1705 : vector<16xf32>
      %mul3A_1707 = vector.broadcast %squeeze3A_1686 : f32 to vector<16xf32>
      %mul3A_1708 = arith.mulf %get3A_29, %mul3A_1707 : vector<16xf32>
      %add3A_1709 = arith.addf %add3A_1706, %mul3A_1708 : vector<16xf32>
      %mul3A_1710 = vector.broadcast %squeeze3A_1688 : f32 to vector<16xf32>
      %mul3A_1711 = arith.mulf %get3A_34, %mul3A_1710 : vector<16xf32>
      %add3A_1712 = arith.addf %add3A_1709, %mul3A_1711 : vector<16xf32>
      %mul3A_1713 = vector.broadcast %squeeze3A_1690 : f32 to vector<16xf32>
      %mul3A_1714 = arith.mulf %get3A_39, %mul3A_1713 : vector<16xf32>
      %add3A_1715 = arith.addf %add3A_1712, %mul3A_1714 : vector<16xf32>
      %mul3A_1716 = vector.broadcast %squeeze3A_1692 : f32 to vector<16xf32>
      %mul3A_1717 = arith.mulf %get3A_44, %mul3A_1716 : vector<16xf32>
      %add3A_1718 = arith.addf %add3A_1715, %mul3A_1717 : vector<16xf32>
      %gt3A_1719 = arith.cmpf ogt, %add3A_1718, %select_n3A_1597 : vector<16xf32>
      %select_n3A_1720 = arith.select %gt3A_1719, %add3A_1718, %select_n3A_1597 : vector<16xi1>, vector<16xf32>
      %select_n3A_1721 = arith.select %gt3A_1719, %add3A_1695, %select_n3A_1598 : vector<16xi1>, vector<16xi32>
      %mul3A_1722 = vector.broadcast %squeeze3A_1678 : f32 to vector<16xf32>
      %mul3A_1723 = arith.mulf %get3A_49, %mul3A_1722 : vector<16xf32>
      %mul3A_1724 = vector.broadcast %squeeze3A_1680 : f32 to vector<16xf32>
      %mul3A_1725 = arith.mulf %get3A_54, %mul3A_1724 : vector<16xf32>
      %add3A_1726 = arith.addf %mul3A_1723, %mul3A_1725 : vector<16xf32>
      %mul3A_1727 = vector.broadcast %squeeze3A_1682 : f32 to vector<16xf32>
      %mul3A_1728 = arith.mulf %get3A_59, %mul3A_1727 : vector<16xf32>
      %add3A_1729 = arith.addf %add3A_1726, %mul3A_1728 : vector<16xf32>
      %mul3A_1730 = vector.broadcast %squeeze3A_1684 : f32 to vector<16xf32>
      %mul3A_1731 = arith.mulf %get3A_64, %mul3A_1730 : vector<16xf32>
      %add3A_1732 = arith.addf %add3A_1729, %mul3A_1731 : vector<16xf32>
      %mul3A_1733 = vector.broadcast %squeeze3A_1686 : f32 to vector<16xf32>
      %mul3A_1734 = arith.mulf %get3A_69, %mul3A_1733 : vector<16xf32>
      %add3A_1735 = arith.addf %add3A_1732, %mul3A_1734 : vector<16xf32>
      %mul3A_1736 = vector.broadcast %squeeze3A_1688 : f32 to vector<16xf32>
      %mul3A_1737 = arith.mulf %get3A_74, %mul3A_1736 : vector<16xf32>
      %add3A_1738 = arith.addf %add3A_1735, %mul3A_1737 : vector<16xf32>
      %mul3A_1739 = vector.broadcast %squeeze3A_1690 : f32 to vector<16xf32>
      %mul3A_1740 = arith.mulf %get3A_79, %mul3A_1739 : vector<16xf32>
      %add3A_1741 = arith.addf %add3A_1738, %mul3A_1740 : vector<16xf32>
      %mul3A_1742 = vector.broadcast %squeeze3A_1692 : f32 to vector<16xf32>
      %mul3A_1743 = arith.mulf %get3A_84, %mul3A_1742 : vector<16xf32>
      %add3A_1744 = arith.addf %add3A_1741, %mul3A_1743 : vector<16xf32>
      %gt3A_1745 = arith.cmpf ogt, %add3A_1744, %select_n3A_1623 : vector<16xf32>
      %select_n3A_1746 = arith.select %gt3A_1745, %add3A_1744, %select_n3A_1623 : vector<16xi1>, vector<16xf32>
      %select_n3A_1747 = arith.select %gt3A_1745, %add3A_1695, %select_n3A_1624 : vector<16xi1>, vector<16xi32>
      %mul3A_1748 = vector.broadcast %squeeze3A_1678 : f32 to vector<16xf32>
      %mul3A_1749 = arith.mulf %get3A_89, %mul3A_1748 : vector<16xf32>
      %mul3A_1750 = vector.broadcast %squeeze3A_1680 : f32 to vector<16xf32>
      %mul3A_1751 = arith.mulf %get3A_94, %mul3A_1750 : vector<16xf32>
      %add3A_1752 = arith.addf %mul3A_1749, %mul3A_1751 : vector<16xf32>
      %mul3A_1753 = vector.broadcast %squeeze3A_1682 : f32 to vector<16xf32>
      %mul3A_1754 = arith.mulf %get3A_99, %mul3A_1753 : vector<16xf32>
      %add3A_1755 = arith.addf %add3A_1752, %mul3A_1754 : vector<16xf32>
      %mul3A_1756 = vector.broadcast %squeeze3A_1684 : f32 to vector<16xf32>
      %mul3A_1757 = arith.mulf %get3A_104, %mul3A_1756 : vector<16xf32>
      %add3A_1758 = arith.addf %add3A_1755, %mul3A_1757 : vector<16xf32>
      %mul3A_1759 = vector.broadcast %squeeze3A_1686 : f32 to vector<16xf32>
      %mul3A_1760 = arith.mulf %get3A_109, %mul3A_1759 : vector<16xf32>
      %add3A_1761 = arith.addf %add3A_1758, %mul3A_1760 : vector<16xf32>
      %mul3A_1762 = vector.broadcast %squeeze3A_1688 : f32 to vector<16xf32>
      %mul3A_1763 = arith.mulf %get3A_114, %mul3A_1762 : vector<16xf32>
      %add3A_1764 = arith.addf %add3A_1761, %mul3A_1763 : vector<16xf32>
      %mul3A_1765 = vector.broadcast %squeeze3A_1690 : f32 to vector<16xf32>
      %mul3A_1766 = arith.mulf %get3A_119, %mul3A_1765 : vector<16xf32>
      %add3A_1767 = arith.addf %add3A_1764, %mul3A_1766 : vector<16xf32>
      %mul3A_1768 = vector.broadcast %squeeze3A_1692 : f32 to vector<16xf32>
      %mul3A_1769 = arith.mulf %get3A_124, %mul3A_1768 : vector<16xf32>
      %add3A_1770 = arith.addf %add3A_1767, %mul3A_1769 : vector<16xf32>
      %gt3A_1771 = arith.cmpf ogt, %add3A_1770, %select_n3A_1649 : vector<16xf32>
      %select_n3A_1772 = arith.select %gt3A_1771, %add3A_1770, %select_n3A_1649 : vector<16xi1>, vector<16xf32>
      %select_n3A_1773 = arith.select %gt3A_1771, %add3A_1695, %select_n3A_1650 : vector<16xi1>, vector<16xi32>
      %mul3A_1774 = vector.broadcast %squeeze3A_1678 : f32 to vector<16xf32>
      %mul3A_1775 = arith.mulf %get3A_129, %mul3A_1774 : vector<16xf32>
      %mul3A_1776 = vector.broadcast %squeeze3A_1680 : f32 to vector<16xf32>
      %mul3A_1777 = arith.mulf %get3A_134, %mul3A_1776 : vector<16xf32>
      %add3A_1778 = arith.addf %mul3A_1775, %mul3A_1777 : vector<16xf32>
      %mul3A_1779 = vector.broadcast %squeeze3A_1682 : f32 to vector<16xf32>
      %mul3A_1780 = arith.mulf %get3A_139, %mul3A_1779 : vector<16xf32>
      %add3A_1781 = arith.addf %add3A_1778, %mul3A_1780 : vector<16xf32>
      %mul3A_1782 = vector.broadcast %squeeze3A_1684 : f32 to vector<16xf32>
      %mul3A_1783 = arith.mulf %get3A_144, %mul3A_1782 : vector<16xf32>
      %add3A_1784 = arith.addf %add3A_1781, %mul3A_1783 : vector<16xf32>
      %mul3A_1785 = vector.broadcast %squeeze3A_1686 : f32 to vector<16xf32>
      %mul3A_1786 = arith.mulf %get3A_149, %mul3A_1785 : vector<16xf32>
      %add3A_1787 = arith.addf %add3A_1784, %mul3A_1786 : vector<16xf32>
      %mul3A_1788 = vector.broadcast %squeeze3A_1688 : f32 to vector<16xf32>
      %mul3A_1789 = arith.mulf %get3A_154, %mul3A_1788 : vector<16xf32>
      %add3A_1790 = arith.addf %add3A_1787, %mul3A_1789 : vector<16xf32>
      %mul3A_1791 = vector.broadcast %squeeze3A_1690 : f32 to vector<16xf32>
      %mul3A_1792 = arith.mulf %get3A_159, %mul3A_1791 : vector<16xf32>
      %add3A_1793 = arith.addf %add3A_1790, %mul3A_1792 : vector<16xf32>
      %mul3A_1794 = vector.broadcast %squeeze3A_1692 : f32 to vector<16xf32>
      %mul3A_1795 = arith.mulf %get3A_164, %mul3A_1794 : vector<16xf32>
      %add3A_1796 = arith.addf %add3A_1793, %mul3A_1795 : vector<16xf32>
      %gt3A_1797 = arith.cmpf ogt, %add3A_1796, %select_n3A_1675 : vector<16xf32>
      %select_n3A_1798 = arith.select %gt3A_1797, %add3A_1796, %select_n3A_1675 : vector<16xi1>, vector<16xf32>
      %select_n3A_1799 = arith.select %gt3A_1797, %add3A_1695, %select_n3A_1676 : vector<16xi1>, vector<16xi32>
      %slice3A_1800 = vector.extract_strided_slice %get3A_414 {offsets = [11], sizes = [1], strides = [1]} : vector<16xf32> to vector<1xf32>
      %squeeze3A_1801 = vector.extract %slice3A_1800[0] : f32 from vector<1xf32>
      %slice3A_1802 = vector.extract_strided_slice %get3A_419 {offsets = [11], sizes = [1], strides = [1]} : vector<16xf32> to vector<1xf32>
      %squeeze3A_1803 = vector.extract %slice3A_1802[0] : f32 from vector<1xf32>
      %slice3A_1804 = vector.extract_strided_slice %get3A_424 {offsets = [11], sizes = [1], strides = [1]} : vector<16xf32> to vector<1xf32>
      %squeeze3A_1805 = vector.extract %slice3A_1804[0] : f32 from vector<1xf32>
      %slice3A_1806 = vector.extract_strided_slice %get3A_429 {offsets = [11], sizes = [1], strides = [1]} : vector<16xf32> to vector<1xf32>
      %squeeze3A_1807 = vector.extract %slice3A_1806[0] : f32 from vector<1xf32>
      %slice3A_1808 = vector.extract_strided_slice %get3A_434 {offsets = [11], sizes = [1], strides = [1]} : vector<16xf32> to vector<1xf32>
      %squeeze3A_1809 = vector.extract %slice3A_1808[0] : f32 from vector<1xf32>
      %slice3A_1810 = vector.extract_strided_slice %get3A_439 {offsets = [11], sizes = [1], strides = [1]} : vector<16xf32> to vector<1xf32>
      %squeeze3A_1811 = vector.extract %slice3A_1810[0] : f32 from vector<1xf32>
      %slice3A_1812 = vector.extract_strided_slice %get3A_444 {offsets = [11], sizes = [1], strides = [1]} : vector<16xf32> to vector<1xf32>
      %squeeze3A_1813 = vector.extract %slice3A_1812[0] : f32 from vector<1xf32>
      %slice3A_1814 = vector.extract_strided_slice %get3A_449 {offsets = [11], sizes = [1], strides = [1]} : vector<16xf32> to vector<1xf32>
      %squeeze3A_1815 = vector.extract %slice3A_1814[0] : f32 from vector<1xf32>
      %add3A_1816 = arith.constant 11 : i32
      %add3A_1817 = vector.broadcast %add3A_1816 : i32 to vector<16xi32>
      %add3A_1818 = arith.addi %broadcast_in_dim3A_450, %add3A_1817 : vector<16xi32>
      %mul3A_1819 = vector.broadcast %squeeze3A_1801 : f32 to vector<16xf32>
      %mul3A_1820 = arith.mulf %get3A_9, %mul3A_1819 : vector<16xf32>
      %mul3A_1821 = vector.broadcast %squeeze3A_1803 : f32 to vector<16xf32>
      %mul3A_1822 = arith.mulf %get3A_14, %mul3A_1821 : vector<16xf32>
      %add3A_1823 = arith.addf %mul3A_1820, %mul3A_1822 : vector<16xf32>
      %mul3A_1824 = vector.broadcast %squeeze3A_1805 : f32 to vector<16xf32>
      %mul3A_1825 = arith.mulf %get3A_19, %mul3A_1824 : vector<16xf32>
      %add3A_1826 = arith.addf %add3A_1823, %mul3A_1825 : vector<16xf32>
      %mul3A_1827 = vector.broadcast %squeeze3A_1807 : f32 to vector<16xf32>
      %mul3A_1828 = arith.mulf %get3A_24, %mul3A_1827 : vector<16xf32>
      %add3A_1829 = arith.addf %add3A_1826, %mul3A_1828 : vector<16xf32>
      %mul3A_1830 = vector.broadcast %squeeze3A_1809 : f32 to vector<16xf32>
      %mul3A_1831 = arith.mulf %get3A_29, %mul3A_1830 : vector<16xf32>
      %add3A_1832 = arith.addf %add3A_1829, %mul3A_1831 : vector<16xf32>
      %mul3A_1833 = vector.broadcast %squeeze3A_1811 : f32 to vector<16xf32>
      %mul3A_1834 = arith.mulf %get3A_34, %mul3A_1833 : vector<16xf32>
      %add3A_1835 = arith.addf %add3A_1832, %mul3A_1834 : vector<16xf32>
      %mul3A_1836 = vector.broadcast %squeeze3A_1813 : f32 to vector<16xf32>
      %mul3A_1837 = arith.mulf %get3A_39, %mul3A_1836 : vector<16xf32>
      %add3A_1838 = arith.addf %add3A_1835, %mul3A_1837 : vector<16xf32>
      %mul3A_1839 = vector.broadcast %squeeze3A_1815 : f32 to vector<16xf32>
      %mul3A_1840 = arith.mulf %get3A_44, %mul3A_1839 : vector<16xf32>
      %add3A_1841 = arith.addf %add3A_1838, %mul3A_1840 : vector<16xf32>
      %gt3A_1842 = arith.cmpf ogt, %add3A_1841, %select_n3A_1720 : vector<16xf32>
      %select_n3A_1843 = arith.select %gt3A_1842, %add3A_1841, %select_n3A_1720 : vector<16xi1>, vector<16xf32>
      %select_n3A_1844 = arith.select %gt3A_1842, %add3A_1818, %select_n3A_1721 : vector<16xi1>, vector<16xi32>
      %mul3A_1845 = vector.broadcast %squeeze3A_1801 : f32 to vector<16xf32>
      %mul3A_1846 = arith.mulf %get3A_49, %mul3A_1845 : vector<16xf32>
      %mul3A_1847 = vector.broadcast %squeeze3A_1803 : f32 to vector<16xf32>
      %mul3A_1848 = arith.mulf %get3A_54, %mul3A_1847 : vector<16xf32>
      %add3A_1849 = arith.addf %mul3A_1846, %mul3A_1848 : vector<16xf32>
      %mul3A_1850 = vector.broadcast %squeeze3A_1805 : f32 to vector<16xf32>
      %mul3A_1851 = arith.mulf %get3A_59, %mul3A_1850 : vector<16xf32>
      %add3A_1852 = arith.addf %add3A_1849, %mul3A_1851 : vector<16xf32>
      %mul3A_1853 = vector.broadcast %squeeze3A_1807 : f32 to vector<16xf32>
      %mul3A_1854 = arith.mulf %get3A_64, %mul3A_1853 : vector<16xf32>
      %add3A_1855 = arith.addf %add3A_1852, %mul3A_1854 : vector<16xf32>
      %mul3A_1856 = vector.broadcast %squeeze3A_1809 : f32 to vector<16xf32>
      %mul3A_1857 = arith.mulf %get3A_69, %mul3A_1856 : vector<16xf32>
      %add3A_1858 = arith.addf %add3A_1855, %mul3A_1857 : vector<16xf32>
      %mul3A_1859 = vector.broadcast %squeeze3A_1811 : f32 to vector<16xf32>
      %mul3A_1860 = arith.mulf %get3A_74, %mul3A_1859 : vector<16xf32>
      %add3A_1861 = arith.addf %add3A_1858, %mul3A_1860 : vector<16xf32>
      %mul3A_1862 = vector.broadcast %squeeze3A_1813 : f32 to vector<16xf32>
      %mul3A_1863 = arith.mulf %get3A_79, %mul3A_1862 : vector<16xf32>
      %add3A_1864 = arith.addf %add3A_1861, %mul3A_1863 : vector<16xf32>
      %mul3A_1865 = vector.broadcast %squeeze3A_1815 : f32 to vector<16xf32>
      %mul3A_1866 = arith.mulf %get3A_84, %mul3A_1865 : vector<16xf32>
      %add3A_1867 = arith.addf %add3A_1864, %mul3A_1866 : vector<16xf32>
      %gt3A_1868 = arith.cmpf ogt, %add3A_1867, %select_n3A_1746 : vector<16xf32>
      %select_n3A_1869 = arith.select %gt3A_1868, %add3A_1867, %select_n3A_1746 : vector<16xi1>, vector<16xf32>
      %select_n3A_1870 = arith.select %gt3A_1868, %add3A_1818, %select_n3A_1747 : vector<16xi1>, vector<16xi32>
      %mul3A_1871 = vector.broadcast %squeeze3A_1801 : f32 to vector<16xf32>
      %mul3A_1872 = arith.mulf %get3A_89, %mul3A_1871 : vector<16xf32>
      %mul3A_1873 = vector.broadcast %squeeze3A_1803 : f32 to vector<16xf32>
      %mul3A_1874 = arith.mulf %get3A_94, %mul3A_1873 : vector<16xf32>
      %add3A_1875 = arith.addf %mul3A_1872, %mul3A_1874 : vector<16xf32>
      %mul3A_1876 = vector.broadcast %squeeze3A_1805 : f32 to vector<16xf32>
      %mul3A_1877 = arith.mulf %get3A_99, %mul3A_1876 : vector<16xf32>
      %add3A_1878 = arith.addf %add3A_1875, %mul3A_1877 : vector<16xf32>
      %mul3A_1879 = vector.broadcast %squeeze3A_1807 : f32 to vector<16xf32>
      %mul3A_1880 = arith.mulf %get3A_104, %mul3A_1879 : vector<16xf32>
      %add3A_1881 = arith.addf %add3A_1878, %mul3A_1880 : vector<16xf32>
      %mul3A_1882 = vector.broadcast %squeeze3A_1809 : f32 to vector<16xf32>
      %mul3A_1883 = arith.mulf %get3A_109, %mul3A_1882 : vector<16xf32>
      %add3A_1884 = arith.addf %add3A_1881, %mul3A_1883 : vector<16xf32>
      %mul3A_1885 = vector.broadcast %squeeze3A_1811 : f32 to vector<16xf32>
      %mul3A_1886 = arith.mulf %get3A_114, %mul3A_1885 : vector<16xf32>
      %add3A_1887 = arith.addf %add3A_1884, %mul3A_1886 : vector<16xf32>
      %mul3A_1888 = vector.broadcast %squeeze3A_1813 : f32 to vector<16xf32>
      %mul3A_1889 = arith.mulf %get3A_119, %mul3A_1888 : vector<16xf32>
      %add3A_1890 = arith.addf %add3A_1887, %mul3A_1889 : vector<16xf32>
      %mul3A_1891 = vector.broadcast %squeeze3A_1815 : f32 to vector<16xf32>
      %mul3A_1892 = arith.mulf %get3A_124, %mul3A_1891 : vector<16xf32>
      %add3A_1893 = arith.addf %add3A_1890, %mul3A_1892 : vector<16xf32>
      %gt3A_1894 = arith.cmpf ogt, %add3A_1893, %select_n3A_1772 : vector<16xf32>
      %select_n3A_1895 = arith.select %gt3A_1894, %add3A_1893, %select_n3A_1772 : vector<16xi1>, vector<16xf32>
      %select_n3A_1896 = arith.select %gt3A_1894, %add3A_1818, %select_n3A_1773 : vector<16xi1>, vector<16xi32>
      %mul3A_1897 = vector.broadcast %squeeze3A_1801 : f32 to vector<16xf32>
      %mul3A_1898 = arith.mulf %get3A_129, %mul3A_1897 : vector<16xf32>
      %mul3A_1899 = vector.broadcast %squeeze3A_1803 : f32 to vector<16xf32>
      %mul3A_1900 = arith.mulf %get3A_134, %mul3A_1899 : vector<16xf32>
      %add3A_1901 = arith.addf %mul3A_1898, %mul3A_1900 : vector<16xf32>
      %mul3A_1902 = vector.broadcast %squeeze3A_1805 : f32 to vector<16xf32>
      %mul3A_1903 = arith.mulf %get3A_139, %mul3A_1902 : vector<16xf32>
      %add3A_1904 = arith.addf %add3A_1901, %mul3A_1903 : vector<16xf32>
      %mul3A_1905 = vector.broadcast %squeeze3A_1807 : f32 to vector<16xf32>
      %mul3A_1906 = arith.mulf %get3A_144, %mul3A_1905 : vector<16xf32>
      %add3A_1907 = arith.addf %add3A_1904, %mul3A_1906 : vector<16xf32>
      %mul3A_1908 = vector.broadcast %squeeze3A_1809 : f32 to vector<16xf32>
      %mul3A_1909 = arith.mulf %get3A_149, %mul3A_1908 : vector<16xf32>
      %add3A_1910 = arith.addf %add3A_1907, %mul3A_1909 : vector<16xf32>
      %mul3A_1911 = vector.broadcast %squeeze3A_1811 : f32 to vector<16xf32>
      %mul3A_1912 = arith.mulf %get3A_154, %mul3A_1911 : vector<16xf32>
      %add3A_1913 = arith.addf %add3A_1910, %mul3A_1912 : vector<16xf32>
      %mul3A_1914 = vector.broadcast %squeeze3A_1813 : f32 to vector<16xf32>
      %mul3A_1915 = arith.mulf %get3A_159, %mul3A_1914 : vector<16xf32>
      %add3A_1916 = arith.addf %add3A_1913, %mul3A_1915 : vector<16xf32>
      %mul3A_1917 = vector.broadcast %squeeze3A_1815 : f32 to vector<16xf32>
      %mul3A_1918 = arith.mulf %get3A_164, %mul3A_1917 : vector<16xf32>
      %add3A_1919 = arith.addf %add3A_1916, %mul3A_1918 : vector<16xf32>
      %gt3A_1920 = arith.cmpf ogt, %add3A_1919, %select_n3A_1798 : vector<16xf32>
      %select_n3A_1921 = arith.select %gt3A_1920, %add3A_1919, %select_n3A_1798 : vector<16xi1>, vector<16xf32>
      %select_n3A_1922 = arith.select %gt3A_1920, %add3A_1818, %select_n3A_1799 : vector<16xi1>, vector<16xi32>
      %slice3A_1923 = vector.extract_strided_slice %get3A_414 {offsets = [12], sizes = [1], strides = [1]} : vector<16xf32> to vector<1xf32>
      %squeeze3A_1924 = vector.extract %slice3A_1923[0] : f32 from vector<1xf32>
      %slice3A_1925 = vector.extract_strided_slice %get3A_419 {offsets = [12], sizes = [1], strides = [1]} : vector<16xf32> to vector<1xf32>
      %squeeze3A_1926 = vector.extract %slice3A_1925[0] : f32 from vector<1xf32>
      %slice3A_1927 = vector.extract_strided_slice %get3A_424 {offsets = [12], sizes = [1], strides = [1]} : vector<16xf32> to vector<1xf32>
      %squeeze3A_1928 = vector.extract %slice3A_1927[0] : f32 from vector<1xf32>
      %slice3A_1929 = vector.extract_strided_slice %get3A_429 {offsets = [12], sizes = [1], strides = [1]} : vector<16xf32> to vector<1xf32>
      %squeeze3A_1930 = vector.extract %slice3A_1929[0] : f32 from vector<1xf32>
      %slice3A_1931 = vector.extract_strided_slice %get3A_434 {offsets = [12], sizes = [1], strides = [1]} : vector<16xf32> to vector<1xf32>
      %squeeze3A_1932 = vector.extract %slice3A_1931[0] : f32 from vector<1xf32>
      %slice3A_1933 = vector.extract_strided_slice %get3A_439 {offsets = [12], sizes = [1], strides = [1]} : vector<16xf32> to vector<1xf32>
      %squeeze3A_1934 = vector.extract %slice3A_1933[0] : f32 from vector<1xf32>
      %slice3A_1935 = vector.extract_strided_slice %get3A_444 {offsets = [12], sizes = [1], strides = [1]} : vector<16xf32> to vector<1xf32>
      %squeeze3A_1936 = vector.extract %slice3A_1935[0] : f32 from vector<1xf32>
      %slice3A_1937 = vector.extract_strided_slice %get3A_449 {offsets = [12], sizes = [1], strides = [1]} : vector<16xf32> to vector<1xf32>
      %squeeze3A_1938 = vector.extract %slice3A_1937[0] : f32 from vector<1xf32>
      %add3A_1939 = arith.constant 12 : i32
      %add3A_1940 = vector.broadcast %add3A_1939 : i32 to vector<16xi32>
      %add3A_1941 = arith.addi %broadcast_in_dim3A_450, %add3A_1940 : vector<16xi32>
      %mul3A_1942 = vector.broadcast %squeeze3A_1924 : f32 to vector<16xf32>
      %mul3A_1943 = arith.mulf %get3A_9, %mul3A_1942 : vector<16xf32>
      %mul3A_1944 = vector.broadcast %squeeze3A_1926 : f32 to vector<16xf32>
      %mul3A_1945 = arith.mulf %get3A_14, %mul3A_1944 : vector<16xf32>
      %add3A_1946 = arith.addf %mul3A_1943, %mul3A_1945 : vector<16xf32>
      %mul3A_1947 = vector.broadcast %squeeze3A_1928 : f32 to vector<16xf32>
      %mul3A_1948 = arith.mulf %get3A_19, %mul3A_1947 : vector<16xf32>
      %add3A_1949 = arith.addf %add3A_1946, %mul3A_1948 : vector<16xf32>
      %mul3A_1950 = vector.broadcast %squeeze3A_1930 : f32 to vector<16xf32>
      %mul3A_1951 = arith.mulf %get3A_24, %mul3A_1950 : vector<16xf32>
      %add3A_1952 = arith.addf %add3A_1949, %mul3A_1951 : vector<16xf32>
      %mul3A_1953 = vector.broadcast %squeeze3A_1932 : f32 to vector<16xf32>
      %mul3A_1954 = arith.mulf %get3A_29, %mul3A_1953 : vector<16xf32>
      %add3A_1955 = arith.addf %add3A_1952, %mul3A_1954 : vector<16xf32>
      %mul3A_1956 = vector.broadcast %squeeze3A_1934 : f32 to vector<16xf32>
      %mul3A_1957 = arith.mulf %get3A_34, %mul3A_1956 : vector<16xf32>
      %add3A_1958 = arith.addf %add3A_1955, %mul3A_1957 : vector<16xf32>
      %mul3A_1959 = vector.broadcast %squeeze3A_1936 : f32 to vector<16xf32>
      %mul3A_1960 = arith.mulf %get3A_39, %mul3A_1959 : vector<16xf32>
      %add3A_1961 = arith.addf %add3A_1958, %mul3A_1960 : vector<16xf32>
      %mul3A_1962 = vector.broadcast %squeeze3A_1938 : f32 to vector<16xf32>
      %mul3A_1963 = arith.mulf %get3A_44, %mul3A_1962 : vector<16xf32>
      %add3A_1964 = arith.addf %add3A_1961, %mul3A_1963 : vector<16xf32>
      %gt3A_1965 = arith.cmpf ogt, %add3A_1964, %select_n3A_1843 : vector<16xf32>
      %select_n3A_1966 = arith.select %gt3A_1965, %add3A_1964, %select_n3A_1843 : vector<16xi1>, vector<16xf32>
      %select_n3A_1967 = arith.select %gt3A_1965, %add3A_1941, %select_n3A_1844 : vector<16xi1>, vector<16xi32>
      %mul3A_1968 = vector.broadcast %squeeze3A_1924 : f32 to vector<16xf32>
      %mul3A_1969 = arith.mulf %get3A_49, %mul3A_1968 : vector<16xf32>
      %mul3A_1970 = vector.broadcast %squeeze3A_1926 : f32 to vector<16xf32>
      %mul3A_1971 = arith.mulf %get3A_54, %mul3A_1970 : vector<16xf32>
      %add3A_1972 = arith.addf %mul3A_1969, %mul3A_1971 : vector<16xf32>
      %mul3A_1973 = vector.broadcast %squeeze3A_1928 : f32 to vector<16xf32>
      %mul3A_1974 = arith.mulf %get3A_59, %mul3A_1973 : vector<16xf32>
      %add3A_1975 = arith.addf %add3A_1972, %mul3A_1974 : vector<16xf32>
      %mul3A_1976 = vector.broadcast %squeeze3A_1930 : f32 to vector<16xf32>
      %mul3A_1977 = arith.mulf %get3A_64, %mul3A_1976 : vector<16xf32>
      %add3A_1978 = arith.addf %add3A_1975, %mul3A_1977 : vector<16xf32>
      %mul3A_1979 = vector.broadcast %squeeze3A_1932 : f32 to vector<16xf32>
      %mul3A_1980 = arith.mulf %get3A_69, %mul3A_1979 : vector<16xf32>
      %add3A_1981 = arith.addf %add3A_1978, %mul3A_1980 : vector<16xf32>
      %mul3A_1982 = vector.broadcast %squeeze3A_1934 : f32 to vector<16xf32>
      %mul3A_1983 = arith.mulf %get3A_74, %mul3A_1982 : vector<16xf32>
      %add3A_1984 = arith.addf %add3A_1981, %mul3A_1983 : vector<16xf32>
      %mul3A_1985 = vector.broadcast %squeeze3A_1936 : f32 to vector<16xf32>
      %mul3A_1986 = arith.mulf %get3A_79, %mul3A_1985 : vector<16xf32>
      %add3A_1987 = arith.addf %add3A_1984, %mul3A_1986 : vector<16xf32>
      %mul3A_1988 = vector.broadcast %squeeze3A_1938 : f32 to vector<16xf32>
      %mul3A_1989 = arith.mulf %get3A_84, %mul3A_1988 : vector<16xf32>
      %add3A_1990 = arith.addf %add3A_1987, %mul3A_1989 : vector<16xf32>
      %gt3A_1991 = arith.cmpf ogt, %add3A_1990, %select_n3A_1869 : vector<16xf32>
      %select_n3A_1992 = arith.select %gt3A_1991, %add3A_1990, %select_n3A_1869 : vector<16xi1>, vector<16xf32>
      %select_n3A_1993 = arith.select %gt3A_1991, %add3A_1941, %select_n3A_1870 : vector<16xi1>, vector<16xi32>
      %mul3A_1994 = vector.broadcast %squeeze3A_1924 : f32 to vector<16xf32>
      %mul3A_1995 = arith.mulf %get3A_89, %mul3A_1994 : vector<16xf32>
      %mul3A_1996 = vector.broadcast %squeeze3A_1926 : f32 to vector<16xf32>
      %mul3A_1997 = arith.mulf %get3A_94, %mul3A_1996 : vector<16xf32>
      %add3A_1998 = arith.addf %mul3A_1995, %mul3A_1997 : vector<16xf32>
      %mul3A_1999 = vector.broadcast %squeeze3A_1928 : f32 to vector<16xf32>
      %mul3A_2000 = arith.mulf %get3A_99, %mul3A_1999 : vector<16xf32>
      %add3A_2001 = arith.addf %add3A_1998, %mul3A_2000 : vector<16xf32>
      %mul3A_2002 = vector.broadcast %squeeze3A_1930 : f32 to vector<16xf32>
      %mul3A_2003 = arith.mulf %get3A_104, %mul3A_2002 : vector<16xf32>
      %add3A_2004 = arith.addf %add3A_2001, %mul3A_2003 : vector<16xf32>
      %mul3A_2005 = vector.broadcast %squeeze3A_1932 : f32 to vector<16xf32>
      %mul3A_2006 = arith.mulf %get3A_109, %mul3A_2005 : vector<16xf32>
      %add3A_2007 = arith.addf %add3A_2004, %mul3A_2006 : vector<16xf32>
      %mul3A_2008 = vector.broadcast %squeeze3A_1934 : f32 to vector<16xf32>
      %mul3A_2009 = arith.mulf %get3A_114, %mul3A_2008 : vector<16xf32>
      %add3A_2010 = arith.addf %add3A_2007, %mul3A_2009 : vector<16xf32>
      %mul3A_2011 = vector.broadcast %squeeze3A_1936 : f32 to vector<16xf32>
      %mul3A_2012 = arith.mulf %get3A_119, %mul3A_2011 : vector<16xf32>
      %add3A_2013 = arith.addf %add3A_2010, %mul3A_2012 : vector<16xf32>
      %mul3A_2014 = vector.broadcast %squeeze3A_1938 : f32 to vector<16xf32>
      %mul3A_2015 = arith.mulf %get3A_124, %mul3A_2014 : vector<16xf32>
      %add3A_2016 = arith.addf %add3A_2013, %mul3A_2015 : vector<16xf32>
      %gt3A_2017 = arith.cmpf ogt, %add3A_2016, %select_n3A_1895 : vector<16xf32>
      %select_n3A_2018 = arith.select %gt3A_2017, %add3A_2016, %select_n3A_1895 : vector<16xi1>, vector<16xf32>
      %select_n3A_2019 = arith.select %gt3A_2017, %add3A_1941, %select_n3A_1896 : vector<16xi1>, vector<16xi32>
      %mul3A_2020 = vector.broadcast %squeeze3A_1924 : f32 to vector<16xf32>
      %mul3A_2021 = arith.mulf %get3A_129, %mul3A_2020 : vector<16xf32>
      %mul3A_2022 = vector.broadcast %squeeze3A_1926 : f32 to vector<16xf32>
      %mul3A_2023 = arith.mulf %get3A_134, %mul3A_2022 : vector<16xf32>
      %add3A_2024 = arith.addf %mul3A_2021, %mul3A_2023 : vector<16xf32>
      %mul3A_2025 = vector.broadcast %squeeze3A_1928 : f32 to vector<16xf32>
      %mul3A_2026 = arith.mulf %get3A_139, %mul3A_2025 : vector<16xf32>
      %add3A_2027 = arith.addf %add3A_2024, %mul3A_2026 : vector<16xf32>
      %mul3A_2028 = vector.broadcast %squeeze3A_1930 : f32 to vector<16xf32>
      %mul3A_2029 = arith.mulf %get3A_144, %mul3A_2028 : vector<16xf32>
      %add3A_2030 = arith.addf %add3A_2027, %mul3A_2029 : vector<16xf32>
      %mul3A_2031 = vector.broadcast %squeeze3A_1932 : f32 to vector<16xf32>
      %mul3A_2032 = arith.mulf %get3A_149, %mul3A_2031 : vector<16xf32>
      %add3A_2033 = arith.addf %add3A_2030, %mul3A_2032 : vector<16xf32>
      %mul3A_2034 = vector.broadcast %squeeze3A_1934 : f32 to vector<16xf32>
      %mul3A_2035 = arith.mulf %get3A_154, %mul3A_2034 : vector<16xf32>
      %add3A_2036 = arith.addf %add3A_2033, %mul3A_2035 : vector<16xf32>
      %mul3A_2037 = vector.broadcast %squeeze3A_1936 : f32 to vector<16xf32>
      %mul3A_2038 = arith.mulf %get3A_159, %mul3A_2037 : vector<16xf32>
      %add3A_2039 = arith.addf %add3A_2036, %mul3A_2038 : vector<16xf32>
      %mul3A_2040 = vector.broadcast %squeeze3A_1938 : f32 to vector<16xf32>
      %mul3A_2041 = arith.mulf %get3A_164, %mul3A_2040 : vector<16xf32>
      %add3A_2042 = arith.addf %add3A_2039, %mul3A_2041 : vector<16xf32>
      %gt3A_2043 = arith.cmpf ogt, %add3A_2042, %select_n3A_1921 : vector<16xf32>
      %select_n3A_2044 = arith.select %gt3A_2043, %add3A_2042, %select_n3A_1921 : vector<16xi1>, vector<16xf32>
      %select_n3A_2045 = arith.select %gt3A_2043, %add3A_1941, %select_n3A_1922 : vector<16xi1>, vector<16xi32>
      %slice3A_2046 = vector.extract_strided_slice %get3A_414 {offsets = [13], sizes = [1], strides = [1]} : vector<16xf32> to vector<1xf32>
      %squeeze3A_2047 = vector.extract %slice3A_2046[0] : f32 from vector<1xf32>
      %slice3A_2048 = vector.extract_strided_slice %get3A_419 {offsets = [13], sizes = [1], strides = [1]} : vector<16xf32> to vector<1xf32>
      %squeeze3A_2049 = vector.extract %slice3A_2048[0] : f32 from vector<1xf32>
      %slice3A_2050 = vector.extract_strided_slice %get3A_424 {offsets = [13], sizes = [1], strides = [1]} : vector<16xf32> to vector<1xf32>
      %squeeze3A_2051 = vector.extract %slice3A_2050[0] : f32 from vector<1xf32>
      %slice3A_2052 = vector.extract_strided_slice %get3A_429 {offsets = [13], sizes = [1], strides = [1]} : vector<16xf32> to vector<1xf32>
      %squeeze3A_2053 = vector.extract %slice3A_2052[0] : f32 from vector<1xf32>
      %slice3A_2054 = vector.extract_strided_slice %get3A_434 {offsets = [13], sizes = [1], strides = [1]} : vector<16xf32> to vector<1xf32>
      %squeeze3A_2055 = vector.extract %slice3A_2054[0] : f32 from vector<1xf32>
      %slice3A_2056 = vector.extract_strided_slice %get3A_439 {offsets = [13], sizes = [1], strides = [1]} : vector<16xf32> to vector<1xf32>
      %squeeze3A_2057 = vector.extract %slice3A_2056[0] : f32 from vector<1xf32>
      %slice3A_2058 = vector.extract_strided_slice %get3A_444 {offsets = [13], sizes = [1], strides = [1]} : vector<16xf32> to vector<1xf32>
      %squeeze3A_2059 = vector.extract %slice3A_2058[0] : f32 from vector<1xf32>
      %slice3A_2060 = vector.extract_strided_slice %get3A_449 {offsets = [13], sizes = [1], strides = [1]} : vector<16xf32> to vector<1xf32>
      %squeeze3A_2061 = vector.extract %slice3A_2060[0] : f32 from vector<1xf32>
      %add3A_2062 = arith.constant 13 : i32
      %add3A_2063 = vector.broadcast %add3A_2062 : i32 to vector<16xi32>
      %add3A_2064 = arith.addi %broadcast_in_dim3A_450, %add3A_2063 : vector<16xi32>
      %mul3A_2065 = vector.broadcast %squeeze3A_2047 : f32 to vector<16xf32>
      %mul3A_2066 = arith.mulf %get3A_9, %mul3A_2065 : vector<16xf32>
      %mul3A_2067 = vector.broadcast %squeeze3A_2049 : f32 to vector<16xf32>
      %mul3A_2068 = arith.mulf %get3A_14, %mul3A_2067 : vector<16xf32>
      %add3A_2069 = arith.addf %mul3A_2066, %mul3A_2068 : vector<16xf32>
      %mul3A_2070 = vector.broadcast %squeeze3A_2051 : f32 to vector<16xf32>
      %mul3A_2071 = arith.mulf %get3A_19, %mul3A_2070 : vector<16xf32>
      %add3A_2072 = arith.addf %add3A_2069, %mul3A_2071 : vector<16xf32>
      %mul3A_2073 = vector.broadcast %squeeze3A_2053 : f32 to vector<16xf32>
      %mul3A_2074 = arith.mulf %get3A_24, %mul3A_2073 : vector<16xf32>
      %add3A_2075 = arith.addf %add3A_2072, %mul3A_2074 : vector<16xf32>
      %mul3A_2076 = vector.broadcast %squeeze3A_2055 : f32 to vector<16xf32>
      %mul3A_2077 = arith.mulf %get3A_29, %mul3A_2076 : vector<16xf32>
      %add3A_2078 = arith.addf %add3A_2075, %mul3A_2077 : vector<16xf32>
      %mul3A_2079 = vector.broadcast %squeeze3A_2057 : f32 to vector<16xf32>
      %mul3A_2080 = arith.mulf %get3A_34, %mul3A_2079 : vector<16xf32>
      %add3A_2081 = arith.addf %add3A_2078, %mul3A_2080 : vector<16xf32>
      %mul3A_2082 = vector.broadcast %squeeze3A_2059 : f32 to vector<16xf32>
      %mul3A_2083 = arith.mulf %get3A_39, %mul3A_2082 : vector<16xf32>
      %add3A_2084 = arith.addf %add3A_2081, %mul3A_2083 : vector<16xf32>
      %mul3A_2085 = vector.broadcast %squeeze3A_2061 : f32 to vector<16xf32>
      %mul3A_2086 = arith.mulf %get3A_44, %mul3A_2085 : vector<16xf32>
      %add3A_2087 = arith.addf %add3A_2084, %mul3A_2086 : vector<16xf32>
      %gt3A_2088 = arith.cmpf ogt, %add3A_2087, %select_n3A_1966 : vector<16xf32>
      %select_n3A_2089 = arith.select %gt3A_2088, %add3A_2087, %select_n3A_1966 : vector<16xi1>, vector<16xf32>
      %select_n3A_2090 = arith.select %gt3A_2088, %add3A_2064, %select_n3A_1967 : vector<16xi1>, vector<16xi32>
      %mul3A_2091 = vector.broadcast %squeeze3A_2047 : f32 to vector<16xf32>
      %mul3A_2092 = arith.mulf %get3A_49, %mul3A_2091 : vector<16xf32>
      %mul3A_2093 = vector.broadcast %squeeze3A_2049 : f32 to vector<16xf32>
      %mul3A_2094 = arith.mulf %get3A_54, %mul3A_2093 : vector<16xf32>
      %add3A_2095 = arith.addf %mul3A_2092, %mul3A_2094 : vector<16xf32>
      %mul3A_2096 = vector.broadcast %squeeze3A_2051 : f32 to vector<16xf32>
      %mul3A_2097 = arith.mulf %get3A_59, %mul3A_2096 : vector<16xf32>
      %add3A_2098 = arith.addf %add3A_2095, %mul3A_2097 : vector<16xf32>
      %mul3A_2099 = vector.broadcast %squeeze3A_2053 : f32 to vector<16xf32>
      %mul3A_2100 = arith.mulf %get3A_64, %mul3A_2099 : vector<16xf32>
      %add3A_2101 = arith.addf %add3A_2098, %mul3A_2100 : vector<16xf32>
      %mul3A_2102 = vector.broadcast %squeeze3A_2055 : f32 to vector<16xf32>
      %mul3A_2103 = arith.mulf %get3A_69, %mul3A_2102 : vector<16xf32>
      %add3A_2104 = arith.addf %add3A_2101, %mul3A_2103 : vector<16xf32>
      %mul3A_2105 = vector.broadcast %squeeze3A_2057 : f32 to vector<16xf32>
      %mul3A_2106 = arith.mulf %get3A_74, %mul3A_2105 : vector<16xf32>
      %add3A_2107 = arith.addf %add3A_2104, %mul3A_2106 : vector<16xf32>
      %mul3A_2108 = vector.broadcast %squeeze3A_2059 : f32 to vector<16xf32>
      %mul3A_2109 = arith.mulf %get3A_79, %mul3A_2108 : vector<16xf32>
      %add3A_2110 = arith.addf %add3A_2107, %mul3A_2109 : vector<16xf32>
      %mul3A_2111 = vector.broadcast %squeeze3A_2061 : f32 to vector<16xf32>
      %mul3A_2112 = arith.mulf %get3A_84, %mul3A_2111 : vector<16xf32>
      %add3A_2113 = arith.addf %add3A_2110, %mul3A_2112 : vector<16xf32>
      %gt3A_2114 = arith.cmpf ogt, %add3A_2113, %select_n3A_1992 : vector<16xf32>
      %select_n3A_2115 = arith.select %gt3A_2114, %add3A_2113, %select_n3A_1992 : vector<16xi1>, vector<16xf32>
      %select_n3A_2116 = arith.select %gt3A_2114, %add3A_2064, %select_n3A_1993 : vector<16xi1>, vector<16xi32>
      %mul3A_2117 = vector.broadcast %squeeze3A_2047 : f32 to vector<16xf32>
      %mul3A_2118 = arith.mulf %get3A_89, %mul3A_2117 : vector<16xf32>
      %mul3A_2119 = vector.broadcast %squeeze3A_2049 : f32 to vector<16xf32>
      %mul3A_2120 = arith.mulf %get3A_94, %mul3A_2119 : vector<16xf32>
      %add3A_2121 = arith.addf %mul3A_2118, %mul3A_2120 : vector<16xf32>
      %mul3A_2122 = vector.broadcast %squeeze3A_2051 : f32 to vector<16xf32>
      %mul3A_2123 = arith.mulf %get3A_99, %mul3A_2122 : vector<16xf32>
      %add3A_2124 = arith.addf %add3A_2121, %mul3A_2123 : vector<16xf32>
      %mul3A_2125 = vector.broadcast %squeeze3A_2053 : f32 to vector<16xf32>
      %mul3A_2126 = arith.mulf %get3A_104, %mul3A_2125 : vector<16xf32>
      %add3A_2127 = arith.addf %add3A_2124, %mul3A_2126 : vector<16xf32>
      %mul3A_2128 = vector.broadcast %squeeze3A_2055 : f32 to vector<16xf32>
      %mul3A_2129 = arith.mulf %get3A_109, %mul3A_2128 : vector<16xf32>
      %add3A_2130 = arith.addf %add3A_2127, %mul3A_2129 : vector<16xf32>
      %mul3A_2131 = vector.broadcast %squeeze3A_2057 : f32 to vector<16xf32>
      %mul3A_2132 = arith.mulf %get3A_114, %mul3A_2131 : vector<16xf32>
      %add3A_2133 = arith.addf %add3A_2130, %mul3A_2132 : vector<16xf32>
      %mul3A_2134 = vector.broadcast %squeeze3A_2059 : f32 to vector<16xf32>
      %mul3A_2135 = arith.mulf %get3A_119, %mul3A_2134 : vector<16xf32>
      %add3A_2136 = arith.addf %add3A_2133, %mul3A_2135 : vector<16xf32>
      %mul3A_2137 = vector.broadcast %squeeze3A_2061 : f32 to vector<16xf32>
      %mul3A_2138 = arith.mulf %get3A_124, %mul3A_2137 : vector<16xf32>
      %add3A_2139 = arith.addf %add3A_2136, %mul3A_2138 : vector<16xf32>
      %gt3A_2140 = arith.cmpf ogt, %add3A_2139, %select_n3A_2018 : vector<16xf32>
      %select_n3A_2141 = arith.select %gt3A_2140, %add3A_2139, %select_n3A_2018 : vector<16xi1>, vector<16xf32>
      %select_n3A_2142 = arith.select %gt3A_2140, %add3A_2064, %select_n3A_2019 : vector<16xi1>, vector<16xi32>
      %mul3A_2143 = vector.broadcast %squeeze3A_2047 : f32 to vector<16xf32>
      %mul3A_2144 = arith.mulf %get3A_129, %mul3A_2143 : vector<16xf32>
      %mul3A_2145 = vector.broadcast %squeeze3A_2049 : f32 to vector<16xf32>
      %mul3A_2146 = arith.mulf %get3A_134, %mul3A_2145 : vector<16xf32>
      %add3A_2147 = arith.addf %mul3A_2144, %mul3A_2146 : vector<16xf32>
      %mul3A_2148 = vector.broadcast %squeeze3A_2051 : f32 to vector<16xf32>
      %mul3A_2149 = arith.mulf %get3A_139, %mul3A_2148 : vector<16xf32>
      %add3A_2150 = arith.addf %add3A_2147, %mul3A_2149 : vector<16xf32>
      %mul3A_2151 = vector.broadcast %squeeze3A_2053 : f32 to vector<16xf32>
      %mul3A_2152 = arith.mulf %get3A_144, %mul3A_2151 : vector<16xf32>
      %add3A_2153 = arith.addf %add3A_2150, %mul3A_2152 : vector<16xf32>
      %mul3A_2154 = vector.broadcast %squeeze3A_2055 : f32 to vector<16xf32>
      %mul3A_2155 = arith.mulf %get3A_149, %mul3A_2154 : vector<16xf32>
      %add3A_2156 = arith.addf %add3A_2153, %mul3A_2155 : vector<16xf32>
      %mul3A_2157 = vector.broadcast %squeeze3A_2057 : f32 to vector<16xf32>
      %mul3A_2158 = arith.mulf %get3A_154, %mul3A_2157 : vector<16xf32>
      %add3A_2159 = arith.addf %add3A_2156, %mul3A_2158 : vector<16xf32>
      %mul3A_2160 = vector.broadcast %squeeze3A_2059 : f32 to vector<16xf32>
      %mul3A_2161 = arith.mulf %get3A_159, %mul3A_2160 : vector<16xf32>
      %add3A_2162 = arith.addf %add3A_2159, %mul3A_2161 : vector<16xf32>
      %mul3A_2163 = vector.broadcast %squeeze3A_2061 : f32 to vector<16xf32>
      %mul3A_2164 = arith.mulf %get3A_164, %mul3A_2163 : vector<16xf32>
      %add3A_2165 = arith.addf %add3A_2162, %mul3A_2164 : vector<16xf32>
      %gt3A_2166 = arith.cmpf ogt, %add3A_2165, %select_n3A_2044 : vector<16xf32>
      %select_n3A_2167 = arith.select %gt3A_2166, %add3A_2165, %select_n3A_2044 : vector<16xi1>, vector<16xf32>
      %select_n3A_2168 = arith.select %gt3A_2166, %add3A_2064, %select_n3A_2045 : vector<16xi1>, vector<16xi32>
      %slice3A_2169 = vector.extract_strided_slice %get3A_414 {offsets = [14], sizes = [1], strides = [1]} : vector<16xf32> to vector<1xf32>
      %squeeze3A_2170 = vector.extract %slice3A_2169[0] : f32 from vector<1xf32>
      %slice3A_2171 = vector.extract_strided_slice %get3A_419 {offsets = [14], sizes = [1], strides = [1]} : vector<16xf32> to vector<1xf32>
      %squeeze3A_2172 = vector.extract %slice3A_2171[0] : f32 from vector<1xf32>
      %slice3A_2173 = vector.extract_strided_slice %get3A_424 {offsets = [14], sizes = [1], strides = [1]} : vector<16xf32> to vector<1xf32>
      %squeeze3A_2174 = vector.extract %slice3A_2173[0] : f32 from vector<1xf32>
      %slice3A_2175 = vector.extract_strided_slice %get3A_429 {offsets = [14], sizes = [1], strides = [1]} : vector<16xf32> to vector<1xf32>
      %squeeze3A_2176 = vector.extract %slice3A_2175[0] : f32 from vector<1xf32>
      %slice3A_2177 = vector.extract_strided_slice %get3A_434 {offsets = [14], sizes = [1], strides = [1]} : vector<16xf32> to vector<1xf32>
      %squeeze3A_2178 = vector.extract %slice3A_2177[0] : f32 from vector<1xf32>
      %slice3A_2179 = vector.extract_strided_slice %get3A_439 {offsets = [14], sizes = [1], strides = [1]} : vector<16xf32> to vector<1xf32>
      %squeeze3A_2180 = vector.extract %slice3A_2179[0] : f32 from vector<1xf32>
      %slice3A_2181 = vector.extract_strided_slice %get3A_444 {offsets = [14], sizes = [1], strides = [1]} : vector<16xf32> to vector<1xf32>
      %squeeze3A_2182 = vector.extract %slice3A_2181[0] : f32 from vector<1xf32>
      %slice3A_2183 = vector.extract_strided_slice %get3A_449 {offsets = [14], sizes = [1], strides = [1]} : vector<16xf32> to vector<1xf32>
      %squeeze3A_2184 = vector.extract %slice3A_2183[0] : f32 from vector<1xf32>
      %add3A_2185 = arith.constant 14 : i32
      %add3A_2186 = vector.broadcast %add3A_2185 : i32 to vector<16xi32>
      %add3A_2187 = arith.addi %broadcast_in_dim3A_450, %add3A_2186 : vector<16xi32>
      %mul3A_2188 = vector.broadcast %squeeze3A_2170 : f32 to vector<16xf32>
      %mul3A_2189 = arith.mulf %get3A_9, %mul3A_2188 : vector<16xf32>
      %mul3A_2190 = vector.broadcast %squeeze3A_2172 : f32 to vector<16xf32>
      %mul3A_2191 = arith.mulf %get3A_14, %mul3A_2190 : vector<16xf32>
      %add3A_2192 = arith.addf %mul3A_2189, %mul3A_2191 : vector<16xf32>
      %mul3A_2193 = vector.broadcast %squeeze3A_2174 : f32 to vector<16xf32>
      %mul3A_2194 = arith.mulf %get3A_19, %mul3A_2193 : vector<16xf32>
      %add3A_2195 = arith.addf %add3A_2192, %mul3A_2194 : vector<16xf32>
      %mul3A_2196 = vector.broadcast %squeeze3A_2176 : f32 to vector<16xf32>
      %mul3A_2197 = arith.mulf %get3A_24, %mul3A_2196 : vector<16xf32>
      %add3A_2198 = arith.addf %add3A_2195, %mul3A_2197 : vector<16xf32>
      %mul3A_2199 = vector.broadcast %squeeze3A_2178 : f32 to vector<16xf32>
      %mul3A_2200 = arith.mulf %get3A_29, %mul3A_2199 : vector<16xf32>
      %add3A_2201 = arith.addf %add3A_2198, %mul3A_2200 : vector<16xf32>
      %mul3A_2202 = vector.broadcast %squeeze3A_2180 : f32 to vector<16xf32>
      %mul3A_2203 = arith.mulf %get3A_34, %mul3A_2202 : vector<16xf32>
      %add3A_2204 = arith.addf %add3A_2201, %mul3A_2203 : vector<16xf32>
      %mul3A_2205 = vector.broadcast %squeeze3A_2182 : f32 to vector<16xf32>
      %mul3A_2206 = arith.mulf %get3A_39, %mul3A_2205 : vector<16xf32>
      %add3A_2207 = arith.addf %add3A_2204, %mul3A_2206 : vector<16xf32>
      %mul3A_2208 = vector.broadcast %squeeze3A_2184 : f32 to vector<16xf32>
      %mul3A_2209 = arith.mulf %get3A_44, %mul3A_2208 : vector<16xf32>
      %add3A_2210 = arith.addf %add3A_2207, %mul3A_2209 : vector<16xf32>
      %gt3A_2211 = arith.cmpf ogt, %add3A_2210, %select_n3A_2089 : vector<16xf32>
      %select_n3A_2212 = arith.select %gt3A_2211, %add3A_2210, %select_n3A_2089 : vector<16xi1>, vector<16xf32>
      %select_n3A_2213 = arith.select %gt3A_2211, %add3A_2187, %select_n3A_2090 : vector<16xi1>, vector<16xi32>
      %mul3A_2214 = vector.broadcast %squeeze3A_2170 : f32 to vector<16xf32>
      %mul3A_2215 = arith.mulf %get3A_49, %mul3A_2214 : vector<16xf32>
      %mul3A_2216 = vector.broadcast %squeeze3A_2172 : f32 to vector<16xf32>
      %mul3A_2217 = arith.mulf %get3A_54, %mul3A_2216 : vector<16xf32>
      %add3A_2218 = arith.addf %mul3A_2215, %mul3A_2217 : vector<16xf32>
      %mul3A_2219 = vector.broadcast %squeeze3A_2174 : f32 to vector<16xf32>
      %mul3A_2220 = arith.mulf %get3A_59, %mul3A_2219 : vector<16xf32>
      %add3A_2221 = arith.addf %add3A_2218, %mul3A_2220 : vector<16xf32>
      %mul3A_2222 = vector.broadcast %squeeze3A_2176 : f32 to vector<16xf32>
      %mul3A_2223 = arith.mulf %get3A_64, %mul3A_2222 : vector<16xf32>
      %add3A_2224 = arith.addf %add3A_2221, %mul3A_2223 : vector<16xf32>
      %mul3A_2225 = vector.broadcast %squeeze3A_2178 : f32 to vector<16xf32>
      %mul3A_2226 = arith.mulf %get3A_69, %mul3A_2225 : vector<16xf32>
      %add3A_2227 = arith.addf %add3A_2224, %mul3A_2226 : vector<16xf32>
      %mul3A_2228 = vector.broadcast %squeeze3A_2180 : f32 to vector<16xf32>
      %mul3A_2229 = arith.mulf %get3A_74, %mul3A_2228 : vector<16xf32>
      %add3A_2230 = arith.addf %add3A_2227, %mul3A_2229 : vector<16xf32>
      %mul3A_2231 = vector.broadcast %squeeze3A_2182 : f32 to vector<16xf32>
      %mul3A_2232 = arith.mulf %get3A_79, %mul3A_2231 : vector<16xf32>
      %add3A_2233 = arith.addf %add3A_2230, %mul3A_2232 : vector<16xf32>
      %mul3A_2234 = vector.broadcast %squeeze3A_2184 : f32 to vector<16xf32>
      %mul3A_2235 = arith.mulf %get3A_84, %mul3A_2234 : vector<16xf32>
      %add3A_2236 = arith.addf %add3A_2233, %mul3A_2235 : vector<16xf32>
      %gt3A_2237 = arith.cmpf ogt, %add3A_2236, %select_n3A_2115 : vector<16xf32>
      %select_n3A_2238 = arith.select %gt3A_2237, %add3A_2236, %select_n3A_2115 : vector<16xi1>, vector<16xf32>
      %select_n3A_2239 = arith.select %gt3A_2237, %add3A_2187, %select_n3A_2116 : vector<16xi1>, vector<16xi32>
      %mul3A_2240 = vector.broadcast %squeeze3A_2170 : f32 to vector<16xf32>
      %mul3A_2241 = arith.mulf %get3A_89, %mul3A_2240 : vector<16xf32>
      %mul3A_2242 = vector.broadcast %squeeze3A_2172 : f32 to vector<16xf32>
      %mul3A_2243 = arith.mulf %get3A_94, %mul3A_2242 : vector<16xf32>
      %add3A_2244 = arith.addf %mul3A_2241, %mul3A_2243 : vector<16xf32>
      %mul3A_2245 = vector.broadcast %squeeze3A_2174 : f32 to vector<16xf32>
      %mul3A_2246 = arith.mulf %get3A_99, %mul3A_2245 : vector<16xf32>
      %add3A_2247 = arith.addf %add3A_2244, %mul3A_2246 : vector<16xf32>
      %mul3A_2248 = vector.broadcast %squeeze3A_2176 : f32 to vector<16xf32>
      %mul3A_2249 = arith.mulf %get3A_104, %mul3A_2248 : vector<16xf32>
      %add3A_2250 = arith.addf %add3A_2247, %mul3A_2249 : vector<16xf32>
      %mul3A_2251 = vector.broadcast %squeeze3A_2178 : f32 to vector<16xf32>
      %mul3A_2252 = arith.mulf %get3A_109, %mul3A_2251 : vector<16xf32>
      %add3A_2253 = arith.addf %add3A_2250, %mul3A_2252 : vector<16xf32>
      %mul3A_2254 = vector.broadcast %squeeze3A_2180 : f32 to vector<16xf32>
      %mul3A_2255 = arith.mulf %get3A_114, %mul3A_2254 : vector<16xf32>
      %add3A_2256 = arith.addf %add3A_2253, %mul3A_2255 : vector<16xf32>
      %mul3A_2257 = vector.broadcast %squeeze3A_2182 : f32 to vector<16xf32>
      %mul3A_2258 = arith.mulf %get3A_119, %mul3A_2257 : vector<16xf32>
      %add3A_2259 = arith.addf %add3A_2256, %mul3A_2258 : vector<16xf32>
      %mul3A_2260 = vector.broadcast %squeeze3A_2184 : f32 to vector<16xf32>
      %mul3A_2261 = arith.mulf %get3A_124, %mul3A_2260 : vector<16xf32>
      %add3A_2262 = arith.addf %add3A_2259, %mul3A_2261 : vector<16xf32>
      %gt3A_2263 = arith.cmpf ogt, %add3A_2262, %select_n3A_2141 : vector<16xf32>
      %select_n3A_2264 = arith.select %gt3A_2263, %add3A_2262, %select_n3A_2141 : vector<16xi1>, vector<16xf32>
      %select_n3A_2265 = arith.select %gt3A_2263, %add3A_2187, %select_n3A_2142 : vector<16xi1>, vector<16xi32>
      %mul3A_2266 = vector.broadcast %squeeze3A_2170 : f32 to vector<16xf32>
      %mul3A_2267 = arith.mulf %get3A_129, %mul3A_2266 : vector<16xf32>
      %mul3A_2268 = vector.broadcast %squeeze3A_2172 : f32 to vector<16xf32>
      %mul3A_2269 = arith.mulf %get3A_134, %mul3A_2268 : vector<16xf32>
      %add3A_2270 = arith.addf %mul3A_2267, %mul3A_2269 : vector<16xf32>
      %mul3A_2271 = vector.broadcast %squeeze3A_2174 : f32 to vector<16xf32>
      %mul3A_2272 = arith.mulf %get3A_139, %mul3A_2271 : vector<16xf32>
      %add3A_2273 = arith.addf %add3A_2270, %mul3A_2272 : vector<16xf32>
      %mul3A_2274 = vector.broadcast %squeeze3A_2176 : f32 to vector<16xf32>
      %mul3A_2275 = arith.mulf %get3A_144, %mul3A_2274 : vector<16xf32>
      %add3A_2276 = arith.addf %add3A_2273, %mul3A_2275 : vector<16xf32>
      %mul3A_2277 = vector.broadcast %squeeze3A_2178 : f32 to vector<16xf32>
      %mul3A_2278 = arith.mulf %get3A_149, %mul3A_2277 : vector<16xf32>
      %add3A_2279 = arith.addf %add3A_2276, %mul3A_2278 : vector<16xf32>
      %mul3A_2280 = vector.broadcast %squeeze3A_2180 : f32 to vector<16xf32>
      %mul3A_2281 = arith.mulf %get3A_154, %mul3A_2280 : vector<16xf32>
      %add3A_2282 = arith.addf %add3A_2279, %mul3A_2281 : vector<16xf32>
      %mul3A_2283 = vector.broadcast %squeeze3A_2182 : f32 to vector<16xf32>
      %mul3A_2284 = arith.mulf %get3A_159, %mul3A_2283 : vector<16xf32>
      %add3A_2285 = arith.addf %add3A_2282, %mul3A_2284 : vector<16xf32>
      %mul3A_2286 = vector.broadcast %squeeze3A_2184 : f32 to vector<16xf32>
      %mul3A_2287 = arith.mulf %get3A_164, %mul3A_2286 : vector<16xf32>
      %add3A_2288 = arith.addf %add3A_2285, %mul3A_2287 : vector<16xf32>
      %gt3A_2289 = arith.cmpf ogt, %add3A_2288, %select_n3A_2167 : vector<16xf32>
      %select_n3A_2290 = arith.select %gt3A_2289, %add3A_2288, %select_n3A_2167 : vector<16xi1>, vector<16xf32>
      %select_n3A_2291 = arith.select %gt3A_2289, %add3A_2187, %select_n3A_2168 : vector<16xi1>, vector<16xi32>
      %slice3A_2292 = vector.extract_strided_slice %get3A_414 {offsets = [15], sizes = [1], strides = [1]} : vector<16xf32> to vector<1xf32>
      %squeeze3A_2293 = vector.extract %slice3A_2292[0] : f32 from vector<1xf32>
      %slice3A_2294 = vector.extract_strided_slice %get3A_419 {offsets = [15], sizes = [1], strides = [1]} : vector<16xf32> to vector<1xf32>
      %squeeze3A_2295 = vector.extract %slice3A_2294[0] : f32 from vector<1xf32>
      %slice3A_2296 = vector.extract_strided_slice %get3A_424 {offsets = [15], sizes = [1], strides = [1]} : vector<16xf32> to vector<1xf32>
      %squeeze3A_2297 = vector.extract %slice3A_2296[0] : f32 from vector<1xf32>
      %slice3A_2298 = vector.extract_strided_slice %get3A_429 {offsets = [15], sizes = [1], strides = [1]} : vector<16xf32> to vector<1xf32>
      %squeeze3A_2299 = vector.extract %slice3A_2298[0] : f32 from vector<1xf32>
      %slice3A_2300 = vector.extract_strided_slice %get3A_434 {offsets = [15], sizes = [1], strides = [1]} : vector<16xf32> to vector<1xf32>
      %squeeze3A_2301 = vector.extract %slice3A_2300[0] : f32 from vector<1xf32>
      %slice3A_2302 = vector.extract_strided_slice %get3A_439 {offsets = [15], sizes = [1], strides = [1]} : vector<16xf32> to vector<1xf32>
      %squeeze3A_2303 = vector.extract %slice3A_2302[0] : f32 from vector<1xf32>
      %slice3A_2304 = vector.extract_strided_slice %get3A_444 {offsets = [15], sizes = [1], strides = [1]} : vector<16xf32> to vector<1xf32>
      %squeeze3A_2305 = vector.extract %slice3A_2304[0] : f32 from vector<1xf32>
      %slice3A_2306 = vector.extract_strided_slice %get3A_449 {offsets = [15], sizes = [1], strides = [1]} : vector<16xf32> to vector<1xf32>
      %squeeze3A_2307 = vector.extract %slice3A_2306[0] : f32 from vector<1xf32>
      %add3A_2308 = arith.constant 15 : i32
      %add3A_2309 = vector.broadcast %add3A_2308 : i32 to vector<16xi32>
      %add3A_2310 = arith.addi %broadcast_in_dim3A_450, %add3A_2309 : vector<16xi32>
      %mul3A_2311 = vector.broadcast %squeeze3A_2293 : f32 to vector<16xf32>
      %mul3A_2312 = arith.mulf %get3A_9, %mul3A_2311 : vector<16xf32>
      %mul3A_2313 = vector.broadcast %squeeze3A_2295 : f32 to vector<16xf32>
      %mul3A_2314 = arith.mulf %get3A_14, %mul3A_2313 : vector<16xf32>
      %add3A_2315 = arith.addf %mul3A_2312, %mul3A_2314 : vector<16xf32>
      %mul3A_2316 = vector.broadcast %squeeze3A_2297 : f32 to vector<16xf32>
      %mul3A_2317 = arith.mulf %get3A_19, %mul3A_2316 : vector<16xf32>
      %add3A_2318 = arith.addf %add3A_2315, %mul3A_2317 : vector<16xf32>
      %mul3A_2319 = vector.broadcast %squeeze3A_2299 : f32 to vector<16xf32>
      %mul3A_2320 = arith.mulf %get3A_24, %mul3A_2319 : vector<16xf32>
      %add3A_2321 = arith.addf %add3A_2318, %mul3A_2320 : vector<16xf32>
      %mul3A_2322 = vector.broadcast %squeeze3A_2301 : f32 to vector<16xf32>
      %mul3A_2323 = arith.mulf %get3A_29, %mul3A_2322 : vector<16xf32>
      %add3A_2324 = arith.addf %add3A_2321, %mul3A_2323 : vector<16xf32>
      %mul3A_2325 = vector.broadcast %squeeze3A_2303 : f32 to vector<16xf32>
      %mul3A_2326 = arith.mulf %get3A_34, %mul3A_2325 : vector<16xf32>
      %add3A_2327 = arith.addf %add3A_2324, %mul3A_2326 : vector<16xf32>
      %mul3A_2328 = vector.broadcast %squeeze3A_2305 : f32 to vector<16xf32>
      %mul3A_2329 = arith.mulf %get3A_39, %mul3A_2328 : vector<16xf32>
      %add3A_2330 = arith.addf %add3A_2327, %mul3A_2329 : vector<16xf32>
      %mul3A_2331 = vector.broadcast %squeeze3A_2307 : f32 to vector<16xf32>
      %mul3A_2332 = arith.mulf %get3A_44, %mul3A_2331 : vector<16xf32>
      %add3A_2333 = arith.addf %add3A_2330, %mul3A_2332 : vector<16xf32>
      %gt3A_2334 = arith.cmpf ogt, %add3A_2333, %select_n3A_2212 : vector<16xf32>
      %select_n3A_2335 = arith.select %gt3A_2334, %add3A_2333, %select_n3A_2212 : vector<16xi1>, vector<16xf32>
      %select_n3A_2336 = arith.select %gt3A_2334, %add3A_2310, %select_n3A_2213 : vector<16xi1>, vector<16xi32>
      %mul3A_2337 = vector.broadcast %squeeze3A_2293 : f32 to vector<16xf32>
      %mul3A_2338 = arith.mulf %get3A_49, %mul3A_2337 : vector<16xf32>
      %mul3A_2339 = vector.broadcast %squeeze3A_2295 : f32 to vector<16xf32>
      %mul3A_2340 = arith.mulf %get3A_54, %mul3A_2339 : vector<16xf32>
      %add3A_2341 = arith.addf %mul3A_2338, %mul3A_2340 : vector<16xf32>
      %mul3A_2342 = vector.broadcast %squeeze3A_2297 : f32 to vector<16xf32>
      %mul3A_2343 = arith.mulf %get3A_59, %mul3A_2342 : vector<16xf32>
      %add3A_2344 = arith.addf %add3A_2341, %mul3A_2343 : vector<16xf32>
      %mul3A_2345 = vector.broadcast %squeeze3A_2299 : f32 to vector<16xf32>
      %mul3A_2346 = arith.mulf %get3A_64, %mul3A_2345 : vector<16xf32>
      %add3A_2347 = arith.addf %add3A_2344, %mul3A_2346 : vector<16xf32>
      %mul3A_2348 = vector.broadcast %squeeze3A_2301 : f32 to vector<16xf32>
      %mul3A_2349 = arith.mulf %get3A_69, %mul3A_2348 : vector<16xf32>
      %add3A_2350 = arith.addf %add3A_2347, %mul3A_2349 : vector<16xf32>
      %mul3A_2351 = vector.broadcast %squeeze3A_2303 : f32 to vector<16xf32>
      %mul3A_2352 = arith.mulf %get3A_74, %mul3A_2351 : vector<16xf32>
      %add3A_2353 = arith.addf %add3A_2350, %mul3A_2352 : vector<16xf32>
      %mul3A_2354 = vector.broadcast %squeeze3A_2305 : f32 to vector<16xf32>
      %mul3A_2355 = arith.mulf %get3A_79, %mul3A_2354 : vector<16xf32>
      %add3A_2356 = arith.addf %add3A_2353, %mul3A_2355 : vector<16xf32>
      %mul3A_2357 = vector.broadcast %squeeze3A_2307 : f32 to vector<16xf32>
      %mul3A_2358 = arith.mulf %get3A_84, %mul3A_2357 : vector<16xf32>
      %add3A_2359 = arith.addf %add3A_2356, %mul3A_2358 : vector<16xf32>
      %gt3A_2360 = arith.cmpf ogt, %add3A_2359, %select_n3A_2238 : vector<16xf32>
      %select_n3A_2361 = arith.select %gt3A_2360, %add3A_2359, %select_n3A_2238 : vector<16xi1>, vector<16xf32>
      %select_n3A_2362 = arith.select %gt3A_2360, %add3A_2310, %select_n3A_2239 : vector<16xi1>, vector<16xi32>
      %mul3A_2363 = vector.broadcast %squeeze3A_2293 : f32 to vector<16xf32>
      %mul3A_2364 = arith.mulf %get3A_89, %mul3A_2363 : vector<16xf32>
      %mul3A_2365 = vector.broadcast %squeeze3A_2295 : f32 to vector<16xf32>
      %mul3A_2366 = arith.mulf %get3A_94, %mul3A_2365 : vector<16xf32>
      %add3A_2367 = arith.addf %mul3A_2364, %mul3A_2366 : vector<16xf32>
      %mul3A_2368 = vector.broadcast %squeeze3A_2297 : f32 to vector<16xf32>
      %mul3A_2369 = arith.mulf %get3A_99, %mul3A_2368 : vector<16xf32>
      %add3A_2370 = arith.addf %add3A_2367, %mul3A_2369 : vector<16xf32>
      %mul3A_2371 = vector.broadcast %squeeze3A_2299 : f32 to vector<16xf32>
      %mul3A_2372 = arith.mulf %get3A_104, %mul3A_2371 : vector<16xf32>
      %add3A_2373 = arith.addf %add3A_2370, %mul3A_2372 : vector<16xf32>
      %mul3A_2374 = vector.broadcast %squeeze3A_2301 : f32 to vector<16xf32>
      %mul3A_2375 = arith.mulf %get3A_109, %mul3A_2374 : vector<16xf32>
      %add3A_2376 = arith.addf %add3A_2373, %mul3A_2375 : vector<16xf32>
      %mul3A_2377 = vector.broadcast %squeeze3A_2303 : f32 to vector<16xf32>
      %mul3A_2378 = arith.mulf %get3A_114, %mul3A_2377 : vector<16xf32>
      %add3A_2379 = arith.addf %add3A_2376, %mul3A_2378 : vector<16xf32>
      %mul3A_2380 = vector.broadcast %squeeze3A_2305 : f32 to vector<16xf32>
      %mul3A_2381 = arith.mulf %get3A_119, %mul3A_2380 : vector<16xf32>
      %add3A_2382 = arith.addf %add3A_2379, %mul3A_2381 : vector<16xf32>
      %mul3A_2383 = vector.broadcast %squeeze3A_2307 : f32 to vector<16xf32>
      %mul3A_2384 = arith.mulf %get3A_124, %mul3A_2383 : vector<16xf32>
      %add3A_2385 = arith.addf %add3A_2382, %mul3A_2384 : vector<16xf32>
      %gt3A_2386 = arith.cmpf ogt, %add3A_2385, %select_n3A_2264 : vector<16xf32>
      %select_n3A_2387 = arith.select %gt3A_2386, %add3A_2385, %select_n3A_2264 : vector<16xi1>, vector<16xf32>
      %select_n3A_2388 = arith.select %gt3A_2386, %add3A_2310, %select_n3A_2265 : vector<16xi1>, vector<16xi32>
      %mul3A_2389 = vector.broadcast %squeeze3A_2293 : f32 to vector<16xf32>
      %mul3A_2390 = arith.mulf %get3A_129, %mul3A_2389 : vector<16xf32>
      %mul3A_2391 = vector.broadcast %squeeze3A_2295 : f32 to vector<16xf32>
      %mul3A_2392 = arith.mulf %get3A_134, %mul3A_2391 : vector<16xf32>
      %add3A_2393 = arith.addf %mul3A_2390, %mul3A_2392 : vector<16xf32>
      %mul3A_2394 = vector.broadcast %squeeze3A_2297 : f32 to vector<16xf32>
      %mul3A_2395 = arith.mulf %get3A_139, %mul3A_2394 : vector<16xf32>
      %add3A_2396 = arith.addf %add3A_2393, %mul3A_2395 : vector<16xf32>
      %mul3A_2397 = vector.broadcast %squeeze3A_2299 : f32 to vector<16xf32>
      %mul3A_2398 = arith.mulf %get3A_144, %mul3A_2397 : vector<16xf32>
      %add3A_2399 = arith.addf %add3A_2396, %mul3A_2398 : vector<16xf32>
      %mul3A_2400 = vector.broadcast %squeeze3A_2301 : f32 to vector<16xf32>
      %mul3A_2401 = arith.mulf %get3A_149, %mul3A_2400 : vector<16xf32>
      %add3A_2402 = arith.addf %add3A_2399, %mul3A_2401 : vector<16xf32>
      %mul3A_2403 = vector.broadcast %squeeze3A_2303 : f32 to vector<16xf32>
      %mul3A_2404 = arith.mulf %get3A_154, %mul3A_2403 : vector<16xf32>
      %add3A_2405 = arith.addf %add3A_2402, %mul3A_2404 : vector<16xf32>
      %mul3A_2406 = vector.broadcast %squeeze3A_2305 : f32 to vector<16xf32>
      %mul3A_2407 = arith.mulf %get3A_159, %mul3A_2406 : vector<16xf32>
      %add3A_2408 = arith.addf %add3A_2405, %mul3A_2407 : vector<16xf32>
      %mul3A_2409 = vector.broadcast %squeeze3A_2307 : f32 to vector<16xf32>
      %mul3A_2410 = arith.mulf %get3A_164, %mul3A_2409 : vector<16xf32>
      %add3A_2411 = arith.addf %add3A_2408, %mul3A_2410 : vector<16xf32>
      %gt3A_2412 = arith.cmpf ogt, %add3A_2411, %select_n3A_2290 : vector<16xf32>
      %select_n3A_2413 = arith.select %gt3A_2412, %add3A_2411, %select_n3A_2290 : vector<16xi1>, vector<16xf32>
      %select_n3A_2414 = arith.select %gt3A_2412, %add3A_2310, %select_n3A_2291 : vector<16xi1>, vector<16xi32>
      scf.yield %select_n3A_2335, %select_n3A_2336, %select_n3A_2361, %select_n3A_2362, %select_n3A_2387, %select_n3A_2388, %select_n3A_2413, %select_n3A_2414 : vector<16xf32>, vector<16xi32>, vector<16xf32>, vector<16xi32>, vector<16xf32>, vector<16xi32>, vector<16xf32>, vector<16xi32>
    }
    %scan3A_169 = arith.constant 32 : i32
    %swap3A = arith.constant 0 : index
    %swap3A_170 = tpu.vector_load %arg8[%swap3A] {strides = array<i32>} : memref<128xf32, #tpu.memory_space<vmem>>, vector<16xf32>,
    %swap3A_171 = vector.shape_cast %swap3A_170 : vector<16xf32> to vector<16xf32>
    %swap3A_172 = vector.shape_cast %scan3A_168#0 : vector<16xf32> to vector<16xf32>
    tpu.vector_store %arg8[%swap3A], %swap3A_172 {strides = array<i32>} : memref<128xf32, #tpu.memory_space<vmem>>, vector<16xf32>,
    %swap3A_173 = arith.constant 0 : index
    %swap3A_174 = tpu.vector_load %arg9[%swap3A_173] {strides = array<i32>} : memref<128xi32, #tpu.memory_space<vmem>>, vector<16xi32>,
    %swap3A_175 = vector.shape_cast %swap3A_174 : vector<16xi32> to vector<16xi32>
    %swap3A_176 = vector.shape_cast %scan3A_168#1 : vector<16xi32> to vector<16xi32>
    tpu.vector_store %arg9[%swap3A_173], %swap3A_176 {strides = array<i32>} : memref<128xi32, #tpu.memory_space<vmem>>, vector<16xi32>,
    %swap3A_177 = arith.constant 16 : index
    %swap3A_178 = tpu.vector_load %arg8[%swap3A_177] {strides = array<i32>} : memref<128xf32, #tpu.memory_space<vmem>>, vector<16xf32>,
    %swap3A_179 = vector.shape_cast %swap3A_178 : vector<16xf32> to vector<16xf32>
    %swap3A_180 = vector.shape_cast %scan3A_168#2 : vector<16xf32> to vector<16xf32>
    tpu.vector_store %arg8[%swap3A_177], %swap3A_180 {strides = array<i32>} : memref<128xf32, #tpu.memory_space<vmem>>, vector<16xf32>,
    %swap3A_181 = arith.constant 16 : index
    %swap3A_182 = tpu.vector_load %arg9[%swap3A_181] {strides = array<i32>} : memref<128xi32, #tpu.memory_space<vmem>>, vector<16xi32>,
    %swap3A_183 = vector.shape_cast %swap3A_182 : vector<16xi32> to vector<16xi32>
    %swap3A_184 = vector.shape_cast %scan3A_168#3 : vector<16xi32> to vector<16xi32>
    tpu.vector_store %arg9[%swap3A_181], %swap3A_184 {strides = array<i32>} : memref<128xi32, #tpu.memory_space<vmem>>, vector<16xi32>,
    %swap3A_185 = arith.constant 32 : index
    %swap3A_186 = tpu.vector_load %arg8[%swap3A_185] {strides = array<i32>} : memref<128xf32, #tpu.memory_space<vmem>>, vector<16xf32>,
    %swap3A_187 = vector.shape_cast %swap3A_186 : vector<16xf32> to vector<16xf32>
    %swap3A_188 = vector.shape_cast %scan3A_168#4 : vector<16xf32> to vector<16xf32>
    tpu.vector_store %arg8[%swap3A_185], %swap3A_188 {strides = array<i32>} : memref<128xf32, #tpu.memory_space<vmem>>, vector<16xf32>,
    %swap3A_189 = arith.constant 32 : index
    %swap3A_190 = tpu.vector_load %arg9[%swap3A_189] {strides = array<i32>} : memref<128xi32, #tpu.memory_space<vmem>>, vector<16xi32>,
    %swap3A_191 = vector.shape_cast %swap3A_190 : vector<16xi32> to vector<16xi32>
    %swap3A_192 = vector.shape_cast %scan3A_168#5 : vector<16xi32> to vector<16xi32>
    tpu.vector_store %arg9[%swap3A_189], %swap3A_192 {strides = array<i32>} : memref<128xi32, #tpu.memory_space<vmem>>, vector<16xi32>,
    %swap3A_193 = arith.constant 48 : index
    %swap3A_194 = tpu.vector_load %arg8[%swap3A_193] {strides = array<i32>} : memref<128xf32, #tpu.memory_space<vmem>>, vector<16xf32>,
    %swap3A_195 = vector.shape_cast %swap3A_194 : vector<16xf32> to vector<16xf32>
    %swap3A_196 = vector.shape_cast %scan3A_168#6 : vector<16xf32> to vector<16xf32>
    tpu.vector_store %arg8[%swap3A_193], %swap3A_196 {strides = array<i32>} : memref<128xf32, #tpu.memory_space<vmem>>, vector<16xf32>,
    %swap3A_197 = arith.constant 48 : index
    %swap3A_198 = tpu.vector_load %arg9[%swap3A_197] {strides = array<i32>} : memref<128xi32, #tpu.memory_space<vmem>>, vector<16xi32>,
    %swap3A_199 = vector.shape_cast %swap3A_198 : vector<16xi32> to vector<16xi32>
    %swap3A_200 = vector.shape_cast %scan3A_168#7 : vector<16xi32> to vector<16xi32>
    tpu.vector_store %arg9[%swap3A_197], %swap3A_200 {strides = array<i32>} : memref<128xi32, #tpu.memory_space<vmem>>, vector<16xi32>,
    %get3A_201 = arith.constant 0 : i32
    %get3A_202 = arith.index_cast %get3A_201 : i32 to index
    %get3A_203 = arith.constant 64 : index
    %get3A_204 = tpu.vector_load %arg7[%get3A_202, %get3A_203] {strides = array<i32>} : memref<8x128xf32, #tpu.memory_space<vmem>>, vector<1x16xf32>,
    %get3A_205 = vector.shape_cast %get3A_204 : vector<1x16xf32> to vector<16xf32>
    %get3A_206 = arith.constant 1 : i32
    %get3A_207 = arith.index_cast %get3A_206 : i32 to index
    %get3A_208 = arith.constant 64 : index
    %get3A_209 = tpu.vector_load %arg7[%get3A_207, %get3A_208] {strides = array<i32>} : memref<8x128xf32, #tpu.memory_space<vmem>>, vector<1x16xf32>,
    %get3A_210 = vector.shape_cast %get3A_209 : vector<1x16xf32> to vector<16xf32>
    %get3A_211 = arith.constant 2 : i32
    %get3A_212 = arith.index_cast %get3A_211 : i32 to index
    %get3A_213 = arith.constant 64 : index
    %get3A_214 = tpu.vector_load %arg7[%get3A_212, %get3A_213] {strides = array<i32>} : memref<8x128xf32, #tpu.memory_space<vmem>>, vector<1x16xf32>,
    %get3A_215 = vector.shape_cast %get3A_214 : vector<1x16xf32> to vector<16xf32>
    %get3A_216 = arith.constant 3 : i32
    %get3A_217 = arith.index_cast %get3A_216 : i32 to index
    %get3A_218 = arith.constant 64 : index
    %get3A_219 = tpu.vector_load %arg7[%get3A_217, %get3A_218] {strides = array<i32>} : memref<8x128xf32, #tpu.memory_space<vmem>>, vector<1x16xf32>,
    %get3A_220 = vector.shape_cast %get3A_219 : vector<1x16xf32> to vector<16xf32>
    %get3A_221 = arith.constant 4 : i32
    %get3A_222 = arith.index_cast %get3A_221 : i32 to index
    %get3A_223 = arith.constant 64 : index
    %get3A_224 = tpu.vector_load %arg7[%get3A_222, %get3A_223] {strides = array<i32>} : memref<8x128xf32, #tpu.memory_space<vmem>>, vector<1x16xf32>,
    %get3A_225 = vector.shape_cast %get3A_224 : vector<1x16xf32> to vector<16xf32>
    %get3A_226 = arith.constant 5 : i32
    %get3A_227 = arith.index_cast %get3A_226 : i32 to index
    %get3A_228 = arith.constant 64 : index
    %get3A_229 = tpu.vector_load %arg7[%get3A_227, %get3A_228] {strides = array<i32>} : memref<8x128xf32, #tpu.memory_space<vmem>>, vector<1x16xf32>,
    %get3A_230 = vector.shape_cast %get3A_229 : vector<1x16xf32> to vector<16xf32>
    %get3A_231 = arith.constant 6 : i32
    %get3A_232 = arith.index_cast %get3A_231 : i32 to index
    %get3A_233 = arith.constant 64 : index
    %get3A_234 = tpu.vector_load %arg7[%get3A_232, %get3A_233] {strides = array<i32>} : memref<8x128xf32, #tpu.memory_space<vmem>>, vector<1x16xf32>,
    %get3A_235 = vector.shape_cast %get3A_234 : vector<1x16xf32> to vector<16xf32>
    %get3A_236 = arith.constant 7 : i32
    %get3A_237 = arith.index_cast %get3A_236 : i32 to index
    %get3A_238 = arith.constant 64 : index
    %get3A_239 = tpu.vector_load %arg7[%get3A_237, %get3A_238] {strides = array<i32>} : memref<8x128xf32, #tpu.memory_space<vmem>>, vector<1x16xf32>,
    %get3A_240 = vector.shape_cast %get3A_239 : vector<1x16xf32> to vector<16xf32>
    %get3A_241 = arith.constant 0 : i32
    %get3A_242 = arith.index_cast %get3A_241 : i32 to index
    %get3A_243 = arith.constant 80 : index
    %get3A_244 = tpu.vector_load %arg7[%get3A_242, %get3A_243] {strides = array<i32>} : memref<8x128xf32, #tpu.memory_space<vmem>>, vector<1x16xf32>,
    %get3A_245 = vector.shape_cast %get3A_244 : vector<1x16xf32> to vector<16xf32>
    %get3A_246 = arith.constant 1 : i32
    %get3A_247 = arith.index_cast %get3A_246 : i32 to index
    %get3A_248 = arith.constant 80 : index
    %get3A_249 = tpu.vector_load %arg7[%get3A_247, %get3A_248] {strides = array<i32>} : memref<8x128xf32, #tpu.memory_space<vmem>>, vector<1x16xf32>,
    %get3A_250 = vector.shape_cast %get3A_249 : vector<1x16xf32> to vector<16xf32>
    %get3A_251 = arith.constant 2 : i32
    %get3A_252 = arith.index_cast %get3A_251 : i32 to index
    %get3A_253 = arith.constant 80 : index
    %get3A_254 = tpu.vector_load %arg7[%get3A_252, %get3A_253] {strides = array<i32>} : memref<8x128xf32, #tpu.memory_space<vmem>>, vector<1x16xf32>,
    %get3A_255 = vector.shape_cast %get3A_254 : vector<1x16xf32> to vector<16xf32>
    %get3A_256 = arith.constant 3 : i32
    %get3A_257 = arith.index_cast %get3A_256 : i32 to index
    %get3A_258 = arith.constant 80 : index
    %get3A_259 = tpu.vector_load %arg7[%get3A_257, %get3A_258] {strides = array<i32>} : memref<8x128xf32, #tpu.memory_space<vmem>>, vector<1x16xf32>,
    %get3A_260 = vector.shape_cast %get3A_259 : vector<1x16xf32> to vector<16xf32>
    %get3A_261 = arith.constant 4 : i32
    %get3A_262 = arith.index_cast %get3A_261 : i32 to index
    %get3A_263 = arith.constant 80 : index
    %get3A_264 = tpu.vector_load %arg7[%get3A_262, %get3A_263] {strides = array<i32>} : memref<8x128xf32, #tpu.memory_space<vmem>>, vector<1x16xf32>,
    %get3A_265 = vector.shape_cast %get3A_264 : vector<1x16xf32> to vector<16xf32>
    %get3A_266 = arith.constant 5 : i32
    %get3A_267 = arith.index_cast %get3A_266 : i32 to index
    %get3A_268 = arith.constant 80 : index
    %get3A_269 = tpu.vector_load %arg7[%get3A_267, %get3A_268] {strides = array<i32>} : memref<8x128xf32, #tpu.memory_space<vmem>>, vector<1x16xf32>,
    %get3A_270 = vector.shape_cast %get3A_269 : vector<1x16xf32> to vector<16xf32>
    %get3A_271 = arith.constant 6 : i32
    %get3A_272 = arith.index_cast %get3A_271 : i32 to index
    %get3A_273 = arith.constant 80 : index
    %get3A_274 = tpu.vector_load %arg7[%get3A_272, %get3A_273] {strides = array<i32>} : memref<8x128xf32, #tpu.memory_space<vmem>>, vector<1x16xf32>,
    %get3A_275 = vector.shape_cast %get3A_274 : vector<1x16xf32> to vector<16xf32>
    %get3A_276 = arith.constant 7 : i32
    %get3A_277 = arith.index_cast %get3A_276 : i32 to index
    %get3A_278 = arith.constant 80 : index
    %get3A_279 = tpu.vector_load %arg7[%get3A_277, %get3A_278] {strides = array<i32>} : memref<8x128xf32, #tpu.memory_space<vmem>>, vector<1x16xf32>,
    %get3A_280 = vector.shape_cast %get3A_279 : vector<1x16xf32> to vector<16xf32>
    %get3A_281 = arith.constant 0 : i32
    %get3A_282 = arith.index_cast %get3A_281 : i32 to index
    %get3A_283 = arith.constant 96 : index
    %get3A_284 = tpu.vector_load %arg7[%get3A_282, %get3A_283] {strides = array<i32>} : memref<8x128xf32, #tpu.memory_space<vmem>>, vector<1x16xf32>,
    %get3A_285 = vector.shape_cast %get3A_284 : vector<1x16xf32> to vector<16xf32>
    %get3A_286 = arith.constant 1 : i32
    %get3A_287 = arith.index_cast %get3A_286 : i32 to index
    %get3A_288 = arith.constant 96 : index
    %get3A_289 = tpu.vector_load %arg7[%get3A_287, %get3A_288] {strides = array<i32>} : memref<8x128xf32, #tpu.memory_space<vmem>>, vector<1x16xf32>,
    %get3A_290 = vector.shape_cast %get3A_289 : vector<1x16xf32> to vector<16xf32>
    %get3A_291 = arith.constant 2 : i32
    %get3A_292 = arith.index_cast %get3A_291 : i32 to index
    %get3A_293 = arith.constant 96 : index
    %get3A_294 = tpu.vector_load %arg7[%get3A_292, %get3A_293] {strides = array<i32>} : memref<8x128xf32, #tpu.memory_space<vmem>>, vector<1x16xf32>,
    %get3A_295 = vector.shape_cast %get3A_294 : vector<1x16xf32> to vector<16xf32>
    %get3A_296 = arith.constant 3 : i32
    %get3A_297 = arith.index_cast %get3A_296 : i32 to index
    %get3A_298 = arith.constant 96 : index
    %get3A_299 = tpu.vector_load %arg7[%get3A_297, %get3A_298] {strides = array<i32>} : memref<8x128xf32, #tpu.memory_space<vmem>>, vector<1x16xf32>,
    %get3A_300 = vector.shape_cast %get3A_299 : vector<1x16xf32> to vector<16xf32>
    %get3A_301 = arith.constant 4 : i32
    %get3A_302 = arith.index_cast %get3A_301 : i32 to index
    %get3A_303 = arith.constant 96 : index
    %get3A_304 = tpu.vector_load %arg7[%get3A_302, %get3A_303] {strides = array<i32>} : memref<8x128xf32, #tpu.memory_space<vmem>>, vector<1x16xf32>,
    %get3A_305 = vector.shape_cast %get3A_304 : vector<1x16xf32> to vector<16xf32>
    %get3A_306 = arith.constant 5 : i32
    %get3A_307 = arith.index_cast %get3A_306 : i32 to index
    %get3A_308 = arith.constant 96 : index
    %get3A_309 = tpu.vector_load %arg7[%get3A_307, %get3A_308] {strides = array<i32>} : memref<8x128xf32, #tpu.memory_space<vmem>>, vector<1x16xf32>,
    %get3A_310 = vector.shape_cast %get3A_309 : vector<1x16xf32> to vector<16xf32>
    %get3A_311 = arith.constant 6 : i32
    %get3A_312 = arith.index_cast %get3A_311 : i32 to index
    %get3A_313 = arith.constant 96 : index
    %get3A_314 = tpu.vector_load %arg7[%get3A_312, %get3A_313] {strides = array<i32>} : memref<8x128xf32, #tpu.memory_space<vmem>>, vector<1x16xf32>,
    %get3A_315 = vector.shape_cast %get3A_314 : vector<1x16xf32> to vector<16xf32>
    %get3A_316 = arith.constant 7 : i32
    %get3A_317 = arith.index_cast %get3A_316 : i32 to index
    %get3A_318 = arith.constant 96 : index
    %get3A_319 = tpu.vector_load %arg7[%get3A_317, %get3A_318] {strides = array<i32>} : memref<8x128xf32, #tpu.memory_space<vmem>>, vector<1x16xf32>,
    %get3A_320 = vector.shape_cast %get3A_319 : vector<1x16xf32> to vector<16xf32>
    %get3A_321 = arith.constant 0 : i32
    %get3A_322 = arith.index_cast %get3A_321 : i32 to index
    %get3A_323 = arith.constant 112 : index
    %get3A_324 = tpu.vector_load %arg7[%get3A_322, %get3A_323] {strides = array<i32>} : memref<8x128xf32, #tpu.memory_space<vmem>>, vector<1x16xf32>,
    %get3A_325 = vector.shape_cast %get3A_324 : vector<1x16xf32> to vector<16xf32>
    %get3A_326 = arith.constant 1 : i32
    %get3A_327 = arith.index_cast %get3A_326 : i32 to index
    %get3A_328 = arith.constant 112 : index
    %get3A_329 = tpu.vector_load %arg7[%get3A_327, %get3A_328] {strides = array<i32>} : memref<8x128xf32, #tpu.memory_space<vmem>>, vector<1x16xf32>,
    %get3A_330 = vector.shape_cast %get3A_329 : vector<1x16xf32> to vector<16xf32>
    %get3A_331 = arith.constant 2 : i32
    %get3A_332 = arith.index_cast %get3A_331 : i32 to index
    %get3A_333 = arith.constant 112 : index
    %get3A_334 = tpu.vector_load %arg7[%get3A_332, %get3A_333] {strides = array<i32>} : memref<8x128xf32, #tpu.memory_space<vmem>>, vector<1x16xf32>,
    %get3A_335 = vector.shape_cast %get3A_334 : vector<1x16xf32> to vector<16xf32>
    %get3A_336 = arith.constant 3 : i32
    %get3A_337 = arith.index_cast %get3A_336 : i32 to index
    %get3A_338 = arith.constant 112 : index
    %get3A_339 = tpu.vector_load %arg7[%get3A_337, %get3A_338] {strides = array<i32>} : memref<8x128xf32, #tpu.memory_space<vmem>>, vector<1x16xf32>,
    %get3A_340 = vector.shape_cast %get3A_339 : vector<1x16xf32> to vector<16xf32>
    %get3A_341 = arith.constant 4 : i32
    %get3A_342 = arith.index_cast %get3A_341 : i32 to index
    %get3A_343 = arith.constant 112 : index
    %get3A_344 = tpu.vector_load %arg7[%get3A_342, %get3A_343] {strides = array<i32>} : memref<8x128xf32, #tpu.memory_space<vmem>>, vector<1x16xf32>,
    %get3A_345 = vector.shape_cast %get3A_344 : vector<1x16xf32> to vector<16xf32>
    %get3A_346 = arith.constant 5 : i32
    %get3A_347 = arith.index_cast %get3A_346 : i32 to index
    %get3A_348 = arith.constant 112 : index
    %get3A_349 = tpu.vector_load %arg7[%get3A_347, %get3A_348] {strides = array<i32>} : memref<8x128xf32, #tpu.memory_space<vmem>>, vector<1x16xf32>,
    %get3A_350 = vector.shape_cast %get3A_349 : vector<1x16xf32> to vector<16xf32>
    %get3A_351 = arith.constant 6 : i32
    %get3A_352 = arith.index_cast %get3A_351 : i32 to index
    %get3A_353 = arith.constant 112 : index
    %get3A_354 = tpu.vector_load %arg7[%get3A_352, %get3A_353] {strides = array<i32>} : memref<8x128xf32, #tpu.memory_space<vmem>>, vector<1x16xf32>,
    %get3A_355 = vector.shape_cast %get3A_354 : vector<1x16xf32> to vector<16xf32>
    %get3A_356 = arith.constant 7 : i32
    %get3A_357 = arith.index_cast %get3A_356 : i32 to index
    %get3A_358 = arith.constant 112 : index
    %get3A_359 = tpu.vector_load %arg7[%get3A_357, %get3A_358] {strides = array<i32>} : memref<8x128xf32, #tpu.memory_space<vmem>>, vector<1x16xf32>,
    %get3A_360 = vector.shape_cast %get3A_359 : vector<1x16xf32> to vector<16xf32>
    %scan3A_361 = arith.constant 0 : i32
    %scan3A_362 = arith.constant 32 : i32
    %scan3A_363 = arith.addi %scan3A_361, %scan3A_362 : i32
    %scan3A_364 = arith.constant 1 : i32
    %scan3A_365:8 = scf.for %scan3A_399 = %scan3A_361 to %scan3A_363 step %scan3A_364 iter_args(%scan3A_400 = %broadcast_in_dim3A_3, %scan3A_401 = %broadcast_in_dim3A_5, %scan3A_402 = %broadcast_in_dim3A_3, %scan3A_403 = %broadcast_in_dim3A_5, %scan3A_404 = %broadcast_in_dim3A_3, %scan3A_405 = %broadcast_in_dim3A_5, %scan3A_406 = %broadcast_in_dim3A_3, %scan3A_407 = %broadcast_in_dim3A_5) -> (vector<16xf32>, vector<16xi32>, vector<16xf32>, vector<16xi32>, vector<16xf32>, vector<16xi32>, vector<16xf32>, vector<16xi32>)  : i32 {
      %mul3A_408 = arith.constant 16 : i32
      %mul3A_409 = arith.muli %scan3A_399, %mul3A_408 : i32
      %get3A_410 = arith.constant 0 : i32
      %get3A_411 = arith.index_cast %get3A_410 : i32 to index
      %get3A_412 = arith.index_cast %mul3A_409 : i32 to index
      %get3A_413 = tpu.vector_load %arg6[%get3A_411, %get3A_412] {strides = array<i32>} : memref<8x512xf32, #tpu.memory_space<vmem>>, vector<1x16xf32>,
      %get3A_414 = vector.shape_cast %get3A_413 : vector<1x16xf32> to vector<16xf32>
      %get3A_415 = arith.constant 1 : i32
      %get3A_416 = arith.index_cast %get3A_415 : i32 to index
      %get3A_417 = arith.index_cast %mul3A_409 : i32 to index
      %get3A_418 = tpu.vector_load %arg6[%get3A_416, %get3A_417] {strides = array<i32>} : memref<8x512xf32, #tpu.memory_space<vmem>>, vector<1x16xf32>,
      %get3A_419 = vector.shape_cast %get3A_418 : vector<1x16xf32> to vector<16xf32>
      %get3A_420 = arith.constant 2 : i32
      %get3A_421 = arith.index_cast %get3A_420 : i32 to index
      %get3A_422 = arith.index_cast %mul3A_409 : i32 to index
      %get3A_423 = tpu.vector_load %arg6[%get3A_421, %get3A_422] {strides = array<i32>} : memref<8x512xf32, #tpu.memory_space<vmem>>, vector<1x16xf32>,
      %get3A_424 = vector.shape_cast %get3A_423 : vector<1x16xf32> to vector<16xf32>
      %get3A_425 = arith.constant 3 : i32
      %get3A_426 = arith.index_cast %get3A_425 : i32 to index
      %get3A_427 = arith.index_cast %mul3A_409 : i32 to index
      %get3A_428 = tpu.vector_load %arg6[%get3A_426, %get3A_427] {strides = array<i32>} : memref<8x512xf32, #tpu.memory_space<vmem>>, vector<1x16xf32>,
      %get3A_429 = vector.shape_cast %get3A_428 : vector<1x16xf32> to vector<16xf32>
      %get3A_430 = arith.constant 4 : i32
      %get3A_431 = arith.index_cast %get3A_430 : i32 to index
      %get3A_432 = arith.index_cast %mul3A_409 : i32 to index
      %get3A_433 = tpu.vector_load %arg6[%get3A_431, %get3A_432] {strides = array<i32>} : memref<8x512xf32, #tpu.memory_space<vmem>>, vector<1x16xf32>,
      %get3A_434 = vector.shape_cast %get3A_433 : vector<1x16xf32> to vector<16xf32>
      %get3A_435 = arith.constant 5 : i32
      %get3A_436 = arith.index_cast %get3A_435 : i32 to index
      %get3A_437 = arith.index_cast %mul3A_409 : i32 to index
      %get3A_438 = tpu.vector_load %arg6[%get3A_436, %get3A_437] {strides = array<i32>} : memref<8x512xf32, #tpu.memory_space<vmem>>, vector<1x16xf32>,
      %get3A_439 = vector.shape_cast %get3A_438 : vector<1x16xf32> to vector<16xf32>
      %get3A_440 = arith.constant 6 : i32
      %get3A_441 = arith.index_cast %get3A_440 : i32 to index
      %get3A_442 = arith.index_cast %mul3A_409 : i32 to index
      %get3A_443 = tpu.vector_load %arg6[%get3A_441, %get3A_442] {strides = array<i32>} : memref<8x512xf32, #tpu.memory_space<vmem>>, vector<1x16xf32>,
      %get3A_444 = vector.shape_cast %get3A_443 : vector<1x16xf32> to vector<16xf32>
      %get3A_445 = arith.constant 7 : i32
      %get3A_446 = arith.index_cast %get3A_445 : i32 to index
      %get3A_447 = arith.index_cast %mul3A_409 : i32 to index
      %get3A_448 = tpu.vector_load %arg6[%get3A_446, %get3A_447] {strides = array<i32>} : memref<8x512xf32, #tpu.memory_space<vmem>>, vector<1x16xf32>,
      %get3A_449 = vector.shape_cast %get3A_448 : vector<1x16xf32> to vector<16xf32>
      %broadcast_in_dim3A_450 = vector.broadcast %mul3A_409 : i32 to vector<16xi32>
      %slice3A = vector.extract_strided_slice %get3A_414 {offsets = [0], sizes = [1], strides = [1]} : vector<16xf32> to vector<1xf32>
      %squeeze3A = vector.extract %slice3A[0] : f32 from vector<1xf32>
      %slice3A_451 = vector.extract_strided_slice %get3A_419 {offsets = [0], sizes = [1], strides = [1]} : vector<16xf32> to vector<1xf32>
      %squeeze3A_452 = vector.extract %slice3A_451[0] : f32 from vector<1xf32>
      %slice3A_453 = vector.extract_strided_slice %get3A_424 {offsets = [0], sizes = [1], strides = [1]} : vector<16xf32> to vector<1xf32>
      %squeeze3A_454 = vector.extract %slice3A_453[0] : f32 from vector<1xf32>
      %slice3A_455 = vector.extract_strided_slice %get3A_429 {offsets = [0], sizes = [1], strides = [1]} : vector<16xf32> to vector<1xf32>
      %squeeze3A_456 = vector.extract %slice3A_455[0] : f32 from vector<1xf32>
      %slice3A_457 = vector.extract_strided_slice %get3A_434 {offsets = [0], sizes = [1], strides = [1]} : vector<16xf32> to vector<1xf32>
      %squeeze3A_458 = vector.extract %slice3A_457[0] : f32 from vector<1xf32>
      %slice3A_459 = vector.extract_strided_slice %get3A_439 {offsets = [0], sizes = [1], strides = [1]} : vector<16xf32> to vector<1xf32>
      %squeeze3A_460 = vector.extract %slice3A_459[0] : f32 from vector<1xf32>
      %slice3A_461 = vector.extract_strided_slice %get3A_444 {offsets = [0], sizes = [1], strides = [1]} : vector<16xf32> to vector<1xf32>
      %squeeze3A_462 = vector.extract %slice3A_461[0] : f32 from vector<1xf32>
      %slice3A_463 = vector.extract_strided_slice %get3A_449 {offsets = [0], sizes = [1], strides = [1]} : vector<16xf32> to vector<1xf32>
      %squeeze3A_464 = vector.extract %slice3A_463[0] : f32 from vector<1xf32>
      %add3A_465 = arith.constant 0 : i32
      %add3A_466 = vector.broadcast %add3A_465 : i32 to vector<16xi32>
      %add3A_467 = arith.addi %broadcast_in_dim3A_450, %add3A_466 : vector<16xi32>
      %mul3A_468 = vector.broadcast %squeeze3A : f32 to vector<16xf32>
      %mul3A_469 = arith.mulf %get3A_205, %mul3A_468 : vector<16xf32>
      %mul3A_470 = vector.broadcast %squeeze3A_452 : f32 to vector<16xf32>
      %mul3A_471 = arith.mulf %get3A_210, %mul3A_470 : vector<16xf32>
      %add3A_472 = arith.addf %mul3A_469, %mul3A_471 : vector<16xf32>
      %mul3A_473 = vector.broadcast %squeeze3A_454 : f32 to vector<16xf32>
      %mul3A_474 = arith.mulf %get3A_215, %mul3A_473 : vector<16xf32>
      %add3A_475 = arith.addf %add3A_472, %mul3A_474 : vector<16xf32>
      %mul3A_476 = vector.broadcast %squeeze3A_456 : f32 to vector<16xf32>
      %mul3A_477 = arith.mulf %get3A_220, %mul3A_476 : vector<16xf32>
      %add3A_478 = arith.addf %add3A_475, %mul3A_477 : vector<16xf32>
      %mul3A_479 = vector.broadcast %squeeze3A_458 : f32 to vector<16xf32>
      %mul3A_480 = arith.mulf %get3A_225, %mul3A_479 : vector<16xf32>
      %add3A_481 = arith.addf %add3A_478, %mul3A_480 : vector<16xf32>
      %mul3A_482 = vector.broadcast %squeeze3A_460 : f32 to vector<16xf32>
      %mul3A_483 = arith.mulf %get3A_230, %mul3A_482 : vector<16xf32>
      %add3A_484 = arith.addf %add3A_481, %mul3A_483 : vector<16xf32>
      %mul3A_485 = vector.broadcast %squeeze3A_462 : f32 to vector<16xf32>
      %mul3A_486 = arith.mulf %get3A_235, %mul3A_485 : vector<16xf32>
      %add3A_487 = arith.addf %add3A_484, %mul3A_486 : vector<16xf32>
      %mul3A_488 = vector.broadcast %squeeze3A_464 : f32 to vector<16xf32>
      %mul3A_489 = arith.mulf %get3A_240, %mul3A_488 : vector<16xf32>
      %add3A_490 = arith.addf %add3A_487, %mul3A_489 : vector<16xf32>
      %gt3A = arith.cmpf ogt, %add3A_490, %scan3A_400 : vector<16xf32>
      %select_n3A = arith.select %gt3A, %add3A_490, %scan3A_400 : vector<16xi1>, vector<16xf32>
      %select_n3A_491 = arith.select %gt3A, %add3A_467, %scan3A_401 : vector<16xi1>, vector<16xi32>
      %mul3A_492 = vector.broadcast %squeeze3A : f32 to vector<16xf32>
      %mul3A_493 = arith.mulf %get3A_245, %mul3A_492 : vector<16xf32>
      %mul3A_494 = vector.broadcast %squeeze3A_452 : f32 to vector<16xf32>
      %mul3A_495 = arith.mulf %get3A_250, %mul3A_494 : vector<16xf32>
      %add3A_496 = arith.addf %mul3A_493, %mul3A_495 : vector<16xf32>
      %mul3A_497 = vector.broadcast %squeeze3A_454 : f32 to vector<16xf32>
      %mul3A_498 = arith.mulf %get3A_255, %mul3A_497 : vector<16xf32>
      %add3A_499 = arith.addf %add3A_496, %mul3A_498 : vector<16xf32>
      %mul3A_500 = vector.broadcast %squeeze3A_456 : f32 to vector<16xf32>
      %mul3A_501 = arith.mulf %get3A_260, %mul3A_500 : vector<16xf32>
      %add3A_502 = arith.addf %add3A_499, %mul3A_501 : vector<16xf32>
      %mul3A_503 = vector.broadcast %squeeze3A_458 : f32 to vector<16xf32>
      %mul3A_504 = arith.mulf %get3A_265, %mul3A_503 : vector<16xf32>
      %add3A_505 = arith.addf %add3A_502, %mul3A_504 : vector<16xf32>
      %mul3A_506 = vector.broadcast %squeeze3A_460 : f32 to vector<16xf32>
      %mul3A_507 = arith.mulf %get3A_270, %mul3A_506 : vector<16xf32>
      %add3A_508 = arith.addf %add3A_505, %mul3A_507 : vector<16xf32>
      %mul3A_509 = vector.broadcast %squeeze3A_462 : f32 to vector<16xf32>
      %mul3A_510 = arith.mulf %get3A_275, %mul3A_509 : vector<16xf32>
      %add3A_511 = arith.addf %add3A_508, %mul3A_510 : vector<16xf32>
      %mul3A_512 = vector.broadcast %squeeze3A_464 : f32 to vector<16xf32>
      %mul3A_513 = arith.mulf %get3A_280, %mul3A_512 : vector<16xf32>
      %add3A_514 = arith.addf %add3A_511, %mul3A_513 : vector<16xf32>
      %gt3A_515 = arith.cmpf ogt, %add3A_514, %scan3A_402 : vector<16xf32>
      %select_n3A_516 = arith.select %gt3A_515, %add3A_514, %scan3A_402 : vector<16xi1>, vector<16xf32>
      %select_n3A_517 = arith.select %gt3A_515, %add3A_467, %scan3A_403 : vector<16xi1>, vector<16xi32>
      %mul3A_518 = vector.broadcast %squeeze3A : f32 to vector<16xf32>
      %mul3A_519 = arith.mulf %get3A_285, %mul3A_518 : vector<16xf32>
      %mul3A_520 = vector.broadcast %squeeze3A_452 : f32 to vector<16xf32>
      %mul3A_521 = arith.mulf %get3A_290, %mul3A_520 : vector<16xf32>
      %add3A_522 = arith.addf %mul3A_519, %mul3A_521 : vector<16xf32>
      %mul3A_523 = vector.broadcast %squeeze3A_454 : f32 to vector<16xf32>
      %mul3A_524 = arith.mulf %get3A_295, %mul3A_523 : vector<16xf32>
      %add3A_525 = arith.addf %add3A_522, %mul3A_524 : vector<16xf32>
      %mul3A_526 = vector.broadcast %squeeze3A_456 : f32 to vector<16xf32>
      %mul3A_527 = arith.mulf %get3A_300, %mul3A_526 : vector<16xf32>
      %add3A_528 = arith.addf %add3A_525, %mul3A_527 : vector<16xf32>
      %mul3A_529 = vector.broadcast %squeeze3A_458 : f32 to vector<16xf32>
      %mul3A_530 = arith.mulf %get3A_305, %mul3A_529 : vector<16xf32>
      %add3A_531 = arith.addf %add3A_528, %mul3A_530 : vector<16xf32>
      %mul3A_532 = vector.broadcast %squeeze3A_460 : f32 to vector<16xf32>
      %mul3A_533 = arith.mulf %get3A_310, %mul3A_532 : vector<16xf32>
      %add3A_534 = arith.addf %add3A_531, %mul3A_533 : vector<16xf32>
      %mul3A_535 = vector.broadcast %squeeze3A_462 : f32 to vector<16xf32>
      %mul3A_536 = arith.mulf %get3A_315, %mul3A_535 : vector<16xf32>
      %add3A_537 = arith.addf %add3A_534, %mul3A_536 : vector<16xf32>
      %mul3A_538 = vector.broadcast %squeeze3A_464 : f32 to vector<16xf32>
      %mul3A_539 = arith.mulf %get3A_320, %mul3A_538 : vector<16xf32>
      %add3A_540 = arith.addf %add3A_537, %mul3A_539 : vector<16xf32>
      %gt3A_541 = arith.cmpf ogt, %add3A_540, %scan3A_404 : vector<16xf32>
      %select_n3A_542 = arith.select %gt3A_541, %add3A_540, %scan3A_404 : vector<16xi1>, vector<16xf32>
      %select_n3A_543 = arith.select %gt3A_541, %add3A_467, %scan3A_405 : vector<16xi1>, vector<16xi32>
      %mul3A_544 = vector.broadcast %squeeze3A : f32 to vector<16xf32>
      %mul3A_545 = arith.mulf %get3A_325, %mul3A_544 : vector<16xf32>
      %mul3A_546 = vector.broadcast %squeeze3A_452 : f32 to vector<16xf32>
      %mul3A_547 = arith.mulf %get3A_330, %mul3A_546 : vector<16xf32>
      %add3A_548 = arith.addf %mul3A_545, %mul3A_547 : vector<16xf32>
      %mul3A_549 = vector.broadcast %squeeze3A_454 : f32 to vector<16xf32>
      %mul3A_550 = arith.mulf %get3A_335, %mul3A_549 : vector<16xf32>
      %add3A_551 = arith.addf %add3A_548, %mul3A_550 : vector<16xf32>
      %mul3A_552 = vector.broadcast %squeeze3A_456 : f32 to vector<16xf32>
      %mul3A_553 = arith.mulf %get3A_340, %mul3A_552 : vector<16xf32>
      %add3A_554 = arith.addf %add3A_551, %mul3A_553 : vector<16xf32>
      %mul3A_555 = vector.broadcast %squeeze3A_458 : f32 to vector<16xf32>
      %mul3A_556 = arith.mulf %get3A_345, %mul3A_555 : vector<16xf32>
      %add3A_557 = arith.addf %add3A_554, %mul3A_556 : vector<16xf32>
      %mul3A_558 = vector.broadcast %squeeze3A_460 : f32 to vector<16xf32>
      %mul3A_559 = arith.mulf %get3A_350, %mul3A_558 : vector<16xf32>
      %add3A_560 = arith.addf %add3A_557, %mul3A_559 : vector<16xf32>
      %mul3A_561 = vector.broadcast %squeeze3A_462 : f32 to vector<16xf32>
      %mul3A_562 = arith.mulf %get3A_355, %mul3A_561 : vector<16xf32>
      %add3A_563 = arith.addf %add3A_560, %mul3A_562 : vector<16xf32>
      %mul3A_564 = vector.broadcast %squeeze3A_464 : f32 to vector<16xf32>
      %mul3A_565 = arith.mulf %get3A_360, %mul3A_564 : vector<16xf32>
      %add3A_566 = arith.addf %add3A_563, %mul3A_565 : vector<16xf32>
      %gt3A_567 = arith.cmpf ogt, %add3A_566, %scan3A_406 : vector<16xf32>
      %select_n3A_568 = arith.select %gt3A_567, %add3A_566, %scan3A_406 : vector<16xi1>, vector<16xf32>
      %select_n3A_569 = arith.select %gt3A_567, %add3A_467, %scan3A_407 : vector<16xi1>, vector<16xi32>
      %slice3A_570 = vector.extract_strided_slice %get3A_414 {offsets = [1], sizes = [1], strides = [1]} : vector<16xf32> to vector<1xf32>
      %squeeze3A_571 = vector.extract %slice3A_570[0] : f32 from vector<1xf32>
      %slice3A_572 = vector.extract_strided_slice %get3A_419 {offsets = [1], sizes = [1], strides = [1]} : vector<16xf32> to vector<1xf32>
      %squeeze3A_573 = vector.extract %slice3A_572[0] : f32 from vector<1xf32>
      %slice3A_574 = vector.extract_strided_slice %get3A_424 {offsets = [1], sizes = [1], strides = [1]} : vector<16xf32> to vector<1xf32>
      %squeeze3A_575 = vector.extract %slice3A_574[0] : f32 from vector<1xf32>
      %slice3A_576 = vector.extract_strided_slice %get3A_429 {offsets = [1], sizes = [1], strides = [1]} : vector<16xf32> to vector<1xf32>
      %squeeze3A_577 = vector.extract %slice3A_576[0] : f32 from vector<1xf32>
      %slice3A_578 = vector.extract_strided_slice %get3A_434 {offsets = [1], sizes = [1], strides = [1]} : vector<16xf32> to vector<1xf32>
      %squeeze3A_579 = vector.extract %slice3A_578[0] : f32 from vector<1xf32>
      %slice3A_580 = vector.extract_strided_slice %get3A_439 {offsets = [1], sizes = [1], strides = [1]} : vector<16xf32> to vector<1xf32>
      %squeeze3A_581 = vector.extract %slice3A_580[0] : f32 from vector<1xf32>
      %slice3A_582 = vector.extract_strided_slice %get3A_444 {offsets = [1], sizes = [1], strides = [1]} : vector<16xf32> to vector<1xf32>
      %squeeze3A_583 = vector.extract %slice3A_582[0] : f32 from vector<1xf32>
      %slice3A_584 = vector.extract_strided_slice %get3A_449 {offsets = [1], sizes = [1], strides = [1]} : vector<16xf32> to vector<1xf32>
      %squeeze3A_585 = vector.extract %slice3A_584[0] : f32 from vector<1xf32>
      %add3A_586 = arith.constant 1 : i32
      %add3A_587 = vector.broadcast %add3A_586 : i32 to vector<16xi32>
      %add3A_588 = arith.addi %broadcast_in_dim3A_450, %add3A_587 : vector<16xi32>
      %mul3A_589 = vector.broadcast %squeeze3A_571 : f32 to vector<16xf32>
      %mul3A_590 = arith.mulf %get3A_205, %mul3A_589 : vector<16xf32>
      %mul3A_591 = vector.broadcast %squeeze3A_573 : f32 to vector<16xf32>
      %mul3A_592 = arith.mulf %get3A_210, %mul3A_591 : vector<16xf32>
      %add3A_593 = arith.addf %mul3A_590, %mul3A_592 : vector<16xf32>
      %mul3A_594 = vector.broadcast %squeeze3A_575 : f32 to vector<16xf32>
      %mul3A_595 = arith.mulf %get3A_215, %mul3A_594 : vector<16xf32>
      %add3A_596 = arith.addf %add3A_593, %mul3A_595 : vector<16xf32>
      %mul3A_597 = vector.broadcast %squeeze3A_577 : f32 to vector<16xf32>
      %mul3A_598 = arith.mulf %get3A_220, %mul3A_597 : vector<16xf32>
      %add3A_599 = arith.addf %add3A_596, %mul3A_598 : vector<16xf32>
      %mul3A_600 = vector.broadcast %squeeze3A_579 : f32 to vector<16xf32>
      %mul3A_601 = arith.mulf %get3A_225, %mul3A_600 : vector<16xf32>
      %add3A_602 = arith.addf %add3A_599, %mul3A_601 : vector<16xf32>
      %mul3A_603 = vector.broadcast %squeeze3A_581 : f32 to vector<16xf32>
      %mul3A_604 = arith.mulf %get3A_230, %mul3A_603 : vector<16xf32>
      %add3A_605 = arith.addf %add3A_602, %mul3A_604 : vector<16xf32>
      %mul3A_606 = vector.broadcast %squeeze3A_583 : f32 to vector<16xf32>
      %mul3A_607 = arith.mulf %get3A_235, %mul3A_606 : vector<16xf32>
      %add3A_608 = arith.addf %add3A_605, %mul3A_607 : vector<16xf32>
      %mul3A_609 = vector.broadcast %squeeze3A_585 : f32 to vector<16xf32>
      %mul3A_610 = arith.mulf %get3A_240, %mul3A_609 : vector<16xf32>
      %add3A_611 = arith.addf %add3A_608, %mul3A_610 : vector<16xf32>
      %gt3A_612 = arith.cmpf ogt, %add3A_611, %select_n3A : vector<16xf32>
      %select_n3A_613 = arith.select %gt3A_612, %add3A_611, %select_n3A : vector<16xi1>, vector<16xf32>
      %select_n3A_614 = arith.select %gt3A_612, %add3A_588, %select_n3A_491 : vector<16xi1>, vector<16xi32>
      %mul3A_615 = vector.broadcast %squeeze3A_571 : f32 to vector<16xf32>
      %mul3A_616 = arith.mulf %get3A_245, %mul3A_615 : vector<16xf32>
      %mul3A_617 = vector.broadcast %squeeze3A_573 : f32 to vector<16xf32>
      %mul3A_618 = arith.mulf %get3A_250, %mul3A_617 : vector<16xf32>
      %add3A_619 = arith.addf %mul3A_616, %mul3A_618 : vector<16xf32>
      %mul3A_620 = vector.broadcast %squeeze3A_575 : f32 to vector<16xf32>
      %mul3A_621 = arith.mulf %get3A_255, %mul3A_620 : vector<16xf32>
      %add3A_622 = arith.addf %add3A_619, %mul3A_621 : vector<16xf32>
      %mul3A_623 = vector.broadcast %squeeze3A_577 : f32 to vector<16xf32>
      %mul3A_624 = arith.mulf %get3A_260, %mul3A_623 : vector<16xf32>
      %add3A_625 = arith.addf %add3A_622, %mul3A_624 : vector<16xf32>
      %mul3A_626 = vector.broadcast %squeeze3A_579 : f32 to vector<16xf32>
      %mul3A_627 = arith.mulf %get3A_265, %mul3A_626 : vector<16xf32>
      %add3A_628 = arith.addf %add3A_625, %mul3A_627 : vector<16xf32>
      %mul3A_629 = vector.broadcast %squeeze3A_581 : f32 to vector<16xf32>
      %mul3A_630 = arith.mulf %get3A_270, %mul3A_629 : vector<16xf32>
      %add3A_631 = arith.addf %add3A_628, %mul3A_630 : vector<16xf32>
      %mul3A_632 = vector.broadcast %squeeze3A_583 : f32 to vector<16xf32>
      %mul3A_633 = arith.mulf %get3A_275, %mul3A_632 : vector<16xf32>
      %add3A_634 = arith.addf %add3A_631, %mul3A_633 : vector<16xf32>
      %mul3A_635 = vector.broadcast %squeeze3A_585 : f32 to vector<16xf32>
      %mul3A_636 = arith.mulf %get3A_280, %mul3A_635 : vector<16xf32>
      %add3A_637 = arith.addf %add3A_634, %mul3A_636 : vector<16xf32>
      %gt3A_638 = arith.cmpf ogt, %add3A_637, %select_n3A_516 : vector<16xf32>
      %select_n3A_639 = arith.select %gt3A_638, %add3A_637, %select_n3A_516 : vector<16xi1>, vector<16xf32>
      %select_n3A_640 = arith.select %gt3A_638, %add3A_588, %select_n3A_517 : vector<16xi1>, vector<16xi32>
      %mul3A_641 = vector.broadcast %squeeze3A_571 : f32 to vector<16xf32>
      %mul3A_642 = arith.mulf %get3A_285, %mul3A_641 : vector<16xf32>
      %mul3A_643 = vector.broadcast %squeeze3A_573 : f32 to vector<16xf32>
      %mul3A_644 = arith.mulf %get3A_290, %mul3A_643 : vector<16xf32>
      %add3A_645 = arith.addf %mul3A_642, %mul3A_644 : vector<16xf32>
      %mul3A_646 = vector.broadcast %squeeze3A_575 : f32 to vector<16xf32>
      %mul3A_647 = arith.mulf %get3A_295, %mul3A_646 : vector<16xf32>
      %add3A_648 = arith.addf %add3A_645, %mul3A_647 : vector<16xf32>
      %mul3A_649 = vector.broadcast %squeeze3A_577 : f32 to vector<16xf32>
      %mul3A_650 = arith.mulf %get3A_300, %mul3A_649 : vector<16xf32>
      %add3A_651 = arith.addf %add3A_648, %mul3A_650 : vector<16xf32>
      %mul3A_652 = vector.broadcast %squeeze3A_579 : f32 to vector<16xf32>
      %mul3A_653 = arith.mulf %get3A_305, %mul3A_652 : vector<16xf32>
      %add3A_654 = arith.addf %add3A_651, %mul3A_653 : vector<16xf32>
      %mul3A_655 = vector.broadcast %squeeze3A_581 : f32 to vector<16xf32>
      %mul3A_656 = arith.mulf %get3A_310, %mul3A_655 : vector<16xf32>
      %add3A_657 = arith.addf %add3A_654, %mul3A_656 : vector<16xf32>
      %mul3A_658 = vector.broadcast %squeeze3A_583 : f32 to vector<16xf32>
      %mul3A_659 = arith.mulf %get3A_315, %mul3A_658 : vector<16xf32>
      %add3A_660 = arith.addf %add3A_657, %mul3A_659 : vector<16xf32>
      %mul3A_661 = vector.broadcast %squeeze3A_585 : f32 to vector<16xf32>
      %mul3A_662 = arith.mulf %get3A_320, %mul3A_661 : vector<16xf32>
      %add3A_663 = arith.addf %add3A_660, %mul3A_662 : vector<16xf32>
      %gt3A_664 = arith.cmpf ogt, %add3A_663, %select_n3A_542 : vector<16xf32>
      %select_n3A_665 = arith.select %gt3A_664, %add3A_663, %select_n3A_542 : vector<16xi1>, vector<16xf32>
      %select_n3A_666 = arith.select %gt3A_664, %add3A_588, %select_n3A_543 : vector<16xi1>, vector<16xi32>
      %mul3A_667 = vector.broadcast %squeeze3A_571 : f32 to vector<16xf32>
      %mul3A_668 = arith.mulf %get3A_325, %mul3A_667 : vector<16xf32>
      %mul3A_669 = vector.broadcast %squeeze3A_573 : f32 to vector<16xf32>
      %mul3A_670 = arith.mulf %get3A_330, %mul3A_669 : vector<16xf32>
      %add3A_671 = arith.addf %mul3A_668, %mul3A_670 : vector<16xf32>
      %mul3A_672 = vector.broadcast %squeeze3A_575 : f32 to vector<16xf32>
      %mul3A_673 = arith.mulf %get3A_335, %mul3A_672 : vector<16xf32>
      %add3A_674 = arith.addf %add3A_671, %mul3A_673 : vector<16xf32>
      %mul3A_675 = vector.broadcast %squeeze3A_577 : f32 to vector<16xf32>
      %mul3A_676 = arith.mulf %get3A_340, %mul3A_675 : vector<16xf32>
      %add3A_677 = arith.addf %add3A_674, %mul3A_676 : vector<16xf32>
      %mul3A_678 = vector.broadcast %squeeze3A_579 : f32 to vector<16xf32>
      %mul3A_679 = arith.mulf %get3A_345, %mul3A_678 : vector<16xf32>
      %add3A_680 = arith.addf %add3A_677, %mul3A_679 : vector<16xf32>
      %mul3A_681 = vector.broadcast %squeeze3A_581 : f32 to vector<16xf32>
      %mul3A_682 = arith.mulf %get3A_350, %mul3A_681 : vector<16xf32>
      %add3A_683 = arith.addf %add3A_680, %mul3A_682 : vector<16xf32>
      %mul3A_684 = vector.broadcast %squeeze3A_583 : f32 to vector<16xf32>
      %mul3A_685 = arith.mulf %get3A_355, %mul3A_684 : vector<16xf32>
      %add3A_686 = arith.addf %add3A_683, %mul3A_685 : vector<16xf32>
      %mul3A_687 = vector.broadcast %squeeze3A_585 : f32 to vector<16xf32>
      %mul3A_688 = arith.mulf %get3A_360, %mul3A_687 : vector<16xf32>
      %add3A_689 = arith.addf %add3A_686, %mul3A_688 : vector<16xf32>
      %gt3A_690 = arith.cmpf ogt, %add3A_689, %select_n3A_568 : vector<16xf32>
      %select_n3A_691 = arith.select %gt3A_690, %add3A_689, %select_n3A_568 : vector<16xi1>, vector<16xf32>
      %select_n3A_692 = arith.select %gt3A_690, %add3A_588, %select_n3A_569 : vector<16xi1>, vector<16xi32>
      %slice3A_693 = vector.extract_strided_slice %get3A_414 {offsets = [2], sizes = [1], strides = [1]} : vector<16xf32> to vector<1xf32>
      %squeeze3A_694 = vector.extract %slice3A_693[0] : f32 from vector<1xf32>
      %slice3A_695 = vector.extract_strided_slice %get3A_419 {offsets = [2], sizes = [1], strides = [1]} : vector<16xf32> to vector<1xf32>
      %squeeze3A_696 = vector.extract %slice3A_695[0] : f32 from vector<1xf32>
      %slice3A_697 = vector.extract_strided_slice %get3A_424 {offsets = [2], sizes = [1], strides = [1]} : vector<16xf32> to vector<1xf32>
      %squeeze3A_698 = vector.extract %slice3A_697[0] : f32 from vector<1xf32>
      %slice3A_699 = vector.extract_strided_slice %get3A_429 {offsets = [2], sizes = [1], strides = [1]} : vector<16xf32> to vector<1xf32>
      %squeeze3A_700 = vector.extract %slice3A_699[0] : f32 from vector<1xf32>
      %slice3A_701 = vector.extract_strided_slice %get3A_434 {offsets = [2], sizes = [1], strides = [1]} : vector<16xf32> to vector<1xf32>
      %squeeze3A_702 = vector.extract %slice3A_701[0] : f32 from vector<1xf32>
      %slice3A_703 = vector.extract_strided_slice %get3A_439 {offsets = [2], sizes = [1], strides = [1]} : vector<16xf32> to vector<1xf32>
      %squeeze3A_704 = vector.extract %slice3A_703[0] : f32 from vector<1xf32>
      %slice3A_705 = vector.extract_strided_slice %get3A_444 {offsets = [2], sizes = [1], strides = [1]} : vector<16xf32> to vector<1xf32>
      %squeeze3A_706 = vector.extract %slice3A_705[0] : f32 from vector<1xf32>
      %slice3A_707 = vector.extract_strided_slice %get3A_449 {offsets = [2], sizes = [1], strides = [1]} : vector<16xf32> to vector<1xf32>
      %squeeze3A_708 = vector.extract %slice3A_707[0] : f32 from vector<1xf32>
      %add3A_709 = arith.constant 2 : i32
      %add3A_710 = vector.broadcast %add3A_709 : i32 to vector<16xi32>
      %add3A_711 = arith.addi %broadcast_in_dim3A_450, %add3A_710 : vector<16xi32>
      %mul3A_712 = vector.broadcast %squeeze3A_694 : f32 to vector<16xf32>
      %mul3A_713 = arith.mulf %get3A_205, %mul3A_712 : vector<16xf32>
      %mul3A_714 = vector.broadcast %squeeze3A_696 : f32 to vector<16xf32>
      %mul3A_715 = arith.mulf %get3A_210, %mul3A_714 : vector<16xf32>
      %add3A_716 = arith.addf %mul3A_713, %mul3A_715 : vector<16xf32>
      %mul3A_717 = vector.broadcast %squeeze3A_698 : f32 to vector<16xf32>
      %mul3A_718 = arith.mulf %get3A_215, %mul3A_717 : vector<16xf32>
      %add3A_719 = arith.addf %add3A_716, %mul3A_718 : vector<16xf32>
      %mul3A_720 = vector.broadcast %squeeze3A_700 : f32 to vector<16xf32>
      %mul3A_721 = arith.mulf %get3A_220, %mul3A_720 : vector<16xf32>
      %add3A_722 = arith.addf %add3A_719, %mul3A_721 : vector<16xf32>
      %mul3A_723 = vector.broadcast %squeeze3A_702 : f32 to vector<16xf32>
      %mul3A_724 = arith.mulf %get3A_225, %mul3A_723 : vector<16xf32>
      %add3A_725 = arith.addf %add3A_722, %mul3A_724 : vector<16xf32>
      %mul3A_726 = vector.broadcast %squeeze3A_704 : f32 to vector<16xf32>
      %mul3A_727 = arith.mulf %get3A_230, %mul3A_726 : vector<16xf32>
      %add3A_728 = arith.addf %add3A_725, %mul3A_727 : vector<16xf32>
      %mul3A_729 = vector.broadcast %squeeze3A_706 : f32 to vector<16xf32>
      %mul3A_730 = arith.mulf %get3A_235, %mul3A_729 : vector<16xf32>
      %add3A_731 = arith.addf %add3A_728, %mul3A_730 : vector<16xf32>
      %mul3A_732 = vector.broadcast %squeeze3A_708 : f32 to vector<16xf32>
      %mul3A_733 = arith.mulf %get3A_240, %mul3A_732 : vector<16xf32>
      %add3A_734 = arith.addf %add3A_731, %mul3A_733 : vector<16xf32>
      %gt3A_735 = arith.cmpf ogt, %add3A_734, %select_n3A_613 : vector<16xf32>
      %select_n3A_736 = arith.select %gt3A_735, %add3A_734, %select_n3A_613 : vector<16xi1>, vector<16xf32>
      %select_n3A_737 = arith.select %gt3A_735, %add3A_711, %select_n3A_614 : vector<16xi1>, vector<16xi32>
      %mul3A_738 = vector.broadcast %squeeze3A_694 : f32 to vector<16xf32>
      %mul3A_739 = arith.mulf %get3A_245, %mul3A_738 : vector<16xf32>
      %mul3A_740 = vector.broadcast %squeeze3A_696 : f32 to vector<16xf32>
      %mul3A_741 = arith.mulf %get3A_250, %mul3A_740 : vector<16xf32>
      %add3A_742 = arith.addf %mul3A_739, %mul3A_741 : vector<16xf32>
      %mul3A_743 = vector.broadcast %squeeze3A_698 : f32 to vector<16xf32>
      %mul3A_744 = arith.mulf %get3A_255, %mul3A_743 : vector<16xf32>
      %add3A_745 = arith.addf %add3A_742, %mul3A_744 : vector<16xf32>
      %mul3A_746 = vector.broadcast %squeeze3A_700 : f32 to vector<16xf32>
      %mul3A_747 = arith.mulf %get3A_260, %mul3A_746 : vector<16xf32>
      %add3A_748 = arith.addf %add3A_745, %mul3A_747 : vector<16xf32>
      %mul3A_749 = vector.broadcast %squeeze3A_702 : f32 to vector<16xf32>
      %mul3A_750 = arith.mulf %get3A_265, %mul3A_749 : vector<16xf32>
      %add3A_751 = arith.addf %add3A_748, %mul3A_750 : vector<16xf32>
      %mul3A_752 = vector.broadcast %squeeze3A_704 : f32 to vector<16xf32>
      %mul3A_753 = arith.mulf %get3A_270, %mul3A_752 : vector<16xf32>
      %add3A_754 = arith.addf %add3A_751, %mul3A_753 : vector<16xf32>
      %mul3A_755 = vector.broadcast %squeeze3A_706 : f32 to vector<16xf32>
      %mul3A_756 = arith.mulf %get3A_275, %mul3A_755 : vector<16xf32>
      %add3A_757 = arith.addf %add3A_754, %mul3A_756 : vector<16xf32>
      %mul3A_758 = vector.broadcast %squeeze3A_708 : f32 to vector<16xf32>
      %mul3A_759 = arith.mulf %get3A_280, %mul3A_758 : vector<16xf32>
      %add3A_760 = arith.addf %add3A_757, %mul3A_759 : vector<16xf32>
      %gt3A_761 = arith.cmpf ogt, %add3A_760, %select_n3A_639 : vector<16xf32>
      %select_n3A_762 = arith.select %gt3A_761, %add3A_760, %select_n3A_639 : vector<16xi1>, vector<16xf32>
      %select_n3A_763 = arith.select %gt3A_761, %add3A_711, %select_n3A_640 : vector<16xi1>, vector<16xi32>
      %mul3A_764 = vector.broadcast %squeeze3A_694 : f32 to vector<16xf32>
      %mul3A_765 = arith.mulf %get3A_285, %mul3A_764 : vector<16xf32>
      %mul3A_766 = vector.broadcast %squeeze3A_696 : f32 to vector<16xf32>
      %mul3A_767 = arith.mulf %get3A_290, %mul3A_766 : vector<16xf32>
      %add3A_768 = arith.addf %mul3A_765, %mul3A_767 : vector<16xf32>
      %mul3A_769 = vector.broadcast %squeeze3A_698 : f32 to vector<16xf32>
      %mul3A_770 = arith.mulf %get3A_295, %mul3A_769 : vector<16xf32>
      %add3A_771 = arith.addf %add3A_768, %mul3A_770 : vector<16xf32>
      %mul3A_772 = vector.broadcast %squeeze3A_700 : f32 to vector<16xf32>
      %mul3A_773 = arith.mulf %get3A_300, %mul3A_772 : vector<16xf32>
      %add3A_774 = arith.addf %add3A_771, %mul3A_773 : vector<16xf32>
      %mul3A_775 = vector.broadcast %squeeze3A_702 : f32 to vector<16xf32>
      %mul3A_776 = arith.mulf %get3A_305, %mul3A_775 : vector<16xf32>
      %add3A_777 = arith.addf %add3A_774, %mul3A_776 : vector<16xf32>
      %mul3A_778 = vector.broadcast %squeeze3A_704 : f32 to vector<16xf32>
      %mul3A_779 = arith.mulf %get3A_310, %mul3A_778 : vector<16xf32>
      %add3A_780 = arith.addf %add3A_777, %mul3A_779 : vector<16xf32>
      %mul3A_781 = vector.broadcast %squeeze3A_706 : f32 to vector<16xf32>
      %mul3A_782 = arith.mulf %get3A_315, %mul3A_781 : vector<16xf32>
      %add3A_783 = arith.addf %add3A_780, %mul3A_782 : vector<16xf32>
      %mul3A_784 = vector.broadcast %squeeze3A_708 : f32 to vector<16xf32>
      %mul3A_785 = arith.mulf %get3A_320, %mul3A_784 : vector<16xf32>
      %add3A_786 = arith.addf %add3A_783, %mul3A_785 : vector<16xf32>
      %gt3A_787 = arith.cmpf ogt, %add3A_786, %select_n3A_665 : vector<16xf32>
      %select_n3A_788 = arith.select %gt3A_787, %add3A_786, %select_n3A_665 : vector<16xi1>, vector<16xf32>
      %select_n3A_789 = arith.select %gt3A_787, %add3A_711, %select_n3A_666 : vector<16xi1>, vector<16xi32>
      %mul3A_790 = vector.broadcast %squeeze3A_694 : f32 to vector<16xf32>
      %mul3A_791 = arith.mulf %get3A_325, %mul3A_790 : vector<16xf32>
      %mul3A_792 = vector.broadcast %squeeze3A_696 : f32 to vector<16xf32>
      %mul3A_793 = arith.mulf %get3A_330, %mul3A_792 : vector<16xf32>
      %add3A_794 = arith.addf %mul3A_791, %mul3A_793 : vector<16xf32>
      %mul3A_795 = vector.broadcast %squeeze3A_698 : f32 to vector<16xf32>
      %mul3A_796 = arith.mulf %get3A_335, %mul3A_795 : vector<16xf32>
      %add3A_797 = arith.addf %add3A_794, %mul3A_796 : vector<16xf32>
      %mul3A_798 = vector.broadcast %squeeze3A_700 : f32 to vector<16xf32>
      %mul3A_799 = arith.mulf %get3A_340, %mul3A_798 : vector<16xf32>
      %add3A_800 = arith.addf %add3A_797, %mul3A_799 : vector<16xf32>
      %mul3A_801 = vector.broadcast %squeeze3A_702 : f32 to vector<16xf32>
      %mul3A_802 = arith.mulf %get3A_345, %mul3A_801 : vector<16xf32>
      %add3A_803 = arith.addf %add3A_800, %mul3A_802 : vector<16xf32>
      %mul3A_804 = vector.broadcast %squeeze3A_704 : f32 to vector<16xf32>
      %mul3A_805 = arith.mulf %get3A_350, %mul3A_804 : vector<16xf32>
      %add3A_806 = arith.addf %add3A_803, %mul3A_805 : vector<16xf32>
      %mul3A_807 = vector.broadcast %squeeze3A_706 : f32 to vector<16xf32>
      %mul3A_808 = arith.mulf %get3A_355, %mul3A_807 : vector<16xf32>
      %add3A_809 = arith.addf %add3A_806, %mul3A_808 : vector<16xf32>
      %mul3A_810 = vector.broadcast %squeeze3A_708 : f32 to vector<16xf32>
      %mul3A_811 = arith.mulf %get3A_360, %mul3A_810 : vector<16xf32>
      %add3A_812 = arith.addf %add3A_809, %mul3A_811 : vector<16xf32>
      %gt3A_813 = arith.cmpf ogt, %add3A_812, %select_n3A_691 : vector<16xf32>
      %select_n3A_814 = arith.select %gt3A_813, %add3A_812, %select_n3A_691 : vector<16xi1>, vector<16xf32>
      %select_n3A_815 = arith.select %gt3A_813, %add3A_711, %select_n3A_692 : vector<16xi1>, vector<16xi32>
      %slice3A_816 = vector.extract_strided_slice %get3A_414 {offsets = [3], sizes = [1], strides = [1]} : vector<16xf32> to vector<1xf32>
      %squeeze3A_817 = vector.extract %slice3A_816[0] : f32 from vector<1xf32>
      %slice3A_818 = vector.extract_strided_slice %get3A_419 {offsets = [3], sizes = [1], strides = [1]} : vector<16xf32> to vector<1xf32>
      %squeeze3A_819 = vector.extract %slice3A_818[0] : f32 from vector<1xf32>
      %slice3A_820 = vector.extract_strided_slice %get3A_424 {offsets = [3], sizes = [1], strides = [1]} : vector<16xf32> to vector<1xf32>
      %squeeze3A_821 = vector.extract %slice3A_820[0] : f32 from vector<1xf32>
      %slice3A_822 = vector.extract_strided_slice %get3A_429 {offsets = [3], sizes = [1], strides = [1]} : vector<16xf32> to vector<1xf32>
      %squeeze3A_823 = vector.extract %slice3A_822[0] : f32 from vector<1xf32>
      %slice3A_824 = vector.extract_strided_slice %get3A_434 {offsets = [3], sizes = [1], strides = [1]} : vector<16xf32> to vector<1xf32>
      %squeeze3A_825 = vector.extract %slice3A_824[0] : f32 from vector<1xf32>
      %slice3A_826 = vector.extract_strided_slice %get3A_439 {offsets = [3], sizes = [1], strides = [1]} : vector<16xf32> to vector<1xf32>
      %squeeze3A_827 = vector.extract %slice3A_826[0] : f32 from vector<1xf32>
      %slice3A_828 = vector.extract_strided_slice %get3A_444 {offsets = [3], sizes = [1], strides = [1]} : vector<16xf32> to vector<1xf32>
      %squeeze3A_829 = vector.extract %slice3A_828[0] : f32 from vector<1xf32>
      %slice3A_830 = vector.extract_strided_slice %get3A_449 {offsets = [3], sizes = [1], strides = [1]} : vector<16xf32> to vector<1xf32>
      %squeeze3A_831 = vector.extract %slice3A_830[0] : f32 from vector<1xf32>
      %add3A_832 = arith.constant 3 : i32
      %add3A_833 = vector.broadcast %add3A_832 : i32 to vector<16xi32>
      %add3A_834 = arith.addi %broadcast_in_dim3A_450, %add3A_833 : vector<16xi32>
      %mul3A_835 = vector.broadcast %squeeze3A_817 : f32 to vector<16xf32>
      %mul3A_836 = arith.mulf %get3A_205, %mul3A_835 : vector<16xf32>
      %mul3A_837 = vector.broadcast %squeeze3A_819 : f32 to vector<16xf32>
      %mul3A_838 = arith.mulf %get3A_210, %mul3A_837 : vector<16xf32>
      %add3A_839 = arith.addf %mul3A_836, %mul3A_838 : vector<16xf32>
      %mul3A_840 = vector.broadcast %squeeze3A_821 : f32 to vector<16xf32>
      %mul3A_841 = arith.mulf %get3A_215, %mul3A_840 : vector<16xf32>
      %add3A_842 = arith.addf %add3A_839, %mul3A_841 : vector<16xf32>
      %mul3A_843 = vector.broadcast %squeeze3A_823 : f32 to vector<16xf32>
      %mul3A_844 = arith.mulf %get3A_220, %mul3A_843 : vector<16xf32>
      %add3A_845 = arith.addf %add3A_842, %mul3A_844 : vector<16xf32>
      %mul3A_846 = vector.broadcast %squeeze3A_825 : f32 to vector<16xf32>
      %mul3A_847 = arith.mulf %get3A_225, %mul3A_846 : vector<16xf32>
      %add3A_848 = arith.addf %add3A_845, %mul3A_847 : vector<16xf32>
      %mul3A_849 = vector.broadcast %squeeze3A_827 : f32 to vector<16xf32>
      %mul3A_850 = arith.mulf %get3A_230, %mul3A_849 : vector<16xf32>
      %add3A_851 = arith.addf %add3A_848, %mul3A_850 : vector<16xf32>
      %mul3A_852 = vector.broadcast %squeeze3A_829 : f32 to vector<16xf32>
      %mul3A_853 = arith.mulf %get3A_235, %mul3A_852 : vector<16xf32>
      %add3A_854 = arith.addf %add3A_851, %mul3A_853 : vector<16xf32>
      %mul3A_855 = vector.broadcast %squeeze3A_831 : f32 to vector<16xf32>
      %mul3A_856 = arith.mulf %get3A_240, %mul3A_855 : vector<16xf32>
      %add3A_857 = arith.addf %add3A_854, %mul3A_856 : vector<16xf32>
      %gt3A_858 = arith.cmpf ogt, %add3A_857, %select_n3A_736 : vector<16xf32>
      %select_n3A_859 = arith.select %gt3A_858, %add3A_857, %select_n3A_736 : vector<16xi1>, vector<16xf32>
      %select_n3A_860 = arith.select %gt3A_858, %add3A_834, %select_n3A_737 : vector<16xi1>, vector<16xi32>
      %mul3A_861 = vector.broadcast %squeeze3A_817 : f32 to vector<16xf32>
      %mul3A_862 = arith.mulf %get3A_245, %mul3A_861 : vector<16xf32>
      %mul3A_863 = vector.broadcast %squeeze3A_819 : f32 to vector<16xf32>
      %mul3A_864 = arith.mulf %get3A_250, %mul3A_863 : vector<16xf32>
      %add3A_865 = arith.addf %mul3A_862, %mul3A_864 : vector<16xf32>
      %mul3A_866 = vector.broadcast %squeeze3A_821 : f32 to vector<16xf32>
      %mul3A_867 = arith.mulf %get3A_255, %mul3A_866 : vector<16xf32>
      %add3A_868 = arith.addf %add3A_865, %mul3A_867 : vector<16xf32>
      %mul3A_869 = vector.broadcast %squeeze3A_823 : f32 to vector<16xf32>
      %mul3A_870 = arith.mulf %get3A_260, %mul3A_869 : vector<16xf32>
      %add3A_871 = arith.addf %add3A_868, %mul3A_870 : vector<16xf32>
      %mul3A_872 = vector.broadcast %squeeze3A_825 : f32 to vector<16xf32>
      %mul3A_873 = arith.mulf %get3A_265, %mul3A_872 : vector<16xf32>
      %add3A_874 = arith.addf %add3A_871, %mul3A_873 : vector<16xf32>
      %mul3A_875 = vector.broadcast %squeeze3A_827 : f32 to vector<16xf32>
      %mul3A_876 = arith.mulf %get3A_270, %mul3A_875 : vector<16xf32>
      %add3A_877 = arith.addf %add3A_874, %mul3A_876 : vector<16xf32>
      %mul3A_878 = vector.broadcast %squeeze3A_829 : f32 to vector<16xf32>
      %mul3A_879 = arith.mulf %get3A_275, %mul3A_878 : vector<16xf32>
      %add3A_880 = arith.addf %add3A_877, %mul3A_879 : vector<16xf32>
      %mul3A_881 = vector.broadcast %squeeze3A_831 : f32 to vector<16xf32>
      %mul3A_882 = arith.mulf %get3A_280, %mul3A_881 : vector<16xf32>
      %add3A_883 = arith.addf %add3A_880, %mul3A_882 : vector<16xf32>
      %gt3A_884 = arith.cmpf ogt, %add3A_883, %select_n3A_762 : vector<16xf32>
      %select_n3A_885 = arith.select %gt3A_884, %add3A_883, %select_n3A_762 : vector<16xi1>, vector<16xf32>
      %select_n3A_886 = arith.select %gt3A_884, %add3A_834, %select_n3A_763 : vector<16xi1>, vector<16xi32>
      %mul3A_887 = vector.broadcast %squeeze3A_817 : f32 to vector<16xf32>
      %mul3A_888 = arith.mulf %get3A_285, %mul3A_887 : vector<16xf32>
      %mul3A_889 = vector.broadcast %squeeze3A_819 : f32 to vector<16xf32>
      %mul3A_890 = arith.mulf %get3A_290, %mul3A_889 : vector<16xf32>
      %add3A_891 = arith.addf %mul3A_888, %mul3A_890 : vector<16xf32>
      %mul3A_892 = vector.broadcast %squeeze3A_821 : f32 to vector<16xf32>
      %mul3A_893 = arith.mulf %get3A_295, %mul3A_892 : vector<16xf32>
      %add3A_894 = arith.addf %add3A_891, %mul3A_893 : vector<16xf32>
      %mul3A_895 = vector.broadcast %squeeze3A_823 : f32 to vector<16xf32>
      %mul3A_896 = arith.mulf %get3A_300, %mul3A_895 : vector<16xf32>
      %add3A_897 = arith.addf %add3A_894, %mul3A_896 : vector<16xf32>
      %mul3A_898 = vector.broadcast %squeeze3A_825 : f32 to vector<16xf32>
      %mul3A_899 = arith.mulf %get3A_305, %mul3A_898 : vector<16xf32>
      %add3A_900 = arith.addf %add3A_897, %mul3A_899 : vector<16xf32>
      %mul3A_901 = vector.broadcast %squeeze3A_827 : f32 to vector<16xf32>
      %mul3A_902 = arith.mulf %get3A_310, %mul3A_901 : vector<16xf32>
      %add3A_903 = arith.addf %add3A_900, %mul3A_902 : vector<16xf32>
      %mul3A_904 = vector.broadcast %squeeze3A_829 : f32 to vector<16xf32>
      %mul3A_905 = arith.mulf %get3A_315, %mul3A_904 : vector<16xf32>
      %add3A_906 = arith.addf %add3A_903, %mul3A_905 : vector<16xf32>
      %mul3A_907 = vector.broadcast %squeeze3A_831 : f32 to vector<16xf32>
      %mul3A_908 = arith.mulf %get3A_320, %mul3A_907 : vector<16xf32>
      %add3A_909 = arith.addf %add3A_906, %mul3A_908 : vector<16xf32>
      %gt3A_910 = arith.cmpf ogt, %add3A_909, %select_n3A_788 : vector<16xf32>
      %select_n3A_911 = arith.select %gt3A_910, %add3A_909, %select_n3A_788 : vector<16xi1>, vector<16xf32>
      %select_n3A_912 = arith.select %gt3A_910, %add3A_834, %select_n3A_789 : vector<16xi1>, vector<16xi32>
      %mul3A_913 = vector.broadcast %squeeze3A_817 : f32 to vector<16xf32>
      %mul3A_914 = arith.mulf %get3A_325, %mul3A_913 : vector<16xf32>
      %mul3A_915 = vector.broadcast %squeeze3A_819 : f32 to vector<16xf32>
      %mul3A_916 = arith.mulf %get3A_330, %mul3A_915 : vector<16xf32>
      %add3A_917 = arith.addf %mul3A_914, %mul3A_916 : vector<16xf32>
      %mul3A_918 = vector.broadcast %squeeze3A_821 : f32 to vector<16xf32>
      %mul3A_919 = arith.mulf %get3A_335, %mul3A_918 : vector<16xf32>
      %add3A_920 = arith.addf %add3A_917, %mul3A_919 : vector<16xf32>
      %mul3A_921 = vector.broadcast %squeeze3A_823 : f32 to vector<16xf32>
      %mul3A_922 = arith.mulf %get3A_340, %mul3A_921 : vector<16xf32>
      %add3A_923 = arith.addf %add3A_920, %mul3A_922 : vector<16xf32>
      %mul3A_924 = vector.broadcast %squeeze3A_825 : f32 to vector<16xf32>
      %mul3A_925 = arith.mulf %get3A_345, %mul3A_924 : vector<16xf32>
      %add3A_926 = arith.addf %add3A_923, %mul3A_925 : vector<16xf32>
      %mul3A_927 = vector.broadcast %squeeze3A_827 : f32 to vector<16xf32>
      %mul3A_928 = arith.mulf %get3A_350, %mul3A_927 : vector<16xf32>
      %add3A_929 = arith.addf %add3A_926, %mul3A_928 : vector<16xf32>
      %mul3A_930 = vector.broadcast %squeeze3A_829 : f32 to vector<16xf32>
      %mul3A_931 = arith.mulf %get3A_355, %mul3A_930 : vector<16xf32>
      %add3A_932 = arith.addf %add3A_929, %mul3A_931 : vector<16xf32>
      %mul3A_933 = vector.broadcast %squeeze3A_831 : f32 to vector<16xf32>
      %mul3A_934 = arith.mulf %get3A_360, %mul3A_933 : vector<16xf32>
      %add3A_935 = arith.addf %add3A_932, %mul3A_934 : vector<16xf32>
      %gt3A_936 = arith.cmpf ogt, %add3A_935, %select_n3A_814 : vector<16xf32>
      %select_n3A_937 = arith.select %gt3A_936, %add3A_935, %select_n3A_814 : vector<16xi1>, vector<16xf32>
      %select_n3A_938 = arith.select %gt3A_936, %add3A_834, %select_n3A_815 : vector<16xi1>, vector<16xi32>
      %slice3A_939 = vector.extract_strided_slice %get3A_414 {offsets = [4], sizes = [1], strides = [1]} : vector<16xf32> to vector<1xf32>
      %squeeze3A_940 = vector.extract %slice3A_939[0] : f32 from vector<1xf32>
      %slice3A_941 = vector.extract_strided_slice %get3A_419 {offsets = [4], sizes = [1], strides = [1]} : vector<16xf32> to vector<1xf32>
      %squeeze3A_942 = vector.extract %slice3A_941[0] : f32 from vector<1xf32>
      %slice3A_943 = vector.extract_strided_slice %get3A_424 {offsets = [4], sizes = [1], strides = [1]} : vector<16xf32> to vector<1xf32>
      %squeeze3A_944 = vector.extract %slice3A_943[0] : f32 from vector<1xf32>
      %slice3A_945 = vector.extract_strided_slice %get3A_429 {offsets = [4], sizes = [1], strides = [1]} : vector<16xf32> to vector<1xf32>
      %squeeze3A_946 = vector.extract %slice3A_945[0] : f32 from vector<1xf32>
      %slice3A_947 = vector.extract_strided_slice %get3A_434 {offsets = [4], sizes = [1], strides = [1]} : vector<16xf32> to vector<1xf32>
      %squeeze3A_948 = vector.extract %slice3A_947[0] : f32 from vector<1xf32>
      %slice3A_949 = vector.extract_strided_slice %get3A_439 {offsets = [4], sizes = [1], strides = [1]} : vector<16xf32> to vector<1xf32>
      %squeeze3A_950 = vector.extract %slice3A_949[0] : f32 from vector<1xf32>
      %slice3A_951 = vector.extract_strided_slice %get3A_444 {offsets = [4], sizes = [1], strides = [1]} : vector<16xf32> to vector<1xf32>
      %squeeze3A_952 = vector.extract %slice3A_951[0] : f32 from vector<1xf32>
      %slice3A_953 = vector.extract_strided_slice %get3A_449 {offsets = [4], sizes = [1], strides = [1]} : vector<16xf32> to vector<1xf32>
      %squeeze3A_954 = vector.extract %slice3A_953[0] : f32 from vector<1xf32>
      %add3A_955 = arith.constant 4 : i32
      %add3A_956 = vector.broadcast %add3A_955 : i32 to vector<16xi32>
      %add3A_957 = arith.addi %broadcast_in_dim3A_450, %add3A_956 : vector<16xi32>
      %mul3A_958 = vector.broadcast %squeeze3A_940 : f32 to vector<16xf32>
      %mul3A_959 = arith.mulf %get3A_205, %mul3A_958 : vector<16xf32>
      %mul3A_960 = vector.broadcast %squeeze3A_942 : f32 to vector<16xf32>
      %mul3A_961 = arith.mulf %get3A_210, %mul3A_960 : vector<16xf32>
      %add3A_962 = arith.addf %mul3A_959, %mul3A_961 : vector<16xf32>
      %mul3A_963 = vector.broadcast %squeeze3A_944 : f32 to vector<16xf32>
      %mul3A_964 = arith.mulf %get3A_215, %mul3A_963 : vector<16xf32>
      %add3A_965 = arith.addf %add3A_962, %mul3A_964 : vector<16xf32>
      %mul3A_966 = vector.broadcast %squeeze3A_946 : f32 to vector<16xf32>
      %mul3A_967 = arith.mulf %get3A_220, %mul3A_966 : vector<16xf32>
      %add3A_968 = arith.addf %add3A_965, %mul3A_967 : vector<16xf32>
      %mul3A_969 = vector.broadcast %squeeze3A_948 : f32 to vector<16xf32>
      %mul3A_970 = arith.mulf %get3A_225, %mul3A_969 : vector<16xf32>
      %add3A_971 = arith.addf %add3A_968, %mul3A_970 : vector<16xf32>
      %mul3A_972 = vector.broadcast %squeeze3A_950 : f32 to vector<16xf32>
      %mul3A_973 = arith.mulf %get3A_230, %mul3A_972 : vector<16xf32>
      %add3A_974 = arith.addf %add3A_971, %mul3A_973 : vector<16xf32>
      %mul3A_975 = vector.broadcast %squeeze3A_952 : f32 to vector<16xf32>
      %mul3A_976 = arith.mulf %get3A_235, %mul3A_975 : vector<16xf32>
      %add3A_977 = arith.addf %add3A_974, %mul3A_976 : vector<16xf32>
      %mul3A_978 = vector.broadcast %squeeze3A_954 : f32 to vector<16xf32>
      %mul3A_979 = arith.mulf %get3A_240, %mul3A_978 : vector<16xf32>
      %add3A_980 = arith.addf %add3A_977, %mul3A_979 : vector<16xf32>
      %gt3A_981 = arith.cmpf ogt, %add3A_980, %select_n3A_859 : vector<16xf32>
      %select_n3A_982 = arith.select %gt3A_981, %add3A_980, %select_n3A_859 : vector<16xi1>, vector<16xf32>
      %select_n3A_983 = arith.select %gt3A_981, %add3A_957, %select_n3A_860 : vector<16xi1>, vector<16xi32>
      %mul3A_984 = vector.broadcast %squeeze3A_940 : f32 to vector<16xf32>
      %mul3A_985 = arith.mulf %get3A_245, %mul3A_984 : vector<16xf32>
      %mul3A_986 = vector.broadcast %squeeze3A_942 : f32 to vector<16xf32>
      %mul3A_987 = arith.mulf %get3A_250, %mul3A_986 : vector<16xf32>
      %add3A_988 = arith.addf %mul3A_985, %mul3A_987 : vector<16xf32>
      %mul3A_989 = vector.broadcast %squeeze3A_944 : f32 to vector<16xf32>
      %mul3A_990 = arith.mulf %get3A_255, %mul3A_989 : vector<16xf32>
      %add3A_991 = arith.addf %add3A_988, %mul3A_990 : vector<16xf32>
      %mul3A_992 = vector.broadcast %squeeze3A_946 : f32 to vector<16xf32>
      %mul3A_993 = arith.mulf %get3A_260, %mul3A_992 : vector<16xf32>
      %add3A_994 = arith.addf %add3A_991, %mul3A_993 : vector<16xf32>
      %mul3A_995 = vector.broadcast %squeeze3A_948 : f32 to vector<16xf32>
      %mul3A_996 = arith.mulf %get3A_265, %mul3A_995 : vector<16xf32>
      %add3A_997 = arith.addf %add3A_994, %mul3A_996 : vector<16xf32>
      %mul3A_998 = vector.broadcast %squeeze3A_950 : f32 to vector<16xf32>
      %mul3A_999 = arith.mulf %get3A_270, %mul3A_998 : vector<16xf32>
      %add3A_1000 = arith.addf %add3A_997, %mul3A_999 : vector<16xf32>
      %mul3A_1001 = vector.broadcast %squeeze3A_952 : f32 to vector<16xf32>
      %mul3A_1002 = arith.mulf %get3A_275, %mul3A_1001 : vector<16xf32>
      %add3A_1003 = arith.addf %add3A_1000, %mul3A_1002 : vector<16xf32>
      %mul3A_1004 = vector.broadcast %squeeze3A_954 : f32 to vector<16xf32>
      %mul3A_1005 = arith.mulf %get3A_280, %mul3A_1004 : vector<16xf32>
      %add3A_1006 = arith.addf %add3A_1003, %mul3A_1005 : vector<16xf32>
      %gt3A_1007 = arith.cmpf ogt, %add3A_1006, %select_n3A_885 : vector<16xf32>
      %select_n3A_1008 = arith.select %gt3A_1007, %add3A_1006, %select_n3A_885 : vector<16xi1>, vector<16xf32>
      %select_n3A_1009 = arith.select %gt3A_1007, %add3A_957, %select_n3A_886 : vector<16xi1>, vector<16xi32>
      %mul3A_1010 = vector.broadcast %squeeze3A_940 : f32 to vector<16xf32>
      %mul3A_1011 = arith.mulf %get3A_285, %mul3A_1010 : vector<16xf32>
      %mul3A_1012 = vector.broadcast %squeeze3A_942 : f32 to vector<16xf32>
      %mul3A_1013 = arith.mulf %get3A_290, %mul3A_1012 : vector<16xf32>
      %add3A_1014 = arith.addf %mul3A_1011, %mul3A_1013 : vector<16xf32>
      %mul3A_1015 = vector.broadcast %squeeze3A_944 : f32 to vector<16xf32>
      %mul3A_1016 = arith.mulf %get3A_295, %mul3A_1015 : vector<16xf32>
      %add3A_1017 = arith.addf %add3A_1014, %mul3A_1016 : vector<16xf32>
      %mul3A_1018 = vector.broadcast %squeeze3A_946 : f32 to vector<16xf32>
      %mul3A_1019 = arith.mulf %get3A_300, %mul3A_1018 : vector<16xf32>
      %add3A_1020 = arith.addf %add3A_1017, %mul3A_1019 : vector<16xf32>
      %mul3A_1021 = vector.broadcast %squeeze3A_948 : f32 to vector<16xf32>
      %mul3A_1022 = arith.mulf %get3A_305, %mul3A_1021 : vector<16xf32>
      %add3A_1023 = arith.addf %add3A_1020, %mul3A_1022 : vector<16xf32>
      %mul3A_1024 = vector.broadcast %squeeze3A_950 : f32 to vector<16xf32>
      %mul3A_1025 = arith.mulf %get3A_310, %mul3A_1024 : vector<16xf32>
      %add3A_1026 = arith.addf %add3A_1023, %mul3A_1025 : vector<16xf32>
      %mul3A_1027 = vector.broadcast %squeeze3A_952 : f32 to vector<16xf32>
      %mul3A_1028 = arith.mulf %get3A_315, %mul3A_1027 : vector<16xf32>
      %add3A_1029 = arith.addf %add3A_1026, %mul3A_1028 : vector<16xf32>
      %mul3A_1030 = vector.broadcast %squeeze3A_954 : f32 to vector<16xf32>
      %mul3A_1031 = arith.mulf %get3A_320, %mul3A_1030 : vector<16xf32>
      %add3A_1032 = arith.addf %add3A_1029, %mul3A_1031 : vector<16xf32>
      %gt3A_1033 = arith.cmpf ogt, %add3A_1032, %select_n3A_911 : vector<16xf32>
      %select_n3A_1034 = arith.select %gt3A_1033, %add3A_1032, %select_n3A_911 : vector<16xi1>, vector<16xf32>
      %select_n3A_1035 = arith.select %gt3A_1033, %add3A_957, %select_n3A_912 : vector<16xi1>, vector<16xi32>
      %mul3A_1036 = vector.broadcast %squeeze3A_940 : f32 to vector<16xf32>
      %mul3A_1037 = arith.mulf %get3A_325, %mul3A_1036 : vector<16xf32>
      %mul3A_1038 = vector.broadcast %squeeze3A_942 : f32 to vector<16xf32>
      %mul3A_1039 = arith.mulf %get3A_330, %mul3A_1038 : vector<16xf32>
      %add3A_1040 = arith.addf %mul3A_1037, %mul3A_1039 : vector<16xf32>
      %mul3A_1041 = vector.broadcast %squeeze3A_944 : f32 to vector<16xf32>
      %mul3A_1042 = arith.mulf %get3A_335, %mul3A_1041 : vector<16xf32>
      %add3A_1043 = arith.addf %add3A_1040, %mul3A_1042 : vector<16xf32>
      %mul3A_1044 = vector.broadcast %squeeze3A_946 : f32 to vector<16xf32>
      %mul3A_1045 = arith.mulf %get3A_340, %mul3A_1044 : vector<16xf32>
      %add3A_1046 = arith.addf %add3A_1043, %mul3A_1045 : vector<16xf32>
      %mul3A_1047 = vector.broadcast %squeeze3A_948 : f32 to vector<16xf32>
      %mul3A_1048 = arith.mulf %get3A_345, %mul3A_1047 : vector<16xf32>
      %add3A_1049 = arith.addf %add3A_1046, %mul3A_1048 : vector<16xf32>
      %mul3A_1050 = vector.broadcast %squeeze3A_950 : f32 to vector<16xf32>
      %mul3A_1051 = arith.mulf %get3A_350, %mul3A_1050 : vector<16xf32>
      %add3A_1052 = arith.addf %add3A_1049, %mul3A_1051 : vector<16xf32>
      %mul3A_1053 = vector.broadcast %squeeze3A_952 : f32 to vector<16xf32>
      %mul3A_1054 = arith.mulf %get3A_355, %mul3A_1053 : vector<16xf32>
      %add3A_1055 = arith.addf %add3A_1052, %mul3A_1054 : vector<16xf32>
      %mul3A_1056 = vector.broadcast %squeeze3A_954 : f32 to vector<16xf32>
      %mul3A_1057 = arith.mulf %get3A_360, %mul3A_1056 : vector<16xf32>
      %add3A_1058 = arith.addf %add3A_1055, %mul3A_1057 : vector<16xf32>
      %gt3A_1059 = arith.cmpf ogt, %add3A_1058, %select_n3A_937 : vector<16xf32>
      %select_n3A_1060 = arith.select %gt3A_1059, %add3A_1058, %select_n3A_937 : vector<16xi1>, vector<16xf32>
      %select_n3A_1061 = arith.select %gt3A_1059, %add3A_957, %select_n3A_938 : vector<16xi1>, vector<16xi32>
      %slice3A_1062 = vector.extract_strided_slice %get3A_414 {offsets = [5], sizes = [1], strides = [1]} : vector<16xf32> to vector<1xf32>
      %squeeze3A_1063 = vector.extract %slice3A_1062[0] : f32 from vector<1xf32>
      %slice3A_1064 = vector.extract_strided_slice %get3A_419 {offsets = [5], sizes = [1], strides = [1]} : vector<16xf32> to vector<1xf32>
      %squeeze3A_1065 = vector.extract %slice3A_1064[0] : f32 from vector<1xf32>
      %slice3A_1066 = vector.extract_strided_slice %get3A_424 {offsets = [5], sizes = [1], strides = [1]} : vector<16xf32> to vector<1xf32>
      %squeeze3A_1067 = vector.extract %slice3A_1066[0] : f32 from vector<1xf32>
      %slice3A_1068 = vector.extract_strided_slice %get3A_429 {offsets = [5], sizes = [1], strides = [1]} : vector<16xf32> to vector<1xf32>
      %squeeze3A_1069 = vector.extract %slice3A_1068[0] : f32 from vector<1xf32>
      %slice3A_1070 = vector.extract_strided_slice %get3A_434 {offsets = [5], sizes = [1], strides = [1]} : vector<16xf32> to vector<1xf32>
      %squeeze3A_1071 = vector.extract %slice3A_1070[0] : f32 from vector<1xf32>
      %slice3A_1072 = vector.extract_strided_slice %get3A_439 {offsets = [5], sizes = [1], strides = [1]} : vector<16xf32> to vector<1xf32>
      %squeeze3A_1073 = vector.extract %slice3A_1072[0] : f32 from vector<1xf32>
      %slice3A_1074 = vector.extract_strided_slice %get3A_444 {offsets = [5], sizes = [1], strides = [1]} : vector<16xf32> to vector<1xf32>
      %squeeze3A_1075 = vector.extract %slice3A_1074[0] : f32 from vector<1xf32>
      %slice3A_1076 = vector.extract_strided_slice %get3A_449 {offsets = [5], sizes = [1], strides = [1]} : vector<16xf32> to vector<1xf32>
      %squeeze3A_1077 = vector.extract %slice3A_1076[0] : f32 from vector<1xf32>
      %add3A_1078 = arith.constant 5 : i32
      %add3A_1079 = vector.broadcast %add3A_1078 : i32 to vector<16xi32>
      %add3A_1080 = arith.addi %broadcast_in_dim3A_450, %add3A_1079 : vector<16xi32>
      %mul3A_1081 = vector.broadcast %squeeze3A_1063 : f32 to vector<16xf32>
      %mul3A_1082 = arith.mulf %get3A_205, %mul3A_1081 : vector<16xf32>
      %mul3A_1083 = vector.broadcast %squeeze3A_1065 : f32 to vector<16xf32>
      %mul3A_1084 = arith.mulf %get3A_210, %mul3A_1083 : vector<16xf32>
      %add3A_1085 = arith.addf %mul3A_1082, %mul3A_1084 : vector<16xf32>
      %mul3A_1086 = vector.broadcast %squeeze3A_1067 : f32 to vector<16xf32>
      %mul3A_1087 = arith.mulf %get3A_215, %mul3A_1086 : vector<16xf32>
      %add3A_1088 = arith.addf %add3A_1085, %mul3A_1087 : vector<16xf32>
      %mul3A_1089 = vector.broadcast %squeeze3A_1069 : f32 to vector<16xf32>
      %mul3A_1090 = arith.mulf %get3A_220, %mul3A_1089 : vector<16xf32>
      %add3A_1091 = arith.addf %add3A_1088, %mul3A_1090 : vector<16xf32>
      %mul3A_1092 = vector.broadcast %squeeze3A_1071 : f32 to vector<16xf32>
      %mul3A_1093 = arith.mulf %get3A_225, %mul3A_1092 : vector<16xf32>
      %add3A_1094 = arith.addf %add3A_1091, %mul3A_1093 : vector<16xf32>
      %mul3A_1095 = vector.broadcast %squeeze3A_1073 : f32 to vector<16xf32>
      %mul3A_1096 = arith.mulf %get3A_230, %mul3A_1095 : vector<16xf32>
      %add3A_1097 = arith.addf %add3A_1094, %mul3A_1096 : vector<16xf32>
      %mul3A_1098 = vector.broadcast %squeeze3A_1075 : f32 to vector<16xf32>
      %mul3A_1099 = arith.mulf %get3A_235, %mul3A_1098 : vector<16xf32>
      %add3A_1100 = arith.addf %add3A_1097, %mul3A_1099 : vector<16xf32>
      %mul3A_1101 = vector.broadcast %squeeze3A_1077 : f32 to vector<16xf32>
      %mul3A_1102 = arith.mulf %get3A_240, %mul3A_1101 : vector<16xf32>
      %add3A_1103 = arith.addf %add3A_1100, %mul3A_1102 : vector<16xf32>
      %gt3A_1104 = arith.cmpf ogt, %add3A_1103, %select_n3A_982 : vector<16xf32>
      %select_n3A_1105 = arith.select %gt3A_1104, %add3A_1103, %select_n3A_982 : vector<16xi1>, vector<16xf32>
      %select_n3A_1106 = arith.select %gt3A_1104, %add3A_1080, %select_n3A_983 : vector<16xi1>, vector<16xi32>
      %mul3A_1107 = vector.broadcast %squeeze3A_1063 : f32 to vector<16xf32>
      %mul3A_1108 = arith.mulf %get3A_245, %mul3A_1107 : vector<16xf32>
      %mul3A_1109 = vector.broadcast %squeeze3A_1065 : f32 to vector<16xf32>
      %mul3A_1110 = arith.mulf %get3A_250, %mul3A_1109 : vector<16xf32>
      %add3A_1111 = arith.addf %mul3A_1108, %mul3A_1110 : vector<16xf32>
      %mul3A_1112 = vector.broadcast %squeeze3A_1067 : f32 to vector<16xf32>
      %mul3A_1113 = arith.mulf %get3A_255, %mul3A_1112 : vector<16xf32>
      %add3A_1114 = arith.addf %add3A_1111, %mul3A_1113 : vector<16xf32>
      %mul3A_1115 = vector.broadcast %squeeze3A_1069 : f32 to vector<16xf32>
      %mul3A_1116 = arith.mulf %get3A_260, %mul3A_1115 : vector<16xf32>
      %add3A_1117 = arith.addf %add3A_1114, %mul3A_1116 : vector<16xf32>
      %mul3A_1118 = vector.broadcast %squeeze3A_1071 : f32 to vector<16xf32>
      %mul3A_1119 = arith.mulf %get3A_265, %mul3A_1118 : vector<16xf32>
      %add3A_1120 = arith.addf %add3A_1117, %mul3A_1119 : vector<16xf32>
      %mul3A_1121 = vector.broadcast %squeeze3A_1073 : f32 to vector<16xf32>
      %mul3A_1122 = arith.mulf %get3A_270, %mul3A_1121 : vector<16xf32>
      %add3A_1123 = arith.addf %add3A_1120, %mul3A_1122 : vector<16xf32>
      %mul3A_1124 = vector.broadcast %squeeze3A_1075 : f32 to vector<16xf32>
      %mul3A_1125 = arith.mulf %get3A_275, %mul3A_1124 : vector<16xf32>
      %add3A_1126 = arith.addf %add3A_1123, %mul3A_1125 : vector<16xf32>
      %mul3A_1127 = vector.broadcast %squeeze3A_1077 : f32 to vector<16xf32>
      %mul3A_1128 = arith.mulf %get3A_280, %mul3A_1127 : vector<16xf32>
      %add3A_1129 = arith.addf %add3A_1126, %mul3A_1128 : vector<16xf32>
      %gt3A_1130 = arith.cmpf ogt, %add3A_1129, %select_n3A_1008 : vector<16xf32>
      %select_n3A_1131 = arith.select %gt3A_1130, %add3A_1129, %select_n3A_1008 : vector<16xi1>, vector<16xf32>
      %select_n3A_1132 = arith.select %gt3A_1130, %add3A_1080, %select_n3A_1009 : vector<16xi1>, vector<16xi32>
      %mul3A_1133 = vector.broadcast %squeeze3A_1063 : f32 to vector<16xf32>
      %mul3A_1134 = arith.mulf %get3A_285, %mul3A_1133 : vector<16xf32>
      %mul3A_1135 = vector.broadcast %squeeze3A_1065 : f32 to vector<16xf32>
      %mul3A_1136 = arith.mulf %get3A_290, %mul3A_1135 : vector<16xf32>
      %add3A_1137 = arith.addf %mul3A_1134, %mul3A_1136 : vector<16xf32>
      %mul3A_1138 = vector.broadcast %squeeze3A_1067 : f32 to vector<16xf32>
      %mul3A_1139 = arith.mulf %get3A_295, %mul3A_1138 : vector<16xf32>
      %add3A_1140 = arith.addf %add3A_1137, %mul3A_1139 : vector<16xf32>
      %mul3A_1141 = vector.broadcast %squeeze3A_1069 : f32 to vector<16xf32>
      %mul3A_1142 = arith.mulf %get3A_300, %mul3A_1141 : vector<16xf32>
      %add3A_1143 = arith.addf %add3A_1140, %mul3A_1142 : vector<16xf32>
      %mul3A_1144 = vector.broadcast %squeeze3A_1071 : f32 to vector<16xf32>
      %mul3A_1145 = arith.mulf %get3A_305, %mul3A_1144 : vector<16xf32>
      %add3A_1146 = arith.addf %add3A_1143, %mul3A_1145 : vector<16xf32>
      %mul3A_1147 = vector.broadcast %squeeze3A_1073 : f32 to vector<16xf32>
      %mul3A_1148 = arith.mulf %get3A_310, %mul3A_1147 : vector<16xf32>
      %add3A_1149 = arith.addf %add3A_1146, %mul3A_1148 : vector<16xf32>
      %mul3A_1150 = vector.broadcast %squeeze3A_1075 : f32 to vector<16xf32>
      %mul3A_1151 = arith.mulf %get3A_315, %mul3A_1150 : vector<16xf32>
      %add3A_1152 = arith.addf %add3A_1149, %mul3A_1151 : vector<16xf32>
      %mul3A_1153 = vector.broadcast %squeeze3A_1077 : f32 to vector<16xf32>
      %mul3A_1154 = arith.mulf %get3A_320, %mul3A_1153 : vector<16xf32>
      %add3A_1155 = arith.addf %add3A_1152, %mul3A_1154 : vector<16xf32>
      %gt3A_1156 = arith.cmpf ogt, %add3A_1155, %select_n3A_1034 : vector<16xf32>
      %select_n3A_1157 = arith.select %gt3A_1156, %add3A_1155, %select_n3A_1034 : vector<16xi1>, vector<16xf32>
      %select_n3A_1158 = arith.select %gt3A_1156, %add3A_1080, %select_n3A_1035 : vector<16xi1>, vector<16xi32>
      %mul3A_1159 = vector.broadcast %squeeze3A_1063 : f32 to vector<16xf32>
      %mul3A_1160 = arith.mulf %get3A_325, %mul3A_1159 : vector<16xf32>
      %mul3A_1161 = vector.broadcast %squeeze3A_1065 : f32 to vector<16xf32>
      %mul3A_1162 = arith.mulf %get3A_330, %mul3A_1161 : vector<16xf32>
      %add3A_1163 = arith.addf %mul3A_1160, %mul3A_1162 : vector<16xf32>
      %mul3A_1164 = vector.broadcast %squeeze3A_1067 : f32 to vector<16xf32>
      %mul3A_1165 = arith.mulf %get3A_335, %mul3A_1164 : vector<16xf32>
      %add3A_1166 = arith.addf %add3A_1163, %mul3A_1165 : vector<16xf32>
      %mul3A_1167 = vector.broadcast %squeeze3A_1069 : f32 to vector<16xf32>
      %mul3A_1168 = arith.mulf %get3A_340, %mul3A_1167 : vector<16xf32>
      %add3A_1169 = arith.addf %add3A_1166, %mul3A_1168 : vector<16xf32>
      %mul3A_1170 = vector.broadcast %squeeze3A_1071 : f32 to vector<16xf32>
      %mul3A_1171 = arith.mulf %get3A_345, %mul3A_1170 : vector<16xf32>
      %add3A_1172 = arith.addf %add3A_1169, %mul3A_1171 : vector<16xf32>
      %mul3A_1173 = vector.broadcast %squeeze3A_1073 : f32 to vector<16xf32>
      %mul3A_1174 = arith.mulf %get3A_350, %mul3A_1173 : vector<16xf32>
      %add3A_1175 = arith.addf %add3A_1172, %mul3A_1174 : vector<16xf32>
      %mul3A_1176 = vector.broadcast %squeeze3A_1075 : f32 to vector<16xf32>
      %mul3A_1177 = arith.mulf %get3A_355, %mul3A_1176 : vector<16xf32>
      %add3A_1178 = arith.addf %add3A_1175, %mul3A_1177 : vector<16xf32>
      %mul3A_1179 = vector.broadcast %squeeze3A_1077 : f32 to vector<16xf32>
      %mul3A_1180 = arith.mulf %get3A_360, %mul3A_1179 : vector<16xf32>
      %add3A_1181 = arith.addf %add3A_1178, %mul3A_1180 : vector<16xf32>
      %gt3A_1182 = arith.cmpf ogt, %add3A_1181, %select_n3A_1060 : vector<16xf32>
      %select_n3A_1183 = arith.select %gt3A_1182, %add3A_1181, %select_n3A_1060 : vector<16xi1>, vector<16xf32>
      %select_n3A_1184 = arith.select %gt3A_1182, %add3A_1080, %select_n3A_1061 : vector<16xi1>, vector<16xi32>
      %slice3A_1185 = vector.extract_strided_slice %get3A_414 {offsets = [6], sizes = [1], strides = [1]} : vector<16xf32> to vector<1xf32>
      %squeeze3A_1186 = vector.extract %slice3A_1185[0] : f32 from vector<1xf32>
      %slice3A_1187 = vector.extract_strided_slice %get3A_419 {offsets = [6], sizes = [1], strides = [1]} : vector<16xf32> to vector<1xf32>
      %squeeze3A_1188 = vector.extract %slice3A_1187[0] : f32 from vector<1xf32>
      %slice3A_1189 = vector.extract_strided_slice %get3A_424 {offsets = [6], sizes = [1], strides = [1]} : vector<16xf32> to vector<1xf32>
      %squeeze3A_1190 = vector.extract %slice3A_1189[0] : f32 from vector<1xf32>
      %slice3A_1191 = vector.extract_strided_slice %get3A_429 {offsets = [6], sizes = [1], strides = [1]} : vector<16xf32> to vector<1xf32>
      %squeeze3A_1192 = vector.extract %slice3A_1191[0] : f32 from vector<1xf32>
      %slice3A_1193 = vector.extract_strided_slice %get3A_434 {offsets = [6], sizes = [1], strides = [1]} : vector<16xf32> to vector<1xf32>
      %squeeze3A_1194 = vector.extract %slice3A_1193[0] : f32 from vector<1xf32>
      %slice3A_1195 = vector.extract_strided_slice %get3A_439 {offsets = [6], sizes = [1], strides = [1]} : vector<16xf32> to vector<1xf32>
      %squeeze3A_1196 = vector.extract %slice3A_1195[0] : f32 from vector<1xf32>
      %slice3A_1197 = vector.extract_strided_slice %get3A_444 {offsets = [6], sizes = [1], strides = [1]} : vector<16xf32> to vector<1xf32>
      %squeeze3A_1198 = vector.extract %slice3A_1197[0] : f32 from vector<1xf32>
      %slice3A_1199 = vector.extract_strided_slice %get3A_449 {offsets = [6], sizes = [1], strides = [1]} : vector<16xf32> to vector<1xf32>
      %squeeze3A_1200 = vector.extract %slice3A_1199[0] : f32 from vector<1xf32>
      %add3A_1201 = arith.constant 6 : i32
      %add3A_1202 = vector.broadcast %add3A_1201 : i32 to vector<16xi32>
      %add3A_1203 = arith.addi %broadcast_in_dim3A_450, %add3A_1202 : vector<16xi32>
      %mul3A_1204 = vector.broadcast %squeeze3A_1186 : f32 to vector<16xf32>
      %mul3A_1205 = arith.mulf %get3A_205, %mul3A_1204 : vector<16xf32>
      %mul3A_1206 = vector.broadcast %squeeze3A_1188 : f32 to vector<16xf32>
      %mul3A_1207 = arith.mulf %get3A_210, %mul3A_1206 : vector<16xf32>
      %add3A_1208 = arith.addf %mul3A_1205, %mul3A_1207 : vector<16xf32>
      %mul3A_1209 = vector.broadcast %squeeze3A_1190 : f32 to vector<16xf32>
      %mul3A_1210 = arith.mulf %get3A_215, %mul3A_1209 : vector<16xf32>
      %add3A_1211 = arith.addf %add3A_1208, %mul3A_1210 : vector<16xf32>
      %mul3A_1212 = vector.broadcast %squeeze3A_1192 : f32 to vector<16xf32>
      %mul3A_1213 = arith.mulf %get3A_220, %mul3A_1212 : vector<16xf32>
      %add3A_1214 = arith.addf %add3A_1211, %mul3A_1213 : vector<16xf32>
      %mul3A_1215 = vector.broadcast %squeeze3A_1194 : f32 to vector<16xf32>
      %mul3A_1216 = arith.mulf %get3A_225, %mul3A_1215 : vector<16xf32>
      %add3A_1217 = arith.addf %add3A_1214, %mul3A_1216 : vector<16xf32>
      %mul3A_1218 = vector.broadcast %squeeze3A_1196 : f32 to vector<16xf32>
      %mul3A_1219 = arith.mulf %get3A_230, %mul3A_1218 : vector<16xf32>
      %add3A_1220 = arith.addf %add3A_1217, %mul3A_1219 : vector<16xf32>
      %mul3A_1221 = vector.broadcast %squeeze3A_1198 : f32 to vector<16xf32>
      %mul3A_1222 = arith.mulf %get3A_235, %mul3A_1221 : vector<16xf32>
      %add3A_1223 = arith.addf %add3A_1220, %mul3A_1222 : vector<16xf32>
      %mul3A_1224 = vector.broadcast %squeeze3A_1200 : f32 to vector<16xf32>
      %mul3A_1225 = arith.mulf %get3A_240, %mul3A_1224 : vector<16xf32>
      %add3A_1226 = arith.addf %add3A_1223, %mul3A_1225 : vector<16xf32>
      %gt3A_1227 = arith.cmpf ogt, %add3A_1226, %select_n3A_1105 : vector<16xf32>
      %select_n3A_1228 = arith.select %gt3A_1227, %add3A_1226, %select_n3A_1105 : vector<16xi1>, vector<16xf32>
      %select_n3A_1229 = arith.select %gt3A_1227, %add3A_1203, %select_n3A_1106 : vector<16xi1>, vector<16xi32>
      %mul3A_1230 = vector.broadcast %squeeze3A_1186 : f32 to vector<16xf32>
      %mul3A_1231 = arith.mulf %get3A_245, %mul3A_1230 : vector<16xf32>
      %mul3A_1232 = vector.broadcast %squeeze3A_1188 : f32 to vector<16xf32>
      %mul3A_1233 = arith.mulf %get3A_250, %mul3A_1232 : vector<16xf32>
      %add3A_1234 = arith.addf %mul3A_1231, %mul3A_1233 : vector<16xf32>
      %mul3A_1235 = vector.broadcast %squeeze3A_1190 : f32 to vector<16xf32>
      %mul3A_1236 = arith.mulf %get3A_255, %mul3A_1235 : vector<16xf32>
      %add3A_1237 = arith.addf %add3A_1234, %mul3A_1236 : vector<16xf32>
      %mul3A_1238 = vector.broadcast %squeeze3A_1192 : f32 to vector<16xf32>
      %mul3A_1239 = arith.mulf %get3A_260, %mul3A_1238 : vector<16xf32>
      %add3A_1240 = arith.addf %add3A_1237, %mul3A_1239 : vector<16xf32>
      %mul3A_1241 = vector.broadcast %squeeze3A_1194 : f32 to vector<16xf32>
      %mul3A_1242 = arith.mulf %get3A_265, %mul3A_1241 : vector<16xf32>
      %add3A_1243 = arith.addf %add3A_1240, %mul3A_1242 : vector<16xf32>
      %mul3A_1244 = vector.broadcast %squeeze3A_1196 : f32 to vector<16xf32>
      %mul3A_1245 = arith.mulf %get3A_270, %mul3A_1244 : vector<16xf32>
      %add3A_1246 = arith.addf %add3A_1243, %mul3A_1245 : vector<16xf32>
      %mul3A_1247 = vector.broadcast %squeeze3A_1198 : f32 to vector<16xf32>
      %mul3A_1248 = arith.mulf %get3A_275, %mul3A_1247 : vector<16xf32>
      %add3A_1249 = arith.addf %add3A_1246, %mul3A_1248 : vector<16xf32>
      %mul3A_1250 = vector.broadcast %squeeze3A_1200 : f32 to vector<16xf32>
      %mul3A_1251 = arith.mulf %get3A_280, %mul3A_1250 : vector<16xf32>
      %add3A_1252 = arith.addf %add3A_1249, %mul3A_1251 : vector<16xf32>
      %gt3A_1253 = arith.cmpf ogt, %add3A_1252, %select_n3A_1131 : vector<16xf32>
      %select_n3A_1254 = arith.select %gt3A_1253, %add3A_1252, %select_n3A_1131 : vector<16xi1>, vector<16xf32>
      %select_n3A_1255 = arith.select %gt3A_1253, %add3A_1203, %select_n3A_1132 : vector<16xi1>, vector<16xi32>
      %mul3A_1256 = vector.broadcast %squeeze3A_1186 : f32 to vector<16xf32>
      %mul3A_1257 = arith.mulf %get3A_285, %mul3A_1256 : vector<16xf32>
      %mul3A_1258 = vector.broadcast %squeeze3A_1188 : f32 to vector<16xf32>
      %mul3A_1259 = arith.mulf %get3A_290, %mul3A_1258 : vector<16xf32>
      %add3A_1260 = arith.addf %mul3A_1257, %mul3A_1259 : vector<16xf32>
      %mul3A_1261 = vector.broadcast %squeeze3A_1190 : f32 to vector<16xf32>
      %mul3A_1262 = arith.mulf %get3A_295, %mul3A_1261 : vector<16xf32>
      %add3A_1263 = arith.addf %add3A_1260, %mul3A_1262 : vector<16xf32>
      %mul3A_1264 = vector.broadcast %squeeze3A_1192 : f32 to vector<16xf32>
      %mul3A_1265 = arith.mulf %get3A_300, %mul3A_1264 : vector<16xf32>
      %add3A_1266 = arith.addf %add3A_1263, %mul3A_1265 : vector<16xf32>
      %mul3A_1267 = vector.broadcast %squeeze3A_1194 : f32 to vector<16xf32>
      %mul3A_1268 = arith.mulf %get3A_305, %mul3A_1267 : vector<16xf32>
      %add3A_1269 = arith.addf %add3A_1266, %mul3A_1268 : vector<16xf32>
      %mul3A_1270 = vector.broadcast %squeeze3A_1196 : f32 to vector<16xf32>
      %mul3A_1271 = arith.mulf %get3A_310, %mul3A_1270 : vector<16xf32>
      %add3A_1272 = arith.addf %add3A_1269, %mul3A_1271 : vector<16xf32>
      %mul3A_1273 = vector.broadcast %squeeze3A_1198 : f32 to vector<16xf32>
      %mul3A_1274 = arith.mulf %get3A_315, %mul3A_1273 : vector<16xf32>
      %add3A_1275 = arith.addf %add3A_1272, %mul3A_1274 : vector<16xf32>
      %mul3A_1276 = vector.broadcast %squeeze3A_1200 : f32 to vector<16xf32>
      %mul3A_1277 = arith.mulf %get3A_320, %mul3A_1276 : vector<16xf32>
      %add3A_1278 = arith.addf %add3A_1275, %mul3A_1277 : vector<16xf32>
      %gt3A_1279 = arith.cmpf ogt, %add3A_1278, %select_n3A_1157 : vector<16xf32>
      %select_n3A_1280 = arith.select %gt3A_1279, %add3A_1278, %select_n3A_1157 : vector<16xi1>, vector<16xf32>
      %select_n3A_1281 = arith.select %gt3A_1279, %add3A_1203, %select_n3A_1158 : vector<16xi1>, vector<16xi32>
      %mul3A_1282 = vector.broadcast %squeeze3A_1186 : f32 to vector<16xf32>
      %mul3A_1283 = arith.mulf %get3A_325, %mul3A_1282 : vector<16xf32>
      %mul3A_1284 = vector.broadcast %squeeze3A_1188 : f32 to vector<16xf32>
      %mul3A_1285 = arith.mulf %get3A_330, %mul3A_1284 : vector<16xf32>
      %add3A_1286 = arith.addf %mul3A_1283, %mul3A_1285 : vector<16xf32>
      %mul3A_1287 = vector.broadcast %squeeze3A_1190 : f32 to vector<16xf32>
      %mul3A_1288 = arith.mulf %get3A_335, %mul3A_1287 : vector<16xf32>
      %add3A_1289 = arith.addf %add3A_1286, %mul3A_1288 : vector<16xf32>
      %mul3A_1290 = vector.broadcast %squeeze3A_1192 : f32 to vector<16xf32>
      %mul3A_1291 = arith.mulf %get3A_340, %mul3A_1290 : vector<16xf32>
      %add3A_1292 = arith.addf %add3A_1289, %mul3A_1291 : vector<16xf32>
      %mul3A_1293 = vector.broadcast %squeeze3A_1194 : f32 to vector<16xf32>
      %mul3A_1294 = arith.mulf %get3A_345, %mul3A_1293 : vector<16xf32>
      %add3A_1295 = arith.addf %add3A_1292, %mul3A_1294 : vector<16xf32>
      %mul3A_1296 = vector.broadcast %squeeze3A_1196 : f32 to vector<16xf32>
      %mul3A_1297 = arith.mulf %get3A_350, %mul3A_1296 : vector<16xf32>
      %add3A_1298 = arith.addf %add3A_1295, %mul3A_1297 : vector<16xf32>
      %mul3A_1299 = vector.broadcast %squeeze3A_1198 : f32 to vector<16xf32>
      %mul3A_1300 = arith.mulf %get3A_355, %mul3A_1299 : vector<16xf32>
      %add3A_1301 = arith.addf %add3A_1298, %mul3A_1300 : vector<16xf32>
      %mul3A_1302 = vector.broadcast %squeeze3A_1200 : f32 to vector<16xf32>
      %mul3A_1303 = arith.mulf %get3A_360, %mul3A_1302 : vector<16xf32>
      %add3A_1304 = arith.addf %add3A_1301, %mul3A_1303 : vector<16xf32>
      %gt3A_1305 = arith.cmpf ogt, %add3A_1304, %select_n3A_1183 : vector<16xf32>
      %select_n3A_1306 = arith.select %gt3A_1305, %add3A_1304, %select_n3A_1183 : vector<16xi1>, vector<16xf32>
      %select_n3A_1307 = arith.select %gt3A_1305, %add3A_1203, %select_n3A_1184 : vector<16xi1>, vector<16xi32>
      %slice3A_1308 = vector.extract_strided_slice %get3A_414 {offsets = [7], sizes = [1], strides = [1]} : vector<16xf32> to vector<1xf32>
      %squeeze3A_1309 = vector.extract %slice3A_1308[0] : f32 from vector<1xf32>
      %slice3A_1310 = vector.extract_strided_slice %get3A_419 {offsets = [7], sizes = [1], strides = [1]} : vector<16xf32> to vector<1xf32>
      %squeeze3A_1311 = vector.extract %slice3A_1310[0] : f32 from vector<1xf32>
      %slice3A_1312 = vector.extract_strided_slice %get3A_424 {offsets = [7], sizes = [1], strides = [1]} : vector<16xf32> to vector<1xf32>
      %squeeze3A_1313 = vector.extract %slice3A_1312[0] : f32 from vector<1xf32>
      %slice3A_1314 = vector.extract_strided_slice %get3A_429 {offsets = [7], sizes = [1], strides = [1]} : vector<16xf32> to vector<1xf32>
      %squeeze3A_1315 = vector.extract %slice3A_1314[0] : f32 from vector<1xf32>
      %slice3A_1316 = vector.extract_strided_slice %get3A_434 {offsets = [7], sizes = [1], strides = [1]} : vector<16xf32> to vector<1xf32>
      %squeeze3A_1317 = vector.extract %slice3A_1316[0] : f32 from vector<1xf32>
      %slice3A_1318 = vector.extract_strided_slice %get3A_439 {offsets = [7], sizes = [1], strides = [1]} : vector<16xf32> to vector<1xf32>
      %squeeze3A_1319 = vector.extract %slice3A_1318[0] : f32 from vector<1xf32>
      %slice3A_1320 = vector.extract_strided_slice %get3A_444 {offsets = [7], sizes = [1], strides = [1]} : vector<16xf32> to vector<1xf32>
      %squeeze3A_1321 = vector.extract %slice3A_1320[0] : f32 from vector<1xf32>
      %slice3A_1322 = vector.extract_strided_slice %get3A_449 {offsets = [7], sizes = [1], strides = [1]} : vector<16xf32> to vector<1xf32>
      %squeeze3A_1323 = vector.extract %slice3A_1322[0] : f32 from vector<1xf32>
      %add3A_1324 = arith.constant 7 : i32
      %add3A_1325 = vector.broadcast %add3A_1324 : i32 to vector<16xi32>
      %add3A_1326 = arith.addi %broadcast_in_dim3A_450, %add3A_1325 : vector<16xi32>
      %mul3A_1327 = vector.broadcast %squeeze3A_1309 : f32 to vector<16xf32>
      %mul3A_1328 = arith.mulf %get3A_205, %mul3A_1327 : vector<16xf32>
      %mul3A_1329 = vector.broadcast %squeeze3A_1311 : f32 to vector<16xf32>
      %mul3A_1330 = arith.mulf %get3A_210, %mul3A_1329 : vector<16xf32>
      %add3A_1331 = arith.addf %mul3A_1328, %mul3A_1330 : vector<16xf32>
      %mul3A_1332 = vector.broadcast %squeeze3A_1313 : f32 to vector<16xf32>
      %mul3A_1333 = arith.mulf %get3A_215, %mul3A_1332 : vector<16xf32>
      %add3A_1334 = arith.addf %add3A_1331, %mul3A_1333 : vector<16xf32>
      %mul3A_1335 = vector.broadcast %squeeze3A_1315 : f32 to vector<16xf32>
      %mul3A_1336 = arith.mulf %get3A_220, %mul3A_1335 : vector<16xf32>
      %add3A_1337 = arith.addf %add3A_1334, %mul3A_1336 : vector<16xf32>
      %mul3A_1338 = vector.broadcast %squeeze3A_1317 : f32 to vector<16xf32>
      %mul3A_1339 = arith.mulf %get3A_225, %mul3A_1338 : vector<16xf32>
      %add3A_1340 = arith.addf %add3A_1337, %mul3A_1339 : vector<16xf32>
      %mul3A_1341 = vector.broadcast %squeeze3A_1319 : f32 to vector<16xf32>
      %mul3A_1342 = arith.mulf %get3A_230, %mul3A_1341 : vector<16xf32>
      %add3A_1343 = arith.addf %add3A_1340, %mul3A_1342 : vector<16xf32>
      %mul3A_1344 = vector.broadcast %squeeze3A_1321 : f32 to vector<16xf32>
      %mul3A_1345 = arith.mulf %get3A_235, %mul3A_1344 : vector<16xf32>
      %add3A_1346 = arith.addf %add3A_1343, %mul3A_1345 : vector<16xf32>
      %mul3A_1347 = vector.broadcast %squeeze3A_1323 : f32 to vector<16xf32>
      %mul3A_1348 = arith.mulf %get3A_240, %mul3A_1347 : vector<16xf32>
      %add3A_1349 = arith.addf %add3A_1346, %mul3A_1348 : vector<16xf32>
      %gt3A_1350 = arith.cmpf ogt, %add3A_1349, %select_n3A_1228 : vector<16xf32>
      %select_n3A_1351 = arith.select %gt3A_1350, %add3A_1349, %select_n3A_1228 : vector<16xi1>, vector<16xf32>
      %select_n3A_1352 = arith.select %gt3A_1350, %add3A_1326, %select_n3A_1229 : vector<16xi1>, vector<16xi32>
      %mul3A_1353 = vector.broadcast %squeeze3A_1309 : f32 to vector<16xf32>
      %mul3A_1354 = arith.mulf %get3A_245, %mul3A_1353 : vector<16xf32>
      %mul3A_1355 = vector.broadcast %squeeze3A_1311 : f32 to vector<16xf32>
      %mul3A_1356 = arith.mulf %get3A_250, %mul3A_1355 : vector<16xf32>
      %add3A_1357 = arith.addf %mul3A_1354, %mul3A_1356 : vector<16xf32>
      %mul3A_1358 = vector.broadcast %squeeze3A_1313 : f32 to vector<16xf32>
      %mul3A_1359 = arith.mulf %get3A_255, %mul3A_1358 : vector<16xf32>
      %add3A_1360 = arith.addf %add3A_1357, %mul3A_1359 : vector<16xf32>
      %mul3A_1361 = vector.broadcast %squeeze3A_1315 : f32 to vector<16xf32>
      %mul3A_1362 = arith.mulf %get3A_260, %mul3A_1361 : vector<16xf32>
      %add3A_1363 = arith.addf %add3A_1360, %mul3A_1362 : vector<16xf32>
      %mul3A_1364 = vector.broadcast %squeeze3A_1317 : f32 to vector<16xf32>
      %mul3A_1365 = arith.mulf %get3A_265, %mul3A_1364 : vector<16xf32>
      %add3A_1366 = arith.addf %add3A_1363, %mul3A_1365 : vector<16xf32>
      %mul3A_1367 = vector.broadcast %squeeze3A_1319 : f32 to vector<16xf32>
      %mul3A_1368 = arith.mulf %get3A_270, %mul3A_1367 : vector<16xf32>
      %add3A_1369 = arith.addf %add3A_1366, %mul3A_1368 : vector<16xf32>
      %mul3A_1370 = vector.broadcast %squeeze3A_1321 : f32 to vector<16xf32>
      %mul3A_1371 = arith.mulf %get3A_275, %mul3A_1370 : vector<16xf32>
      %add3A_1372 = arith.addf %add3A_1369, %mul3A_1371 : vector<16xf32>
      %mul3A_1373 = vector.broadcast %squeeze3A_1323 : f32 to vector<16xf32>
      %mul3A_1374 = arith.mulf %get3A_280, %mul3A_1373 : vector<16xf32>
      %add3A_1375 = arith.addf %add3A_1372, %mul3A_1374 : vector<16xf32>
      %gt3A_1376 = arith.cmpf ogt, %add3A_1375, %select_n3A_1254 : vector<16xf32>
      %select_n3A_1377 = arith.select %gt3A_1376, %add3A_1375, %select_n3A_1254 : vector<16xi1>, vector<16xf32>
      %select_n3A_1378 = arith.select %gt3A_1376, %add3A_1326, %select_n3A_1255 : vector<16xi1>, vector<16xi32>
      %mul3A_1379 = vector.broadcast %squeeze3A_1309 : f32 to vector<16xf32>
      %mul3A_1380 = arith.mulf %get3A_285, %mul3A_1379 : vector<16xf32>
      %mul3A_1381 = vector.broadcast %squeeze3A_1311 : f32 to vector<16xf32>
      %mul3A_1382 = arith.mulf %get3A_290, %mul3A_1381 : vector<16xf32>
      %add3A_1383 = arith.addf %mul3A_1380, %mul3A_1382 : vector<16xf32>
      %mul3A_1384 = vector.broadcast %squeeze3A_1313 : f32 to vector<16xf32>
      %mul3A_1385 = arith.mulf %get3A_295, %mul3A_1384 : vector<16xf32>
      %add3A_1386 = arith.addf %add3A_1383, %mul3A_1385 : vector<16xf32>
      %mul3A_1387 = vector.broadcast %squeeze3A_1315 : f32 to vector<16xf32>
      %mul3A_1388 = arith.mulf %get3A_300, %mul3A_1387 : vector<16xf32>
      %add3A_1389 = arith.addf %add3A_1386, %mul3A_1388 : vector<16xf32>
      %mul3A_1390 = vector.broadcast %squeeze3A_1317 : f32 to vector<16xf32>
      %mul3A_1391 = arith.mulf %get3A_305, %mul3A_1390 : vector<16xf32>
      %add3A_1392 = arith.addf %add3A_1389, %mul3A_1391 : vector<16xf32>
      %mul3A_1393 = vector.broadcast %squeeze3A_1319 : f32 to vector<16xf32>
      %mul3A_1394 = arith.mulf %get3A_310, %mul3A_1393 : vector<16xf32>
      %add3A_1395 = arith.addf %add3A_1392, %mul3A_1394 : vector<16xf32>
      %mul3A_1396 = vector.broadcast %squeeze3A_1321 : f32 to vector<16xf32>
      %mul3A_1397 = arith.mulf %get3A_315, %mul3A_1396 : vector<16xf32>
      %add3A_1398 = arith.addf %add3A_1395, %mul3A_1397 : vector<16xf32>
      %mul3A_1399 = vector.broadcast %squeeze3A_1323 : f32 to vector<16xf32>
      %mul3A_1400 = arith.mulf %get3A_320, %mul3A_1399 : vector<16xf32>
      %add3A_1401 = arith.addf %add3A_1398, %mul3A_1400 : vector<16xf32>
      %gt3A_1402 = arith.cmpf ogt, %add3A_1401, %select_n3A_1280 : vector<16xf32>
      %select_n3A_1403 = arith.select %gt3A_1402, %add3A_1401, %select_n3A_1280 : vector<16xi1>, vector<16xf32>
      %select_n3A_1404 = arith.select %gt3A_1402, %add3A_1326, %select_n3A_1281 : vector<16xi1>, vector<16xi32>
      %mul3A_1405 = vector.broadcast %squeeze3A_1309 : f32 to vector<16xf32>
      %mul3A_1406 = arith.mulf %get3A_325, %mul3A_1405 : vector<16xf32>
      %mul3A_1407 = vector.broadcast %squeeze3A_1311 : f32 to vector<16xf32>
      %mul3A_1408 = arith.mulf %get3A_330, %mul3A_1407 : vector<16xf32>
      %add3A_1409 = arith.addf %mul3A_1406, %mul3A_1408 : vector<16xf32>
      %mul3A_1410 = vector.broadcast %squeeze3A_1313 : f32 to vector<16xf32>
      %mul3A_1411 = arith.mulf %get3A_335, %mul3A_1410 : vector<16xf32>
      %add3A_1412 = arith.addf %add3A_1409, %mul3A_1411 : vector<16xf32>
      %mul3A_1413 = vector.broadcast %squeeze3A_1315 : f32 to vector<16xf32>
      %mul3A_1414 = arith.mulf %get3A_340, %mul3A_1413 : vector<16xf32>
      %add3A_1415 = arith.addf %add3A_1412, %mul3A_1414 : vector<16xf32>
      %mul3A_1416 = vector.broadcast %squeeze3A_1317 : f32 to vector<16xf32>
      %mul3A_1417 = arith.mulf %get3A_345, %mul3A_1416 : vector<16xf32>
      %add3A_1418 = arith.addf %add3A_1415, %mul3A_1417 : vector<16xf32>
      %mul3A_1419 = vector.broadcast %squeeze3A_1319 : f32 to vector<16xf32>
      %mul3A_1420 = arith.mulf %get3A_350, %mul3A_1419 : vector<16xf32>
      %add3A_1421 = arith.addf %add3A_1418, %mul3A_1420 : vector<16xf32>
      %mul3A_1422 = vector.broadcast %squeeze3A_1321 : f32 to vector<16xf32>
      %mul3A_1423 = arith.mulf %get3A_355, %mul3A_1422 : vector<16xf32>
      %add3A_1424 = arith.addf %add3A_1421, %mul3A_1423 : vector<16xf32>
      %mul3A_1425 = vector.broadcast %squeeze3A_1323 : f32 to vector<16xf32>
      %mul3A_1426 = arith.mulf %get3A_360, %mul3A_1425 : vector<16xf32>
      %add3A_1427 = arith.addf %add3A_1424, %mul3A_1426 : vector<16xf32>
      %gt3A_1428 = arith.cmpf ogt, %add3A_1427, %select_n3A_1306 : vector<16xf32>
      %select_n3A_1429 = arith.select %gt3A_1428, %add3A_1427, %select_n3A_1306 : vector<16xi1>, vector<16xf32>
      %select_n3A_1430 = arith.select %gt3A_1428, %add3A_1326, %select_n3A_1307 : vector<16xi1>, vector<16xi32>
      %slice3A_1431 = vector.extract_strided_slice %get3A_414 {offsets = [8], sizes = [1], strides = [1]} : vector<16xf32> to vector<1xf32>
      %squeeze3A_1432 = vector.extract %slice3A_1431[0] : f32 from vector<1xf32>
      %slice3A_1433 = vector.extract_strided_slice %get3A_419 {offsets = [8], sizes = [1], strides = [1]} : vector<16xf32> to vector<1xf32>
      %squeeze3A_1434 = vector.extract %slice3A_1433[0] : f32 from vector<1xf32>
      %slice3A_1435 = vector.extract_strided_slice %get3A_424 {offsets = [8], sizes = [1], strides = [1]} : vector<16xf32> to vector<1xf32>
      %squeeze3A_1436 = vector.extract %slice3A_1435[0] : f32 from vector<1xf32>
      %slice3A_1437 = vector.extract_strided_slice %get3A_429 {offsets = [8], sizes = [1], strides = [1]} : vector<16xf32> to vector<1xf32>
      %squeeze3A_1438 = vector.extract %slice3A_1437[0] : f32 from vector<1xf32>
      %slice3A_1439 = vector.extract_strided_slice %get3A_434 {offsets = [8], sizes = [1], strides = [1]} : vector<16xf32> to vector<1xf32>
      %squeeze3A_1440 = vector.extract %slice3A_1439[0] : f32 from vector<1xf32>
      %slice3A_1441 = vector.extract_strided_slice %get3A_439 {offsets = [8], sizes = [1], strides = [1]} : vector<16xf32> to vector<1xf32>
      %squeeze3A_1442 = vector.extract %slice3A_1441[0] : f32 from vector<1xf32>
      %slice3A_1443 = vector.extract_strided_slice %get3A_444 {offsets = [8], sizes = [1], strides = [1]} : vector<16xf32> to vector<1xf32>
      %squeeze3A_1444 = vector.extract %slice3A_1443[0] : f32 from vector<1xf32>
      %slice3A_1445 = vector.extract_strided_slice %get3A_449 {offsets = [8], sizes = [1], strides = [1]} : vector<16xf32> to vector<1xf32>
      %squeeze3A_1446 = vector.extract %slice3A_1445[0] : f32 from vector<1xf32>
      %add3A_1447 = arith.constant 8 : i32
      %add3A_1448 = vector.broadcast %add3A_1447 : i32 to vector<16xi32>
      %add3A_1449 = arith.addi %broadcast_in_dim3A_450, %add3A_1448 : vector<16xi32>
      %mul3A_1450 = vector.broadcast %squeeze3A_1432 : f32 to vector<16xf32>
      %mul3A_1451 = arith.mulf %get3A_205, %mul3A_1450 : vector<16xf32>
      %mul3A_1452 = vector.broadcast %squeeze3A_1434 : f32 to vector<16xf32>
      %mul3A_1453 = arith.mulf %get3A_210, %mul3A_1452 : vector<16xf32>
      %add3A_1454 = arith.addf %mul3A_1451, %mul3A_1453 : vector<16xf32>
      %mul3A_1455 = vector.broadcast %squeeze3A_1436 : f32 to vector<16xf32>
      %mul3A_1456 = arith.mulf %get3A_215, %mul3A_1455 : vector<16xf32>
      %add3A_1457 = arith.addf %add3A_1454, %mul3A_1456 : vector<16xf32>
      %mul3A_1458 = vector.broadcast %squeeze3A_1438 : f32 to vector<16xf32>
      %mul3A_1459 = arith.mulf %get3A_220, %mul3A_1458 : vector<16xf32>
      %add3A_1460 = arith.addf %add3A_1457, %mul3A_1459 : vector<16xf32>
      %mul3A_1461 = vector.broadcast %squeeze3A_1440 : f32 to vector<16xf32>
      %mul3A_1462 = arith.mulf %get3A_225, %mul3A_1461 : vector<16xf32>
      %add3A_1463 = arith.addf %add3A_1460, %mul3A_1462 : vector<16xf32>
      %mul3A_1464 = vector.broadcast %squeeze3A_1442 : f32 to vector<16xf32>
      %mul3A_1465 = arith.mulf %get3A_230, %mul3A_1464 : vector<16xf32>
      %add3A_1466 = arith.addf %add3A_1463, %mul3A_1465 : vector<16xf32>
      %mul3A_1467 = vector.broadcast %squeeze3A_1444 : f32 to vector<16xf32>
      %mul3A_1468 = arith.mulf %get3A_235, %mul3A_1467 : vector<16xf32>
      %add3A_1469 = arith.addf %add3A_1466, %mul3A_1468 : vector<16xf32>
      %mul3A_1470 = vector.broadcast %squeeze3A_1446 : f32 to vector<16xf32>
      %mul3A_1471 = arith.mulf %get3A_240, %mul3A_1470 : vector<16xf32>
      %add3A_1472 = arith.addf %add3A_1469, %mul3A_1471 : vector<16xf32>
      %gt3A_1473 = arith.cmpf ogt, %add3A_1472, %select_n3A_1351 : vector<16xf32>
      %select_n3A_1474 = arith.select %gt3A_1473, %add3A_1472, %select_n3A_1351 : vector<16xi1>, vector<16xf32>
      %select_n3A_1475 = arith.select %gt3A_1473, %add3A_1449, %select_n3A_1352 : vector<16xi1>, vector<16xi32>
      %mul3A_1476 = vector.broadcast %squeeze3A_1432 : f32 to vector<16xf32>
      %mul3A_1477 = arith.mulf %get3A_245, %mul3A_1476 : vector<16xf32>
      %mul3A_1478 = vector.broadcast %squeeze3A_1434 : f32 to vector<16xf32>
      %mul3A_1479 = arith.mulf %get3A_250, %mul3A_1478 : vector<16xf32>
      %add3A_1480 = arith.addf %mul3A_1477, %mul3A_1479 : vector<16xf32>
      %mul3A_1481 = vector.broadcast %squeeze3A_1436 : f32 to vector<16xf32>
      %mul3A_1482 = arith.mulf %get3A_255, %mul3A_1481 : vector<16xf32>
      %add3A_1483 = arith.addf %add3A_1480, %mul3A_1482 : vector<16xf32>
      %mul3A_1484 = vector.broadcast %squeeze3A_1438 : f32 to vector<16xf32>
      %mul3A_1485 = arith.mulf %get3A_260, %mul3A_1484 : vector<16xf32>
      %add3A_1486 = arith.addf %add3A_1483, %mul3A_1485 : vector<16xf32>
      %mul3A_1487 = vector.broadcast %squeeze3A_1440 : f32 to vector<16xf32>
      %mul3A_1488 = arith.mulf %get3A_265, %mul3A_1487 : vector<16xf32>
      %add3A_1489 = arith.addf %add3A_1486, %mul3A_1488 : vector<16xf32>
      %mul3A_1490 = vector.broadcast %squeeze3A_1442 : f32 to vector<16xf32>
      %mul3A_1491 = arith.mulf %get3A_270, %mul3A_1490 : vector<16xf32>
      %add3A_1492 = arith.addf %add3A_1489, %mul3A_1491 : vector<16xf32>
      %mul3A_1493 = vector.broadcast %squeeze3A_1444 : f32 to vector<16xf32>
      %mul3A_1494 = arith.mulf %get3A_275, %mul3A_1493 : vector<16xf32>
      %add3A_1495 = arith.addf %add3A_1492, %mul3A_1494 : vector<16xf32>
      %mul3A_1496 = vector.broadcast %squeeze3A_1446 : f32 to vector<16xf32>
      %mul3A_1497 = arith.mulf %get3A_280, %mul3A_1496 : vector<16xf32>
      %add3A_1498 = arith.addf %add3A_1495, %mul3A_1497 : vector<16xf32>
      %gt3A_1499 = arith.cmpf ogt, %add3A_1498, %select_n3A_1377 : vector<16xf32>
      %select_n3A_1500 = arith.select %gt3A_1499, %add3A_1498, %select_n3A_1377 : vector<16xi1>, vector<16xf32>
      %select_n3A_1501 = arith.select %gt3A_1499, %add3A_1449, %select_n3A_1378 : vector<16xi1>, vector<16xi32>
      %mul3A_1502 = vector.broadcast %squeeze3A_1432 : f32 to vector<16xf32>
      %mul3A_1503 = arith.mulf %get3A_285, %mul3A_1502 : vector<16xf32>
      %mul3A_1504 = vector.broadcast %squeeze3A_1434 : f32 to vector<16xf32>
      %mul3A_1505 = arith.mulf %get3A_290, %mul3A_1504 : vector<16xf32>
      %add3A_1506 = arith.addf %mul3A_1503, %mul3A_1505 : vector<16xf32>
      %mul3A_1507 = vector.broadcast %squeeze3A_1436 : f32 to vector<16xf32>
      %mul3A_1508 = arith.mulf %get3A_295, %mul3A_1507 : vector<16xf32>
      %add3A_1509 = arith.addf %add3A_1506, %mul3A_1508 : vector<16xf32>
      %mul3A_1510 = vector.broadcast %squeeze3A_1438 : f32 to vector<16xf32>
      %mul3A_1511 = arith.mulf %get3A_300, %mul3A_1510 : vector<16xf32>
      %add3A_1512 = arith.addf %add3A_1509, %mul3A_1511 : vector<16xf32>
      %mul3A_1513 = vector.broadcast %squeeze3A_1440 : f32 to vector<16xf32>
      %mul3A_1514 = arith.mulf %get3A_305, %mul3A_1513 : vector<16xf32>
      %add3A_1515 = arith.addf %add3A_1512, %mul3A_1514 : vector<16xf32>
      %mul3A_1516 = vector.broadcast %squeeze3A_1442 : f32 to vector<16xf32>
      %mul3A_1517 = arith.mulf %get3A_310, %mul3A_1516 : vector<16xf32>
      %add3A_1518 = arith.addf %add3A_1515, %mul3A_1517 : vector<16xf32>
      %mul3A_1519 = vector.broadcast %squeeze3A_1444 : f32 to vector<16xf32>
      %mul3A_1520 = arith.mulf %get3A_315, %mul3A_1519 : vector<16xf32>
      %add3A_1521 = arith.addf %add3A_1518, %mul3A_1520 : vector<16xf32>
      %mul3A_1522 = vector.broadcast %squeeze3A_1446 : f32 to vector<16xf32>
      %mul3A_1523 = arith.mulf %get3A_320, %mul3A_1522 : vector<16xf32>
      %add3A_1524 = arith.addf %add3A_1521, %mul3A_1523 : vector<16xf32>
      %gt3A_1525 = arith.cmpf ogt, %add3A_1524, %select_n3A_1403 : vector<16xf32>
      %select_n3A_1526 = arith.select %gt3A_1525, %add3A_1524, %select_n3A_1403 : vector<16xi1>, vector<16xf32>
      %select_n3A_1527 = arith.select %gt3A_1525, %add3A_1449, %select_n3A_1404 : vector<16xi1>, vector<16xi32>
      %mul3A_1528 = vector.broadcast %squeeze3A_1432 : f32 to vector<16xf32>
      %mul3A_1529 = arith.mulf %get3A_325, %mul3A_1528 : vector<16xf32>
      %mul3A_1530 = vector.broadcast %squeeze3A_1434 : f32 to vector<16xf32>
      %mul3A_1531 = arith.mulf %get3A_330, %mul3A_1530 : vector<16xf32>
      %add3A_1532 = arith.addf %mul3A_1529, %mul3A_1531 : vector<16xf32>
      %mul3A_1533 = vector.broadcast %squeeze3A_1436 : f32 to vector<16xf32>
      %mul3A_1534 = arith.mulf %get3A_335, %mul3A_1533 : vector<16xf32>
      %add3A_1535 = arith.addf %add3A_1532, %mul3A_1534 : vector<16xf32>
      %mul3A_1536 = vector.broadcast %squeeze3A_1438 : f32 to vector<16xf32>
      %mul3A_1537 = arith.mulf %get3A_340, %mul3A_1536 : vector<16xf32>
      %add3A_1538 = arith.addf %add3A_1535, %mul3A_1537 : vector<16xf32>
      %mul3A_1539 = vector.broadcast %squeeze3A_1440 : f32 to vector<16xf32>
      %mul3A_1540 = arith.mulf %get3A_345, %mul3A_1539 : vector<16xf32>
      %add3A_1541 = arith.addf %add3A_1538, %mul3A_1540 : vector<16xf32>
      %mul3A_1542 = vector.broadcast %squeeze3A_1442 : f32 to vector<16xf32>
      %mul3A_1543 = arith.mulf %get3A_350, %mul3A_1542 : vector<16xf32>
      %add3A_1544 = arith.addf %add3A_1541, %mul3A_1543 : vector<16xf32>
      %mul3A_1545 = vector.broadcast %squeeze3A_1444 : f32 to vector<16xf32>
      %mul3A_1546 = arith.mulf %get3A_355, %mul3A_1545 : vector<16xf32>
      %add3A_1547 = arith.addf %add3A_1544, %mul3A_1546 : vector<16xf32>
      %mul3A_1548 = vector.broadcast %squeeze3A_1446 : f32 to vector<16xf32>
      %mul3A_1549 = arith.mulf %get3A_360, %mul3A_1548 : vector<16xf32>
      %add3A_1550 = arith.addf %add3A_1547, %mul3A_1549 : vector<16xf32>
      %gt3A_1551 = arith.cmpf ogt, %add3A_1550, %select_n3A_1429 : vector<16xf32>
      %select_n3A_1552 = arith.select %gt3A_1551, %add3A_1550, %select_n3A_1429 : vector<16xi1>, vector<16xf32>
      %select_n3A_1553 = arith.select %gt3A_1551, %add3A_1449, %select_n3A_1430 : vector<16xi1>, vector<16xi32>
      %slice3A_1554 = vector.extract_strided_slice %get3A_414 {offsets = [9], sizes = [1], strides = [1]} : vector<16xf32> to vector<1xf32>
      %squeeze3A_1555 = vector.extract %slice3A_1554[0] : f32 from vector<1xf32>
      %slice3A_1556 = vector.extract_strided_slice %get3A_419 {offsets = [9], sizes = [1], strides = [1]} : vector<16xf32> to vector<1xf32>
      %squeeze3A_1557 = vector.extract %slice3A_1556[0] : f32 from vector<1xf32>
      %slice3A_1558 = vector.extract_strided_slice %get3A_424 {offsets = [9], sizes = [1], strides = [1]} : vector<16xf32> to vector<1xf32>
      %squeeze3A_1559 = vector.extract %slice3A_1558[0] : f32 from vector<1xf32>
      %slice3A_1560 = vector.extract_strided_slice %get3A_429 {offsets = [9], sizes = [1], strides = [1]} : vector<16xf32> to vector<1xf32>
      %squeeze3A_1561 = vector.extract %slice3A_1560[0] : f32 from vector<1xf32>
      %slice3A_1562 = vector.extract_strided_slice %get3A_434 {offsets = [9], sizes = [1], strides = [1]} : vector<16xf32> to vector<1xf32>
      %squeeze3A_1563 = vector.extract %slice3A_1562[0] : f32 from vector<1xf32>
      %slice3A_1564 = vector.extract_strided_slice %get3A_439 {offsets = [9], sizes = [1], strides = [1]} : vector<16xf32> to vector<1xf32>
      %squeeze3A_1565 = vector.extract %slice3A_1564[0] : f32 from vector<1xf32>
      %slice3A_1566 = vector.extract_strided_slice %get3A_444 {offsets = [9], sizes = [1], strides = [1]} : vector<16xf32> to vector<1xf32>
      %squeeze3A_1567 = vector.extract %slice3A_1566[0] : f32 from vector<1xf32>
      %slice3A_1568 = vector.extract_strided_slice %get3A_449 {offsets = [9], sizes = [1], strides = [1]} : vector<16xf32> to vector<1xf32>
      %squeeze3A_1569 = vector.extract %slice3A_1568[0] : f32 from vector<1xf32>
      %add3A_1570 = arith.constant 9 : i32
      %add3A_1571 = vector.broadcast %add3A_1570 : i32 to vector<16xi32>
      %add3A_1572 = arith.addi %broadcast_in_dim3A_450, %add3A_1571 : vector<16xi32>
      %mul3A_1573 = vector.broadcast %squeeze3A_1555 : f32 to vector<16xf32>
      %mul3A_1574 = arith.mulf %get3A_205, %mul3A_1573 : vector<16xf32>
      %mul3A_1575 = vector.broadcast %squeeze3A_1557 : f32 to vector<16xf32>
      %mul3A_1576 = arith.mulf %get3A_210, %mul3A_1575 : vector<16xf32>
      %add3A_1577 = arith.addf %mul3A_1574, %mul3A_1576 : vector<16xf32>
      %mul3A_1578 = vector.broadcast %squeeze3A_1559 : f32 to vector<16xf32>
      %mul3A_1579 = arith.mulf %get3A_215, %mul3A_1578 : vector<16xf32>
      %add3A_1580 = arith.addf %add3A_1577, %mul3A_1579 : vector<16xf32>
      %mul3A_1581 = vector.broadcast %squeeze3A_1561 : f32 to vector<16xf32>
      %mul3A_1582 = arith.mulf %get3A_220, %mul3A_1581 : vector<16xf32>
      %add3A_1583 = arith.addf %add3A_1580, %mul3A_1582 : vector<16xf32>
      %mul3A_1584 = vector.broadcast %squeeze3A_1563 : f32 to vector<16xf32>
      %mul3A_1585 = arith.mulf %get3A_225, %mul3A_1584 : vector<16xf32>
      %add3A_1586 = arith.addf %add3A_1583, %mul3A_1585 : vector<16xf32>
      %mul3A_1587 = vector.broadcast %squeeze3A_1565 : f32 to vector<16xf32>
      %mul3A_1588 = arith.mulf %get3A_230, %mul3A_1587 : vector<16xf32>
      %add3A_1589 = arith.addf %add3A_1586, %mul3A_1588 : vector<16xf32>
      %mul3A_1590 = vector.broadcast %squeeze3A_1567 : f32 to vector<16xf32>
      %mul3A_1591 = arith.mulf %get3A_235, %mul3A_1590 : vector<16xf32>
      %add3A_1592 = arith.addf %add3A_1589, %mul3A_1591 : vector<16xf32>
      %mul3A_1593 = vector.broadcast %squeeze3A_1569 : f32 to vector<16xf32>
      %mul3A_1594 = arith.mulf %get3A_240, %mul3A_1593 : vector<16xf32>
      %add3A_1595 = arith.addf %add3A_1592, %mul3A_1594 : vector<16xf32>
      %gt3A_1596 = arith.cmpf ogt, %add3A_1595, %select_n3A_1474 : vector<16xf32>
      %select_n3A_1597 = arith.select %gt3A_1596, %add3A_1595, %select_n3A_1474 : vector<16xi1>, vector<16xf32>
      %select_n3A_1598 = arith.select %gt3A_1596, %add3A_1572, %select_n3A_1475 : vector<16xi1>, vector<16xi32>
      %mul3A_1599 = vector.broadcast %squeeze3A_1555 : f32 to vector<16xf32>
      %mul3A_1600 = arith.mulf %get3A_245, %mul3A_1599 : vector<16xf32>
      %mul3A_1601 = vector.broadcast %squeeze3A_1557 : f32 to vector<16xf32>
      %mul3A_1602 = arith.mulf %get3A_250, %mul3A_1601 : vector<16xf32>
      %add3A_1603 = arith.addf %mul3A_1600, %mul3A_1602 : vector<16xf32>
      %mul3A_1604 = vector.broadcast %squeeze3A_1559 : f32 to vector<16xf32>
      %mul3A_1605 = arith.mulf %get3A_255, %mul3A_1604 : vector<16xf32>
      %add3A_1606 = arith.addf %add3A_1603, %mul3A_1605 : vector<16xf32>
      %mul3A_1607 = vector.broadcast %squeeze3A_1561 : f32 to vector<16xf32>
      %mul3A_1608 = arith.mulf %get3A_260, %mul3A_1607 : vector<16xf32>
      %add3A_1609 = arith.addf %add3A_1606, %mul3A_1608 : vector<16xf32>
      %mul3A_1610 = vector.broadcast %squeeze3A_1563 : f32 to vector<16xf32>
      %mul3A_1611 = arith.mulf %get3A_265, %mul3A_1610 : vector<16xf32>
      %add3A_1612 = arith.addf %add3A_1609, %mul3A_1611 : vector<16xf32>
      %mul3A_1613 = vector.broadcast %squeeze3A_1565 : f32 to vector<16xf32>
      %mul3A_1614 = arith.mulf %get3A_270, %mul3A_1613 : vector<16xf32>
      %add3A_1615 = arith.addf %add3A_1612, %mul3A_1614 : vector<16xf32>
      %mul3A_1616 = vector.broadcast %squeeze3A_1567 : f32 to vector<16xf32>
      %mul3A_1617 = arith.mulf %get3A_275, %mul3A_1616 : vector<16xf32>
      %add3A_1618 = arith.addf %add3A_1615, %mul3A_1617 : vector<16xf32>
      %mul3A_1619 = vector.broadcast %squeeze3A_1569 : f32 to vector<16xf32>
      %mul3A_1620 = arith.mulf %get3A_280, %mul3A_1619 : vector<16xf32>
      %add3A_1621 = arith.addf %add3A_1618, %mul3A_1620 : vector<16xf32>
      %gt3A_1622 = arith.cmpf ogt, %add3A_1621, %select_n3A_1500 : vector<16xf32>
      %select_n3A_1623 = arith.select %gt3A_1622, %add3A_1621, %select_n3A_1500 : vector<16xi1>, vector<16xf32>
      %select_n3A_1624 = arith.select %gt3A_1622, %add3A_1572, %select_n3A_1501 : vector<16xi1>, vector<16xi32>
      %mul3A_1625 = vector.broadcast %squeeze3A_1555 : f32 to vector<16xf32>
      %mul3A_1626 = arith.mulf %get3A_285, %mul3A_1625 : vector<16xf32>
      %mul3A_1627 = vector.broadcast %squeeze3A_1557 : f32 to vector<16xf32>
      %mul3A_1628 = arith.mulf %get3A_290, %mul3A_1627 : vector<16xf32>
      %add3A_1629 = arith.addf %mul3A_1626, %mul3A_1628 : vector<16xf32>
      %mul3A_1630 = vector.broadcast %squeeze3A_1559 : f32 to vector<16xf32>
      %mul3A_1631 = arith.mulf %get3A_295, %mul3A_1630 : vector<16xf32>
      %add3A_1632 = arith.addf %add3A_1629, %mul3A_1631 : vector<16xf32>
      %mul3A_1633 = vector.broadcast %squeeze3A_1561 : f32 to vector<16xf32>
      %mul3A_1634 = arith.mulf %get3A_300, %mul3A_1633 : vector<16xf32>
      %add3A_1635 = arith.addf %add3A_1632, %mul3A_1634 : vector<16xf32>
      %mul3A_1636 = vector.broadcast %squeeze3A_1563 : f32 to vector<16xf32>
      %mul3A_1637 = arith.mulf %get3A_305, %mul3A_1636 : vector<16xf32>
      %add3A_1638 = arith.addf %add3A_1635, %mul3A_1637 : vector<16xf32>
      %mul3A_1639 = vector.broadcast %squeeze3A_1565 : f32 to vector<16xf32>
      %mul3A_1640 = arith.mulf %get3A_310, %mul3A_1639 : vector<16xf32>
      %add3A_1641 = arith.addf %add3A_1638, %mul3A_1640 : vector<16xf32>
      %mul3A_1642 = vector.broadcast %squeeze3A_1567 : f32 to vector<16xf32>
      %mul3A_1643 = arith.mulf %get3A_315, %mul3A_1642 : vector<16xf32>
      %add3A_1644 = arith.addf %add3A_1641, %mul3A_1643 : vector<16xf32>
      %mul3A_1645 = vector.broadcast %squeeze3A_1569 : f32 to vector<16xf32>
      %mul3A_1646 = arith.mulf %get3A_320, %mul3A_1645 : vector<16xf32>
      %add3A_1647 = arith.addf %add3A_1644, %mul3A_1646 : vector<16xf32>
      %gt3A_1648 = arith.cmpf ogt, %add3A_1647, %select_n3A_1526 : vector<16xf32>
      %select_n3A_1649 = arith.select %gt3A_1648, %add3A_1647, %select_n3A_1526 : vector<16xi1>, vector<16xf32>
      %select_n3A_1650 = arith.select %gt3A_1648, %add3A_1572, %select_n3A_1527 : vector<16xi1>, vector<16xi32>
      %mul3A_1651 = vector.broadcast %squeeze3A_1555 : f32 to vector<16xf32>
      %mul3A_1652 = arith.mulf %get3A_325, %mul3A_1651 : vector<16xf32>
      %mul3A_1653 = vector.broadcast %squeeze3A_1557 : f32 to vector<16xf32>
      %mul3A_1654 = arith.mulf %get3A_330, %mul3A_1653 : vector<16xf32>
      %add3A_1655 = arith.addf %mul3A_1652, %mul3A_1654 : vector<16xf32>
      %mul3A_1656 = vector.broadcast %squeeze3A_1559 : f32 to vector<16xf32>
      %mul3A_1657 = arith.mulf %get3A_335, %mul3A_1656 : vector<16xf32>
      %add3A_1658 = arith.addf %add3A_1655, %mul3A_1657 : vector<16xf32>
      %mul3A_1659 = vector.broadcast %squeeze3A_1561 : f32 to vector<16xf32>
      %mul3A_1660 = arith.mulf %get3A_340, %mul3A_1659 : vector<16xf32>
      %add3A_1661 = arith.addf %add3A_1658, %mul3A_1660 : vector<16xf32>
      %mul3A_1662 = vector.broadcast %squeeze3A_1563 : f32 to vector<16xf32>
      %mul3A_1663 = arith.mulf %get3A_345, %mul3A_1662 : vector<16xf32>
      %add3A_1664 = arith.addf %add3A_1661, %mul3A_1663 : vector<16xf32>
      %mul3A_1665 = vector.broadcast %squeeze3A_1565 : f32 to vector<16xf32>
      %mul3A_1666 = arith.mulf %get3A_350, %mul3A_1665 : vector<16xf32>
      %add3A_1667 = arith.addf %add3A_1664, %mul3A_1666 : vector<16xf32>
      %mul3A_1668 = vector.broadcast %squeeze3A_1567 : f32 to vector<16xf32>
      %mul3A_1669 = arith.mulf %get3A_355, %mul3A_1668 : vector<16xf32>
      %add3A_1670 = arith.addf %add3A_1667, %mul3A_1669 : vector<16xf32>
      %mul3A_1671 = vector.broadcast %squeeze3A_1569 : f32 to vector<16xf32>
      %mul3A_1672 = arith.mulf %get3A_360, %mul3A_1671 : vector<16xf32>
      %add3A_1673 = arith.addf %add3A_1670, %mul3A_1672 : vector<16xf32>
      %gt3A_1674 = arith.cmpf ogt, %add3A_1673, %select_n3A_1552 : vector<16xf32>
      %select_n3A_1675 = arith.select %gt3A_1674, %add3A_1673, %select_n3A_1552 : vector<16xi1>, vector<16xf32>
      %select_n3A_1676 = arith.select %gt3A_1674, %add3A_1572, %select_n3A_1553 : vector<16xi1>, vector<16xi32>
      %slice3A_1677 = vector.extract_strided_slice %get3A_414 {offsets = [10], sizes = [1], strides = [1]} : vector<16xf32> to vector<1xf32>
      %squeeze3A_1678 = vector.extract %slice3A_1677[0] : f32 from vector<1xf32>
      %slice3A_1679 = vector.extract_strided_slice %get3A_419 {offsets = [10], sizes = [1], strides = [1]} : vector<16xf32> to vector<1xf32>
      %squeeze3A_1680 = vector.extract %slice3A_1679[0] : f32 from vector<1xf32>
      %slice3A_1681 = vector.extract_strided_slice %get3A_424 {offsets = [10], sizes = [1], strides = [1]} : vector<16xf32> to vector<1xf32>
      %squeeze3A_1682 = vector.extract %slice3A_1681[0] : f32 from vector<1xf32>
      %slice3A_1683 = vector.extract_strided_slice %get3A_429 {offsets = [10], sizes = [1], strides = [1]} : vector<16xf32> to vector<1xf32>
      %squeeze3A_1684 = vector.extract %slice3A_1683[0] : f32 from vector<1xf32>
      %slice3A_1685 = vector.extract_strided_slice %get3A_434 {offsets = [10], sizes = [1], strides = [1]} : vector<16xf32> to vector<1xf32>
      %squeeze3A_1686 = vector.extract %slice3A_1685[0] : f32 from vector<1xf32>
      %slice3A_1687 = vector.extract_strided_slice %get3A_439 {offsets = [10], sizes = [1], strides = [1]} : vector<16xf32> to vector<1xf32>
      %squeeze3A_1688 = vector.extract %slice3A_1687[0] : f32 from vector<1xf32>
      %slice3A_1689 = vector.extract_strided_slice %get3A_444 {offsets = [10], sizes = [1], strides = [1]} : vector<16xf32> to vector<1xf32>
      %squeeze3A_1690 = vector.extract %slice3A_1689[0] : f32 from vector<1xf32>
      %slice3A_1691 = vector.extract_strided_slice %get3A_449 {offsets = [10], sizes = [1], strides = [1]} : vector<16xf32> to vector<1xf32>
      %squeeze3A_1692 = vector.extract %slice3A_1691[0] : f32 from vector<1xf32>
      %add3A_1693 = arith.constant 10 : i32
      %add3A_1694 = vector.broadcast %add3A_1693 : i32 to vector<16xi32>
      %add3A_1695 = arith.addi %broadcast_in_dim3A_450, %add3A_1694 : vector<16xi32>
      %mul3A_1696 = vector.broadcast %squeeze3A_1678 : f32 to vector<16xf32>
      %mul3A_1697 = arith.mulf %get3A_205, %mul3A_1696 : vector<16xf32>
      %mul3A_1698 = vector.broadcast %squeeze3A_1680 : f32 to vector<16xf32>
      %mul3A_1699 = arith.mulf %get3A_210, %mul3A_1698 : vector<16xf32>
      %add3A_1700 = arith.addf %mul3A_1697, %mul3A_1699 : vector<16xf32>
      %mul3A_1701 = vector.broadcast %squeeze3A_1682 : f32 to vector<16xf32>
      %mul3A_1702 = arith.mulf %get3A_215, %mul3A_1701 : vector<16xf32>
      %add3A_1703 = arith.addf %add3A_1700, %mul3A_1702 : vector<16xf32>
      %mul3A_1704 = vector.broadcast %squeeze3A_1684 : f32 to vector<16xf32>
      %mul3A_1705 = arith.mulf %get3A_220, %mul3A_1704 : vector<16xf32>
      %add3A_1706 = arith.addf %add3A_1703, %mul3A_1705 : vector<16xf32>
      %mul3A_1707 = vector.broadcast %squeeze3A_1686 : f32 to vector<16xf32>
      %mul3A_1708 = arith.mulf %get3A_225, %mul3A_1707 : vector<16xf32>
      %add3A_1709 = arith.addf %add3A_1706, %mul3A_1708 : vector<16xf32>
      %mul3A_1710 = vector.broadcast %squeeze3A_1688 : f32 to vector<16xf32>
      %mul3A_1711 = arith.mulf %get3A_230, %mul3A_1710 : vector<16xf32>
      %add3A_1712 = arith.addf %add3A_1709, %mul3A_1711 : vector<16xf32>
      %mul3A_1713 = vector.broadcast %squeeze3A_1690 : f32 to vector<16xf32>
      %mul3A_1714 = arith.mulf %get3A_235, %mul3A_1713 : vector<16xf32>
      %add3A_1715 = arith.addf %add3A_1712, %mul3A_1714 : vector<16xf32>
      %mul3A_1716 = vector.broadcast %squeeze3A_1692 : f32 to vector<16xf32>
      %mul3A_1717 = arith.mulf %get3A_240, %mul3A_1716 : vector<16xf32>
      %add3A_1718 = arith.addf %add3A_1715, %mul3A_1717 : vector<16xf32>
      %gt3A_1719 = arith.cmpf ogt, %add3A_1718, %select_n3A_1597 : vector<16xf32>
      %select_n3A_1720 = arith.select %gt3A_1719, %add3A_1718, %select_n3A_1597 : vector<16xi1>, vector<16xf32>
      %select_n3A_1721 = arith.select %gt3A_1719, %add3A_1695, %select_n3A_1598 : vector<16xi1>, vector<16xi32>
      %mul3A_1722 = vector.broadcast %squeeze3A_1678 : f32 to vector<16xf32>
      %mul3A_1723 = arith.mulf %get3A_245, %mul3A_1722 : vector<16xf32>
      %mul3A_1724 = vector.broadcast %squeeze3A_1680 : f32 to vector<16xf32>
      %mul3A_1725 = arith.mulf %get3A_250, %mul3A_1724 : vector<16xf32>
      %add3A_1726 = arith.addf %mul3A_1723, %mul3A_1725 : vector<16xf32>
      %mul3A_1727 = vector.broadcast %squeeze3A_1682 : f32 to vector<16xf32>
      %mul3A_1728 = arith.mulf %get3A_255, %mul3A_1727 : vector<16xf32>
      %add3A_1729 = arith.addf %add3A_1726, %mul3A_1728 : vector<16xf32>
      %mul3A_1730 = vector.broadcast %squeeze3A_1684 : f32 to vector<16xf32>
      %mul3A_1731 = arith.mulf %get3A_260, %mul3A_1730 : vector<16xf32>
      %add3A_1732 = arith.addf %add3A_1729, %mul3A_1731 : vector<16xf32>
      %mul3A_1733 = vector.broadcast %squeeze3A_1686 : f32 to vector<16xf32>
      %mul3A_1734 = arith.mulf %get3A_265, %mul3A_1733 : vector<16xf32>
      %add3A_1735 = arith.addf %add3A_1732, %mul3A_1734 : vector<16xf32>
      %mul3A_1736 = vector.broadcast %squeeze3A_1688 : f32 to vector<16xf32>
      %mul3A_1737 = arith.mulf %get3A_270, %mul3A_1736 : vector<16xf32>
      %add3A_1738 = arith.addf %add3A_1735, %mul3A_1737 : vector<16xf32>
      %mul3A_1739 = vector.broadcast %squeeze3A_1690 : f32 to vector<16xf32>
      %mul3A_1740 = arith.mulf %get3A_275, %mul3A_1739 : vector<16xf32>
      %add3A_1741 = arith.addf %add3A_1738, %mul3A_1740 : vector<16xf32>
      %mul3A_1742 = vector.broadcast %squeeze3A_1692 : f32 to vector<16xf32>
      %mul3A_1743 = arith.mulf %get3A_280, %mul3A_1742 : vector<16xf32>
      %add3A_1744 = arith.addf %add3A_1741, %mul3A_1743 : vector<16xf32>
      %gt3A_1745 = arith.cmpf ogt, %add3A_1744, %select_n3A_1623 : vector<16xf32>
      %select_n3A_1746 = arith.select %gt3A_1745, %add3A_1744, %select_n3A_1623 : vector<16xi1>, vector<16xf32>
      %select_n3A_1747 = arith.select %gt3A_1745, %add3A_1695, %select_n3A_1624 : vector<16xi1>, vector<16xi32>
      %mul3A_1748 = vector.broadcast %squeeze3A_1678 : f32 to vector<16xf32>
      %mul3A_1749 = arith.mulf %get3A_285, %mul3A_1748 : vector<16xf32>
      %mul3A_1750 = vector.broadcast %squeeze3A_1680 : f32 to vector<16xf32>
      %mul3A_1751 = arith.mulf %get3A_290, %mul3A_1750 : vector<16xf32>
      %add3A_1752 = arith.addf %mul3A_1749, %mul3A_1751 : vector<16xf32>
      %mul3A_1753 = vector.broadcast %squeeze3A_1682 : f32 to vector<16xf32>
      %mul3A_1754 = arith.mulf %get3A_295, %mul3A_1753 : vector<16xf32>
      %add3A_1755 = arith.addf %add3A_1752, %mul3A_1754 : vector<16xf32>
      %mul3A_1756 = vector.broadcast %squeeze3A_1684 : f32 to vector<16xf32>
      %mul3A_1757 = arith.mulf %get3A_300, %mul3A_1756 : vector<16xf32>
      %add3A_1758 = arith.addf %add3A_1755, %mul3A_1757 : vector<16xf32>
      %mul3A_1759 = vector.broadcast %squeeze3A_1686 : f32 to vector<16xf32>
      %mul3A_1760 = arith.mulf %get3A_305, %mul3A_1759 : vector<16xf32>
      %add3A_1761 = arith.addf %add3A_1758, %mul3A_1760 : vector<16xf32>
      %mul3A_1762 = vector.broadcast %squeeze3A_1688 : f32 to vector<16xf32>
      %mul3A_1763 = arith.mulf %get3A_310, %mul3A_1762 : vector<16xf32>
      %add3A_1764 = arith.addf %add3A_1761, %mul3A_1763 : vector<16xf32>
      %mul3A_1765 = vector.broadcast %squeeze3A_1690 : f32 to vector<16xf32>
      %mul3A_1766 = arith.mulf %get3A_315, %mul3A_1765 : vector<16xf32>
      %add3A_1767 = arith.addf %add3A_1764, %mul3A_1766 : vector<16xf32>
      %mul3A_1768 = vector.broadcast %squeeze3A_1692 : f32 to vector<16xf32>
      %mul3A_1769 = arith.mulf %get3A_320, %mul3A_1768 : vector<16xf32>
      %add3A_1770 = arith.addf %add3A_1767, %mul3A_1769 : vector<16xf32>
      %gt3A_1771 = arith.cmpf ogt, %add3A_1770, %select_n3A_1649 : vector<16xf32>
      %select_n3A_1772 = arith.select %gt3A_1771, %add3A_1770, %select_n3A_1649 : vector<16xi1>, vector<16xf32>
      %select_n3A_1773 = arith.select %gt3A_1771, %add3A_1695, %select_n3A_1650 : vector<16xi1>, vector<16xi32>
      %mul3A_1774 = vector.broadcast %squeeze3A_1678 : f32 to vector<16xf32>
      %mul3A_1775 = arith.mulf %get3A_325, %mul3A_1774 : vector<16xf32>
      %mul3A_1776 = vector.broadcast %squeeze3A_1680 : f32 to vector<16xf32>
      %mul3A_1777 = arith.mulf %get3A_330, %mul3A_1776 : vector<16xf32>
      %add3A_1778 = arith.addf %mul3A_1775, %mul3A_1777 : vector<16xf32>
      %mul3A_1779 = vector.broadcast %squeeze3A_1682 : f32 to vector<16xf32>
      %mul3A_1780 = arith.mulf %get3A_335, %mul3A_1779 : vector<16xf32>
      %add3A_1781 = arith.addf %add3A_1778, %mul3A_1780 : vector<16xf32>
      %mul3A_1782 = vector.broadcast %squeeze3A_1684 : f32 to vector<16xf32>
      %mul3A_1783 = arith.mulf %get3A_340, %mul3A_1782 : vector<16xf32>
      %add3A_1784 = arith.addf %add3A_1781, %mul3A_1783 : vector<16xf32>
      %mul3A_1785 = vector.broadcast %squeeze3A_1686 : f32 to vector<16xf32>
      %mul3A_1786 = arith.mulf %get3A_345, %mul3A_1785 : vector<16xf32>
      %add3A_1787 = arith.addf %add3A_1784, %mul3A_1786 : vector<16xf32>
      %mul3A_1788 = vector.broadcast %squeeze3A_1688 : f32 to vector<16xf32>
      %mul3A_1789 = arith.mulf %get3A_350, %mul3A_1788 : vector<16xf32>
      %add3A_1790 = arith.addf %add3A_1787, %mul3A_1789 : vector<16xf32>
      %mul3A_1791 = vector.broadcast %squeeze3A_1690 : f32 to vector<16xf32>
      %mul3A_1792 = arith.mulf %get3A_355, %mul3A_1791 : vector<16xf32>
      %add3A_1793 = arith.addf %add3A_1790, %mul3A_1792 : vector<16xf32>
      %mul3A_1794 = vector.broadcast %squeeze3A_1692 : f32 to vector<16xf32>
      %mul3A_1795 = arith.mulf %get3A_360, %mul3A_1794 : vector<16xf32>
      %add3A_1796 = arith.addf %add3A_1793, %mul3A_1795 : vector<16xf32>
      %gt3A_1797 = arith.cmpf ogt, %add3A_1796, %select_n3A_1675 : vector<16xf32>
      %select_n3A_1798 = arith.select %gt3A_1797, %add3A_1796, %select_n3A_1675 : vector<16xi1>, vector<16xf32>
      %select_n3A_1799 = arith.select %gt3A_1797, %add3A_1695, %select_n3A_1676 : vector<16xi1>, vector<16xi32>
      %slice3A_1800 = vector.extract_strided_slice %get3A_414 {offsets = [11], sizes = [1], strides = [1]} : vector<16xf32> to vector<1xf32>
      %squeeze3A_1801 = vector.extract %slice3A_1800[0] : f32 from vector<1xf32>
      %slice3A_1802 = vector.extract_strided_slice %get3A_419 {offsets = [11], sizes = [1], strides = [1]} : vector<16xf32> to vector<1xf32>
      %squeeze3A_1803 = vector.extract %slice3A_1802[0] : f32 from vector<1xf32>
      %slice3A_1804 = vector.extract_strided_slice %get3A_424 {offsets = [11], sizes = [1], strides = [1]} : vector<16xf32> to vector<1xf32>
      %squeeze3A_1805 = vector.extract %slice3A_1804[0] : f32 from vector<1xf32>
      %slice3A_1806 = vector.extract_strided_slice %get3A_429 {offsets = [11], sizes = [1], strides = [1]} : vector<16xf32> to vector<1xf32>
      %squeeze3A_1807 = vector.extract %slice3A_1806[0] : f32 from vector<1xf32>
      %slice3A_1808 = vector.extract_strided_slice %get3A_434 {offsets = [11], sizes = [1], strides = [1]} : vector<16xf32> to vector<1xf32>
      %squeeze3A_1809 = vector.extract %slice3A_1808[0] : f32 from vector<1xf32>
      %slice3A_1810 = vector.extract_strided_slice %get3A_439 {offsets = [11], sizes = [1], strides = [1]} : vector<16xf32> to vector<1xf32>
      %squeeze3A_1811 = vector.extract %slice3A_1810[0] : f32 from vector<1xf32>
      %slice3A_1812 = vector.extract_strided_slice %get3A_444 {offsets = [11], sizes = [1], strides = [1]} : vector<16xf32> to vector<1xf32>
      %squeeze3A_1813 = vector.extract %slice3A_1812[0] : f32 from vector<1xf32>
      %slice3A_1814 = vector.extract_strided_slice %get3A_449 {offsets = [11], sizes = [1], strides = [1]} : vector<16xf32> to vector<1xf32>
      %squeeze3A_1815 = vector.extract %slice3A_1814[0] : f32 from vector<1xf32>
      %add3A_1816 = arith.constant 11 : i32
      %add3A_1817 = vector.broadcast %add3A_1816 : i32 to vector<16xi32>
      %add3A_1818 = arith.addi %broadcast_in_dim3A_450, %add3A_1817 : vector<16xi32>
      %mul3A_1819 = vector.broadcast %squeeze3A_1801 : f32 to vector<16xf32>
      %mul3A_1820 = arith.mulf %get3A_205, %mul3A_1819 : vector<16xf32>
      %mul3A_1821 = vector.broadcast %squeeze3A_1803 : f32 to vector<16xf32>
      %mul3A_1822 = arith.mulf %get3A_210, %mul3A_1821 : vector<16xf32>
      %add3A_1823 = arith.addf %mul3A_1820, %mul3A_1822 : vector<16xf32>
      %mul3A_1824 = vector.broadcast %squeeze3A_1805 : f32 to vector<16xf32>
      %mul3A_1825 = arith.mulf %get3A_215, %mul3A_1824 : vector<16xf32>
      %add3A_1826 = arith.addf %add3A_1823, %mul3A_1825 : vector<16xf32>
      %mul3A_1827 = vector.broadcast %squeeze3A_1807 : f32 to vector<16xf32>
      %mul3A_1828 = arith.mulf %get3A_220, %mul3A_1827 : vector<16xf32>
      %add3A_1829 = arith.addf %add3A_1826, %mul3A_1828 : vector<16xf32>
      %mul3A_1830 = vector.broadcast %squeeze3A_1809 : f32 to vector<16xf32>
      %mul3A_1831 = arith.mulf %get3A_225, %mul3A_1830 : vector<16xf32>
      %add3A_1832 = arith.addf %add3A_1829, %mul3A_1831 : vector<16xf32>
      %mul3A_1833 = vector.broadcast %squeeze3A_1811 : f32 to vector<16xf32>
      %mul3A_1834 = arith.mulf %get3A_230, %mul3A_1833 : vector<16xf32>
      %add3A_1835 = arith.addf %add3A_1832, %mul3A_1834 : vector<16xf32>
      %mul3A_1836 = vector.broadcast %squeeze3A_1813 : f32 to vector<16xf32>
      %mul3A_1837 = arith.mulf %get3A_235, %mul3A_1836 : vector<16xf32>
      %add3A_1838 = arith.addf %add3A_1835, %mul3A_1837 : vector<16xf32>
      %mul3A_1839 = vector.broadcast %squeeze3A_1815 : f32 to vector<16xf32>
      %mul3A_1840 = arith.mulf %get3A_240, %mul3A_1839 : vector<16xf32>
      %add3A_1841 = arith.addf %add3A_1838, %mul3A_1840 : vector<16xf32>
      %gt3A_1842 = arith.cmpf ogt, %add3A_1841, %select_n3A_1720 : vector<16xf32>
      %select_n3A_1843 = arith.select %gt3A_1842, %add3A_1841, %select_n3A_1720 : vector<16xi1>, vector<16xf32>
      %select_n3A_1844 = arith.select %gt3A_1842, %add3A_1818, %select_n3A_1721 : vector<16xi1>, vector<16xi32>
      %mul3A_1845 = vector.broadcast %squeeze3A_1801 : f32 to vector<16xf32>
      %mul3A_1846 = arith.mulf %get3A_245, %mul3A_1845 : vector<16xf32>
      %mul3A_1847 = vector.broadcast %squeeze3A_1803 : f32 to vector<16xf32>
      %mul3A_1848 = arith.mulf %get3A_250, %mul3A_1847 : vector<16xf32>
      %add3A_1849 = arith.addf %mul3A_1846, %mul3A_1848 : vector<16xf32>
      %mul3A_1850 = vector.broadcast %squeeze3A_1805 : f32 to vector<16xf32>
      %mul3A_1851 = arith.mulf %get3A_255, %mul3A_1850 : vector<16xf32>
      %add3A_1852 = arith.addf %add3A_1849, %mul3A_1851 : vector<16xf32>
      %mul3A_1853 = vector.broadcast %squeeze3A_1807 : f32 to vector<16xf32>
      %mul3A_1854 = arith.mulf %get3A_260, %mul3A_1853 : vector<16xf32>
      %add3A_1855 = arith.addf %add3A_1852, %mul3A_1854 : vector<16xf32>
      %mul3A_1856 = vector.broadcast %squeeze3A_1809 : f32 to vector<16xf32>
      %mul3A_1857 = arith.mulf %get3A_265, %mul3A_1856 : vector<16xf32>
      %add3A_1858 = arith.addf %add3A_1855, %mul3A_1857 : vector<16xf32>
      %mul3A_1859 = vector.broadcast %squeeze3A_1811 : f32 to vector<16xf32>
      %mul3A_1860 = arith.mulf %get3A_270, %mul3A_1859 : vector<16xf32>
      %add3A_1861 = arith.addf %add3A_1858, %mul3A_1860 : vector<16xf32>
      %mul3A_1862 = vector.broadcast %squeeze3A_1813 : f32 to vector<16xf32>
      %mul3A_1863 = arith.mulf %get3A_275, %mul3A_1862 : vector<16xf32>
      %add3A_1864 = arith.addf %add3A_1861, %mul3A_1863 : vector<16xf32>
      %mul3A_1865 = vector.broadcast %squeeze3A_1815 : f32 to vector<16xf32>
      %mul3A_1866 = arith.mulf %get3A_280, %mul3A_1865 : vector<16xf32>
      %add3A_1867 = arith.addf %add3A_1864, %mul3A_1866 : vector<16xf32>
      %gt3A_1868 = arith.cmpf ogt, %add3A_1867, %select_n3A_1746 : vector<16xf32>
      %select_n3A_1869 = arith.select %gt3A_1868, %add3A_1867, %select_n3A_1746 : vector<16xi1>, vector<16xf32>
      %select_n3A_1870 = arith.select %gt3A_1868, %add3A_1818, %select_n3A_1747 : vector<16xi1>, vector<16xi32>
      %mul3A_1871 = vector.broadcast %squeeze3A_1801 : f32 to vector<16xf32>
      %mul3A_1872 = arith.mulf %get3A_285, %mul3A_1871 : vector<16xf32>
      %mul3A_1873 = vector.broadcast %squeeze3A_1803 : f32 to vector<16xf32>
      %mul3A_1874 = arith.mulf %get3A_290, %mul3A_1873 : vector<16xf32>
      %add3A_1875 = arith.addf %mul3A_1872, %mul3A_1874 : vector<16xf32>
      %mul3A_1876 = vector.broadcast %squeeze3A_1805 : f32 to vector<16xf32>
      %mul3A_1877 = arith.mulf %get3A_295, %mul3A_1876 : vector<16xf32>
      %add3A_1878 = arith.addf %add3A_1875, %mul3A_1877 : vector<16xf32>
      %mul3A_1879 = vector.broadcast %squeeze3A_1807 : f32 to vector<16xf32>
      %mul3A_1880 = arith.mulf %get3A_300, %mul3A_1879 : vector<16xf32>
      %add3A_1881 = arith.addf %add3A_1878, %mul3A_1880 : vector<16xf32>
      %mul3A_1882 = vector.broadcast %squeeze3A_1809 : f32 to vector<16xf32>
      %mul3A_1883 = arith.mulf %get3A_305, %mul3A_1882 : vector<16xf32>
      %add3A_1884 = arith.addf %add3A_1881, %mul3A_1883 : vector<16xf32>
      %mul3A_1885 = vector.broadcast %squeeze3A_1811 : f32 to vector<16xf32>
      %mul3A_1886 = arith.mulf %get3A_310, %mul3A_1885 : vector<16xf32>
      %add3A_1887 = arith.addf %add3A_1884, %mul3A_1886 : vector<16xf32>
      %mul3A_1888 = vector.broadcast %squeeze3A_1813 : f32 to vector<16xf32>
      %mul3A_1889 = arith.mulf %get3A_315, %mul3A_1888 : vector<16xf32>
      %add3A_1890 = arith.addf %add3A_1887, %mul3A_1889 : vector<16xf32>
      %mul3A_1891 = vector.broadcast %squeeze3A_1815 : f32 to vector<16xf32>
      %mul3A_1892 = arith.mulf %get3A_320, %mul3A_1891 : vector<16xf32>
      %add3A_1893 = arith.addf %add3A_1890, %mul3A_1892 : vector<16xf32>
      %gt3A_1894 = arith.cmpf ogt, %add3A_1893, %select_n3A_1772 : vector<16xf32>
      %select_n3A_1895 = arith.select %gt3A_1894, %add3A_1893, %select_n3A_1772 : vector<16xi1>, vector<16xf32>
      %select_n3A_1896 = arith.select %gt3A_1894, %add3A_1818, %select_n3A_1773 : vector<16xi1>, vector<16xi32>
      %mul3A_1897 = vector.broadcast %squeeze3A_1801 : f32 to vector<16xf32>
      %mul3A_1898 = arith.mulf %get3A_325, %mul3A_1897 : vector<16xf32>
      %mul3A_1899 = vector.broadcast %squeeze3A_1803 : f32 to vector<16xf32>
      %mul3A_1900 = arith.mulf %get3A_330, %mul3A_1899 : vector<16xf32>
      %add3A_1901 = arith.addf %mul3A_1898, %mul3A_1900 : vector<16xf32>
      %mul3A_1902 = vector.broadcast %squeeze3A_1805 : f32 to vector<16xf32>
      %mul3A_1903 = arith.mulf %get3A_335, %mul3A_1902 : vector<16xf32>
      %add3A_1904 = arith.addf %add3A_1901, %mul3A_1903 : vector<16xf32>
      %mul3A_1905 = vector.broadcast %squeeze3A_1807 : f32 to vector<16xf32>
      %mul3A_1906 = arith.mulf %get3A_340, %mul3A_1905 : vector<16xf32>
      %add3A_1907 = arith.addf %add3A_1904, %mul3A_1906 : vector<16xf32>
      %mul3A_1908 = vector.broadcast %squeeze3A_1809 : f32 to vector<16xf32>
      %mul3A_1909 = arith.mulf %get3A_345, %mul3A_1908 : vector<16xf32>
      %add3A_1910 = arith.addf %add3A_1907, %mul3A_1909 : vector<16xf32>
      %mul3A_1911 = vector.broadcast %squeeze3A_1811 : f32 to vector<16xf32>
      %mul3A_1912 = arith.mulf %get3A_350, %mul3A_1911 : vector<16xf32>
      %add3A_1913 = arith.addf %add3A_1910, %mul3A_1912 : vector<16xf32>
      %mul3A_1914 = vector.broadcast %squeeze3A_1813 : f32 to vector<16xf32>
      %mul3A_1915 = arith.mulf %get3A_355, %mul3A_1914 : vector<16xf32>
      %add3A_1916 = arith.addf %add3A_1913, %mul3A_1915 : vector<16xf32>
      %mul3A_1917 = vector.broadcast %squeeze3A_1815 : f32 to vector<16xf32>
      %mul3A_1918 = arith.mulf %get3A_360, %mul3A_1917 : vector<16xf32>
      %add3A_1919 = arith.addf %add3A_1916, %mul3A_1918 : vector<16xf32>
      %gt3A_1920 = arith.cmpf ogt, %add3A_1919, %select_n3A_1798 : vector<16xf32>
      %select_n3A_1921 = arith.select %gt3A_1920, %add3A_1919, %select_n3A_1798 : vector<16xi1>, vector<16xf32>
      %select_n3A_1922 = arith.select %gt3A_1920, %add3A_1818, %select_n3A_1799 : vector<16xi1>, vector<16xi32>
      %slice3A_1923 = vector.extract_strided_slice %get3A_414 {offsets = [12], sizes = [1], strides = [1]} : vector<16xf32> to vector<1xf32>
      %squeeze3A_1924 = vector.extract %slice3A_1923[0] : f32 from vector<1xf32>
      %slice3A_1925 = vector.extract_strided_slice %get3A_419 {offsets = [12], sizes = [1], strides = [1]} : vector<16xf32> to vector<1xf32>
      %squeeze3A_1926 = vector.extract %slice3A_1925[0] : f32 from vector<1xf32>
      %slice3A_1927 = vector.extract_strided_slice %get3A_424 {offsets = [12], sizes = [1], strides = [1]} : vector<16xf32> to vector<1xf32>
      %squeeze3A_1928 = vector.extract %slice3A_1927[0] : f32 from vector<1xf32>
      %slice3A_1929 = vector.extract_strided_slice %get3A_429 {offsets = [12], sizes = [1], strides = [1]} : vector<16xf32> to vector<1xf32>
      %squeeze3A_1930 = vector.extract %slice3A_1929[0] : f32 from vector<1xf32>
      %slice3A_1931 = vector.extract_strided_slice %get3A_434 {offsets = [12], sizes = [1], strides = [1]} : vector<16xf32> to vector<1xf32>
      %squeeze3A_1932 = vector.extract %slice3A_1931[0] : f32 from vector<1xf32>
      %slice3A_1933 = vector.extract_strided_slice %get3A_439 {offsets = [12], sizes = [1], strides = [1]} : vector<16xf32> to vector<1xf32>
      %squeeze3A_1934 = vector.extract %slice3A_1933[0] : f32 from vector<1xf32>
      %slice3A_1935 = vector.extract_strided_slice %get3A_444 {offsets = [12], sizes = [1], strides = [1]} : vector<16xf32> to vector<1xf32>
      %squeeze3A_1936 = vector.extract %slice3A_1935[0] : f32 from vector<1xf32>
      %slice3A_1937 = vector.extract_strided_slice %get3A_449 {offsets = [12], sizes = [1], strides = [1]} : vector<16xf32> to vector<1xf32>
      %squeeze3A_1938 = vector.extract %slice3A_1937[0] : f32 from vector<1xf32>
      %add3A_1939 = arith.constant 12 : i32
      %add3A_1940 = vector.broadcast %add3A_1939 : i32 to vector<16xi32>
      %add3A_1941 = arith.addi %broadcast_in_dim3A_450, %add3A_1940 : vector<16xi32>
      %mul3A_1942 = vector.broadcast %squeeze3A_1924 : f32 to vector<16xf32>
      %mul3A_1943 = arith.mulf %get3A_205, %mul3A_1942 : vector<16xf32>
      %mul3A_1944 = vector.broadcast %squeeze3A_1926 : f32 to vector<16xf32>
      %mul3A_1945 = arith.mulf %get3A_210, %mul3A_1944 : vector<16xf32>
      %add3A_1946 = arith.addf %mul3A_1943, %mul3A_1945 : vector<16xf32>
      %mul3A_1947 = vector.broadcast %squeeze3A_1928 : f32 to vector<16xf32>
      %mul3A_1948 = arith.mulf %get3A_215, %mul3A_1947 : vector<16xf32>
      %add3A_1949 = arith.addf %add3A_1946, %mul3A_1948 : vector<16xf32>
      %mul3A_1950 = vector.broadcast %squeeze3A_1930 : f32 to vector<16xf32>
      %mul3A_1951 = arith.mulf %get3A_220, %mul3A_1950 : vector<16xf32>
      %add3A_1952 = arith.addf %add3A_1949, %mul3A_1951 : vector<16xf32>
      %mul3A_1953 = vector.broadcast %squeeze3A_1932 : f32 to vector<16xf32>
      %mul3A_1954 = arith.mulf %get3A_225, %mul3A_1953 : vector<16xf32>
      %add3A_1955 = arith.addf %add3A_1952, %mul3A_1954 : vector<16xf32>
      %mul3A_1956 = vector.broadcast %squeeze3A_1934 : f32 to vector<16xf32>
      %mul3A_1957 = arith.mulf %get3A_230, %mul3A_1956 : vector<16xf32>
      %add3A_1958 = arith.addf %add3A_1955, %mul3A_1957 : vector<16xf32>
      %mul3A_1959 = vector.broadcast %squeeze3A_1936 : f32 to vector<16xf32>
      %mul3A_1960 = arith.mulf %get3A_235, %mul3A_1959 : vector<16xf32>
      %add3A_1961 = arith.addf %add3A_1958, %mul3A_1960 : vector<16xf32>
      %mul3A_1962 = vector.broadcast %squeeze3A_1938 : f32 to vector<16xf32>
      %mul3A_1963 = arith.mulf %get3A_240, %mul3A_1962 : vector<16xf32>
      %add3A_1964 = arith.addf %add3A_1961, %mul3A_1963 : vector<16xf32>
      %gt3A_1965 = arith.cmpf ogt, %add3A_1964, %select_n3A_1843 : vector<16xf32>
      %select_n3A_1966 = arith.select %gt3A_1965, %add3A_1964, %select_n3A_1843 : vector<16xi1>, vector<16xf32>
      %select_n3A_1967 = arith.select %gt3A_1965, %add3A_1941, %select_n3A_1844 : vector<16xi1>, vector<16xi32>
      %mul3A_1968 = vector.broadcast %squeeze3A_1924 : f32 to vector<16xf32>
      %mul3A_1969 = arith.mulf %get3A_245, %mul3A_1968 : vector<16xf32>
      %mul3A_1970 = vector.broadcast %squeeze3A_1926 : f32 to vector<16xf32>
      %mul3A_1971 = arith.mulf %get3A_250, %mul3A_1970 : vector<16xf32>
      %add3A_1972 = arith.addf %mul3A_1969, %mul3A_1971 : vector<16xf32>
      %mul3A_1973 = vector.broadcast %squeeze3A_1928 : f32 to vector<16xf32>
      %mul3A_1974 = arith.mulf %get3A_255, %mul3A_1973 : vector<16xf32>
      %add3A_1975 = arith.addf %add3A_1972, %mul3A_1974 : vector<16xf32>
      %mul3A_1976 = vector.broadcast %squeeze3A_1930 : f32 to vector<16xf32>
      %mul3A_1977 = arith.mulf %get3A_260, %mul3A_1976 : vector<16xf32>
      %add3A_1978 = arith.addf %add3A_1975, %mul3A_1977 : vector<16xf32>
      %mul3A_1979 = vector.broadcast %squeeze3A_1932 : f32 to vector<16xf32>
      %mul3A_1980 = arith.mulf %get3A_265, %mul3A_1979 : vector<16xf32>
      %add3A_1981 = arith.addf %add3A_1978, %mul3A_1980 : vector<16xf32>
      %mul3A_1982 = vector.broadcast %squeeze3A_1934 : f32 to vector<16xf32>
      %mul3A_1983 = arith.mulf %get3A_270, %mul3A_1982 : vector<16xf32>
      %add3A_1984 = arith.addf %add3A_1981, %mul3A_1983 : vector<16xf32>
      %mul3A_1985 = vector.broadcast %squeeze3A_1936 : f32 to vector<16xf32>
      %mul3A_1986 = arith.mulf %get3A_275, %mul3A_1985 : vector<16xf32>
      %add3A_1987 = arith.addf %add3A_1984, %mul3A_1986 : vector<16xf32>
      %mul3A_1988 = vector.broadcast %squeeze3A_1938 : f32 to vector<16xf32>
      %mul3A_1989 = arith.mulf %get3A_280, %mul3A_1988 : vector<16xf32>
      %add3A_1990 = arith.addf %add3A_1987, %mul3A_1989 : vector<16xf32>
      %gt3A_1991 = arith.cmpf ogt, %add3A_1990, %select_n3A_1869 : vector<16xf32>
      %select_n3A_1992 = arith.select %gt3A_1991, %add3A_1990, %select_n3A_1869 : vector<16xi1>, vector<16xf32>
      %select_n3A_1993 = arith.select %gt3A_1991, %add3A_1941, %select_n3A_1870 : vector<16xi1>, vector<16xi32>
      %mul3A_1994 = vector.broadcast %squeeze3A_1924 : f32 to vector<16xf32>
      %mul3A_1995 = arith.mulf %get3A_285, %mul3A_1994 : vector<16xf32>
      %mul3A_1996 = vector.broadcast %squeeze3A_1926 : f32 to vector<16xf32>
      %mul3A_1997 = arith.mulf %get3A_290, %mul3A_1996 : vector<16xf32>
      %add3A_1998 = arith.addf %mul3A_1995, %mul3A_1997 : vector<16xf32>
      %mul3A_1999 = vector.broadcast %squeeze3A_1928 : f32 to vector<16xf32>
      %mul3A_2000 = arith.mulf %get3A_295, %mul3A_1999 : vector<16xf32>
      %add3A_2001 = arith.addf %add3A_1998, %mul3A_2000 : vector<16xf32>
      %mul3A_2002 = vector.broadcast %squeeze3A_1930 : f32 to vector<16xf32>
      %mul3A_2003 = arith.mulf %get3A_300, %mul3A_2002 : vector<16xf32>
      %add3A_2004 = arith.addf %add3A_2001, %mul3A_2003 : vector<16xf32>
      %mul3A_2005 = vector.broadcast %squeeze3A_1932 : f32 to vector<16xf32>
      %mul3A_2006 = arith.mulf %get3A_305, %mul3A_2005 : vector<16xf32>
      %add3A_2007 = arith.addf %add3A_2004, %mul3A_2006 : vector<16xf32>
      %mul3A_2008 = vector.broadcast %squeeze3A_1934 : f32 to vector<16xf32>
      %mul3A_2009 = arith.mulf %get3A_310, %mul3A_2008 : vector<16xf32>
      %add3A_2010 = arith.addf %add3A_2007, %mul3A_2009 : vector<16xf32>
      %mul3A_2011 = vector.broadcast %squeeze3A_1936 : f32 to vector<16xf32>
      %mul3A_2012 = arith.mulf %get3A_315, %mul3A_2011 : vector<16xf32>
      %add3A_2013 = arith.addf %add3A_2010, %mul3A_2012 : vector<16xf32>
      %mul3A_2014 = vector.broadcast %squeeze3A_1938 : f32 to vector<16xf32>
      %mul3A_2015 = arith.mulf %get3A_320, %mul3A_2014 : vector<16xf32>
      %add3A_2016 = arith.addf %add3A_2013, %mul3A_2015 : vector<16xf32>
      %gt3A_2017 = arith.cmpf ogt, %add3A_2016, %select_n3A_1895 : vector<16xf32>
      %select_n3A_2018 = arith.select %gt3A_2017, %add3A_2016, %select_n3A_1895 : vector<16xi1>, vector<16xf32>
      %select_n3A_2019 = arith.select %gt3A_2017, %add3A_1941, %select_n3A_1896 : vector<16xi1>, vector<16xi32>
      %mul3A_2020 = vector.broadcast %squeeze3A_1924 : f32 to vector<16xf32>
      %mul3A_2021 = arith.mulf %get3A_325, %mul3A_2020 : vector<16xf32>
      %mul3A_2022 = vector.broadcast %squeeze3A_1926 : f32 to vector<16xf32>
      %mul3A_2023 = arith.mulf %get3A_330, %mul3A_2022 : vector<16xf32>
      %add3A_2024 = arith.addf %mul3A_2021, %mul3A_2023 : vector<16xf32>
      %mul3A_2025 = vector.broadcast %squeeze3A_1928 : f32 to vector<16xf32>
      %mul3A_2026 = arith.mulf %get3A_335, %mul3A_2025 : vector<16xf32>
      %add3A_2027 = arith.addf %add3A_2024, %mul3A_2026 : vector<16xf32>
      %mul3A_2028 = vector.broadcast %squeeze3A_1930 : f32 to vector<16xf32>
      %mul3A_2029 = arith.mulf %get3A_340, %mul3A_2028 : vector<16xf32>
      %add3A_2030 = arith.addf %add3A_2027, %mul3A_2029 : vector<16xf32>
      %mul3A_2031 = vector.broadcast %squeeze3A_1932 : f32 to vector<16xf32>
      %mul3A_2032 = arith.mulf %get3A_345, %mul3A_2031 : vector<16xf32>
      %add3A_2033 = arith.addf %add3A_2030, %mul3A_2032 : vector<16xf32>
      %mul3A_2034 = vector.broadcast %squeeze3A_1934 : f32 to vector<16xf32>
      %mul3A_2035 = arith.mulf %get3A_350, %mul3A_2034 : vector<16xf32>
      %add3A_2036 = arith.addf %add3A_2033, %mul3A_2035 : vector<16xf32>
      %mul3A_2037 = vector.broadcast %squeeze3A_1936 : f32 to vector<16xf32>
      %mul3A_2038 = arith.mulf %get3A_355, %mul3A_2037 : vector<16xf32>
      %add3A_2039 = arith.addf %add3A_2036, %mul3A_2038 : vector<16xf32>
      %mul3A_2040 = vector.broadcast %squeeze3A_1938 : f32 to vector<16xf32>
      %mul3A_2041 = arith.mulf %get3A_360, %mul3A_2040 : vector<16xf32>
      %add3A_2042 = arith.addf %add3A_2039, %mul3A_2041 : vector<16xf32>
      %gt3A_2043 = arith.cmpf ogt, %add3A_2042, %select_n3A_1921 : vector<16xf32>
      %select_n3A_2044 = arith.select %gt3A_2043, %add3A_2042, %select_n3A_1921 : vector<16xi1>, vector<16xf32>
      %select_n3A_2045 = arith.select %gt3A_2043, %add3A_1941, %select_n3A_1922 : vector<16xi1>, vector<16xi32>
      %slice3A_2046 = vector.extract_strided_slice %get3A_414 {offsets = [13], sizes = [1], strides = [1]} : vector<16xf32> to vector<1xf32>
      %squeeze3A_2047 = vector.extract %slice3A_2046[0] : f32 from vector<1xf32>
      %slice3A_2048 = vector.extract_strided_slice %get3A_419 {offsets = [13], sizes = [1], strides = [1]} : vector<16xf32> to vector<1xf32>
      %squeeze3A_2049 = vector.extract %slice3A_2048[0] : f32 from vector<1xf32>
      %slice3A_2050 = vector.extract_strided_slice %get3A_424 {offsets = [13], sizes = [1], strides = [1]} : vector<16xf32> to vector<1xf32>
      %squeeze3A_2051 = vector.extract %slice3A_2050[0] : f32 from vector<1xf32>
      %slice3A_2052 = vector.extract_strided_slice %get3A_429 {offsets = [13], sizes = [1], strides = [1]} : vector<16xf32> to vector<1xf32>
      %squeeze3A_2053 = vector.extract %slice3A_2052[0] : f32 from vector<1xf32>
      %slice3A_2054 = vector.extract_strided_slice %get3A_434 {offsets = [13], sizes = [1], strides = [1]} : vector<16xf32> to vector<1xf32>
      %squeeze3A_2055 = vector.extract %slice3A_2054[0] : f32 from vector<1xf32>
      %slice3A_2056 = vector.extract_strided_slice %get3A_439 {offsets = [13], sizes = [1], strides = [1]} : vector<16xf32> to vector<1xf32>
      %squeeze3A_2057 = vector.extract %slice3A_2056[0] : f32 from vector<1xf32>
      %slice3A_2058 = vector.extract_strided_slice %get3A_444 {offsets = [13], sizes = [1], strides = [1]} : vector<16xf32> to vector<1xf32>
      %squeeze3A_2059 = vector.extract %slice3A_2058[0] : f32 from vector<1xf32>
      %slice3A_2060 = vector.extract_strided_slice %get3A_449 {offsets = [13], sizes = [1], strides = [1]} : vector<16xf32> to vector<1xf32>
      %squeeze3A_2061 = vector.extract %slice3A_2060[0] : f32 from vector<1xf32>
      %add3A_2062 = arith.constant 13 : i32
      %add3A_2063 = vector.broadcast %add3A_2062 : i32 to vector<16xi32>
      %add3A_2064 = arith.addi %broadcast_in_dim3A_450, %add3A_2063 : vector<16xi32>
      %mul3A_2065 = vector.broadcast %squeeze3A_2047 : f32 to vector<16xf32>
      %mul3A_2066 = arith.mulf %get3A_205, %mul3A_2065 : vector<16xf32>
      %mul3A_2067 = vector.broadcast %squeeze3A_2049 : f32 to vector<16xf32>
      %mul3A_2068 = arith.mulf %get3A_210, %mul3A_2067 : vector<16xf32>
      %add3A_2069 = arith.addf %mul3A_2066, %mul3A_2068 : vector<16xf32>
      %mul3A_2070 = vector.broadcast %squeeze3A_2051 : f32 to vector<16xf32>
      %mul3A_2071 = arith.mulf %get3A_215, %mul3A_2070 : vector<16xf32>
      %add3A_2072 = arith.addf %add3A_2069, %mul3A_2071 : vector<16xf32>
      %mul3A_2073 = vector.broadcast %squeeze3A_2053 : f32 to vector<16xf32>
      %mul3A_2074 = arith.mulf %get3A_220, %mul3A_2073 : vector<16xf32>
      %add3A_2075 = arith.addf %add3A_2072, %mul3A_2074 : vector<16xf32>
      %mul3A_2076 = vector.broadcast %squeeze3A_2055 : f32 to vector<16xf32>
      %mul3A_2077 = arith.mulf %get3A_225, %mul3A_2076 : vector<16xf32>
      %add3A_2078 = arith.addf %add3A_2075, %mul3A_2077 : vector<16xf32>
      %mul3A_2079 = vector.broadcast %squeeze3A_2057 : f32 to vector<16xf32>
      %mul3A_2080 = arith.mulf %get3A_230, %mul3A_2079 : vector<16xf32>
      %add3A_2081 = arith.addf %add3A_2078, %mul3A_2080 : vector<16xf32>
      %mul3A_2082 = vector.broadcast %squeeze3A_2059 : f32 to vector<16xf32>
      %mul3A_2083 = arith.mulf %get3A_235, %mul3A_2082 : vector<16xf32>
      %add3A_2084 = arith.addf %add3A_2081, %mul3A_2083 : vector<16xf32>
      %mul3A_2085 = vector.broadcast %squeeze3A_2061 : f32 to vector<16xf32>
      %mul3A_2086 = arith.mulf %get3A_240, %mul3A_2085 : vector<16xf32>
      %add3A_2087 = arith.addf %add3A_2084, %mul3A_2086 : vector<16xf32>
      %gt3A_2088 = arith.cmpf ogt, %add3A_2087, %select_n3A_1966 : vector<16xf32>
      %select_n3A_2089 = arith.select %gt3A_2088, %add3A_2087, %select_n3A_1966 : vector<16xi1>, vector<16xf32>
      %select_n3A_2090 = arith.select %gt3A_2088, %add3A_2064, %select_n3A_1967 : vector<16xi1>, vector<16xi32>
      %mul3A_2091 = vector.broadcast %squeeze3A_2047 : f32 to vector<16xf32>
      %mul3A_2092 = arith.mulf %get3A_245, %mul3A_2091 : vector<16xf32>
      %mul3A_2093 = vector.broadcast %squeeze3A_2049 : f32 to vector<16xf32>
      %mul3A_2094 = arith.mulf %get3A_250, %mul3A_2093 : vector<16xf32>
      %add3A_2095 = arith.addf %mul3A_2092, %mul3A_2094 : vector<16xf32>
      %mul3A_2096 = vector.broadcast %squeeze3A_2051 : f32 to vector<16xf32>
      %mul3A_2097 = arith.mulf %get3A_255, %mul3A_2096 : vector<16xf32>
      %add3A_2098 = arith.addf %add3A_2095, %mul3A_2097 : vector<16xf32>
      %mul3A_2099 = vector.broadcast %squeeze3A_2053 : f32 to vector<16xf32>
      %mul3A_2100 = arith.mulf %get3A_260, %mul3A_2099 : vector<16xf32>
      %add3A_2101 = arith.addf %add3A_2098, %mul3A_2100 : vector<16xf32>
      %mul3A_2102 = vector.broadcast %squeeze3A_2055 : f32 to vector<16xf32>
      %mul3A_2103 = arith.mulf %get3A_265, %mul3A_2102 : vector<16xf32>
      %add3A_2104 = arith.addf %add3A_2101, %mul3A_2103 : vector<16xf32>
      %mul3A_2105 = vector.broadcast %squeeze3A_2057 : f32 to vector<16xf32>
      %mul3A_2106 = arith.mulf %get3A_270, %mul3A_2105 : vector<16xf32>
      %add3A_2107 = arith.addf %add3A_2104, %mul3A_2106 : vector<16xf32>
      %mul3A_2108 = vector.broadcast %squeeze3A_2059 : f32 to vector<16xf32>
      %mul3A_2109 = arith.mulf %get3A_275, %mul3A_2108 : vector<16xf32>
      %add3A_2110 = arith.addf %add3A_2107, %mul3A_2109 : vector<16xf32>
      %mul3A_2111 = vector.broadcast %squeeze3A_2061 : f32 to vector<16xf32>
      %mul3A_2112 = arith.mulf %get3A_280, %mul3A_2111 : vector<16xf32>
      %add3A_2113 = arith.addf %add3A_2110, %mul3A_2112 : vector<16xf32>
      %gt3A_2114 = arith.cmpf ogt, %add3A_2113, %select_n3A_1992 : vector<16xf32>
      %select_n3A_2115 = arith.select %gt3A_2114, %add3A_2113, %select_n3A_1992 : vector<16xi1>, vector<16xf32>
      %select_n3A_2116 = arith.select %gt3A_2114, %add3A_2064, %select_n3A_1993 : vector<16xi1>, vector<16xi32>
      %mul3A_2117 = vector.broadcast %squeeze3A_2047 : f32 to vector<16xf32>
      %mul3A_2118 = arith.mulf %get3A_285, %mul3A_2117 : vector<16xf32>
      %mul3A_2119 = vector.broadcast %squeeze3A_2049 : f32 to vector<16xf32>
      %mul3A_2120 = arith.mulf %get3A_290, %mul3A_2119 : vector<16xf32>
      %add3A_2121 = arith.addf %mul3A_2118, %mul3A_2120 : vector<16xf32>
      %mul3A_2122 = vector.broadcast %squeeze3A_2051 : f32 to vector<16xf32>
      %mul3A_2123 = arith.mulf %get3A_295, %mul3A_2122 : vector<16xf32>
      %add3A_2124 = arith.addf %add3A_2121, %mul3A_2123 : vector<16xf32>
      %mul3A_2125 = vector.broadcast %squeeze3A_2053 : f32 to vector<16xf32>
      %mul3A_2126 = arith.mulf %get3A_300, %mul3A_2125 : vector<16xf32>
      %add3A_2127 = arith.addf %add3A_2124, %mul3A_2126 : vector<16xf32>
      %mul3A_2128 = vector.broadcast %squeeze3A_2055 : f32 to vector<16xf32>
      %mul3A_2129 = arith.mulf %get3A_305, %mul3A_2128 : vector<16xf32>
      %add3A_2130 = arith.addf %add3A_2127, %mul3A_2129 : vector<16xf32>
      %mul3A_2131 = vector.broadcast %squeeze3A_2057 : f32 to vector<16xf32>
      %mul3A_2132 = arith.mulf %get3A_310, %mul3A_2131 : vector<16xf32>
      %add3A_2133 = arith.addf %add3A_2130, %mul3A_2132 : vector<16xf32>
      %mul3A_2134 = vector.broadcast %squeeze3A_2059 : f32 to vector<16xf32>
      %mul3A_2135 = arith.mulf %get3A_315, %mul3A_2134 : vector<16xf32>
      %add3A_2136 = arith.addf %add3A_2133, %mul3A_2135 : vector<16xf32>
      %mul3A_2137 = vector.broadcast %squeeze3A_2061 : f32 to vector<16xf32>
      %mul3A_2138 = arith.mulf %get3A_320, %mul3A_2137 : vector<16xf32>
      %add3A_2139 = arith.addf %add3A_2136, %mul3A_2138 : vector<16xf32>
      %gt3A_2140 = arith.cmpf ogt, %add3A_2139, %select_n3A_2018 : vector<16xf32>
      %select_n3A_2141 = arith.select %gt3A_2140, %add3A_2139, %select_n3A_2018 : vector<16xi1>, vector<16xf32>
      %select_n3A_2142 = arith.select %gt3A_2140, %add3A_2064, %select_n3A_2019 : vector<16xi1>, vector<16xi32>
      %mul3A_2143 = vector.broadcast %squeeze3A_2047 : f32 to vector<16xf32>
      %mul3A_2144 = arith.mulf %get3A_325, %mul3A_2143 : vector<16xf32>
      %mul3A_2145 = vector.broadcast %squeeze3A_2049 : f32 to vector<16xf32>
      %mul3A_2146 = arith.mulf %get3A_330, %mul3A_2145 : vector<16xf32>
      %add3A_2147 = arith.addf %mul3A_2144, %mul3A_2146 : vector<16xf32>
      %mul3A_2148 = vector.broadcast %squeeze3A_2051 : f32 to vector<16xf32>
      %mul3A_2149 = arith.mulf %get3A_335, %mul3A_2148 : vector<16xf32>
      %add3A_2150 = arith.addf %add3A_2147, %mul3A_2149 : vector<16xf32>
      %mul3A_2151 = vector.broadcast %squeeze3A_2053 : f32 to vector<16xf32>
      %mul3A_2152 = arith.mulf %get3A_340, %mul3A_2151 : vector<16xf32>
      %add3A_2153 = arith.addf %add3A_2150, %mul3A_2152 : vector<16xf32>
      %mul3A_2154 = vector.broadcast %squeeze3A_2055 : f32 to vector<16xf32>
      %mul3A_2155 = arith.mulf %get3A_345, %mul3A_2154 : vector<16xf32>
      %add3A_2156 = arith.addf %add3A_2153, %mul3A_2155 : vector<16xf32>
      %mul3A_2157 = vector.broadcast %squeeze3A_2057 : f32 to vector<16xf32>
      %mul3A_2158 = arith.mulf %get3A_350, %mul3A_2157 : vector<16xf32>
      %add3A_2159 = arith.addf %add3A_2156, %mul3A_2158 : vector<16xf32>
      %mul3A_2160 = vector.broadcast %squeeze3A_2059 : f32 to vector<16xf32>
      %mul3A_2161 = arith.mulf %get3A_355, %mul3A_2160 : vector<16xf32>
      %add3A_2162 = arith.addf %add3A_2159, %mul3A_2161 : vector<16xf32>
      %mul3A_2163 = vector.broadcast %squeeze3A_2061 : f32 to vector<16xf32>
      %mul3A_2164 = arith.mulf %get3A_360, %mul3A_2163 : vector<16xf32>
      %add3A_2165 = arith.addf %add3A_2162, %mul3A_2164 : vector<16xf32>
      %gt3A_2166 = arith.cmpf ogt, %add3A_2165, %select_n3A_2044 : vector<16xf32>
      %select_n3A_2167 = arith.select %gt3A_2166, %add3A_2165, %select_n3A_2044 : vector<16xi1>, vector<16xf32>
      %select_n3A_2168 = arith.select %gt3A_2166, %add3A_2064, %select_n3A_2045 : vector<16xi1>, vector<16xi32>
      %slice3A_2169 = vector.extract_strided_slice %get3A_414 {offsets = [14], sizes = [1], strides = [1]} : vector<16xf32> to vector<1xf32>
      %squeeze3A_2170 = vector.extract %slice3A_2169[0] : f32 from vector<1xf32>
      %slice3A_2171 = vector.extract_strided_slice %get3A_419 {offsets = [14], sizes = [1], strides = [1]} : vector<16xf32> to vector<1xf32>
      %squeeze3A_2172 = vector.extract %slice3A_2171[0] : f32 from vector<1xf32>
      %slice3A_2173 = vector.extract_strided_slice %get3A_424 {offsets = [14], sizes = [1], strides = [1]} : vector<16xf32> to vector<1xf32>
      %squeeze3A_2174 = vector.extract %slice3A_2173[0] : f32 from vector<1xf32>
      %slice3A_2175 = vector.extract_strided_slice %get3A_429 {offsets = [14], sizes = [1], strides = [1]} : vector<16xf32> to vector<1xf32>
      %squeeze3A_2176 = vector.extract %slice3A_2175[0] : f32 from vector<1xf32>
      %slice3A_2177 = vector.extract_strided_slice %get3A_434 {offsets = [14], sizes = [1], strides = [1]} : vector<16xf32> to vector<1xf32>
      %squeeze3A_2178 = vector.extract %slice3A_2177[0] : f32 from vector<1xf32>
      %slice3A_2179 = vector.extract_strided_slice %get3A_439 {offsets = [14], sizes = [1], strides = [1]} : vector<16xf32> to vector<1xf32>
      %squeeze3A_2180 = vector.extract %slice3A_2179[0] : f32 from vector<1xf32>
      %slice3A_2181 = vector.extract_strided_slice %get3A_444 {offsets = [14], sizes = [1], strides = [1]} : vector<16xf32> to vector<1xf32>
      %squeeze3A_2182 = vector.extract %slice3A_2181[0] : f32 from vector<1xf32>
      %slice3A_2183 = vector.extract_strided_slice %get3A_449 {offsets = [14], sizes = [1], strides = [1]} : vector<16xf32> to vector<1xf32>
      %squeeze3A_2184 = vector.extract %slice3A_2183[0] : f32 from vector<1xf32>
      %add3A_2185 = arith.constant 14 : i32
      %add3A_2186 = vector.broadcast %add3A_2185 : i32 to vector<16xi32>
      %add3A_2187 = arith.addi %broadcast_in_dim3A_450, %add3A_2186 : vector<16xi32>
      %mul3A_2188 = vector.broadcast %squeeze3A_2170 : f32 to vector<16xf32>
      %mul3A_2189 = arith.mulf %get3A_205, %mul3A_2188 : vector<16xf32>
      %mul3A_2190 = vector.broadcast %squeeze3A_2172 : f32 to vector<16xf32>
      %mul3A_2191 = arith.mulf %get3A_210, %mul3A_2190 : vector<16xf32>
      %add3A_2192 = arith.addf %mul3A_2189, %mul3A_2191 : vector<16xf32>
      %mul3A_2193 = vector.broadcast %squeeze3A_2174 : f32 to vector<16xf32>
      %mul3A_2194 = arith.mulf %get3A_215, %mul3A_2193 : vector<16xf32>
      %add3A_2195 = arith.addf %add3A_2192, %mul3A_2194 : vector<16xf32>
      %mul3A_2196 = vector.broadcast %squeeze3A_2176 : f32 to vector<16xf32>
      %mul3A_2197 = arith.mulf %get3A_220, %mul3A_2196 : vector<16xf32>
      %add3A_2198 = arith.addf %add3A_2195, %mul3A_2197 : vector<16xf32>
      %mul3A_2199 = vector.broadcast %squeeze3A_2178 : f32 to vector<16xf32>
      %mul3A_2200 = arith.mulf %get3A_225, %mul3A_2199 : vector<16xf32>
      %add3A_2201 = arith.addf %add3A_2198, %mul3A_2200 : vector<16xf32>
      %mul3A_2202 = vector.broadcast %squeeze3A_2180 : f32 to vector<16xf32>
      %mul3A_2203 = arith.mulf %get3A_230, %mul3A_2202 : vector<16xf32>
      %add3A_2204 = arith.addf %add3A_2201, %mul3A_2203 : vector<16xf32>
      %mul3A_2205 = vector.broadcast %squeeze3A_2182 : f32 to vector<16xf32>
      %mul3A_2206 = arith.mulf %get3A_235, %mul3A_2205 : vector<16xf32>
      %add3A_2207 = arith.addf %add3A_2204, %mul3A_2206 : vector<16xf32>
      %mul3A_2208 = vector.broadcast %squeeze3A_2184 : f32 to vector<16xf32>
      %mul3A_2209 = arith.mulf %get3A_240, %mul3A_2208 : vector<16xf32>
      %add3A_2210 = arith.addf %add3A_2207, %mul3A_2209 : vector<16xf32>
      %gt3A_2211 = arith.cmpf ogt, %add3A_2210, %select_n3A_2089 : vector<16xf32>
      %select_n3A_2212 = arith.select %gt3A_2211, %add3A_2210, %select_n3A_2089 : vector<16xi1>, vector<16xf32>
      %select_n3A_2213 = arith.select %gt3A_2211, %add3A_2187, %select_n3A_2090 : vector<16xi1>, vector<16xi32>
      %mul3A_2214 = vector.broadcast %squeeze3A_2170 : f32 to vector<16xf32>
      %mul3A_2215 = arith.mulf %get3A_245, %mul3A_2214 : vector<16xf32>
      %mul3A_2216 = vector.broadcast %squeeze3A_2172 : f32 to vector<16xf32>
      %mul3A_2217 = arith.mulf %get3A_250, %mul3A_2216 : vector<16xf32>
      %add3A_2218 = arith.addf %mul3A_2215, %mul3A_2217 : vector<16xf32>
      %mul3A_2219 = vector.broadcast %squeeze3A_2174 : f32 to vector<16xf32>
      %mul3A_2220 = arith.mulf %get3A_255, %mul3A_2219 : vector<16xf32>
      %add3A_2221 = arith.addf %add3A_2218, %mul3A_2220 : vector<16xf32>
      %mul3A_2222 = vector.broadcast %squeeze3A_2176 : f32 to vector<16xf32>
      %mul3A_2223 = arith.mulf %get3A_260, %mul3A_2222 : vector<16xf32>
      %add3A_2224 = arith.addf %add3A_2221, %mul3A_2223 : vector<16xf32>
      %mul3A_2225 = vector.broadcast %squeeze3A_2178 : f32 to vector<16xf32>
      %mul3A_2226 = arith.mulf %get3A_265, %mul3A_2225 : vector<16xf32>
      %add3A_2227 = arith.addf %add3A_2224, %mul3A_2226 : vector<16xf32>
      %mul3A_2228 = vector.broadcast %squeeze3A_2180 : f32 to vector<16xf32>
      %mul3A_2229 = arith.mulf %get3A_270, %mul3A_2228 : vector<16xf32>
      %add3A_2230 = arith.addf %add3A_2227, %mul3A_2229 : vector<16xf32>
      %mul3A_2231 = vector.broadcast %squeeze3A_2182 : f32 to vector<16xf32>
      %mul3A_2232 = arith.mulf %get3A_275, %mul3A_2231 : vector<16xf32>
      %add3A_2233 = arith.addf %add3A_2230, %mul3A_2232 : vector<16xf32>
      %mul3A_2234 = vector.broadcast %squeeze3A_2184 : f32 to vector<16xf32>
      %mul3A_2235 = arith.mulf %get3A_280, %mul3A_2234 : vector<16xf32>
      %add3A_2236 = arith.addf %add3A_2233, %mul3A_2235 : vector<16xf32>
      %gt3A_2237 = arith.cmpf ogt, %add3A_2236, %select_n3A_2115 : vector<16xf32>
      %select_n3A_2238 = arith.select %gt3A_2237, %add3A_2236, %select_n3A_2115 : vector<16xi1>, vector<16xf32>
      %select_n3A_2239 = arith.select %gt3A_2237, %add3A_2187, %select_n3A_2116 : vector<16xi1>, vector<16xi32>
      %mul3A_2240 = vector.broadcast %squeeze3A_2170 : f32 to vector<16xf32>
      %mul3A_2241 = arith.mulf %get3A_285, %mul3A_2240 : vector<16xf32>
      %mul3A_2242 = vector.broadcast %squeeze3A_2172 : f32 to vector<16xf32>
      %mul3A_2243 = arith.mulf %get3A_290, %mul3A_2242 : vector<16xf32>
      %add3A_2244 = arith.addf %mul3A_2241, %mul3A_2243 : vector<16xf32>
      %mul3A_2245 = vector.broadcast %squeeze3A_2174 : f32 to vector<16xf32>
      %mul3A_2246 = arith.mulf %get3A_295, %mul3A_2245 : vector<16xf32>
      %add3A_2247 = arith.addf %add3A_2244, %mul3A_2246 : vector<16xf32>
      %mul3A_2248 = vector.broadcast %squeeze3A_2176 : f32 to vector<16xf32>
      %mul3A_2249 = arith.mulf %get3A_300, %mul3A_2248 : vector<16xf32>
      %add3A_2250 = arith.addf %add3A_2247, %mul3A_2249 : vector<16xf32>
      %mul3A_2251 = vector.broadcast %squeeze3A_2178 : f32 to vector<16xf32>
      %mul3A_2252 = arith.mulf %get3A_305, %mul3A_2251 : vector<16xf32>
      %add3A_2253 = arith.addf %add3A_2250, %mul3A_2252 : vector<16xf32>
      %mul3A_2254 = vector.broadcast %squeeze3A_2180 : f32 to vector<16xf32>
      %mul3A_2255 = arith.mulf %get3A_310, %mul3A_2254 : vector<16xf32>
      %add3A_2256 = arith.addf %add3A_2253, %mul3A_2255 : vector<16xf32>
      %mul3A_2257 = vector.broadcast %squeeze3A_2182 : f32 to vector<16xf32>
      %mul3A_2258 = arith.mulf %get3A_315, %mul3A_2257 : vector<16xf32>
      %add3A_2259 = arith.addf %add3A_2256, %mul3A_2258 : vector<16xf32>
      %mul3A_2260 = vector.broadcast %squeeze3A_2184 : f32 to vector<16xf32>
      %mul3A_2261 = arith.mulf %get3A_320, %mul3A_2260 : vector<16xf32>
      %add3A_2262 = arith.addf %add3A_2259, %mul3A_2261 : vector<16xf32>
      %gt3A_2263 = arith.cmpf ogt, %add3A_2262, %select_n3A_2141 : vector<16xf32>
      %select_n3A_2264 = arith.select %gt3A_2263, %add3A_2262, %select_n3A_2141 : vector<16xi1>, vector<16xf32>
      %select_n3A_2265 = arith.select %gt3A_2263, %add3A_2187, %select_n3A_2142 : vector<16xi1>, vector<16xi32>
      %mul3A_2266 = vector.broadcast %squeeze3A_2170 : f32 to vector<16xf32>
      %mul3A_2267 = arith.mulf %get3A_325, %mul3A_2266 : vector<16xf32>
      %mul3A_2268 = vector.broadcast %squeeze3A_2172 : f32 to vector<16xf32>
      %mul3A_2269 = arith.mulf %get3A_330, %mul3A_2268 : vector<16xf32>
      %add3A_2270 = arith.addf %mul3A_2267, %mul3A_2269 : vector<16xf32>
      %mul3A_2271 = vector.broadcast %squeeze3A_2174 : f32 to vector<16xf32>
      %mul3A_2272 = arith.mulf %get3A_335, %mul3A_2271 : vector<16xf32>
      %add3A_2273 = arith.addf %add3A_2270, %mul3A_2272 : vector<16xf32>
      %mul3A_2274 = vector.broadcast %squeeze3A_2176 : f32 to vector<16xf32>
      %mul3A_2275 = arith.mulf %get3A_340, %mul3A_2274 : vector<16xf32>
      %add3A_2276 = arith.addf %add3A_2273, %mul3A_2275 : vector<16xf32>
      %mul3A_2277 = vector.broadcast %squeeze3A_2178 : f32 to vector<16xf32>
      %mul3A_2278 = arith.mulf %get3A_345, %mul3A_2277 : vector<16xf32>
      %add3A_2279 = arith.addf %add3A_2276, %mul3A_2278 : vector<16xf32>
      %mul3A_2280 = vector.broadcast %squeeze3A_2180 : f32 to vector<16xf32>
      %mul3A_2281 = arith.mulf %get3A_350, %mul3A_2280 : vector<16xf32>
      %add3A_2282 = arith.addf %add3A_2279, %mul3A_2281 : vector<16xf32>
      %mul3A_2283 = vector.broadcast %squeeze3A_2182 : f32 to vector<16xf32>
      %mul3A_2284 = arith.mulf %get3A_355, %mul3A_2283 : vector<16xf32>
      %add3A_2285 = arith.addf %add3A_2282, %mul3A_2284 : vector<16xf32>
      %mul3A_2286 = vector.broadcast %squeeze3A_2184 : f32 to vector<16xf32>
      %mul3A_2287 = arith.mulf %get3A_360, %mul3A_2286 : vector<16xf32>
      %add3A_2288 = arith.addf %add3A_2285, %mul3A_2287 : vector<16xf32>
      %gt3A_2289 = arith.cmpf ogt, %add3A_2288, %select_n3A_2167 : vector<16xf32>
      %select_n3A_2290 = arith.select %gt3A_2289, %add3A_2288, %select_n3A_2167 : vector<16xi1>, vector<16xf32>
      %select_n3A_2291 = arith.select %gt3A_2289, %add3A_2187, %select_n3A_2168 : vector<16xi1>, vector<16xi32>
      %slice3A_2292 = vector.extract_strided_slice %get3A_414 {offsets = [15], sizes = [1], strides = [1]} : vector<16xf32> to vector<1xf32>
      %squeeze3A_2293 = vector.extract %slice3A_2292[0] : f32 from vector<1xf32>
      %slice3A_2294 = vector.extract_strided_slice %get3A_419 {offsets = [15], sizes = [1], strides = [1]} : vector<16xf32> to vector<1xf32>
      %squeeze3A_2295 = vector.extract %slice3A_2294[0] : f32 from vector<1xf32>
      %slice3A_2296 = vector.extract_strided_slice %get3A_424 {offsets = [15], sizes = [1], strides = [1]} : vector<16xf32> to vector<1xf32>
      %squeeze3A_2297 = vector.extract %slice3A_2296[0] : f32 from vector<1xf32>
      %slice3A_2298 = vector.extract_strided_slice %get3A_429 {offsets = [15], sizes = [1], strides = [1]} : vector<16xf32> to vector<1xf32>
      %squeeze3A_2299 = vector.extract %slice3A_2298[0] : f32 from vector<1xf32>
      %slice3A_2300 = vector.extract_strided_slice %get3A_434 {offsets = [15], sizes = [1], strides = [1]} : vector<16xf32> to vector<1xf32>
      %squeeze3A_2301 = vector.extract %slice3A_2300[0] : f32 from vector<1xf32>
      %slice3A_2302 = vector.extract_strided_slice %get3A_439 {offsets = [15], sizes = [1], strides = [1]} : vector<16xf32> to vector<1xf32>
      %squeeze3A_2303 = vector.extract %slice3A_2302[0] : f32 from vector<1xf32>
      %slice3A_2304 = vector.extract_strided_slice %get3A_444 {offsets = [15], sizes = [1], strides = [1]} : vector<16xf32> to vector<1xf32>
      %squeeze3A_2305 = vector.extract %slice3A_2304[0] : f32 from vector<1xf32>
      %slice3A_2306 = vector.extract_strided_slice %get3A_449 {offsets = [15], sizes = [1], strides = [1]} : vector<16xf32> to vector<1xf32>
      %squeeze3A_2307 = vector.extract %slice3A_2306[0] : f32 from vector<1xf32>
      %add3A_2308 = arith.constant 15 : i32
      %add3A_2309 = vector.broadcast %add3A_2308 : i32 to vector<16xi32>
      %add3A_2310 = arith.addi %broadcast_in_dim3A_450, %add3A_2309 : vector<16xi32>
      %mul3A_2311 = vector.broadcast %squeeze3A_2293 : f32 to vector<16xf32>
      %mul3A_2312 = arith.mulf %get3A_205, %mul3A_2311 : vector<16xf32>
      %mul3A_2313 = vector.broadcast %squeeze3A_2295 : f32 to vector<16xf32>
      %mul3A_2314 = arith.mulf %get3A_210, %mul3A_2313 : vector<16xf32>
      %add3A_2315 = arith.addf %mul3A_2312, %mul3A_2314 : vector<16xf32>
      %mul3A_2316 = vector.broadcast %squeeze3A_2297 : f32 to vector<16xf32>
      %mul3A_2317 = arith.mulf %get3A_215, %mul3A_2316 : vector<16xf32>
      %add3A_2318 = arith.addf %add3A_2315, %mul3A_2317 : vector<16xf32>
      %mul3A_2319 = vector.broadcast %squeeze3A_2299 : f32 to vector<16xf32>
      %mul3A_2320 = arith.mulf %get3A_220, %mul3A_2319 : vector<16xf32>
      %add3A_2321 = arith.addf %add3A_2318, %mul3A_2320 : vector<16xf32>
      %mul3A_2322 = vector.broadcast %squeeze3A_2301 : f32 to vector<16xf32>
      %mul3A_2323 = arith.mulf %get3A_225, %mul3A_2322 : vector<16xf32>
      %add3A_2324 = arith.addf %add3A_2321, %mul3A_2323 : vector<16xf32>
      %mul3A_2325 = vector.broadcast %squeeze3A_2303 : f32 to vector<16xf32>
      %mul3A_2326 = arith.mulf %get3A_230, %mul3A_2325 : vector<16xf32>
      %add3A_2327 = arith.addf %add3A_2324, %mul3A_2326 : vector<16xf32>
      %mul3A_2328 = vector.broadcast %squeeze3A_2305 : f32 to vector<16xf32>
      %mul3A_2329 = arith.mulf %get3A_235, %mul3A_2328 : vector<16xf32>
      %add3A_2330 = arith.addf %add3A_2327, %mul3A_2329 : vector<16xf32>
      %mul3A_2331 = vector.broadcast %squeeze3A_2307 : f32 to vector<16xf32>
      %mul3A_2332 = arith.mulf %get3A_240, %mul3A_2331 : vector<16xf32>
      %add3A_2333 = arith.addf %add3A_2330, %mul3A_2332 : vector<16xf32>
      %gt3A_2334 = arith.cmpf ogt, %add3A_2333, %select_n3A_2212 : vector<16xf32>
      %select_n3A_2335 = arith.select %gt3A_2334, %add3A_2333, %select_n3A_2212 : vector<16xi1>, vector<16xf32>
      %select_n3A_2336 = arith.select %gt3A_2334, %add3A_2310, %select_n3A_2213 : vector<16xi1>, vector<16xi32>
      %mul3A_2337 = vector.broadcast %squeeze3A_2293 : f32 to vector<16xf32>
      %mul3A_2338 = arith.mulf %get3A_245, %mul3A_2337 : vector<16xf32>
      %mul3A_2339 = vector.broadcast %squeeze3A_2295 : f32 to vector<16xf32>
      %mul3A_2340 = arith.mulf %get3A_250, %mul3A_2339 : vector<16xf32>
      %add3A_2341 = arith.addf %mul3A_2338, %mul3A_2340 : vector<16xf32>
      %mul3A_2342 = vector.broadcast %squeeze3A_2297 : f32 to vector<16xf32>
      %mul3A_2343 = arith.mulf %get3A_255, %mul3A_2342 : vector<16xf32>
      %add3A_2344 = arith.addf %add3A_2341, %mul3A_2343 : vector<16xf32>
      %mul3A_2345 = vector.broadcast %squeeze3A_2299 : f32 to vector<16xf32>
      %mul3A_2346 = arith.mulf %get3A_260, %mul3A_2345 : vector<16xf32>
      %add3A_2347 = arith.addf %add3A_2344, %mul3A_2346 : vector<16xf32>
      %mul3A_2348 = vector.broadcast %squeeze3A_2301 : f32 to vector<16xf32>
      %mul3A_2349 = arith.mulf %get3A_265, %mul3A_2348 : vector<16xf32>
      %add3A_2350 = arith.addf %add3A_2347, %mul3A_2349 : vector<16xf32>
      %mul3A_2351 = vector.broadcast %squeeze3A_2303 : f32 to vector<16xf32>
      %mul3A_2352 = arith.mulf %get3A_270, %mul3A_2351 : vector<16xf32>
      %add3A_2353 = arith.addf %add3A_2350, %mul3A_2352 : vector<16xf32>
      %mul3A_2354 = vector.broadcast %squeeze3A_2305 : f32 to vector<16xf32>
      %mul3A_2355 = arith.mulf %get3A_275, %mul3A_2354 : vector<16xf32>
      %add3A_2356 = arith.addf %add3A_2353, %mul3A_2355 : vector<16xf32>
      %mul3A_2357 = vector.broadcast %squeeze3A_2307 : f32 to vector<16xf32>
      %mul3A_2358 = arith.mulf %get3A_280, %mul3A_2357 : vector<16xf32>
      %add3A_2359 = arith.addf %add3A_2356, %mul3A_2358 : vector<16xf32>
      %gt3A_2360 = arith.cmpf ogt, %add3A_2359, %select_n3A_2238 : vector<16xf32>
      %select_n3A_2361 = arith.select %gt3A_2360, %add3A_2359, %select_n3A_2238 : vector<16xi1>, vector<16xf32>
      %select_n3A_2362 = arith.select %gt3A_2360, %add3A_2310, %select_n3A_2239 : vector<16xi1>, vector<16xi32>
      %mul3A_2363 = vector.broadcast %squeeze3A_2293 : f32 to vector<16xf32>
      %mul3A_2364 = arith.mulf %get3A_285, %mul3A_2363 : vector<16xf32>
      %mul3A_2365 = vector.broadcast %squeeze3A_2295 : f32 to vector<16xf32>
      %mul3A_2366 = arith.mulf %get3A_290, %mul3A_2365 : vector<16xf32>
      %add3A_2367 = arith.addf %mul3A_2364, %mul3A_2366 : vector<16xf32>
      %mul3A_2368 = vector.broadcast %squeeze3A_2297 : f32 to vector<16xf32>
      %mul3A_2369 = arith.mulf %get3A_295, %mul3A_2368 : vector<16xf32>
      %add3A_2370 = arith.addf %add3A_2367, %mul3A_2369 : vector<16xf32>
      %mul3A_2371 = vector.broadcast %squeeze3A_2299 : f32 to vector<16xf32>
      %mul3A_2372 = arith.mulf %get3A_300, %mul3A_2371 : vector<16xf32>
      %add3A_2373 = arith.addf %add3A_2370, %mul3A_2372 : vector<16xf32>
      %mul3A_2374 = vector.broadcast %squeeze3A_2301 : f32 to vector<16xf32>
      %mul3A_2375 = arith.mulf %get3A_305, %mul3A_2374 : vector<16xf32>
      %add3A_2376 = arith.addf %add3A_2373, %mul3A_2375 : vector<16xf32>
      %mul3A_2377 = vector.broadcast %squeeze3A_2303 : f32 to vector<16xf32>
      %mul3A_2378 = arith.mulf %get3A_310, %mul3A_2377 : vector<16xf32>
      %add3A_2379 = arith.addf %add3A_2376, %mul3A_2378 : vector<16xf32>
      %mul3A_2380 = vector.broadcast %squeeze3A_2305 : f32 to vector<16xf32>
      %mul3A_2381 = arith.mulf %get3A_315, %mul3A_2380 : vector<16xf32>
      %add3A_2382 = arith.addf %add3A_2379, %mul3A_2381 : vector<16xf32>
      %mul3A_2383 = vector.broadcast %squeeze3A_2307 : f32 to vector<16xf32>
      %mul3A_2384 = arith.mulf %get3A_320, %mul3A_2383 : vector<16xf32>
      %add3A_2385 = arith.addf %add3A_2382, %mul3A_2384 : vector<16xf32>
      %gt3A_2386 = arith.cmpf ogt, %add3A_2385, %select_n3A_2264 : vector<16xf32>
      %select_n3A_2387 = arith.select %gt3A_2386, %add3A_2385, %select_n3A_2264 : vector<16xi1>, vector<16xf32>
      %select_n3A_2388 = arith.select %gt3A_2386, %add3A_2310, %select_n3A_2265 : vector<16xi1>, vector<16xi32>
      %mul3A_2389 = vector.broadcast %squeeze3A_2293 : f32 to vector<16xf32>
      %mul3A_2390 = arith.mulf %get3A_325, %mul3A_2389 : vector<16xf32>
      %mul3A_2391 = vector.broadcast %squeeze3A_2295 : f32 to vector<16xf32>
      %mul3A_2392 = arith.mulf %get3A_330, %mul3A_2391 : vector<16xf32>
      %add3A_2393 = arith.addf %mul3A_2390, %mul3A_2392 : vector<16xf32>
      %mul3A_2394 = vector.broadcast %squeeze3A_2297 : f32 to vector<16xf32>
      %mul3A_2395 = arith.mulf %get3A_335, %mul3A_2394 : vector<16xf32>
      %add3A_2396 = arith.addf %add3A_2393, %mul3A_2395 : vector<16xf32>
      %mul3A_2397 = vector.broadcast %squeeze3A_2299 : f32 to vector<16xf32>
      %mul3A_2398 = arith.mulf %get3A_340, %mul3A_2397 : vector<16xf32>
      %add3A_2399 = arith.addf %add3A_2396, %mul3A_2398 : vector<16xf32>
      %mul3A_2400 = vector.broadcast %squeeze3A_2301 : f32 to vector<16xf32>
      %mul3A_2401 = arith.mulf %get3A_345, %mul3A_2400 : vector<16xf32>
      %add3A_2402 = arith.addf %add3A_2399, %mul3A_2401 : vector<16xf32>
      %mul3A_2403 = vector.broadcast %squeeze3A_2303 : f32 to vector<16xf32>
      %mul3A_2404 = arith.mulf %get3A_350, %mul3A_2403 : vector<16xf32>
      %add3A_2405 = arith.addf %add3A_2402, %mul3A_2404 : vector<16xf32>
      %mul3A_2406 = vector.broadcast %squeeze3A_2305 : f32 to vector<16xf32>
      %mul3A_2407 = arith.mulf %get3A_355, %mul3A_2406 : vector<16xf32>
      %add3A_2408 = arith.addf %add3A_2405, %mul3A_2407 : vector<16xf32>
      %mul3A_2409 = vector.broadcast %squeeze3A_2307 : f32 to vector<16xf32>
      %mul3A_2410 = arith.mulf %get3A_360, %mul3A_2409 : vector<16xf32>
      %add3A_2411 = arith.addf %add3A_2408, %mul3A_2410 : vector<16xf32>
      %gt3A_2412 = arith.cmpf ogt, %add3A_2411, %select_n3A_2290 : vector<16xf32>
      %select_n3A_2413 = arith.select %gt3A_2412, %add3A_2411, %select_n3A_2290 : vector<16xi1>, vector<16xf32>
      %select_n3A_2414 = arith.select %gt3A_2412, %add3A_2310, %select_n3A_2291 : vector<16xi1>, vector<16xi32>
      scf.yield %select_n3A_2335, %select_n3A_2336, %select_n3A_2361, %select_n3A_2362, %select_n3A_2387, %select_n3A_2388, %select_n3A_2413, %select_n3A_2414 : vector<16xf32>, vector<16xi32>, vector<16xf32>, vector<16xi32>, vector<16xf32>, vector<16xi32>, vector<16xf32>, vector<16xi32>
    }
    %scan3A_366 = arith.constant 32 : i32
    %swap3A_367 = arith.constant 64 : index
    %swap3A_368 = tpu.vector_load %arg8[%swap3A_367] {strides = array<i32>} : memref<128xf32, #tpu.memory_space<vmem>>, vector<16xf32>,
    %swap3A_369 = vector.shape_cast %swap3A_368 : vector<16xf32> to vector<16xf32>
    %swap3A_370 = vector.shape_cast %scan3A_365#0 : vector<16xf32> to vector<16xf32>
    tpu.vector_store %arg8[%swap3A_367], %swap3A_370 {strides = array<i32>} : memref<128xf32, #tpu.memory_space<vmem>>, vector<16xf32>,
    %swap3A_371 = arith.constant 64 : index
    %swap3A_372 = tpu.vector_load %arg9[%swap3A_371] {strides = array<i32>} : memref<128xi32, #tpu.memory_space<vmem>>, vector<16xi32>,
    %swap3A_373 = vector.shape_cast %swap3A_372 : vector<16xi32> to vector<16xi32>
    %swap3A_374 = vector.shape_cast %scan3A_365#1 : vector<16xi32> to vector<16xi32>
    tpu.vector_store %arg9[%swap3A_371], %swap3A_374 {strides = array<i32>} : memref<128xi32, #tpu.memory_space<vmem>>, vector<16xi32>,
    %swap3A_375 = arith.constant 80 : index
    %swap3A_376 = tpu.vector_load %arg8[%swap3A_375] {strides = array<i32>} : memref<128xf32, #tpu.memory_space<vmem>>, vector<16xf32>,
    %swap3A_377 = vector.shape_cast %swap3A_376 : vector<16xf32> to vector<16xf32>
    %swap3A_378 = vector.shape_cast %scan3A_365#2 : vector<16xf32> to vector<16xf32>
    tpu.vector_store %arg8[%swap3A_375], %swap3A_378 {strides = array<i32>} : memref<128xf32, #tpu.memory_space<vmem>>, vector<16xf32>,
    %swap3A_379 = arith.constant 80 : index
    %swap3A_380 = tpu.vector_load %arg9[%swap3A_379] {strides = array<i32>} : memref<128xi32, #tpu.memory_space<vmem>>, vector<16xi32>,
    %swap3A_381 = vector.shape_cast %swap3A_380 : vector<16xi32> to vector<16xi32>
    %swap3A_382 = vector.shape_cast %scan3A_365#3 : vector<16xi32> to vector<16xi32>
    tpu.vector_store %arg9[%swap3A_379], %swap3A_382 {strides = array<i32>} : memref<128xi32, #tpu.memory_space<vmem>>, vector<16xi32>,
    %swap3A_383 = arith.constant 96 : index
    %swap3A_384 = tpu.vector_load %arg8[%swap3A_383] {strides = array<i32>} : memref<128xf32, #tpu.memory_space<vmem>>, vector<16xf32>,
    %swap3A_385 = vector.shape_cast %swap3A_384 : vector<16xf32> to vector<16xf32>
    %swap3A_386 = vector.shape_cast %scan3A_365#4 : vector<16xf32> to vector<16xf32>
    tpu.vector_store %arg8[%swap3A_383], %swap3A_386 {strides = array<i32>} : memref<128xf32, #tpu.memory_space<vmem>>, vector<16xf32>,
    %swap3A_387 = arith.constant 96 : index
    %swap3A_388 = tpu.vector_load %arg9[%swap3A_387] {strides = array<i32>} : memref<128xi32, #tpu.memory_space<vmem>>, vector<16xi32>,
    %swap3A_389 = vector.shape_cast %swap3A_388 : vector<16xi32> to vector<16xi32>
    %swap3A_390 = vector.shape_cast %scan3A_365#5 : vector<16xi32> to vector<16xi32>
    tpu.vector_store %arg9[%swap3A_387], %swap3A_390 {strides = array<i32>} : memref<128xi32, #tpu.memory_space<vmem>>, vector<16xi32>,
    %swap3A_391 = arith.constant 112 : index
    %swap3A_392 = tpu.vector_load %arg8[%swap3A_391] {strides = array<i32>} : memref<128xf32, #tpu.memory_space<vmem>>, vector<16xf32>,
    %swap3A_393 = vector.shape_cast %swap3A_392 : vector<16xf32> to vector<16xf32>
    %swap3A_394 = vector.shape_cast %scan3A_365#6 : vector<16xf32> to vector<16xf32>
    tpu.vector_store %arg8[%swap3A_391], %swap3A_394 {strides = array<i32>} : memref<128xf32, #tpu.memory_space<vmem>>, vector<16xf32>,
    %swap3A_395 = arith.constant 112 : index
    %swap3A_396 = tpu.vector_load %arg9[%swap3A_395] {strides = array<i32>} : memref<128xi32, #tpu.memory_space<vmem>>, vector<16xi32>,
    %swap3A_397 = vector.shape_cast %swap3A_396 : vector<16xi32> to vector<16xi32>
    %swap3A_398 = vector.shape_cast %scan3A_365#7 : vector<16xi32> to vector<16xi32>
    tpu.vector_store %arg9[%swap3A_395], %swap3A_398 {strides = array<i32>} : memref<128xi32, #tpu.memory_space<vmem>>, vector<16xi32>,
    "tpu.region"() ({
      %run_scoped3A = tpu.sem_alloc : memref<!tpu.dma_semaphore, #tpu.memory_space<semaphore_mem>>
      %dma_start3A = tpu.memref_slice %arg4[%mul3A_2] : memref<4096xf32, #tpu.memory_space<hbm>> -> memref<128xf32, #tpu.memory_space<hbm>>
      %dma_start3A_399 = tpu.memref_slice %arg4[%mul3A_2] : memref<4096xf32, #tpu.memory_space<hbm>> -> memref<128xf32, #tpu.memory_space<hbm>>
      tpu.enqueue_dma source(%arg8 : memref<128xf32, #tpu.memory_space<vmem>>) target(%dma_start3A_399 : memref<128xf32, #tpu.memory_space<hbm>>) target_semaphore(%run_scoped3A : memref<!tpu.dma_semaphore, #tpu.memory_space<semaphore_mem>>)
      %dma_wait3A = tpu.memref_slice %arg4[%mul3A_2] : memref<4096xf32, #tpu.memory_space<hbm>> -> memref<128xf32, #tpu.memory_space<hbm>>
      %dma_wait3A_400 = tpu.memref_slice %arg4[%mul3A_2] : memref<4096xf32, #tpu.memory_space<hbm>> -> memref<128xf32, #tpu.memory_space<hbm>>
      tpu.wait_dma2 semaphore(%run_scoped3A : memref<!tpu.dma_semaphore, #tpu.memory_space<semaphore_mem>>) src(%arg8 : memref<128xf32, #tpu.memory_space<vmem>>) dst(%dma_wait3A_400 : memref<128xf32, #tpu.memory_space<hbm>>)
      tpu.yield
    }) : () -> ()
    "tpu.region"() ({
      %run_scoped3A = tpu.sem_alloc : memref<!tpu.dma_semaphore, #tpu.memory_space<semaphore_mem>>
      %dma_start3A = tpu.memref_slice %arg5[%mul3A_2] : memref<4096xi32, #tpu.memory_space<hbm>> -> memref<128xi32, #tpu.memory_space<hbm>>
      %dma_start3A_399 = tpu.memref_slice %arg5[%mul3A_2] : memref<4096xi32, #tpu.memory_space<hbm>> -> memref<128xi32, #tpu.memory_space<hbm>>
      tpu.enqueue_dma source(%arg9 : memref<128xi32, #tpu.memory_space<vmem>>) target(%dma_start3A_399 : memref<128xi32, #tpu.memory_space<hbm>>) target_semaphore(%run_scoped3A : memref<!tpu.dma_semaphore, #tpu.memory_space<semaphore_mem>>)
      %dma_wait3A = tpu.memref_slice %arg5[%mul3A_2] : memref<4096xi32, #tpu.memory_space<hbm>> -> memref<128xi32, #tpu.memory_space<hbm>>
      %dma_wait3A_400 = tpu.memref_slice %arg5[%mul3A_2] : memref<4096xi32, #tpu.memory_space<hbm>> -> memref<128xi32, #tpu.memory_space<hbm>>
      tpu.wait_dma2 semaphore(%run_scoped3A : memref<!tpu.dma_semaphore, #tpu.memory_space<semaphore_mem>>) src(%arg9 : memref<128xi32, #tpu.memory_space<vmem>>) dst(%dma_wait3A_400 : memref<128xi32, #tpu.memory_space<hbm>>)
      tpu.yield
    }) : () -> ()
    return
  }
}

module attributes {stable_mosaic.version = 14 : i64} {
  func.func @_enc_body(%arg0: i32, %arg1: memref<1x1024x1024xbf16, #tpu.memory_space<vmem>>, %arg2: memref<3x1024x512xbf16, #tpu.memory_space<vmem>>, %arg3: memref<1x512xf32, #tpu.memory_space<vmem>>, %arg4: memref<3x512x512xbf16, #tpu.memory_space<vmem>>, %arg5: memref<1x512xf32, #tpu.memory_space<vmem>>, %arg6: memref<512x1024xbf16, #tpu.memory_space<vmem>>, %arg7: memref<1x1024xf32, #tpu.memory_space<vmem>>, %arg8: memref<1024x8xbf16, #tpu.memory_space<vmem>>, %arg9: memref<1x8xf32, #tpu.memory_space<vmem>>, %arg10: memref<1x1024x8xbf16, #tpu.memory_space<vmem>>) attributes {dimension_semantics = [#tpu.dimension_semantics<arbitrary>], iteration_bounds = array<i64: 4>, scalar_prefetch = 0 : i64, scratch_operands = 0 : i64, tpu.core_type = #tpu.core_type<tc>, window_params = [{transform_indices = @transform_0, window_bounds = array<i64: 1, 1024, 1024>}, {pipeline_mode = #tpu.pipeline_mode<synchronous>, transform_indices = @transform_1, window_bounds = array<i64: 3, 1024, 512>}, {pipeline_mode = #tpu.pipeline_mode<synchronous>, transform_indices = @transform_2, window_bounds = array<i64: 1, 512>}, {pipeline_mode = #tpu.pipeline_mode<synchronous>, transform_indices = @transform_3, window_bounds = array<i64: 3, 512, 512>}, {pipeline_mode = #tpu.pipeline_mode<synchronous>, transform_indices = @transform_4, window_bounds = array<i64: 1, 512>}, {pipeline_mode = #tpu.pipeline_mode<synchronous>, transform_indices = @transform_5, window_bounds = array<i64: 512, 1024>}, {pipeline_mode = #tpu.pipeline_mode<synchronous>, transform_indices = @transform_6, window_bounds = array<i64: 1, 1024>}, {pipeline_mode = #tpu.pipeline_mode<synchronous>, transform_indices = @transform_7, window_bounds = array<i64: 1024, 8>}, {pipeline_mode = #tpu.pipeline_mode<synchronous>, transform_indices = @transform_8, window_bounds = array<i64: 1, 8>}, {transform_indices = @transform_9, window_bounds = array<i64: 1, 1024, 8>}]} {
    %get3A = arith.constant 0 : index
    %get3A_0 = arith.constant 0 : index
    %get3A_1 = arith.constant 0 : index
    %get3A_2 = vector.load %arg1[%get3A, %get3A_0, %get3A_1] : memref<1x1024x1024xbf16, #tpu.memory_space<vmem>>, vector<1x1024x1024xbf16>
    %get3A_3 = vector.shape_cast %get3A_2 : vector<1x1024x1024xbf16> to vector<1024x1024xbf16>
    %get3A_4 = arith.constant 0 : index
    %get3A_5 = arith.constant 0 : index
    %get3A_6 = vector.load %arg3[%get3A_4, %get3A_5] : memref<1x512xf32, #tpu.memory_space<vmem>>, vector<1x512xf32>
    %get3A_7 = arith.constant 0 : index
    %get3A_8 = arith.constant 0 : index
    %get3A_9 = arith.constant 0 : index
    %get3A_10 = vector.load %arg2[%get3A_7, %get3A_8, %get3A_9] : memref<3x1024x512xbf16, #tpu.memory_space<vmem>>, vector<1x1024x512xbf16>
    %get3A_11 = vector.shape_cast %get3A_10 : vector<1x1024x512xbf16> to vector<1024x512xbf16>
    %dot_general3A = arith.constant dense<0.000000e+00> : vector<1024x512xf32>
    %dot_general3A_12 = tpu.matmul %get3A_3, %get3A_11, %dot_general3A {dimension_numbers = #tpu.dot_dimension_numbers<[1], [0], [0], [1], [0, 0, 1, 1], [], []>, transpose_lhs_hint = false} : vector<1024x1024xbf16>, vector<1024x512xbf16>, vector<1024x512xf32> -> vector<1024x512xf32>
    %get3A_13 = arith.constant 1 : index
    %get3A_14 = arith.constant 0 : index
    %get3A_15 = arith.constant 0 : index
    %get3A_16 = vector.load %arg2[%get3A_13, %get3A_14, %get3A_15] : memref<3x1024x512xbf16, #tpu.memory_space<vmem>>, vector<1x1024x512xbf16>
    %get3A_17 = vector.shape_cast %get3A_16 : vector<1x1024x512xbf16> to vector<1024x512xbf16>
    %dot_general3A_18 = arith.constant dense<0.000000e+00> : vector<1024x512xf32>
    %dot_general3A_19 = tpu.matmul %get3A_3, %get3A_17, %dot_general3A_18 {dimension_numbers = #tpu.dot_dimension_numbers<[1], [0], [0], [1], [0, 0, 1, 1], [], []>, transpose_lhs_hint = false} : vector<1024x1024xbf16>, vector<1024x512xbf16>, vector<1024x512xf32> -> vector<1024x512xf32>
    %get3A_20 = arith.constant 2 : index
    %get3A_21 = arith.constant 0 : index
    %get3A_22 = arith.constant 0 : index
    %get3A_23 = vector.load %arg2[%get3A_20, %get3A_21, %get3A_22] : memref<3x1024x512xbf16, #tpu.memory_space<vmem>>, vector<1x1024x512xbf16>
    %get3A_24 = vector.shape_cast %get3A_23 : vector<1x1024x512xbf16> to vector<1024x512xbf16>
    %dot_general3A_25 = arith.constant dense<0.000000e+00> : vector<1024x512xf32>
    %dot_general3A_26 = tpu.matmul %get3A_3, %get3A_24, %dot_general3A_25 {dimension_numbers = #tpu.dot_dimension_numbers<[1], [0], [0], [1], [0, 0, 1, 1], [], []>, transpose_lhs_hint = false} : vector<1024x1024xbf16>, vector<1024x512xbf16>, vector<1024x512xf32> -> vector<1024x512xf32>
    %broadcast_in_dim3A = arith.constant 0.000000e+00 : f32
    %broadcast_in_dim3A_27 = vector.broadcast %broadcast_in_dim3A : f32 to vector<1x512xf32>
    %slice3A = vector.extract_strided_slice %dot_general3A_12 {offsets = [0, 0], sizes = [1023, 512], strides = [1, 1]} : vector<1024x512xf32> to vector<1023x512xf32>
    %concatenate3A = tpu.concatenate %broadcast_in_dim3A_27, %slice3A in 0 : vector<1x512xf32>, vector<1023x512xf32> -> vector<1024x512xf32>
    %add3A = arith.addf %concatenate3A, %dot_general3A_19 : vector<1024x512xf32>
    %slice3A_28 = vector.extract_strided_slice %dot_general3A_26 {offsets = [1, 0], sizes = [1023, 512], strides = [1, 1]} : vector<1024x512xf32> to vector<1023x512xf32>
    %concatenate3A_29 = tpu.concatenate %slice3A_28, %broadcast_in_dim3A_27 in 0 : vector<1023x512xf32>, vector<1x512xf32> -> vector<1024x512xf32>
    %add3A_30 = arith.addf %add3A, %concatenate3A_29 : vector<1024x512xf32>
    %add3A_31 = vector.broadcast %get3A_6 : vector<1x512xf32> to vector<1024x512xf32>
    %add3A_32 = arith.addf %add3A_30, %add3A_31 : vector<1024x512xf32>
    %integer_pow3A = arith.mulf %add3A_32, %add3A_32 : vector<1024x512xf32>
    %integer_pow3A_33 = arith.mulf %add3A_32, %integer_pow3A : vector<1024x512xf32>
    %mul3A = arith.constant 4.471500e-02 : f32
    %mul3A_34 = vector.broadcast %mul3A : f32 to vector<1024x512xf32>
    %mul3A_35 = arith.mulf %mul3A_34, %integer_pow3A_33 : vector<1024x512xf32>
    %add3A_36 = arith.addf %add3A_32, %mul3A_35 : vector<1024x512xf32>
    %mul3A_37 = arith.constant 0.797884583 : f32
    %mul3A_38 = vector.broadcast %mul3A_37 : f32 to vector<1024x512xf32>
    %mul3A_39 = arith.mulf %mul3A_38, %add3A_36 : vector<1024x512xf32>
    %tanh3A = math.tanh %mul3A_39 : vector<1024x512xf32>
    %add3A_40 = arith.constant 1.000000e+00 : f32
    %add3A_41 = vector.broadcast %add3A_40 : f32 to vector<1024x512xf32>
    %add3A_42 = arith.addf %add3A_41, %tanh3A : vector<1024x512xf32>
    %mul3A_43 = arith.constant 5.000000e-01 : f32
    %mul3A_44 = vector.broadcast %mul3A_43 : f32 to vector<1024x512xf32>
    %mul3A_45 = arith.mulf %mul3A_44, %add3A_42 : vector<1024x512xf32>
    %mul3A_46 = arith.mulf %add3A_32, %mul3A_45 : vector<1024x512xf32>
    %convert_element_type3A = arith.truncf %mul3A_46 : vector<1024x512xf32> to vector<1024x512xbf16>
    %get3A_47 = arith.constant 0 : index
    %get3A_48 = arith.constant 0 : index
    %get3A_49 = vector.load %arg5[%get3A_47, %get3A_48] : memref<1x512xf32, #tpu.memory_space<vmem>>, vector<1x512xf32>
    %get3A_50 = arith.constant 0 : index
    %get3A_51 = arith.constant 0 : index
    %get3A_52 = arith.constant 0 : index
    %get3A_53 = vector.load %arg4[%get3A_50, %get3A_51, %get3A_52] : memref<3x512x512xbf16, #tpu.memory_space<vmem>>, vector<1x512x512xbf16>
    %get3A_54 = vector.shape_cast %get3A_53 : vector<1x512x512xbf16> to vector<512x512xbf16>
    %dot_general3A_55 = arith.constant dense<0.000000e+00> : vector<1024x512xf32>
    %dot_general3A_56 = tpu.matmul %convert_element_type3A, %get3A_54, %dot_general3A_55 {dimension_numbers = #tpu.dot_dimension_numbers<[1], [0], [0], [1], [0, 0, 1, 1], [], []>, transpose_lhs_hint = false} : vector<1024x512xbf16>, vector<512x512xbf16>, vector<1024x512xf32> -> vector<1024x512xf32>
    %get3A_57 = arith.constant 1 : index
    %get3A_58 = arith.constant 0 : index
    %get3A_59 = arith.constant 0 : index
    %get3A_60 = vector.load %arg4[%get3A_57, %get3A_58, %get3A_59] : memref<3x512x512xbf16, #tpu.memory_space<vmem>>, vector<1x512x512xbf16>
    %get3A_61 = vector.shape_cast %get3A_60 : vector<1x512x512xbf16> to vector<512x512xbf16>
    %dot_general3A_62 = arith.constant dense<0.000000e+00> : vector<1024x512xf32>
    %dot_general3A_63 = tpu.matmul %convert_element_type3A, %get3A_61, %dot_general3A_62 {dimension_numbers = #tpu.dot_dimension_numbers<[1], [0], [0], [1], [0, 0, 1, 1], [], []>, transpose_lhs_hint = false} : vector<1024x512xbf16>, vector<512x512xbf16>, vector<1024x512xf32> -> vector<1024x512xf32>
    %get3A_64 = arith.constant 2 : index
    %get3A_65 = arith.constant 0 : index
    %get3A_66 = arith.constant 0 : index
    %get3A_67 = vector.load %arg4[%get3A_64, %get3A_65, %get3A_66] : memref<3x512x512xbf16, #tpu.memory_space<vmem>>, vector<1x512x512xbf16>
    %get3A_68 = vector.shape_cast %get3A_67 : vector<1x512x512xbf16> to vector<512x512xbf16>
    %dot_general3A_69 = arith.constant dense<0.000000e+00> : vector<1024x512xf32>
    %dot_general3A_70 = tpu.matmul %convert_element_type3A, %get3A_68, %dot_general3A_69 {dimension_numbers = #tpu.dot_dimension_numbers<[1], [0], [0], [1], [0, 0, 1, 1], [], []>, transpose_lhs_hint = false} : vector<1024x512xbf16>, vector<512x512xbf16>, vector<1024x512xf32> -> vector<1024x512xf32>
    %broadcast_in_dim3A_71 = arith.constant 0.000000e+00 : f32
    %broadcast_in_dim3A_72 = vector.broadcast %broadcast_in_dim3A_71 : f32 to vector<1x512xf32>
    %slice3A_73 = vector.extract_strided_slice %dot_general3A_56 {offsets = [0, 0], sizes = [1023, 512], strides = [1, 1]} : vector<1024x512xf32> to vector<1023x512xf32>
    %concatenate3A_74 = tpu.concatenate %broadcast_in_dim3A_72, %slice3A_73 in 0 : vector<1x512xf32>, vector<1023x512xf32> -> vector<1024x512xf32>
    %add3A_75 = arith.addf %concatenate3A_74, %dot_general3A_63 : vector<1024x512xf32>
    %slice3A_76 = vector.extract_strided_slice %dot_general3A_70 {offsets = [1, 0], sizes = [1023, 512], strides = [1, 1]} : vector<1024x512xf32> to vector<1023x512xf32>
    %concatenate3A_77 = tpu.concatenate %slice3A_76, %broadcast_in_dim3A_72 in 0 : vector<1023x512xf32>, vector<1x512xf32> -> vector<1024x512xf32>
    %add3A_78 = arith.addf %add3A_75, %concatenate3A_77 : vector<1024x512xf32>
    %add3A_79 = vector.broadcast %get3A_49 : vector<1x512xf32> to vector<1024x512xf32>
    %add3A_80 = arith.addf %add3A_78, %add3A_79 : vector<1024x512xf32>
    %add3A_81 = arith.addf %add3A_80, %mul3A_46 : vector<1024x512xf32>
    %integer_pow3A_82 = arith.mulf %add3A_81, %add3A_81 : vector<1024x512xf32>
    %integer_pow3A_83 = arith.mulf %add3A_81, %integer_pow3A_82 : vector<1024x512xf32>
    %mul3A_84 = arith.constant 4.471500e-02 : f32
    %mul3A_85 = vector.broadcast %mul3A_84 : f32 to vector<1024x512xf32>
    %mul3A_86 = arith.mulf %mul3A_85, %integer_pow3A_83 : vector<1024x512xf32>
    %add3A_87 = arith.addf %add3A_81, %mul3A_86 : vector<1024x512xf32>
    %mul3A_88 = arith.constant 0.797884583 : f32
    %mul3A_89 = vector.broadcast %mul3A_88 : f32 to vector<1024x512xf32>
    %mul3A_90 = arith.mulf %mul3A_89, %add3A_87 : vector<1024x512xf32>
    %tanh3A_91 = math.tanh %mul3A_90 : vector<1024x512xf32>
    %add3A_92 = arith.constant 1.000000e+00 : f32
    %add3A_93 = vector.broadcast %add3A_92 : f32 to vector<1024x512xf32>
    %add3A_94 = arith.addf %add3A_93, %tanh3A_91 : vector<1024x512xf32>
    %mul3A_95 = arith.constant 5.000000e-01 : f32
    %mul3A_96 = vector.broadcast %mul3A_95 : f32 to vector<1024x512xf32>
    %mul3A_97 = arith.mulf %mul3A_96, %add3A_94 : vector<1024x512xf32>
    %mul3A_98 = arith.mulf %add3A_81, %mul3A_97 : vector<1024x512xf32>
    %convert_element_type3A_99 = arith.truncf %mul3A_98 : vector<1024x512xf32> to vector<1024x512xbf16>
    %get3A_100 = arith.constant 0 : index
    %get3A_101 = arith.constant 0 : index
    %get3A_102 = vector.load %arg6[%get3A_100, %get3A_101] : memref<512x1024xbf16, #tpu.memory_space<vmem>>, vector<512x1024xbf16>
    %dot_general3A_103 = arith.constant dense<0.000000e+00> : vector<1024x1024xf32>
    %dot_general3A_104 = tpu.matmul %convert_element_type3A_99, %get3A_102, %dot_general3A_103 {dimension_numbers = #tpu.dot_dimension_numbers<[1], [0], [0], [1], [0, 0, 1, 1], [], []>, transpose_lhs_hint = false} : vector<1024x512xbf16>, vector<512x1024xbf16>, vector<1024x1024xf32> -> vector<1024x1024xf32>
    %get3A_105 = arith.constant 0 : index
    %get3A_106 = arith.constant 0 : index
    %get3A_107 = vector.load %arg7[%get3A_105, %get3A_106] : memref<1x1024xf32, #tpu.memory_space<vmem>>, vector<1x1024xf32>
    %add3A_108 = vector.broadcast %get3A_107 : vector<1x1024xf32> to vector<1024x1024xf32>
    %add3A_109 = arith.addf %dot_general3A_104, %add3A_108 : vector<1024x1024xf32>
    %convert_element_type3A_110 = arith.truncf %add3A_109 : vector<1024x1024xf32> to vector<1024x1024xbf16>
    %get3A_111 = arith.constant 0 : index
    %get3A_112 = arith.constant 0 : index
    %get3A_113 = vector.load %arg8[%get3A_111, %get3A_112] : memref<1024x8xbf16, #tpu.memory_space<vmem>>, vector<1024x8xbf16>
    %dot_general3A_114 = arith.constant dense<0.000000e+00> : vector<1024x8xf32>
    %dot_general3A_115 = tpu.matmul %convert_element_type3A_110, %get3A_113, %dot_general3A_114 {dimension_numbers = #tpu.dot_dimension_numbers<[1], [0], [0], [1], [0, 0, 1, 1], [], []>, transpose_lhs_hint = false} : vector<1024x1024xbf16>, vector<1024x8xbf16>, vector<1024x8xf32> -> vector<1024x8xf32>
    %get3A_116 = arith.constant 0 : index
    %get3A_117 = arith.constant 0 : index
    %get3A_118 = vector.load %arg9[%get3A_116, %get3A_117] : memref<1x8xf32, #tpu.memory_space<vmem>>, vector<1x8xf32>
    %add3A_119 = vector.broadcast %get3A_118 : vector<1x8xf32> to vector<1024x8xf32>
    %add3A_120 = arith.addf %dot_general3A_115, %add3A_119 : vector<1024x8xf32>
    %mul3A_121 = arith.mulf %add3A_120, %add3A_120 : vector<1024x8xf32>
    %reduce_sum3A = arith.constant dense<0.000000e+00> : vector<1024xf32>
    %reduce_sum3A_122 = vector.multi_reduction <add>, %mul3A_121, %reduce_sum3A [1] : vector<1024x8xf32> to vector<1024xf32>
    %broadcast_in_dim3A_123 = vector.shape_cast %reduce_sum3A_122 : vector<1024xf32> to vector<1024x1xf32>
    %sqrt3A = math.sqrt %broadcast_in_dim3A_123 : vector<1024x1xf32>
    %add3A_124 = arith.constant 9.99999993E-9 : f32
    %add3A_125 = vector.broadcast %add3A_124 : f32 to vector<1024x1xf32>
    %add3A_126 = arith.addf %sqrt3A, %add3A_125 : vector<1024x1xf32>
    %div3A = vector.broadcast %add3A_126 : vector<1024x1xf32> to vector<1024x8xf32>
    %div3A_127 = arith.divf %add3A_120, %div3A : vector<1024x8xf32>
    %convert_element_type3A_128 = arith.truncf %div3A_127 : vector<1024x8xf32> to vector<1024x8xbf16>
    %swap3A = arith.constant 0 : index
    %swap3A_129 = arith.constant 0 : index
    %swap3A_130 = arith.constant 0 : index
    %swap3A_131 = vector.load %arg10[%swap3A, %swap3A_129, %swap3A_130] : memref<1x1024x8xbf16, #tpu.memory_space<vmem>>, vector<1x1024x8xbf16>
    %swap3A_132 = vector.shape_cast %swap3A_131 : vector<1x1024x8xbf16> to vector<1024x8xbf16>
    %swap3A_133 = vector.shape_cast %convert_element_type3A_128 : vector<1024x8xbf16> to vector<1x1024x8xbf16>
    tpu.vector_store %arg10[%swap3A, %swap3A_129, %swap3A_130], %swap3A_133 {strides = array<i32>} : memref<1x1024x8xbf16, #tpu.memory_space<vmem>>, vector<1x1024x8xbf16>,
    return
  }
  func.func @transform_0(%arg0: i32) -> (i32, i32, i32) {
    %c0_i32 = arith.constant 0 : i32
    %c0_i32_0 = arith.constant 0 : i32
    %c0_i32_1 = arith.constant 0 : i32
    return %arg0, %c0_i32, %c0_i32_0 : i32, i32, i32
  }
  func.func @transform_1(%arg0: i32) -> (i32, i32, i32) {
    %c0_i32 = arith.constant 0 : i32
    %c0_i32_0 = arith.constant 0 : i32
    %c0_i32_1 = arith.constant 0 : i32
    %c0_i32_2 = arith.constant 0 : i32
    return %c0_i32, %c0_i32_0, %c0_i32_1 : i32, i32, i32
  }
  func.func @transform_2(%arg0: i32) -> (i32, i32) {
    %c0_i32 = arith.constant 0 : i32
    %c0_i32_0 = arith.constant 0 : i32
    %c0_i32_1 = arith.constant 0 : i32
    return %c0_i32, %c0_i32_0 : i32, i32
  }
  func.func @transform_3(%arg0: i32) -> (i32, i32, i32) {
    %c0_i32 = arith.constant 0 : i32
    %c0_i32_0 = arith.constant 0 : i32
    %c0_i32_1 = arith.constant 0 : i32
    %c0_i32_2 = arith.constant 0 : i32
    return %c0_i32, %c0_i32_0, %c0_i32_1 : i32, i32, i32
  }
  func.func @transform_4(%arg0: i32) -> (i32, i32) {
    %c0_i32 = arith.constant 0 : i32
    %c0_i32_0 = arith.constant 0 : i32
    %c0_i32_1 = arith.constant 0 : i32
    return %c0_i32, %c0_i32_0 : i32, i32
  }
  func.func @transform_5(%arg0: i32) -> (i32, i32) {
    %c0_i32 = arith.constant 0 : i32
    %c0_i32_0 = arith.constant 0 : i32
    %c0_i32_1 = arith.constant 0 : i32
    return %c0_i32, %c0_i32_0 : i32, i32
  }
  func.func @transform_6(%arg0: i32) -> (i32, i32) {
    %c0_i32 = arith.constant 0 : i32
    %c0_i32_0 = arith.constant 0 : i32
    %c0_i32_1 = arith.constant 0 : i32
    return %c0_i32, %c0_i32_0 : i32, i32
  }
  func.func @transform_7(%arg0: i32) -> (i32, i32) {
    %c0_i32 = arith.constant 0 : i32
    %c0_i32_0 = arith.constant 0 : i32
    %c0_i32_1 = arith.constant 0 : i32
    return %c0_i32, %c0_i32_0 : i32, i32
  }
  func.func @transform_8(%arg0: i32) -> (i32, i32) {
    %c0_i32 = arith.constant 0 : i32
    %c0_i32_0 = arith.constant 0 : i32
    %c0_i32_1 = arith.constant 0 : i32
    return %c0_i32, %c0_i32_0 : i32, i32
  }
  func.func @transform_9(%arg0: i32) -> (i32, i32, i32) {
    %c0_i32 = arith.constant 0 : i32
    %c0_i32_0 = arith.constant 0 : i32
    %c0_i32_1 = arith.constant 0 : i32
    return %arg0, %c0_i32, %c0_i32_0 : i32, i32, i32
  }
}

module attributes {stable_mosaic.version = 14 : i64} {
  func.func @_scan_tc_body(%arg0: i32, %arg1: memref<1x1024x8xbf16, #tpu.memory_space<vmem>>, %arg2: memref<8x7680xbf16, #tpu.memory_space<vmem>>, %arg3: memref<1x1024x1xf32, #tpu.memory_space<vmem>>, %arg4: memref<1x1024x1xi32, #tpu.memory_space<vmem>>) attributes {dimension_semantics = [#tpu.dimension_semantics<arbitrary>], iteration_bounds = array<i64: 4>, scalar_prefetch = 0 : i64, scratch_operands = 0 : i64, tpu.core_type = #tpu.core_type<tc>, window_params = [{transform_indices = @transform_0, window_bounds = array<i64: 1, 1024, 8>}, {pipeline_mode = #tpu.pipeline_mode<synchronous>, transform_indices = @transform_1, window_bounds = array<i64: 8, 7680>}, {transform_indices = @transform_2, window_bounds = array<i64: 1, 1024, 1>}, {transform_indices = @transform_3, window_bounds = array<i64: 1, 1024, 1>}]} {
    %get3A = arith.constant 0 : index
    %get3A_0 = arith.constant 0 : index
    %get3A_1 = arith.constant 0 : index
    %get3A_2 = vector.load %arg1[%get3A, %get3A_0, %get3A_1] : memref<1x1024x8xbf16, #tpu.memory_space<vmem>>, vector<1x1024x8xbf16>
    %get3A_3 = vector.shape_cast %get3A_2 : vector<1x1024x8xbf16> to vector<1024x8xbf16>
    %broadcast_in_dim3A = arith.constant 0xFF800000 : f32
    %broadcast_in_dim3A_4 = vector.broadcast %broadcast_in_dim3A : f32 to vector<1024x1xf32>
    %broadcast_in_dim3A_5 = arith.constant 0 : i32
    %broadcast_in_dim3A_6 = vector.broadcast %broadcast_in_dim3A_5 : i32 to vector<1024x1xi32>
    %get3A_7 = arith.constant 0 : index
    %get3A_8 = arith.constant 0 : index
    %get3A_9 = vector.load %arg2[%get3A_7, %get3A_8] : memref<8x7680xbf16, #tpu.memory_space<vmem>>, vector<8x512xbf16>
    %dot_general3A = arith.constant dense<0.000000e+00> : vector<1024x512xf32>
    %dot_general3A_10 = tpu.matmul %get3A_3, %get3A_9, %dot_general3A {dimension_numbers = #tpu.dot_dimension_numbers<[1], [0], [0], [1], [0, 0, 1, 1], [], []>, transpose_lhs_hint = false} : vector<1024x8xbf16>, vector<8x512xbf16>, vector<1024x512xf32> -> vector<1024x512xf32>
    %reduce_max3A = arith.constant dense<0xFF800000> : vector<1024xf32>
    %reduce_max3A_11 = vector.multi_reduction <maximumf>, %dot_general3A_10, %reduce_max3A [1] : vector<1024x512xf32> to vector<1024xf32>
    %broadcast_in_dim3A_12 = vector.shape_cast %reduce_max3A_11 : vector<1024xf32> to vector<1024x1xf32>
    %iota3A = tpu.iota {dimensions = array<i32: 1>} : vector<1024x512xi32>
    %add3A = arith.constant 512 : i32
    %add3A_13 = vector.broadcast %add3A : i32 to vector<1024x512xi32>
    %add3A_14 = arith.addi %iota3A, %add3A_13 : vector<1024x512xi32>
    %eq3A = vector.broadcast %broadcast_in_dim3A_12 : vector<1024x1xf32> to vector<1024x512xf32>
    %eq3A_15 = arith.cmpf oeq, %dot_general3A_10, %eq3A : vector<1024x512xf32>
    %jit3A = arith.constant 8192 : i32
    %broadcast_in_dim3A_16 = vector.broadcast %jit3A : i32 to vector<1024x512xi32>
    %select_n3A = arith.select %eq3A_15, %add3A_14, %broadcast_in_dim3A_16 : vector<1024x512xi1>, vector<1024x512xi32>
    %reduce_min3A = arith.constant dense<2147483647> : vector<1024xi32>
    %reduce_min3A_17 = vector.multi_reduction <minsi>, %select_n3A, %reduce_min3A [1] : vector<1024x512xi32> to vector<1024xi32>
    %broadcast_in_dim3A_18 = vector.shape_cast %reduce_min3A_17 : vector<1024xi32> to vector<1024x1xi32>
    %gt3A = arith.cmpf ogt, %broadcast_in_dim3A_12, %broadcast_in_dim3A_4 : vector<1024x1xf32>
    %select_n3A_19 = arith.select %gt3A, %broadcast_in_dim3A_12, %broadcast_in_dim3A_4 : vector<1024x1xi1>, vector<1024x1xf32>
    %select_n3A_20 = arith.select %gt3A, %broadcast_in_dim3A_18, %broadcast_in_dim3A_6 : vector<1024x1xi1>, vector<1024x1xi32>
    %get3A_21 = arith.constant 0 : index
    %get3A_22 = arith.constant 512 : index
    %get3A_23 = vector.load %arg2[%get3A_21, %get3A_22] : memref<8x7680xbf16, #tpu.memory_space<vmem>>, vector<8x512xbf16>
    %dot_general3A_24 = arith.constant dense<0.000000e+00> : vector<1024x512xf32>
    %dot_general3A_25 = tpu.matmul %get3A_3, %get3A_23, %dot_general3A_24 {dimension_numbers = #tpu.dot_dimension_numbers<[1], [0], [0], [1], [0, 0, 1, 1], [], []>, transpose_lhs_hint = false} : vector<1024x8xbf16>, vector<8x512xbf16>, vector<1024x512xf32> -> vector<1024x512xf32>
    %reduce_max3A_26 = arith.constant dense<0xFF800000> : vector<1024xf32>
    %reduce_max3A_27 = vector.multi_reduction <maximumf>, %dot_general3A_25, %reduce_max3A_26 [1] : vector<1024x512xf32> to vector<1024xf32>
    %broadcast_in_dim3A_28 = vector.shape_cast %reduce_max3A_27 : vector<1024xf32> to vector<1024x1xf32>
    %iota3A_29 = tpu.iota {dimensions = array<i32: 1>} : vector<1024x512xi32>
    %add3A_30 = arith.constant 1024 : i32
    %add3A_31 = vector.broadcast %add3A_30 : i32 to vector<1024x512xi32>
    %add3A_32 = arith.addi %iota3A_29, %add3A_31 : vector<1024x512xi32>
    %eq3A_33 = vector.broadcast %broadcast_in_dim3A_28 : vector<1024x1xf32> to vector<1024x512xf32>
    %eq3A_34 = arith.cmpf oeq, %dot_general3A_25, %eq3A_33 : vector<1024x512xf32>
    %jit3A_35 = arith.constant 8192 : i32
    %broadcast_in_dim3A_36 = vector.broadcast %jit3A_35 : i32 to vector<1024x512xi32>
    %select_n3A_37 = arith.select %eq3A_34, %add3A_32, %broadcast_in_dim3A_36 : vector<1024x512xi1>, vector<1024x512xi32>
    %reduce_min3A_38 = arith.constant dense<2147483647> : vector<1024xi32>
    %reduce_min3A_39 = vector.multi_reduction <minsi>, %select_n3A_37, %reduce_min3A_38 [1] : vector<1024x512xi32> to vector<1024xi32>
    %broadcast_in_dim3A_40 = vector.shape_cast %reduce_min3A_39 : vector<1024xi32> to vector<1024x1xi32>
    %gt3A_41 = arith.cmpf ogt, %broadcast_in_dim3A_28, %select_n3A_19 : vector<1024x1xf32>
    %select_n3A_42 = arith.select %gt3A_41, %broadcast_in_dim3A_28, %select_n3A_19 : vector<1024x1xi1>, vector<1024x1xf32>
    %select_n3A_43 = arith.select %gt3A_41, %broadcast_in_dim3A_40, %select_n3A_20 : vector<1024x1xi1>, vector<1024x1xi32>
    %get3A_44 = arith.constant 0 : index
    %get3A_45 = arith.constant 1024 : index
    %get3A_46 = vector.load %arg2[%get3A_44, %get3A_45] : memref<8x7680xbf16, #tpu.memory_space<vmem>>, vector<8x512xbf16>
    %dot_general3A_47 = arith.constant dense<0.000000e+00> : vector<1024x512xf32>
    %dot_general3A_48 = tpu.matmul %get3A_3, %get3A_46, %dot_general3A_47 {dimension_numbers = #tpu.dot_dimension_numbers<[1], [0], [0], [1], [0, 0, 1, 1], [], []>, transpose_lhs_hint = false} : vector<1024x8xbf16>, vector<8x512xbf16>, vector<1024x512xf32> -> vector<1024x512xf32>
    %reduce_max3A_49 = arith.constant dense<0xFF800000> : vector<1024xf32>
    %reduce_max3A_50 = vector.multi_reduction <maximumf>, %dot_general3A_48, %reduce_max3A_49 [1] : vector<1024x512xf32> to vector<1024xf32>
    %broadcast_in_dim3A_51 = vector.shape_cast %reduce_max3A_50 : vector<1024xf32> to vector<1024x1xf32>
    %iota3A_52 = tpu.iota {dimensions = array<i32: 1>} : vector<1024x512xi32>
    %add3A_53 = arith.constant 1536 : i32
    %add3A_54 = vector.broadcast %add3A_53 : i32 to vector<1024x512xi32>
    %add3A_55 = arith.addi %iota3A_52, %add3A_54 : vector<1024x512xi32>
    %eq3A_56 = vector.broadcast %broadcast_in_dim3A_51 : vector<1024x1xf32> to vector<1024x512xf32>
    %eq3A_57 = arith.cmpf oeq, %dot_general3A_48, %eq3A_56 : vector<1024x512xf32>
    %jit3A_58 = arith.constant 8192 : i32
    %broadcast_in_dim3A_59 = vector.broadcast %jit3A_58 : i32 to vector<1024x512xi32>
    %select_n3A_60 = arith.select %eq3A_57, %add3A_55, %broadcast_in_dim3A_59 : vector<1024x512xi1>, vector<1024x512xi32>
    %reduce_min3A_61 = arith.constant dense<2147483647> : vector<1024xi32>
    %reduce_min3A_62 = vector.multi_reduction <minsi>, %select_n3A_60, %reduce_min3A_61 [1] : vector<1024x512xi32> to vector<1024xi32>
    %broadcast_in_dim3A_63 = vector.shape_cast %reduce_min3A_62 : vector<1024xi32> to vector<1024x1xi32>
    %gt3A_64 = arith.cmpf ogt, %broadcast_in_dim3A_51, %select_n3A_42 : vector<1024x1xf32>
    %select_n3A_65 = arith.select %gt3A_64, %broadcast_in_dim3A_51, %select_n3A_42 : vector<1024x1xi1>, vector<1024x1xf32>
    %select_n3A_66 = arith.select %gt3A_64, %broadcast_in_dim3A_63, %select_n3A_43 : vector<1024x1xi1>, vector<1024x1xi32>
    %get3A_67 = arith.constant 0 : index
    %get3A_68 = arith.constant 1536 : index
    %get3A_69 = vector.load %arg2[%get3A_67, %get3A_68] : memref<8x7680xbf16, #tpu.memory_space<vmem>>, vector<8x512xbf16>
    %dot_general3A_70 = arith.constant dense<0.000000e+00> : vector<1024x512xf32>
    %dot_general3A_71 = tpu.matmul %get3A_3, %get3A_69, %dot_general3A_70 {dimension_numbers = #tpu.dot_dimension_numbers<[1], [0], [0], [1], [0, 0, 1, 1], [], []>, transpose_lhs_hint = false} : vector<1024x8xbf16>, vector<8x512xbf16>, vector<1024x512xf32> -> vector<1024x512xf32>
    %reduce_max3A_72 = arith.constant dense<0xFF800000> : vector<1024xf32>
    %reduce_max3A_73 = vector.multi_reduction <maximumf>, %dot_general3A_71, %reduce_max3A_72 [1] : vector<1024x512xf32> to vector<1024xf32>
    %broadcast_in_dim3A_74 = vector.shape_cast %reduce_max3A_73 : vector<1024xf32> to vector<1024x1xf32>
    %iota3A_75 = tpu.iota {dimensions = array<i32: 1>} : vector<1024x512xi32>
    %add3A_76 = arith.constant 2048 : i32
    %add3A_77 = vector.broadcast %add3A_76 : i32 to vector<1024x512xi32>
    %add3A_78 = arith.addi %iota3A_75, %add3A_77 : vector<1024x512xi32>
    %eq3A_79 = vector.broadcast %broadcast_in_dim3A_74 : vector<1024x1xf32> to vector<1024x512xf32>
    %eq3A_80 = arith.cmpf oeq, %dot_general3A_71, %eq3A_79 : vector<1024x512xf32>
    %jit3A_81 = arith.constant 8192 : i32
    %broadcast_in_dim3A_82 = vector.broadcast %jit3A_81 : i32 to vector<1024x512xi32>
    %select_n3A_83 = arith.select %eq3A_80, %add3A_78, %broadcast_in_dim3A_82 : vector<1024x512xi1>, vector<1024x512xi32>
    %reduce_min3A_84 = arith.constant dense<2147483647> : vector<1024xi32>
    %reduce_min3A_85 = vector.multi_reduction <minsi>, %select_n3A_83, %reduce_min3A_84 [1] : vector<1024x512xi32> to vector<1024xi32>
    %broadcast_in_dim3A_86 = vector.shape_cast %reduce_min3A_85 : vector<1024xi32> to vector<1024x1xi32>
    %gt3A_87 = arith.cmpf ogt, %broadcast_in_dim3A_74, %select_n3A_65 : vector<1024x1xf32>
    %select_n3A_88 = arith.select %gt3A_87, %broadcast_in_dim3A_74, %select_n3A_65 : vector<1024x1xi1>, vector<1024x1xf32>
    %select_n3A_89 = arith.select %gt3A_87, %broadcast_in_dim3A_86, %select_n3A_66 : vector<1024x1xi1>, vector<1024x1xi32>
    %get3A_90 = arith.constant 0 : index
    %get3A_91 = arith.constant 2048 : index
    %get3A_92 = vector.load %arg2[%get3A_90, %get3A_91] : memref<8x7680xbf16, #tpu.memory_space<vmem>>, vector<8x512xbf16>
    %dot_general3A_93 = arith.constant dense<0.000000e+00> : vector<1024x512xf32>
    %dot_general3A_94 = tpu.matmul %get3A_3, %get3A_92, %dot_general3A_93 {dimension_numbers = #tpu.dot_dimension_numbers<[1], [0], [0], [1], [0, 0, 1, 1], [], []>, transpose_lhs_hint = false} : vector<1024x8xbf16>, vector<8x512xbf16>, vector<1024x512xf32> -> vector<1024x512xf32>
    %reduce_max3A_95 = arith.constant dense<0xFF800000> : vector<1024xf32>
    %reduce_max3A_96 = vector.multi_reduction <maximumf>, %dot_general3A_94, %reduce_max3A_95 [1] : vector<1024x512xf32> to vector<1024xf32>
    %broadcast_in_dim3A_97 = vector.shape_cast %reduce_max3A_96 : vector<1024xf32> to vector<1024x1xf32>
    %iota3A_98 = tpu.iota {dimensions = array<i32: 1>} : vector<1024x512xi32>
    %add3A_99 = arith.constant 2560 : i32
    %add3A_100 = vector.broadcast %add3A_99 : i32 to vector<1024x512xi32>
    %add3A_101 = arith.addi %iota3A_98, %add3A_100 : vector<1024x512xi32>
    %eq3A_102 = vector.broadcast %broadcast_in_dim3A_97 : vector<1024x1xf32> to vector<1024x512xf32>
    %eq3A_103 = arith.cmpf oeq, %dot_general3A_94, %eq3A_102 : vector<1024x512xf32>
    %jit3A_104 = arith.constant 8192 : i32
    %broadcast_in_dim3A_105 = vector.broadcast %jit3A_104 : i32 to vector<1024x512xi32>
    %select_n3A_106 = arith.select %eq3A_103, %add3A_101, %broadcast_in_dim3A_105 : vector<1024x512xi1>, vector<1024x512xi32>
    %reduce_min3A_107 = arith.constant dense<2147483647> : vector<1024xi32>
    %reduce_min3A_108 = vector.multi_reduction <minsi>, %select_n3A_106, %reduce_min3A_107 [1] : vector<1024x512xi32> to vector<1024xi32>
    %broadcast_in_dim3A_109 = vector.shape_cast %reduce_min3A_108 : vector<1024xi32> to vector<1024x1xi32>
    %gt3A_110 = arith.cmpf ogt, %broadcast_in_dim3A_97, %select_n3A_88 : vector<1024x1xf32>
    %select_n3A_111 = arith.select %gt3A_110, %broadcast_in_dim3A_97, %select_n3A_88 : vector<1024x1xi1>, vector<1024x1xf32>
    %select_n3A_112 = arith.select %gt3A_110, %broadcast_in_dim3A_109, %select_n3A_89 : vector<1024x1xi1>, vector<1024x1xi32>
    %get3A_113 = arith.constant 0 : index
    %get3A_114 = arith.constant 2560 : index
    %get3A_115 = vector.load %arg2[%get3A_113, %get3A_114] : memref<8x7680xbf16, #tpu.memory_space<vmem>>, vector<8x512xbf16>
    %dot_general3A_116 = arith.constant dense<0.000000e+00> : vector<1024x512xf32>
    %dot_general3A_117 = tpu.matmul %get3A_3, %get3A_115, %dot_general3A_116 {dimension_numbers = #tpu.dot_dimension_numbers<[1], [0], [0], [1], [0, 0, 1, 1], [], []>, transpose_lhs_hint = false} : vector<1024x8xbf16>, vector<8x512xbf16>, vector<1024x512xf32> -> vector<1024x512xf32>
    %reduce_max3A_118 = arith.constant dense<0xFF800000> : vector<1024xf32>
    %reduce_max3A_119 = vector.multi_reduction <maximumf>, %dot_general3A_117, %reduce_max3A_118 [1] : vector<1024x512xf32> to vector<1024xf32>
    %broadcast_in_dim3A_120 = vector.shape_cast %reduce_max3A_119 : vector<1024xf32> to vector<1024x1xf32>
    %iota3A_121 = tpu.iota {dimensions = array<i32: 1>} : vector<1024x512xi32>
    %add3A_122 = arith.constant 3072 : i32
    %add3A_123 = vector.broadcast %add3A_122 : i32 to vector<1024x512xi32>
    %add3A_124 = arith.addi %iota3A_121, %add3A_123 : vector<1024x512xi32>
    %eq3A_125 = vector.broadcast %broadcast_in_dim3A_120 : vector<1024x1xf32> to vector<1024x512xf32>
    %eq3A_126 = arith.cmpf oeq, %dot_general3A_117, %eq3A_125 : vector<1024x512xf32>
    %jit3A_127 = arith.constant 8192 : i32
    %broadcast_in_dim3A_128 = vector.broadcast %jit3A_127 : i32 to vector<1024x512xi32>
    %select_n3A_129 = arith.select %eq3A_126, %add3A_124, %broadcast_in_dim3A_128 : vector<1024x512xi1>, vector<1024x512xi32>
    %reduce_min3A_130 = arith.constant dense<2147483647> : vector<1024xi32>
    %reduce_min3A_131 = vector.multi_reduction <minsi>, %select_n3A_129, %reduce_min3A_130 [1] : vector<1024x512xi32> to vector<1024xi32>
    %broadcast_in_dim3A_132 = vector.shape_cast %reduce_min3A_131 : vector<1024xi32> to vector<1024x1xi32>
    %gt3A_133 = arith.cmpf ogt, %broadcast_in_dim3A_120, %select_n3A_111 : vector<1024x1xf32>
    %select_n3A_134 = arith.select %gt3A_133, %broadcast_in_dim3A_120, %select_n3A_111 : vector<1024x1xi1>, vector<1024x1xf32>
    %select_n3A_135 = arith.select %gt3A_133, %broadcast_in_dim3A_132, %select_n3A_112 : vector<1024x1xi1>, vector<1024x1xi32>
    %get3A_136 = arith.constant 0 : index
    %get3A_137 = arith.constant 3072 : index
    %get3A_138 = vector.load %arg2[%get3A_136, %get3A_137] : memref<8x7680xbf16, #tpu.memory_space<vmem>>, vector<8x512xbf16>
    %dot_general3A_139 = arith.constant dense<0.000000e+00> : vector<1024x512xf32>
    %dot_general3A_140 = tpu.matmul %get3A_3, %get3A_138, %dot_general3A_139 {dimension_numbers = #tpu.dot_dimension_numbers<[1], [0], [0], [1], [0, 0, 1, 1], [], []>, transpose_lhs_hint = false} : vector<1024x8xbf16>, vector<8x512xbf16>, vector<1024x512xf32> -> vector<1024x512xf32>
    %reduce_max3A_141 = arith.constant dense<0xFF800000> : vector<1024xf32>
    %reduce_max3A_142 = vector.multi_reduction <maximumf>, %dot_general3A_140, %reduce_max3A_141 [1] : vector<1024x512xf32> to vector<1024xf32>
    %broadcast_in_dim3A_143 = vector.shape_cast %reduce_max3A_142 : vector<1024xf32> to vector<1024x1xf32>
    %iota3A_144 = tpu.iota {dimensions = array<i32: 1>} : vector<1024x512xi32>
    %add3A_145 = arith.constant 3584 : i32
    %add3A_146 = vector.broadcast %add3A_145 : i32 to vector<1024x512xi32>
    %add3A_147 = arith.addi %iota3A_144, %add3A_146 : vector<1024x512xi32>
    %eq3A_148 = vector.broadcast %broadcast_in_dim3A_143 : vector<1024x1xf32> to vector<1024x512xf32>
    %eq3A_149 = arith.cmpf oeq, %dot_general3A_140, %eq3A_148 : vector<1024x512xf32>
    %jit3A_150 = arith.constant 8192 : i32
    %broadcast_in_dim3A_151 = vector.broadcast %jit3A_150 : i32 to vector<1024x512xi32>
    %select_n3A_152 = arith.select %eq3A_149, %add3A_147, %broadcast_in_dim3A_151 : vector<1024x512xi1>, vector<1024x512xi32>
    %reduce_min3A_153 = arith.constant dense<2147483647> : vector<1024xi32>
    %reduce_min3A_154 = vector.multi_reduction <minsi>, %select_n3A_152, %reduce_min3A_153 [1] : vector<1024x512xi32> to vector<1024xi32>
    %broadcast_in_dim3A_155 = vector.shape_cast %reduce_min3A_154 : vector<1024xi32> to vector<1024x1xi32>
    %gt3A_156 = arith.cmpf ogt, %broadcast_in_dim3A_143, %select_n3A_134 : vector<1024x1xf32>
    %select_n3A_157 = arith.select %gt3A_156, %broadcast_in_dim3A_143, %select_n3A_134 : vector<1024x1xi1>, vector<1024x1xf32>
    %select_n3A_158 = arith.select %gt3A_156, %broadcast_in_dim3A_155, %select_n3A_135 : vector<1024x1xi1>, vector<1024x1xi32>
    %get3A_159 = arith.constant 0 : index
    %get3A_160 = arith.constant 3584 : index
    %get3A_161 = vector.load %arg2[%get3A_159, %get3A_160] : memref<8x7680xbf16, #tpu.memory_space<vmem>>, vector<8x512xbf16>
    %dot_general3A_162 = arith.constant dense<0.000000e+00> : vector<1024x512xf32>
    %dot_general3A_163 = tpu.matmul %get3A_3, %get3A_161, %dot_general3A_162 {dimension_numbers = #tpu.dot_dimension_numbers<[1], [0], [0], [1], [0, 0, 1, 1], [], []>, transpose_lhs_hint = false} : vector<1024x8xbf16>, vector<8x512xbf16>, vector<1024x512xf32> -> vector<1024x512xf32>
    %reduce_max3A_164 = arith.constant dense<0xFF800000> : vector<1024xf32>
    %reduce_max3A_165 = vector.multi_reduction <maximumf>, %dot_general3A_163, %reduce_max3A_164 [1] : vector<1024x512xf32> to vector<1024xf32>
    %broadcast_in_dim3A_166 = vector.shape_cast %reduce_max3A_165 : vector<1024xf32> to vector<1024x1xf32>
    %iota3A_167 = tpu.iota {dimensions = array<i32: 1>} : vector<1024x512xi32>
    %add3A_168 = arith.constant 4096 : i32
    %add3A_169 = vector.broadcast %add3A_168 : i32 to vector<1024x512xi32>
    %add3A_170 = arith.addi %iota3A_167, %add3A_169 : vector<1024x512xi32>
    %eq3A_171 = vector.broadcast %broadcast_in_dim3A_166 : vector<1024x1xf32> to vector<1024x512xf32>
    %eq3A_172 = arith.cmpf oeq, %dot_general3A_163, %eq3A_171 : vector<1024x512xf32>
    %jit3A_173 = arith.constant 8192 : i32
    %broadcast_in_dim3A_174 = vector.broadcast %jit3A_173 : i32 to vector<1024x512xi32>
    %select_n3A_175 = arith.select %eq3A_172, %add3A_170, %broadcast_in_dim3A_174 : vector<1024x512xi1>, vector<1024x512xi32>
    %reduce_min3A_176 = arith.constant dense<2147483647> : vector<1024xi32>
    %reduce_min3A_177 = vector.multi_reduction <minsi>, %select_n3A_175, %reduce_min3A_176 [1] : vector<1024x512xi32> to vector<1024xi32>
    %broadcast_in_dim3A_178 = vector.shape_cast %reduce_min3A_177 : vector<1024xi32> to vector<1024x1xi32>
    %gt3A_179 = arith.cmpf ogt, %broadcast_in_dim3A_166, %select_n3A_157 : vector<1024x1xf32>
    %select_n3A_180 = arith.select %gt3A_179, %broadcast_in_dim3A_166, %select_n3A_157 : vector<1024x1xi1>, vector<1024x1xf32>
    %select_n3A_181 = arith.select %gt3A_179, %broadcast_in_dim3A_178, %select_n3A_158 : vector<1024x1xi1>, vector<1024x1xi32>
    %get3A_182 = arith.constant 0 : index
    %get3A_183 = arith.constant 4096 : index
    %get3A_184 = vector.load %arg2[%get3A_182, %get3A_183] : memref<8x7680xbf16, #tpu.memory_space<vmem>>, vector<8x512xbf16>
    %dot_general3A_185 = arith.constant dense<0.000000e+00> : vector<1024x512xf32>
    %dot_general3A_186 = tpu.matmul %get3A_3, %get3A_184, %dot_general3A_185 {dimension_numbers = #tpu.dot_dimension_numbers<[1], [0], [0], [1], [0, 0, 1, 1], [], []>, transpose_lhs_hint = false} : vector<1024x8xbf16>, vector<8x512xbf16>, vector<1024x512xf32> -> vector<1024x512xf32>
    %reduce_max3A_187 = arith.constant dense<0xFF800000> : vector<1024xf32>
    %reduce_max3A_188 = vector.multi_reduction <maximumf>, %dot_general3A_186, %reduce_max3A_187 [1] : vector<1024x512xf32> to vector<1024xf32>
    %broadcast_in_dim3A_189 = vector.shape_cast %reduce_max3A_188 : vector<1024xf32> to vector<1024x1xf32>
    %iota3A_190 = tpu.iota {dimensions = array<i32: 1>} : vector<1024x512xi32>
    %add3A_191 = arith.constant 4608 : i32
    %add3A_192 = vector.broadcast %add3A_191 : i32 to vector<1024x512xi32>
    %add3A_193 = arith.addi %iota3A_190, %add3A_192 : vector<1024x512xi32>
    %eq3A_194 = vector.broadcast %broadcast_in_dim3A_189 : vector<1024x1xf32> to vector<1024x512xf32>
    %eq3A_195 = arith.cmpf oeq, %dot_general3A_186, %eq3A_194 : vector<1024x512xf32>
    %jit3A_196 = arith.constant 8192 : i32
    %broadcast_in_dim3A_197 = vector.broadcast %jit3A_196 : i32 to vector<1024x512xi32>
    %select_n3A_198 = arith.select %eq3A_195, %add3A_193, %broadcast_in_dim3A_197 : vector<1024x512xi1>, vector<1024x512xi32>
    %reduce_min3A_199 = arith.constant dense<2147483647> : vector<1024xi32>
    %reduce_min3A_200 = vector.multi_reduction <minsi>, %select_n3A_198, %reduce_min3A_199 [1] : vector<1024x512xi32> to vector<1024xi32>
    %broadcast_in_dim3A_201 = vector.shape_cast %reduce_min3A_200 : vector<1024xi32> to vector<1024x1xi32>
    %gt3A_202 = arith.cmpf ogt, %broadcast_in_dim3A_189, %select_n3A_180 : vector<1024x1xf32>
    %select_n3A_203 = arith.select %gt3A_202, %broadcast_in_dim3A_189, %select_n3A_180 : vector<1024x1xi1>, vector<1024x1xf32>
    %select_n3A_204 = arith.select %gt3A_202, %broadcast_in_dim3A_201, %select_n3A_181 : vector<1024x1xi1>, vector<1024x1xi32>
    %get3A_205 = arith.constant 0 : index
    %get3A_206 = arith.constant 4608 : index
    %get3A_207 = vector.load %arg2[%get3A_205, %get3A_206] : memref<8x7680xbf16, #tpu.memory_space<vmem>>, vector<8x512xbf16>
    %dot_general3A_208 = arith.constant dense<0.000000e+00> : vector<1024x512xf32>
    %dot_general3A_209 = tpu.matmul %get3A_3, %get3A_207, %dot_general3A_208 {dimension_numbers = #tpu.dot_dimension_numbers<[1], [0], [0], [1], [0, 0, 1, 1], [], []>, transpose_lhs_hint = false} : vector<1024x8xbf16>, vector<8x512xbf16>, vector<1024x512xf32> -> vector<1024x512xf32>
    %reduce_max3A_210 = arith.constant dense<0xFF800000> : vector<1024xf32>
    %reduce_max3A_211 = vector.multi_reduction <maximumf>, %dot_general3A_209, %reduce_max3A_210 [1] : vector<1024x512xf32> to vector<1024xf32>
    %broadcast_in_dim3A_212 = vector.shape_cast %reduce_max3A_211 : vector<1024xf32> to vector<1024x1xf32>
    %iota3A_213 = tpu.iota {dimensions = array<i32: 1>} : vector<1024x512xi32>
    %add3A_214 = arith.constant 5120 : i32
    %add3A_215 = vector.broadcast %add3A_214 : i32 to vector<1024x512xi32>
    %add3A_216 = arith.addi %iota3A_213, %add3A_215 : vector<1024x512xi32>
    %eq3A_217 = vector.broadcast %broadcast_in_dim3A_212 : vector<1024x1xf32> to vector<1024x512xf32>
    %eq3A_218 = arith.cmpf oeq, %dot_general3A_209, %eq3A_217 : vector<1024x512xf32>
    %jit3A_219 = arith.constant 8192 : i32
    %broadcast_in_dim3A_220 = vector.broadcast %jit3A_219 : i32 to vector<1024x512xi32>
    %select_n3A_221 = arith.select %eq3A_218, %add3A_216, %broadcast_in_dim3A_220 : vector<1024x512xi1>, vector<1024x512xi32>
    %reduce_min3A_222 = arith.constant dense<2147483647> : vector<1024xi32>
    %reduce_min3A_223 = vector.multi_reduction <minsi>, %select_n3A_221, %reduce_min3A_222 [1] : vector<1024x512xi32> to vector<1024xi32>
    %broadcast_in_dim3A_224 = vector.shape_cast %reduce_min3A_223 : vector<1024xi32> to vector<1024x1xi32>
    %gt3A_225 = arith.cmpf ogt, %broadcast_in_dim3A_212, %select_n3A_203 : vector<1024x1xf32>
    %select_n3A_226 = arith.select %gt3A_225, %broadcast_in_dim3A_212, %select_n3A_203 : vector<1024x1xi1>, vector<1024x1xf32>
    %select_n3A_227 = arith.select %gt3A_225, %broadcast_in_dim3A_224, %select_n3A_204 : vector<1024x1xi1>, vector<1024x1xi32>
    %get3A_228 = arith.constant 0 : index
    %get3A_229 = arith.constant 5120 : index
    %get3A_230 = vector.load %arg2[%get3A_228, %get3A_229] : memref<8x7680xbf16, #tpu.memory_space<vmem>>, vector<8x512xbf16>
    %dot_general3A_231 = arith.constant dense<0.000000e+00> : vector<1024x512xf32>
    %dot_general3A_232 = tpu.matmul %get3A_3, %get3A_230, %dot_general3A_231 {dimension_numbers = #tpu.dot_dimension_numbers<[1], [0], [0], [1], [0, 0, 1, 1], [], []>, transpose_lhs_hint = false} : vector<1024x8xbf16>, vector<8x512xbf16>, vector<1024x512xf32> -> vector<1024x512xf32>
    %reduce_max3A_233 = arith.constant dense<0xFF800000> : vector<1024xf32>
    %reduce_max3A_234 = vector.multi_reduction <maximumf>, %dot_general3A_232, %reduce_max3A_233 [1] : vector<1024x512xf32> to vector<1024xf32>
    %broadcast_in_dim3A_235 = vector.shape_cast %reduce_max3A_234 : vector<1024xf32> to vector<1024x1xf32>
    %iota3A_236 = tpu.iota {dimensions = array<i32: 1>} : vector<1024x512xi32>
    %add3A_237 = arith.constant 5632 : i32
    %add3A_238 = vector.broadcast %add3A_237 : i32 to vector<1024x512xi32>
    %add3A_239 = arith.addi %iota3A_236, %add3A_238 : vector<1024x512xi32>
    %eq3A_240 = vector.broadcast %broadcast_in_dim3A_235 : vector<1024x1xf32> to vector<1024x512xf32>
    %eq3A_241 = arith.cmpf oeq, %dot_general3A_232, %eq3A_240 : vector<1024x512xf32>
    %jit3A_242 = arith.constant 8192 : i32
    %broadcast_in_dim3A_243 = vector.broadcast %jit3A_242 : i32 to vector<1024x512xi32>
    %select_n3A_244 = arith.select %eq3A_241, %add3A_239, %broadcast_in_dim3A_243 : vector<1024x512xi1>, vector<1024x512xi32>
    %reduce_min3A_245 = arith.constant dense<2147483647> : vector<1024xi32>
    %reduce_min3A_246 = vector.multi_reduction <minsi>, %select_n3A_244, %reduce_min3A_245 [1] : vector<1024x512xi32> to vector<1024xi32>
    %broadcast_in_dim3A_247 = vector.shape_cast %reduce_min3A_246 : vector<1024xi32> to vector<1024x1xi32>
    %gt3A_248 = arith.cmpf ogt, %broadcast_in_dim3A_235, %select_n3A_226 : vector<1024x1xf32>
    %select_n3A_249 = arith.select %gt3A_248, %broadcast_in_dim3A_235, %select_n3A_226 : vector<1024x1xi1>, vector<1024x1xf32>
    %select_n3A_250 = arith.select %gt3A_248, %broadcast_in_dim3A_247, %select_n3A_227 : vector<1024x1xi1>, vector<1024x1xi32>
    %get3A_251 = arith.constant 0 : index
    %get3A_252 = arith.constant 5632 : index
    %get3A_253 = vector.load %arg2[%get3A_251, %get3A_252] : memref<8x7680xbf16, #tpu.memory_space<vmem>>, vector<8x512xbf16>
    %dot_general3A_254 = arith.constant dense<0.000000e+00> : vector<1024x512xf32>
    %dot_general3A_255 = tpu.matmul %get3A_3, %get3A_253, %dot_general3A_254 {dimension_numbers = #tpu.dot_dimension_numbers<[1], [0], [0], [1], [0, 0, 1, 1], [], []>, transpose_lhs_hint = false} : vector<1024x8xbf16>, vector<8x512xbf16>, vector<1024x512xf32> -> vector<1024x512xf32>
    %reduce_max3A_256 = arith.constant dense<0xFF800000> : vector<1024xf32>
    %reduce_max3A_257 = vector.multi_reduction <maximumf>, %dot_general3A_255, %reduce_max3A_256 [1] : vector<1024x512xf32> to vector<1024xf32>
    %broadcast_in_dim3A_258 = vector.shape_cast %reduce_max3A_257 : vector<1024xf32> to vector<1024x1xf32>
    %iota3A_259 = tpu.iota {dimensions = array<i32: 1>} : vector<1024x512xi32>
    %add3A_260 = arith.constant 6144 : i32
    %add3A_261 = vector.broadcast %add3A_260 : i32 to vector<1024x512xi32>
    %add3A_262 = arith.addi %iota3A_259, %add3A_261 : vector<1024x512xi32>
    %eq3A_263 = vector.broadcast %broadcast_in_dim3A_258 : vector<1024x1xf32> to vector<1024x512xf32>
    %eq3A_264 = arith.cmpf oeq, %dot_general3A_255, %eq3A_263 : vector<1024x512xf32>
    %jit3A_265 = arith.constant 8192 : i32
    %broadcast_in_dim3A_266 = vector.broadcast %jit3A_265 : i32 to vector<1024x512xi32>
    %select_n3A_267 = arith.select %eq3A_264, %add3A_262, %broadcast_in_dim3A_266 : vector<1024x512xi1>, vector<1024x512xi32>
    %reduce_min3A_268 = arith.constant dense<2147483647> : vector<1024xi32>
    %reduce_min3A_269 = vector.multi_reduction <minsi>, %select_n3A_267, %reduce_min3A_268 [1] : vector<1024x512xi32> to vector<1024xi32>
    %broadcast_in_dim3A_270 = vector.shape_cast %reduce_min3A_269 : vector<1024xi32> to vector<1024x1xi32>
    %gt3A_271 = arith.cmpf ogt, %broadcast_in_dim3A_258, %select_n3A_249 : vector<1024x1xf32>
    %select_n3A_272 = arith.select %gt3A_271, %broadcast_in_dim3A_258, %select_n3A_249 : vector<1024x1xi1>, vector<1024x1xf32>
    %select_n3A_273 = arith.select %gt3A_271, %broadcast_in_dim3A_270, %select_n3A_250 : vector<1024x1xi1>, vector<1024x1xi32>
    %get3A_274 = arith.constant 0 : index
    %get3A_275 = arith.constant 6144 : index
    %get3A_276 = vector.load %arg2[%get3A_274, %get3A_275] : memref<8x7680xbf16, #tpu.memory_space<vmem>>, vector<8x512xbf16>
    %dot_general3A_277 = arith.constant dense<0.000000e+00> : vector<1024x512xf32>
    %dot_general3A_278 = tpu.matmul %get3A_3, %get3A_276, %dot_general3A_277 {dimension_numbers = #tpu.dot_dimension_numbers<[1], [0], [0], [1], [0, 0, 1, 1], [], []>, transpose_lhs_hint = false} : vector<1024x8xbf16>, vector<8x512xbf16>, vector<1024x512xf32> -> vector<1024x512xf32>
    %reduce_max3A_279 = arith.constant dense<0xFF800000> : vector<1024xf32>
    %reduce_max3A_280 = vector.multi_reduction <maximumf>, %dot_general3A_278, %reduce_max3A_279 [1] : vector<1024x512xf32> to vector<1024xf32>
    %broadcast_in_dim3A_281 = vector.shape_cast %reduce_max3A_280 : vector<1024xf32> to vector<1024x1xf32>
    %iota3A_282 = tpu.iota {dimensions = array<i32: 1>} : vector<1024x512xi32>
    %add3A_283 = arith.constant 6656 : i32
    %add3A_284 = vector.broadcast %add3A_283 : i32 to vector<1024x512xi32>
    %add3A_285 = arith.addi %iota3A_282, %add3A_284 : vector<1024x512xi32>
    %eq3A_286 = vector.broadcast %broadcast_in_dim3A_281 : vector<1024x1xf32> to vector<1024x512xf32>
    %eq3A_287 = arith.cmpf oeq, %dot_general3A_278, %eq3A_286 : vector<1024x512xf32>
    %jit3A_288 = arith.constant 8192 : i32
    %broadcast_in_dim3A_289 = vector.broadcast %jit3A_288 : i32 to vector<1024x512xi32>
    %select_n3A_290 = arith.select %eq3A_287, %add3A_285, %broadcast_in_dim3A_289 : vector<1024x512xi1>, vector<1024x512xi32>
    %reduce_min3A_291 = arith.constant dense<2147483647> : vector<1024xi32>
    %reduce_min3A_292 = vector.multi_reduction <minsi>, %select_n3A_290, %reduce_min3A_291 [1] : vector<1024x512xi32> to vector<1024xi32>
    %broadcast_in_dim3A_293 = vector.shape_cast %reduce_min3A_292 : vector<1024xi32> to vector<1024x1xi32>
    %gt3A_294 = arith.cmpf ogt, %broadcast_in_dim3A_281, %select_n3A_272 : vector<1024x1xf32>
    %select_n3A_295 = arith.select %gt3A_294, %broadcast_in_dim3A_281, %select_n3A_272 : vector<1024x1xi1>, vector<1024x1xf32>
    %select_n3A_296 = arith.select %gt3A_294, %broadcast_in_dim3A_293, %select_n3A_273 : vector<1024x1xi1>, vector<1024x1xi32>
    %get3A_297 = arith.constant 0 : index
    %get3A_298 = arith.constant 6656 : index
    %get3A_299 = vector.load %arg2[%get3A_297, %get3A_298] : memref<8x7680xbf16, #tpu.memory_space<vmem>>, vector<8x512xbf16>
    %dot_general3A_300 = arith.constant dense<0.000000e+00> : vector<1024x512xf32>
    %dot_general3A_301 = tpu.matmul %get3A_3, %get3A_299, %dot_general3A_300 {dimension_numbers = #tpu.dot_dimension_numbers<[1], [0], [0], [1], [0, 0, 1, 1], [], []>, transpose_lhs_hint = false} : vector<1024x8xbf16>, vector<8x512xbf16>, vector<1024x512xf32> -> vector<1024x512xf32>
    %reduce_max3A_302 = arith.constant dense<0xFF800000> : vector<1024xf32>
    %reduce_max3A_303 = vector.multi_reduction <maximumf>, %dot_general3A_301, %reduce_max3A_302 [1] : vector<1024x512xf32> to vector<1024xf32>
    %broadcast_in_dim3A_304 = vector.shape_cast %reduce_max3A_303 : vector<1024xf32> to vector<1024x1xf32>
    %iota3A_305 = tpu.iota {dimensions = array<i32: 1>} : vector<1024x512xi32>
    %add3A_306 = arith.constant 7168 : i32
    %add3A_307 = vector.broadcast %add3A_306 : i32 to vector<1024x512xi32>
    %add3A_308 = arith.addi %iota3A_305, %add3A_307 : vector<1024x512xi32>
    %eq3A_309 = vector.broadcast %broadcast_in_dim3A_304 : vector<1024x1xf32> to vector<1024x512xf32>
    %eq3A_310 = arith.cmpf oeq, %dot_general3A_301, %eq3A_309 : vector<1024x512xf32>
    %jit3A_311 = arith.constant 8192 : i32
    %broadcast_in_dim3A_312 = vector.broadcast %jit3A_311 : i32 to vector<1024x512xi32>
    %select_n3A_313 = arith.select %eq3A_310, %add3A_308, %broadcast_in_dim3A_312 : vector<1024x512xi1>, vector<1024x512xi32>
    %reduce_min3A_314 = arith.constant dense<2147483647> : vector<1024xi32>
    %reduce_min3A_315 = vector.multi_reduction <minsi>, %select_n3A_313, %reduce_min3A_314 [1] : vector<1024x512xi32> to vector<1024xi32>
    %broadcast_in_dim3A_316 = vector.shape_cast %reduce_min3A_315 : vector<1024xi32> to vector<1024x1xi32>
    %gt3A_317 = arith.cmpf ogt, %broadcast_in_dim3A_304, %select_n3A_295 : vector<1024x1xf32>
    %select_n3A_318 = arith.select %gt3A_317, %broadcast_in_dim3A_304, %select_n3A_295 : vector<1024x1xi1>, vector<1024x1xf32>
    %select_n3A_319 = arith.select %gt3A_317, %broadcast_in_dim3A_316, %select_n3A_296 : vector<1024x1xi1>, vector<1024x1xi32>
    %get3A_320 = arith.constant 0 : index
    %get3A_321 = arith.constant 7168 : index
    %get3A_322 = vector.load %arg2[%get3A_320, %get3A_321] : memref<8x7680xbf16, #tpu.memory_space<vmem>>, vector<8x512xbf16>
    %dot_general3A_323 = arith.constant dense<0.000000e+00> : vector<1024x512xf32>
    %dot_general3A_324 = tpu.matmul %get3A_3, %get3A_322, %dot_general3A_323 {dimension_numbers = #tpu.dot_dimension_numbers<[1], [0], [0], [1], [0, 0, 1, 1], [], []>, transpose_lhs_hint = false} : vector<1024x8xbf16>, vector<8x512xbf16>, vector<1024x512xf32> -> vector<1024x512xf32>
    %reduce_max3A_325 = arith.constant dense<0xFF800000> : vector<1024xf32>
    %reduce_max3A_326 = vector.multi_reduction <maximumf>, %dot_general3A_324, %reduce_max3A_325 [1] : vector<1024x512xf32> to vector<1024xf32>
    %broadcast_in_dim3A_327 = vector.shape_cast %reduce_max3A_326 : vector<1024xf32> to vector<1024x1xf32>
    %iota3A_328 = tpu.iota {dimensions = array<i32: 1>} : vector<1024x512xi32>
    %add3A_329 = arith.constant 7680 : i32
    %add3A_330 = vector.broadcast %add3A_329 : i32 to vector<1024x512xi32>
    %add3A_331 = arith.addi %iota3A_328, %add3A_330 : vector<1024x512xi32>
    %eq3A_332 = vector.broadcast %broadcast_in_dim3A_327 : vector<1024x1xf32> to vector<1024x512xf32>
    %eq3A_333 = arith.cmpf oeq, %dot_general3A_324, %eq3A_332 : vector<1024x512xf32>
    %jit3A_334 = arith.constant 8192 : i32
    %broadcast_in_dim3A_335 = vector.broadcast %jit3A_334 : i32 to vector<1024x512xi32>
    %select_n3A_336 = arith.select %eq3A_333, %add3A_331, %broadcast_in_dim3A_335 : vector<1024x512xi1>, vector<1024x512xi32>
    %reduce_min3A_337 = arith.constant dense<2147483647> : vector<1024xi32>
    %reduce_min3A_338 = vector.multi_reduction <minsi>, %select_n3A_336, %reduce_min3A_337 [1] : vector<1024x512xi32> to vector<1024xi32>
    %broadcast_in_dim3A_339 = vector.shape_cast %reduce_min3A_338 : vector<1024xi32> to vector<1024x1xi32>
    %gt3A_340 = arith.cmpf ogt, %broadcast_in_dim3A_327, %select_n3A_318 : vector<1024x1xf32>
    %select_n3A_341 = arith.select %gt3A_340, %broadcast_in_dim3A_327, %select_n3A_318 : vector<1024x1xi1>, vector<1024x1xf32>
    %select_n3A_342 = arith.select %gt3A_340, %broadcast_in_dim3A_339, %select_n3A_319 : vector<1024x1xi1>, vector<1024x1xi32>
    %swap3A = arith.constant 0 : index
    %swap3A_343 = arith.constant 0 : index
    %swap3A_344 = arith.constant 0 : index
    %swap3A_345 = vector.load %arg3[%swap3A, %swap3A_343, %swap3A_344] : memref<1x1024x1xf32, #tpu.memory_space<vmem>>, vector<1x1024x1xf32>
    %swap3A_346 = vector.shape_cast %swap3A_345 : vector<1x1024x1xf32> to vector<1024x1xf32>
    %swap3A_347 = vector.shape_cast %select_n3A_341 : vector<1024x1xf32> to vector<1x1024x1xf32>
    tpu.vector_store %arg3[%swap3A, %swap3A_343, %swap3A_344], %swap3A_347 {strides = array<i32>} : memref<1x1024x1xf32, #tpu.memory_space<vmem>>, vector<1x1024x1xf32>,
    %swap3A_348 = arith.constant 0 : index
    %swap3A_349 = arith.constant 0 : index
    %swap3A_350 = arith.constant 0 : index
    %swap3A_351 = vector.load %arg4[%swap3A_348, %swap3A_349, %swap3A_350] : memref<1x1024x1xi32, #tpu.memory_space<vmem>>, vector<1x1024x1xi32>
    %swap3A_352 = vector.shape_cast %swap3A_351 : vector<1x1024x1xi32> to vector<1024x1xi32>
    %swap3A_353 = vector.shape_cast %select_n3A_342 : vector<1024x1xi32> to vector<1x1024x1xi32>
    tpu.vector_store %arg4[%swap3A_348, %swap3A_349, %swap3A_350], %swap3A_353 {strides = array<i32>} : memref<1x1024x1xi32, #tpu.memory_space<vmem>>, vector<1x1024x1xi32>,
    return
  }
  func.func @transform_0(%arg0: i32) -> (i32, i32, i32) {
    %c0_i32 = arith.constant 0 : i32
    %c0_i32_0 = arith.constant 0 : i32
    %c0_i32_1 = arith.constant 0 : i32
    return %arg0, %c0_i32, %c0_i32_0 : i32, i32, i32
  }
  func.func @transform_1(%arg0: i32) -> (i32, i32) {
    %c0_i32 = arith.constant 0 : i32
    %c0_i32_0 = arith.constant 0 : i32
    %c0_i32_1 = arith.constant 0 : i32
    return %c0_i32, %c0_i32_0 : i32, i32
  }
  func.func @transform_2(%arg0: i32) -> (i32, i32, i32) {
    %c0_i32 = arith.constant 0 : i32
    %c0_i32_0 = arith.constant 0 : i32
    %c0_i32_1 = arith.constant 0 : i32
    return %arg0, %c0_i32, %c0_i32_0 : i32, i32, i32
  }
  func.func @transform_3(%arg0: i32) -> (i32, i32, i32) {
    %c0_i32 = arith.constant 0 : i32
    %c0_i32_0 = arith.constant 0 : i32
    %c0_i32_1 = arith.constant 0 : i32
    return %arg0, %c0_i32, %c0_i32_0 : i32, i32, i32
  }
}

</mosaic_0001>

<sc_bundles>
// kernel: kernel.5.cloned.1.call-start
scs
__scs_entry_jumppad:
0x0: {  	(pc) =	sbr.rel $0x88, $3  }
0x1: {  	(tag) =	ssettag $0x0;
	lr =	simm.s32 $0x1  }
0x2: {  	[smem:$0x3F97] =	sst lr;
	_ =	strace $0xD0000000  }
0x3: {  	_ = 	snop  }
0x4: {  	_ = 	snop  }
0x5: {  	_ = 	snop  }
0x6: {  	_ = 	snop  }
0x7: {  	_ = 	snop  }
__scs_overlays_trampoline_lowered:
0x8: {  	[smem:$0x3FA6] =	sst s0  }
0x9: {  	[smem:$0x3FA7] =	sst s1  }
0xa: {  	[smem:$0x3FA8] =	sst s2  }
0xb: {  	[smem:$0x3FA9] =	sst s3  }
0xc: {  	[smem:$0x3FAA] =	sst s4  }
0xd: {  	[smem:$0x3FAB] =	sst s5  }
0xe: {  	[smem:$0x3FAC] =	sst s6  }
0xf: {  	[smem:$0x3FAD] =	sst s7  }
0x10: {  	[smem:$0x3FAE] =	sst s8  }
0x11: {  	[smem:$0x3FAF] =	sst s9;
	s0 =	simm.s32 @!p0 $0x0  }
0x12: {  	s1 =	sld [smem:$0x3F95];
	s0 =	simm.s32 @p0 $0x1  }
0x13: {  	[smem:$0x3FB0] =	sst s0;
	s0 =	simm.s32 @!p1 $0x0  }
0x14: {  	s2 =	sld [smem:$0x3F94];
	s0 =	simm.s32 @p1 $0x1  }
0x15: {  	[smem:$0x3FB1] =	sst s0;
	s0 =	simm.s32 @!p2 $0x0  }
0x16: {  	s3 =	sld [smem:$0x3FDB];
	s0 =	simm.s32 @p2 $0x1  }
0x17: {  	s4 =	simm.s32 $0x1BF5;
	[smem:$0x3FB3] =	sst s0  }
0x18: {  	s0 =	sld [smem:$0x3F96];
	_ =	swait.ge [sflag:s4], $0x0  }
0x19: {  	s7 =	sld [smem:$0x3F97]  }
0x1a: {  	s8 =	sadd.s32 $0xFFFFE003, lr  }
0x1b: {  	s9 =	sadd.s32 $0xFFFFFEF7, lr;
	s5 =	simm.s32 $0xFFFFFFFF;
	p2 =	slt.u32 s8, $0xFFFFF086  }
0x1c: {  	p1 =	slt.u32 s9, $0xF7A;
	s5 =	simm.s32 @!p2 $0x0  }
0x1d: {  	s5 =	simm.s32 @p1 $0x1;
	p0 =	seq.s32 s7, s2  }
0x1e: {  	s7 =	smul.u32 @!p0 $0xF7A, s2;
	p2 =	seq.s32 @!p0 s5, $0x0  }
0x1f: {  	s9 =	smul.u32 $0xF7A, s1;
	s8 =	simm.s32 @!p0 $0x1BF5;
	p2 =	por !p2, p0  }
0x20: {  	[sflag:s8] =	ssyncset.s32 @!p0 $0xFFFFF086;
	s6 =	sadd.s32 @!p0 s3, s7;
	s7 =	simm.s32 @!p0 $0x108  }
0x21: {  	s3 =	sadd.s32 s3, s9;
	s6 =	sadd.s32 @!p0 $0x88, s6;
	s7 =	simm.s32 @p2 $0x1082  }
0x22: {  	[simem:s7], [sflag:s8] =	dma.local @!p0 [hbm:s6], $0xF7A  }
0x23: {  	s9 =	sor.u32 $0xD0000000, s2;
	s6 =	simm.s32 $0x108;
	_ =	swait.ge @!p0 [sflag:s8], $0x0  }
0x24: {  	s3 =	sadd.s32 $0x88, s3;
	s6 =	simm.s32 @!p1 $0x1082;
	[sflag:s4] =	ssyncset.s32 $0xFFFFF086  }
0x25: {  	[simem:s6], [sflag:s4] =	dma.local [hbm:s3], $0xF7A  }
0x26: {  	[smem:$0x3F97] =	sst s1;
	(tag) =	ssettag s2;
	_ =	strace s9  }
0x27: {  	s1 =	sld [smem:$0x3FA7]  }
0x28: {  	s2 =	sld [smem:$0x3FA8]  }
0x29: {  	s4 =	sld [smem:$0x3FAA]  }
0x2a: {  	p0 =	seq.s32 s5, $0x0;
	s5 =	sld [smem:$0x3FAB]  }
0x2b: {  	s6 =	sld [smem:$0x3FAC]  }
0x2c: {  	s7 =	sld [smem:$0x3FAD]  }
0x2d: {  	s3 =	simm.s32 $0x108;
	s8 =	sld [smem:$0x3FAE]  }
0x2e: {  	s3 =	simm.s32 @!p0 $0x1082;
	s9 =	sld [smem:$0x3FAF]  }
0x2f: {  	lr =	sadd.s32 s0, s3;
	s0 =	sld [smem:$0x3FA6]  }
0x30: {  	s3 =	sld [smem:$0x3FA9]  }
0x31: {  	[smem:$0x3FB2] =	sst s10  }
0x32: {  	s10 =	sld [smem:$0x3FB0];
	_ =	sdelay $0x3  }
0x33: {  	p0 =	seq.s32 s10, $0x1;
	s10 =	sld [smem:$0x3FB2];
	_ =	sdelay $0x3  }
0x34: {  	[smem:$0x3FB2] =	sst s10  }
0x35: {  	s10 =	sld [smem:$0x3FB1];
	_ =	sdelay $0x3  }
0x36: {  	p1 =	seq.s32 s10, $0x1;
	s10 =	sld [smem:$0x3FB2];
	_ =	sdelay $0x3  }
0x37: {  	[smem:$0x3FB2] =	sst s10  }
0x38: {  	s10 =	sld [smem:$0x3FB3]  }
0x39: {  	_ = 	snop;
	(pc) =	sbr.ind lr, $3  }
0x3a: {  	_ = 	snop  }
0x3b: {  	_ = 	snop  }
0x3c: {  	p2 =	seq.s32 s10, $0x1;
	s10 =	sld [smem:$0x3FB2]  }
0x3d: {  	_ =	shalt  }
0x3e: {  	_ =	shalt  }
0x3f: {  	_ =	shalt  }
0x40: {  	_ =	shalt  }
0x41: {  	_ =	shalt  }
0x42: {  	_ =	shalt  }
0x43: {  	_ =	shalt  }
0x44: {  	_ =	shalt  }
0x45: {  	_ =	shalt  }
0x46: {  	_ =	shalt  }
0x47: {  	_ =	shalt  }
0x48: {  	_ =	shalt  }
0x49: {  	_ =	shalt  }
0x4a: {  	_ =	shalt  }
0x4b: {  	_ =	shalt  }
0x4c: {  	_ =	shalt  }
0x4d: {  	_ =	shalt  }
0x4e: {  	_ =	shalt  }
0x4f: {  	_ =	shalt  }
0x50: {  	_ =	shalt  }
0x51: {  	_ =	shalt  }
0x52: {  	_ =	shalt  }
0x53: {  	_ =	shalt  }
0x54: {  	_ =	shalt  }
0x55: {  	_ =	shalt  }
0x56: {  	_ =	shalt  }
0x57: {  	_ =	shalt  }
0x58: {  	_ =	shalt  }
0x59: {  	_ =	shalt  }
0x5a: {  	_ =	shalt  }
0x5b: {  	_ =	shalt  }
0x5c: {  	_ =	shalt  }
0x5d: {  	_ =	shalt  }
0x5e: {  	_ =	shalt  }
0x5f: {  	_ =	shalt  }
0x60: {  	_ =	shalt  }
0x61: {  	_ =	shalt  }
0x62: {  	_ =	shalt  }
0x63: {  	_ =	shalt  }
0x64: {  	_ =	shalt  }
0x65: {  	_ =	shalt  }
0x66: {  	_ =	shalt  }
0x67: {  	_ =	shalt  }
0x68: {  	_ =	shalt  }
0x69: {  	_ =	shalt  }
0x6a: {  	_ =	shalt  }
0x6b: {  	_ =	shalt  }
0x6c: {  	_ =	shalt  }
0x6d: {  	_ =	shalt  }
0x6e: {  	_ =	shalt  }
0x6f: {  	_ =	shalt  }
0x70: {  	_ =	shalt  }
0x71: {  	_ =	shalt  }
0x72: {  	_ =	shalt  }
0x73: {  	_ =	shalt  }
0x74: {  	_ =	shalt  }
0x75: {  	_ =	shalt  }
0x76: {  	_ =	shalt  }
0x77: {  	_ =	shalt  }
0x78: {  	_ =	shalt  }
0x79: {  	_ =	shalt  }
0x7a: {  	_ =	shalt  }
0x7b: {  	_ =	shalt  }
0x7c: {  	_ =	shalt  }
0x7d: {  	_ =	shalt  }
0x7e: {  	_ =	shalt  }
0x7f: {  	_ =	shalt  }
0x80: {  	_ =	shalt  }
0x81: {  	_ =	shalt  }
0x82: {  	_ =	shalt  }
0x83: {  	_ =	shalt  }
0x84: {  	_ =	shalt  }
0x85: {  	_ =	shalt  }
0x86: {  	_ =	shalt  }
0x87: {  	_ =	shalt  }
.Lfunc_end0:
.L_simem_size_0:
called_computation_lowered:
.L_overlay_start_0:
0x88: {  	s2 =	sld [smem:$0x3FD9]  }
0x89: {  	s3 =	sld [smem:$0x3FFE];
	_ =	sdelay $0x1  }
0x8a: {  	s1 =	srdreg.scid  }
0x8b: {  	s0 =	sand.u32 $0x1, s1  }
0x8c: {  	s17 =	sshll.u32 s0, $0xA;
	s2 =	sadd.s32 s3, s2  }
0x8d: {  	s2 =	sadd.s32 s2, s17  }
0x8e: {  	[smem:$0x3FBE] =	sst s2  }
0x8f: {  	_ = 	snop  }
0x90: {  	s2 =	sld [smem:$0x3FD0];
	(tm) =	ssettm $0x1  }
0x91: {  	s18 =	sld [smem:$0x3FFB];
	_ =	sdelay $0x3  }
0x92: {  	_ =	strace s18  }
0x93: {  	s3 =	sld [smem:$0x3FFC];
	_ =	sdelay $0x3  }
0x94: {  	_ =	strace s3  }
0x95: {  	s3 =	sld [smem:$0x3FFD];
	_ =	sdelay $0x3  }
0x96: {  	_ =	strace s3  }
0x97: {  	_ =	strace $0x8FFFFFFF  }
0x98: {  	s19 =	sld [smem:$0x3FDB];
	_ =	sdelay $0x1  }
0x99: {  	s4 =	simm.s32 $_scs_section_size  }
0x9a: {  	s5 =	simm.s32 $_size__tile_overlayer_lowered;
	s6 =	simm.s32 $_tile_overlayer_lowered  }
0x9b: {  	s22 =	simm.s32 $0x1BFF;
	s21 =	sshll.u32 s6, $0x1;
	s3 =	sadd.s32 s4, s19  }
0x9c: {  	s7 =	simm.s32 $0x0;
	s20 =	sshll.u32 s5, $0x1;
	s5 =	sadd.s32 s21, s3  }
0x9d: {  	[timem:s7], [sflag:s22] =	dma.local [hbm:s5], s20  }
0x9e: {  	_ =	swait.ge [sflag:s22], s20  }
0x9f: {  	s4 =	ssub.s32 $0x0, s20;
	[sflag:s22] =	ssyncset.done $0x0  }
0xa0: {  	[sflag:s22] =	ssyncadd.s32 s4;
	_ =	sdelay $0x1  }
0xa1: {  	s23 =	simm.s32 $0x1B8B  }
0xa2: {  	_ =	swait.ge [sflag:s23], $0x1  }
0xa3: {  	[sflag:s23] =	ssyncset.done $0x0  }
0xa4: {  	s25 =	simm.s32 $0x1B8E;
	s24 =	sld [smem:$0x3FFE];
	[sflag:s23] =	ssyncadd.s32 $0xFFFFFFFF  }
0xa5: {  	s26 =	simm.s32 $execute0_lowered;
	[smem:$0x3FD2] =	sst s25  }
0xa6: {  	s5 =	sshll.u32 s26, $0x1;
	_ =	strace $0x80000046;
	[dreg:$0x1] =	wrdreg $0xFFFFFFFF  }
0xa7: {  	s28 =	simm.s32 $_size_execute0_lowered;
	s3 =	sadd.s32 s3, s5;
	[dreg:$0x0] =	wrdreg $0x0  }
0xa8: {  	s5 =	sshll.u32 s28, $0x1;
	[dreg:$0x2] =	wrdreg s3  }
0xa9: {  	[dreg:$0x3] =	wrdreg s5  }
0xaa: {  	[dreg:$0x4] =	wrdreg $0xC0  }
0xab: {  	_ =	task [dreg:s7], $0x5FFFF  }
0xac: {  	[dreg:$0x1] =	wrdreg $0xFFFFFFFF  }
0xad: {  	[dreg:$0x0] =	wrdreg $0x60  }
0xae: {  	[dreg:$0x2] =	wrdreg s24  }
0xaf: {  	[dreg:$0x3] =	wrdreg s2  }
0xb0: {  	[dreg:$0x4] =	wrdreg $0x9  }
0xb1: {  	_ =	task.clear_ibuf [dreg:s7], $0x5FFFF;
	_ =	strace $0x90000046  }
0xb2: {  	s29 =	simm.s32 $0x9;
	_ =	strace $0x80000048  }
0xb3: {  	_ =	swait.ge [sflag:s29], $0x1  }
0xb4: {  	[sflag:s29] =	ssyncadd.s32 $0xFFFFFFFF  }
0xb5: {  	_ =	strace $0x90000048  }
0xb6: {  	_ =	sfence  }
0xb7: {  	s30 =	sld [smem:$0x0];
	_ =	sdelay $0x2  }
0xb8: {  	s31 =	sshll.u32 s1, $0xD;
	s1 =	sshrl.u32 s1, $0x2  }
0xb9: {  	s3 =	sand.u32 $0x4000, s31;
	s1 =	sadd.s32 s1, s30  }
0xba: {  	s0 =	sor.u32 s3, s0;
	s1 =	sshll.u32 s1, $0x11  }
0xbb: {  	s0 =	sor.u32 s1, s0  }
0xbc: {  	s0 =	sadd.s32 $0x8F2B, s0  }
0xbd: {  	[sflag:s0] =	ssyncadd.remote.s32 $0x1  }
0xbe: {  	_ =	sfence.sel $0xFFFF  }
0xbf: {  	[dreg:$0x0] =	wrdreg $0xFFFFFFFF;
	(pc) =	sbr.abs _section_cstart, $3  }
0xc0: {  	[dreg:$0x1] =	wrdreg $0xFFFFFFFF  }
0xc1: {  	_ =	task.clear_ibuf [dreg:s7], $0x2FFFF;
	_ =	strace $0x9FFFFFFF  }
0xc2: {  	(tm) =	ssettm $0x7FFFFFFF  }
0xc3: {  	_ =	shalt  }
tec
execute0_lowered:
.L_overlay_start_1:
0x0: {  	(tag) =	ssettag $0x1  }
0x1: {  	s4 =	rddreg [dreg:$0x0]  }
0x2: {  	s2 =	rddreg [dreg:$0x1]  }
0x3: {  	s0 =	rddreg [dreg:$0x2]  }
0x4: {  	s3 =	simm.s32 $0x0;
	s5 =	srdreg.scid;
	s1 =	stileid.u32  }
0x5: {  	s9 =	simm.s32 $0x1000;
	s10 =	simm.s32 $0x1400;
	s11 =	simm.s32 $0x1480  }
0x6: {  	[smem:$0x7FF] =	sst s3;
	s5 =	sand.u32 $0x1, s5;
	s6 =	sshll.u32 s1, $0x1  }
0x7: {  	s12 =	simm.s32 $0x0;
	_ =	strace $0x80000047;
	s6 =	sor.u32 s5, s6  }
0x8: {  	s5 =	ssub.s32 $0x2, s5;
	s7 =	sshll.u32 s6, $0x7;
	s6 =	sshll.u32 s6, $0x4  }
0x9: {  	s8 =	sshrl.u32 s5, $0x1;
	s7 =	sadd.s32 s7, s4;
	s6 =	sadd.s32 s6, s4  }
0xa: {  	s8 =	ssub.s32 s5, s8;
	s4 =	sadd.s32 $0xC00, s7;
	s5 =	sadd.s32 $0x1C00, s6  }
0xb: {  	s6 =	sadd.s32 $0x1E00, s6;
	s7 =	smax.u32 s8, $0x1;
	s8 =	simm.s32 $0x1  }
.LBB2_1:
0xc: {  	[tilespmem:s3], [sflag:$0x1] =	stream.linear.gather [hbm4b:s2+s3], $0x1000, $0x38;
	[tilespmem:$0x1500] =	vst v63  }
0xd: {  	_ =	swait.ge [sflag:s8], $0x1000  }
0xe: {  	[sflag:s8] =	ssyncset.done $0x0  }
0xf: {  	[sflag:s8] =	ssyncadd.s32 $0xFFFFF000  }
0x10: {  	[tilespmem:s9], [sflag:$0x1] =	stream.linear.gather [hbm4b:s4+s3], $0x400, $0x38;
	[tilespmem:$0x1500] =	vst v63  }
0x11: {  	_ =	swait.ge [sflag:s8], $0x400  }
0x12: {  	[sflag:s8] =	ssyncset.done $0x0  }
0x13: {  	[sflag:s8] =	ssyncadd.s32 $0xFFFFFC00  }
0x14: {  	v0 =	vld [tilespmem:$0x1000]  }
0x15: {  	v1 =	vld [tilespmem:$0x1080]  }
0x16: {  	v2 =	vld [tilespmem:$0x1100]  }
0x17: {  	v3 =	vld [tilespmem:$0x1180]  }
0x18: {  	v4 =	vld [tilespmem:$0x1200]  }
0x19: {  	v5 =	vld [tilespmem:$0x1280]  }
0x1a: {  	v6 =	vld [tilespmem:$0x1300]  }
0x1b: {  	v7 =	vld [tilespmem:$0x1380]  }
0x1c: {  	v8 =	vld [tilespmem:$0x1010]  }
0x1d: {  	v9 =	vld [tilespmem:$0x1090]  }
0x1e: {  	v10 =	vld [tilespmem:$0x1110]  }
0x1f: {  	v11 =	vld [tilespmem:$0x1190]  }
0x20: {  	v12 =	vld [tilespmem:$0x1210]  }
0x21: {  	v13 =	vld [tilespmem:$0x1290]  }
0x22: {  	v14 =	vld [tilespmem:$0x1310]  }
0x23: {  	v15 =	vld [tilespmem:$0x1390]  }
0x24: {  	v16 =	vld [tilespmem:$0x1020]  }
0x25: {  	v17 =	vld [tilespmem:$0x10A0]  }
0x26: {  	v18 =	vld [tilespmem:$0x1120]  }
0x27: {  	v19 =	vld [tilespmem:$0x11A0]  }
0x28: {  	v20 =	vld [tilespmem:$0x1220]  }
0x29: {  	v21 =	vld [tilespmem:$0x12A0]  }
0x2a: {  	v22 =	vld [tilespmem:$0x1320]  }
0x2b: {  	v23 =	vld [tilespmem:$0x13A0]  }
0x2c: {  	v24 =	vld [tilespmem:$0x1030]  }
0x2d: {  	v25 =	vld [tilespmem:$0x10B0]  }
0x2e: {  	v26 =	vld [tilespmem:$0x1130]  }
0x2f: {  	v27 =	vld [tilespmem:$0x11B0]  }
0x30: {  	v28 =	vld [tilespmem:$0x1230]  }
0x31: {  	v42 =	vimm.f32 $-Inf;
	v41 =	vimm.s32 $0x0;
	v29 =	vld [tilespmem:$0x12B0]  }
0x32: {  	v43 =	vimm.s32 $0x0;
	v44 =	vimm.f32 $-Inf;
	v45 =	vimm.s32 $0x0;
	v30 =	vld [tilespmem:$0x1330]  }
0x33: {  	s13 =	simm.s32 $0x0;
	s14 =	simm.s32 $0x0;
	v46 =	vimm.f32 $-Inf;
	v47 =	vimm.s32 $0x0;
	v48 =	vimm.f32 $-Inf;
	v31 =	vld [tilespmem:$0x13B0]  }
.LBB2_2:
0x34: {  	s15 =	sand.u32 $0x70, s14;
	s16 =	sand.u32 $0xC00, s13  }
0x35: {  	s15 =	sor.u32 s15, s16  }
0x36: {  	v40 =	vld [tilespmem:s15+$0x0]  }
0x37: {  	v39 =	vld [tilespmem:s15+$0x80]  }
0x38: {  	v38 =	vld [tilespmem:s15+$0x100];
	_ =	sdelay $0x2  }
0x39: {  	v37 =	vld [tilespmem:s15+$0x180]  }
0x3a: {  	v49 =	vbroadcast v40, $0x0;
	v50 =	vbroadcast v39, $0x0  }
0x3b: {  	v35 =	vld [tilespmem:s15+$0x200];
	v51 =	vbroadcast v38, $0x0  }
0x3c: {  	v32 =	vmul.f32 v49, v0;
	v33 =	vmul.f32 v50, v1  }
0x3d: {  	v34 =	vld [tilespmem:s15+$0x280]  }
0x3e: {  	v52 =	vbroadcast v37, $0x0;
	v60 =	vmul.f32 v51, v2;
	v32 =	vadd.f32 v33, v32  }
0x3f: {  	s31 =	sor.u32 s13, s14;
	v36 =	vld [tilespmem:s15+$0x300];
	v55 =	vmul.f32 v49, v8;
	v56 =	vmul.f32 v50, v9  }
0x40: {  	s15 =	sor.u32 $0x380, s31;
	v54 =	vbroadcast v35, $0x0;
	v53 =	vmul.f32 v52, v3;
	v33 =	vadd.f32 v60, v32  }
0x41: {  	v62 =	vmul.f32 v51, v10;
	v55 =	vadd.f32 v56, v55;
	v32 =	vld [tilespmem:s15+$0x0]  }
0x42: {  	v57 =	vbroadcast v34, $0x0;
	v61 =	vmul.f32 v54, v4;
	v33 =	vadd.f32 v53, v33  }
0x43: {  	v55 =	vadd.f32 v62, v55;
	v60 =	vmul.f32 v52, v11  }
0x44: {  	v58 =	vbroadcast v36, $0x0;
	v63 =	vmul.f32 v57, v5;
	v33 =	vadd.f32 v61, v33  }
0x45: {  	v56 =	vmul.f32 v54, v12;
	v55 =	vadd.f32 v60, v55  }
0x46: {  	v61 =	vmul.f32 v58, v6;
	v59 =	vbroadcast v32, $0x0;
	v33 =	vadd.f32 v63, v33  }
0x47: {  	v60 =	vmul.f32 v50, v17;
	v55 =	vadd.f32 v56, v55;
	v56 =	vmul.f32 v57, v13  }
0x48: {  	v53 =	vadd.f32 v61, v33;
	v33 =	vmul.f32 v49, v16;
	v61 =	vmul.f32 v59, v7  }
0x49: {  	v55 =	vadd.f32 v56, v55;
	v56 =	vmul.f32 v58, v14  }
0x4a: {  	v62 =	vmul.f32 v51, v18;
	v60 =	vadd.f32 v60, v33;
	v53 =	vadd.f32 v61, v53  }
0x4b: {  	v50 =	vmul.f32 v50, v25;
	v49 =	vmul.f32 v49, v24;
	v55 =	vadd.f32 v56, v55  }
0x4c: {  	v61 =	vmul.f32 v52, v19;
	v60 =	vadd.f32 v62, v60;
	vm0 =	vgt.f32 v53, v48  }
0x4d: {  	v49 =	vadd.f32 v50, v49;
	v62 =	vmul.f32 v51, v26;
	v48 =	vsel vm0, v53, v48  }
0x4e: {  	v53 =	vbroadcast v40, $0x1;
	v56 =	vadd.f32 v61, v60;
	v60 =	vmul.f32 v54, v20  }
0x4f: {  	v33 =	vmov s14;
	v61 =	vmul.f32 v59, v15;
	v49 =	vadd.f32 v62, v49  }
0x50: {  	v62 =	vmul.f32 v58, v22;
	v50 =	vmul.f32 v53, v16;
	v63 =	vadd.f32 v60, v56  }
0x51: {  	v60 =	vmul.f32 v57, v21;
	v55 =	vadd.f32 v61, v55;
	v61 =	vmul.f32 v52, v27  }
0x52: {  	v47 =	vsel vm0, s14, v47;
	v56 =	vmul.f32 v59, v23;
	v57 =	vmul.f32 v57, v29  }
0x53: {  	v51 =	vadd.f32 v60, v63;
	v49 =	vadd.f32 v61, v49;
	v63 =	vmul.f32 v54, v28  }
0x54: {  	v52 =	vbroadcast v39, $0x1;
	vm14 =	vgt.f32 v55, v46;
	v60 =	vmul.f32 v58, v30  }
0x55: {  	v61 =	vmul.f32 v53, v0;
	v51 =	vadd.f32 v62, v51;
	v49 =	vadd.f32 v63, v49  }
0x56: {  	v54 =	vbroadcast v35, $0x1;
	v46 =	vsel vm14, v55, v46;
	v55 =	vbroadcast v34, $0x1  }
0x57: {  	v62 =	vmul.f32 v52, v1;
	v51 =	vadd.f32 v56, v51;
	v49 =	vadd.f32 v57, v49  }
0x58: {  	v45 =	vsel vm14, s14, v45;
	v56 =	vbroadcast v38, $0x1;
	v57 =	vbroadcast v37, $0x1  }
0x59: {  	v63 =	vmul.f32 v59, v31;
	vm15 =	vgt.f32 v51, v44;
	v49 =	vadd.f32 v60, v49  }
0x5a: {  	v60 =	vadd.f32 v62, v61;
	v61 =	vmul.f32 v56, v2;
	v62 =	vmul.f32 v57, v3  }
0x5b: {  	v59 =	vmul.f32 v56, v10;
	v44 =	vsel vm15, v51, v44;
	v49 =	vadd.f32 v63, v49  }
0x5c: {  	v43 =	vsel vm15, s14, v43;
	v51 =	vadd.f32 v61, v60;
	v63 =	vmul.f32 v53, v8  }
0x5d: {  	v60 =	vmul.f32 v52, v9;
	v53 =	vmul.f32 v53, v24;
	vm4 =	vgt.f32 v49, v42  }
0x5e: {  	v61 =	vadd.f32 v62, v51;
	v62 =	vmul.f32 v54, v4;
	v51 =	vmul.f32 v55, v5  }
0x5f: {  	v58 =	vadd.f32 v60, v63;
	v60 =	vmul.f32 v52, v17;
	v63 =	vmul.f32 v54, v20  }
0x60: {  	v52 =	vmul.f32 v52, v25;
	v42 =	vsel vm4, v49, v42;
	v49 =	vadd.f32 v62, v61  }
0x61: {  	v61 =	vbroadcast v36, $0x1;
	v58 =	vadd.f32 v59, v58;
	v59 =	vmul.f32 v57, v11  }
0x62: {  	v50 =	vadd.f32 v60, v50;
	v49 =	vadd.f32 v51, v49;
	v51 =	vmul.f32 v56, v18  }
0x63: {  	v62 =	vbroadcast v32, $0x1;
	v58 =	vadd.f32 v59, v58;
	v59 =	vmul.f32 v54, v12  }
0x64: {  	v60 =	vmul.f32 v61, v6;
	v50 =	vadd.f32 v51, v50;
	v51 =	vmul.f32 v57, v19  }
0x65: {  	v41 =	vsel vm4, s14, v41;
	v58 =	vadd.f32 v59, v58;
	v59 =	vmul.f32 v55, v13  }
0x66: {  	v49 =	vadd.f32 v60, v49;
	v60 =	vmul.f32 v62, v7;
	v50 =	vadd.f32 v51, v50  }
0x67: {  	v56 =	vmul.f32 v56, v26;
	v58 =	vadd.f32 v59, v58;
	v59 =	vmul.f32 v61, v14  }
0x68: {  	v49 =	vadd.f32 v60, v49;
	v51 =	vmul.f32 v55, v21;
	v50 =	vadd.f32 v63, v50  }
0x69: {  	v60 =	vor.u32 $0x1, v33;
	v58 =	vadd.f32 v59, v58;
	v59 =	vmul.f32 v62, v15  }
0x6a: {  	vm5 =	vgt.f32 v49, v48;
	v63 =	vmul.f32 v61, v22;
	v50 =	vadd.f32 v51, v50  }
0x6b: {  	v61 =	vmul.f32 v61, v30;
	v48 =	vsel vm5, v49, v48;
	v58 =	vadd.f32 v59, v58  }
0x6c: {  	v59 =	vmul.f32 v62, v23;
	v51 =	vmul.f32 v54, v28;
	v49 =	vadd.f32 v63, v50  }
0x6d: {  	vm1 =	vgt.f32 v58, v46;
	v63 =	vadd.f32 v52, v53;
	v52 =	vbroadcast v40, $0x2  }
0x6e: {  	v53 =	vbroadcast v39, $0x2;
	v46 =	vsel vm1, v58, v46;
	v49 =	vadd.f32 v59, v49  }
0x6f: {  	v58 =	vadd.f32 v56, v63;
	v59 =	vmul.f32 v57, v27;
	v54 =	vmul.f32 v52, v0  }
0x70: {  	v47 =	vsel vm5, v60, v47;
	v63 =	vmul.f32 v53, v1;
	v56 =	vbroadcast v38, $0x2  }
0x71: {  	v57 =	vmul.f32 v62, v31;
	vm6 =	vgt.f32 v49, v44;
	v50 =	vadd.f32 v59, v58  }
0x72: {  	v59 =	vmul.f32 v55, v29;
	v55 =	vbroadcast v37, $0x2;
	v44 =	vsel vm6, v49, v44  }
0x73: {  	v49 =	vadd.f32 v63, v54;
	v63 =	vmul.f32 v56, v2;
	v50 =	vadd.f32 v51, v50  }
0x74: {  	v45 =	vsel vm1, v60, v45;
	v58 =	vbroadcast v35, $0x2;
	v62 =	vmul.f32 v55, v3  }
0x75: {  	v51 =	vmul.f32 v52, v8;
	v49 =	vadd.f32 v63, v49;
	v50 =	vadd.f32 v59, v50  }
0x76: {  	v43 =	vsel vm6, v60, v43;
	v54 =	vmul.f32 v58, v4;
	v59 =	vmul.f32 v53, v9  }
0x77: {  	v49 =	vadd.f32 v62, v49;
	v50 =	vadd.f32 v61, v50;
	v61 =	vbroadcast v34, $0x2  }
0x78: {  	v63 =	vmul.f32 v56, v10;
	v51 =	vadd.f32 v59, v51;
	v59 =	vbroadcast v36, $0x2  }
0x79: {  	v49 =	vadd.f32 v54, v49;
	v50 =	vadd.f32 v57, v50;
	v62 =	vmul.f32 v61, v5  }
0x7a: {  	v54 =	vbroadcast v32, $0x2;
	v51 =	vadd.f32 v63, v51;
	v63 =	vmul.f32 v55, v11  }
0x7b: {  	v57 =	vmul.f32 v58, v12;
	vm7 =	vgt.f32 v50, v42;
	v49 =	vadd.f32 v62, v49  }
0x7c: {  	v62 =	vmul.f32 v59, v6;
	v51 =	vadd.f32 v63, v51;
	v63 =	vmul.f32 v54, v7  }
0x7d: {  	v42 =	vsel vm7, v50, v42;
	v50 =	vmul.f32 v52, v16;
	v41 =	vsel vm7, v60, v41  }
0x7e: {  	v60 =	vmul.f32 v56, v18;
	v49 =	vadd.f32 v62, v49;
	v62 =	vmul.f32 v53, v17  }
0x7f: {  	v52 =	vmul.f32 v52, v24;
	v51 =	vadd.f32 v57, v51;
	v57 =	vmul.f32 v61, v13  }
0x80: {  	v53 =	vmul.f32 v53, v25;
	v50 =	vadd.f32 v62, v50;
	v62 =	vor.u32 $0x2, v33  }
0x81: {  	v49 =	vadd.f32 v63, v49;
	v51 =	vadd.f32 v57, v51;
	v57 =	vmul.f32 v59, v14  }
0x82: {  	v52 =	vadd.f32 v53, v52;
	v50 =	vadd.f32 v60, v50;
	v60 =	vmul.f32 v55, v19  }
0x83: {  	v53 =	vmul.f32 v56, v26;
	v56 =	vmul.f32 v61, v21;
	vm8 =	vgt.f32 v49, v48  }
0x84: {  	v51 =	vadd.f32 v57, v51;
	v57 =	vmul.f32 v58, v20;
	v50 =	vadd.f32 v60, v50  }
0x85: {  	v52 =	vadd.f32 v53, v52;
	v53 =	vbroadcast v40, $0x3;
	v60 =	vmul.f32 v54, v15  }
0x86: {  	v48 =	vsel vm8, v49, v48;
	v47 =	vsel vm8, v62, v47;
	v63 =	vadd.f32 v57, v50  }
0x87: {  	v51 =	vadd.f32 v60, v51;
	v57 =	vmul.f32 v55, v27;
	v60 =	vmul.f32 v59, v22  }
0x88: {  	v50 =	vbroadcast v39, $0x3;
	v55 =	vbroadcast v35, $0x3;
	v49 =	vadd.f32 v56, v63  }
0x89: {  	v52 =	vadd.f32 v57, v52;
	v63 =	vmul.f32 v58, v28;
	v56 =	vmul.f32 v54, v23  }
0x8a: {  	vm9 =	vgt.f32 v51, v46;
	v58 =	vmul.f32 v61, v29;
	v61 =	vmul.f32 v53, v0  }
0x8b: {  	v46 =	vsel vm9, v51, v46;
	v49 =	vadd.f32 v60, v49;
	v57 =	vadd.f32 v63, v52  }
0x8c: {  	v45 =	vsel vm9, v62, v45;
	v60 =	vmul.f32 v59, v30;
	v63 =	vmul.f32 v50, v1  }
0x8d: {  	v49 =	vadd.f32 v56, v49;
	v51 =	vadd.f32 v58, v57;
	v57 =	vbroadcast v38, $0x3  }
0x8e: {  	v58 =	vmul.f32 v54, v31;
	v54 =	vbroadcast v37, $0x3;
	v59 =	vadd.f32 v63, v61  }
0x8f: {  	v56 =	vbroadcast v34, $0x3;
	v51 =	vadd.f32 v60, v51;
	v60 =	vmul.f32 v57, v2  }
0x90: {  	v63 =	vmul.f32 v53, v8;
	vm10 =	vgt.f32 v49, v44;
	v61 =	vmul.f32 v54, v3  }
0x91: {  	v44 =	vsel vm10, v49, v44;
	v51 =	vadd.f32 v58, v51;
	v49 =	vadd.f32 v60, v59  }
0x92: {  	v52 =	vmul.f32 v56, v5;
	v43 =	vsel vm10, v62, v43;
	v60 =	vmul.f32 v50, v9  }
0x93: {  	v59 =	vmul.f32 v57, v10;
	vm11 =	vgt.f32 v51, v42;
	v49 =	vadd.f32 v61, v49  }
0x94: {  	v61 =	vmul.f32 v55, v4;
	v58 =	vadd.f32 v60, v63;
	v60 =	vmul.f32 v50, v17  }
0x95: {  	v63 =	vbroadcast v32, $0x3;
	v50 =	vmul.f32 v50, v25;
	v42 =	vsel vm11, v51, v42  }
0x96: {  	v51 =	vmul.f32 v53, v16;
	v41 =	vsel vm11, v62, v41;
	v53 =	vmul.f32 v53, v24  }
0x97: {  	v49 =	vadd.f32 v61, v49;
	v61 =	vbroadcast v36, $0x3;
	v58 =	vadd.f32 v59, v58  }
0x98: {  	v59 =	vmul.f32 v54, v11;
	v51 =	vadd.f32 v60, v51;
	v50 =	vadd.f32 v50, v53  }
0x99: {  	v49 =	vadd.f32 v52, v49;
	v52 =	vmul.f32 v57, v18;
	v60 =	vmul.f32 v61, v6  }
0x9a: {  	v53 =	vbroadcast v39, $0x4;
	v58 =	vadd.f32 v59, v58;
	v59 =	vmul.f32 v55, v12  }
0x9b: {  	v51 =	vadd.f32 v52, v51;
	v52 =	vmul.f32 v54, v19;
	v49 =	vadd.f32 v60, v49  }
0x9c: {  	v58 =	vadd.f32 v59, v58;
	v59 =	vmul.f32 v56, v13;
	v60 =	vmul.f32 v63, v7  }
0x9d: {  	v62 =	vmul.f32 v61, v22;
	v51 =	vadd.f32 v52, v51;
	v52 =	vmul.f32 v55, v20  }
0x9e: {  	v58 =	vadd.f32 v59, v58;
	v59 =	vmul.f32 v61, v14;
	v49 =	vadd.f32 v60, v49  }
0x9f: {  	v60 =	vor.u32 $0x3, v33;
	v51 =	vadd.f32 v52, v51;
	v52 =	vmul.f32 v56, v21  }
0xa0: {  	v58 =	vadd.f32 v59, v58;
	v59 =	vmul.f32 v63, v15;
	vm12 =	vgt.f32 v49, v48  }
0xa1: {  	v61 =	vmul.f32 v61, v30;
	v48 =	vsel vm12, v49, v48;
	v51 =	vadd.f32 v52, v51  }
0xa2: {  	v47 =	vsel vm12, v60, v47;
	v58 =	vadd.f32 v59, v58;
	v59 =	vmul.f32 v57, v26  }
0xa3: {  	v52 =	vbroadcast v40, $0x4;
	v49 =	vadd.f32 v62, v51;
	v62 =	vmul.f32 v63, v23  }
0xa4: {  	v57 =	vmul.f32 v55, v28;
	v55 =	vbroadcast v38, $0x4;
	vm13 =	vgt.f32 v58, v46  }
0xa5: {  	v50 =	vadd.f32 v59, v50;
	v49 =	vadd.f32 v62, v49;
	v62 =	vmul.f32 v54, v27  }
0xa6: {  	v59 =	vmul.f32 v53, v1;
	v51 =	vmul.f32 v56, v29;
	v46 =	vsel vm13, v58, v46  }
0xa7: {  	v58 =	vmul.f32 v52, v0;
	vm14 =	vgt.f32 v49, v44;
	v50 =	vadd.f32 v62, v50  }
0xa8: {  	v56 =	vbroadcast v37, $0x4;
	v62 =	vmul.f32 v55, v2;
	v44 =	vsel vm14, v49, v44  }
0xa9: {  	v49 =	vadd.f32 v59, v58;
	v58 =	vbroadcast v35, $0x4;
	v50 =	vadd.f32 v57, v50  }
0xaa: {  	v45 =	vsel vm13, v60, v45;
	v59 =	vmul.f32 v53, v9;
	v57 =	vmul.f32 v63, v31  }
0xab: {  	v49 =	vadd.f32 v62, v49;
	v62 =	vmul.f32 v56, v3;
	v50 =	vadd.f32 v51, v50  }
0xac: {  	v43 =	vsel vm14, v60, v43;
	v54 =	vmul.f32 v58, v4;
	v51 =	vmul.f32 v52, v8  }
0xad: {  	v49 =	vadd.f32 v62, v49;
	v50 =	vadd.f32 v61, v50;
	v61 =	vbroadcast v34, $0x4  }
0xae: {  	v63 =	vmul.f32 v55, v10;
	v51 =	vadd.f32 v59, v51;
	v59 =	vbroadcast v36, $0x4  }
0xaf: {  	v49 =	vadd.f32 v54, v49;
	v50 =	vadd.f32 v57, v50;
	v62 =	vmul.f32 v61, v5  }
0xb0: {  	v54 =	vbroadcast v32, $0x4;
	v51 =	vadd.f32 v63, v51;
	v63 =	vmul.f32 v56, v11  }
0xb1: {  	v57 =	vmul.f32 v58, v12;
	vm15 =	vgt.f32 v50, v42;
	v49 =	vadd.f32 v62, v49  }
0xb2: {  	v62 =	vmul.f32 v59, v6;
	v51 =	vadd.f32 v63, v51;
	v63 =	vmul.f32 v54, v7  }
0xb3: {  	v42 =	vsel vm15, v50, v42;
	v50 =	vmul.f32 v52, v16;
	v41 =	vsel vm15, v60, v41  }
0xb4: {  	v52 =	vmul.f32 v52, v24;
	v49 =	vadd.f32 v62, v49;
	v62 =	vmul.f32 v53, v17  }
0xb5: {  	v51 =	vadd.f32 v57, v51;
	v57 =	vmul.f32 v61, v13;
	v53 =	vmul.f32 v53, v25  }
0xb6: {  	v60 =	vmul.f32 v55, v18;
	v50 =	vadd.f32 v62, v50;
	v62 =	vor.u32 $0x4, v33  }
0xb7: {  	v51 =	vadd.f32 v57, v51;
	v57 =	vmul.f32 v59, v14;
	v52 =	vadd.f32 v53, v52  }
0xb8: {  	v53 =	vmul.f32 v55, v26;
	v50 =	vadd.f32 v60, v50;
	v60 =	vmul.f32 v56, v19  }
0xb9: {  	v49 =	vadd.f32 v63, v49;
	v63 =	vmul.f32 v61, v21;
	v55 =	vbroadcast v35, $0x5  }
0xba: {  	v51 =	vadd.f32 v57, v51;
	v57 =	vmul.f32 v58, v20;
	v50 =	vadd.f32 v60, v50  }
0xbb: {  	vm4 =	vgt.f32 v49, v48;
	v52 =	vadd.f32 v53, v52;
	v60 =	vmul.f32 v54, v15  }
0xbc: {  	v53 =	vbroadcast v40, $0x5;
	v48 =	vsel vm4, v49, v48;
	v49 =	vadd.f32 v57, v50  }
0xbd: {  	v51 =	vadd.f32 v60, v51;
	v57 =	vmul.f32 v56, v27;
	v60 =	vmul.f32 v59, v22  }
0xbe: {  	v47 =	vsel vm4, v62, v47;
	v56 =	vmul.f32 v54, v23;
	v50 =	vbroadcast v39, $0x5  }
0xbf: {  	v49 =	vadd.f32 v63, v49;
	v52 =	vadd.f32 v57, v52;
	v63 =	vmul.f32 v58, v28  }
0xc0: {  	vm5 =	vgt.f32 v51, v46;
	v58 =	vmul.f32 v61, v29;
	v61 =	vmul.f32 v53, v0  }
0xc1: {  	v46 =	vsel vm5, v51, v46;
	v49 =	vadd.f32 v60, v49;
	v57 =	vadd.f32 v63, v52  }
0xc2: {  	v45 =	vsel vm5, v62, v45;
	v60 =	vmul.f32 v59, v30;
	v63 =	vmul.f32 v50, v1  }
0xc3: {  	v49 =	vadd.f32 v56, v49;
	v51 =	vadd.f32 v58, v57;
	v57 =	vbroadcast v38, $0x5  }
0xc4: {  	v58 =	vmul.f32 v54, v31;
	v54 =	vbroadcast v37, $0x5;
	v59 =	vadd.f32 v63, v61  }
0xc5: {  	v56 =	vbroadcast v34, $0x5;
	v51 =	vadd.f32 v60, v51;
	v60 =	vmul.f32 v57, v2  }
0xc6: {  	v63 =	vmul.f32 v53, v8;
	vm6 =	vgt.f32 v49, v44;
	v61 =	vmul.f32 v54, v3  }
0xc7: {  	v44 =	vsel vm6, v49, v44;
	v51 =	vadd.f32 v58, v51;
	v49 =	vadd.f32 v60, v59  }
0xc8: {  	v52 =	vmul.f32 v56, v5;
	v43 =	vsel vm6, v62, v43;
	v60 =	vmul.f32 v50, v9  }
0xc9: {  	v59 =	vmul.f32 v57, v10;
	vm7 =	vgt.f32 v51, v42;
	v49 =	vadd.f32 v61, v49  }
0xca: {  	v61 =	vmul.f32 v55, v4;
	v58 =	vadd.f32 v60, v63;
	v60 =	vmul.f32 v50, v17  }
0xcb: {  	v63 =	vbroadcast v32, $0x5;
	v50 =	vmul.f32 v50, v25;
	v42 =	vsel vm7, v51, v42  }
0xcc: {  	v51 =	vmul.f32 v53, v16;
	v41 =	vsel vm7, v62, v41;
	v53 =	vmul.f32 v53, v24  }
0xcd: {  	v49 =	vadd.f32 v61, v49;
	v61 =	vbroadcast v36, $0x5;
	v58 =	vadd.f32 v59, v58  }
0xce: {  	v59 =	vmul.f32 v54, v11;
	v51 =	vadd.f32 v60, v51;
	v50 =	vadd.f32 v50, v53  }
0xcf: {  	v49 =	vadd.f32 v52, v49;
	v52 =	vmul.f32 v57, v18;
	v60 =	vmul.f32 v61, v6  }
0xd0: {  	v53 =	vbroadcast v39, $0x6;
	v58 =	vadd.f32 v59, v58;
	v59 =	vmul.f32 v55, v12  }
0xd1: {  	v51 =	vadd.f32 v52, v51;
	v52 =	vmul.f32 v54, v19;
	v49 =	vadd.f32 v60, v49  }
0xd2: {  	v58 =	vadd.f32 v59, v58;
	v59 =	vmul.f32 v56, v13;
	v60 =	vmul.f32 v63, v7  }
0xd3: {  	v62 =	vmul.f32 v61, v22;
	v51 =	vadd.f32 v52, v51;
	v52 =	vmul.f32 v55, v20  }
0xd4: {  	v58 =	vadd.f32 v59, v58;
	v59 =	vmul.f32 v61, v14;
	v49 =	vadd.f32 v60, v49  }
0xd5: {  	v60 =	vor.u32 $0x5, v33;
	v51 =	vadd.f32 v52, v51;
	v52 =	vmul.f32 v56, v21  }
0xd6: {  	v58 =	vadd.f32 v59, v58;
	v59 =	vmul.f32 v63, v15;
	vm8 =	vgt.f32 v49, v48  }
0xd7: {  	v61 =	vmul.f32 v61, v30;
	v48 =	vsel vm8, v49, v48;
	v51 =	vadd.f32 v52, v51  }
0xd8: {  	v47 =	vsel vm8, v60, v47;
	v58 =	vadd.f32 v59, v58;
	v59 =	vmul.f32 v57, v26  }
0xd9: {  	v52 =	vbroadcast v40, $0x6;
	v49 =	vadd.f32 v62, v51;
	v62 =	vmul.f32 v63, v23  }
0xda: {  	v57 =	vmul.f32 v55, v28;
	v55 =	vbroadcast v38, $0x6;
	vm9 =	vgt.f32 v58, v46  }
0xdb: {  	v50 =	vadd.f32 v59, v50;
	v49 =	vadd.f32 v62, v49;
	v62 =	vmul.f32 v54, v27  }
0xdc: {  	v59 =	vmul.f32 v53, v1;
	v51 =	vmul.f32 v56, v29;
	v46 =	vsel vm9, v58, v46  }
0xdd: {  	v58 =	vmul.f32 v52, v0;
	vm10 =	vgt.f32 v49, v44;
	v50 =	vadd.f32 v62, v50  }
0xde: {  	v56 =	vbroadcast v37, $0x6;
	v62 =	vmul.f32 v55, v2;
	v44 =	vsel vm10, v49, v44  }
0xdf: {  	v49 =	vadd.f32 v59, v58;
	v58 =	vbroadcast v35, $0x6;
	v50 =	vadd.f32 v57, v50  }
0xe0: {  	v45 =	vsel vm9, v60, v45;
	v59 =	vmul.f32 v53, v9;
	v57 =	vmul.f32 v63, v31  }
0xe1: {  	v49 =	vadd.f32 v62, v49;
	v62 =	vmul.f32 v56, v3;
	v50 =	vadd.f32 v51, v50  }
0xe2: {  	v43 =	vsel vm10, v60, v43;
	v54 =	vmul.f32 v58, v4;
	v51 =	vmul.f32 v52, v8  }
0xe3: {  	v49 =	vadd.f32 v62, v49;
	v50 =	vadd.f32 v61, v50;
	v61 =	vbroadcast v34, $0x6  }
0xe4: {  	v63 =	vmul.f32 v55, v10;
	v51 =	vadd.f32 v59, v51;
	v59 =	vbroadcast v36, $0x6  }
0xe5: {  	v49 =	vadd.f32 v54, v49;
	v50 =	vadd.f32 v57, v50;
	v62 =	vmul.f32 v61, v5  }
0xe6: {  	v54 =	vbroadcast v32, $0x6;
	v51 =	vadd.f32 v63, v51;
	v63 =	vmul.f32 v56, v11  }
0xe7: {  	v57 =	vmul.f32 v58, v12;
	vm11 =	vgt.f32 v50, v42;
	v49 =	vadd.f32 v62, v49  }
0xe8: {  	v62 =	vmul.f32 v59, v6;
	v51 =	vadd.f32 v63, v51;
	v63 =	vmul.f32 v54, v7  }
0xe9: {  	v42 =	vsel vm11, v50, v42;
	v50 =	vmul.f32 v52, v16;
	v41 =	vsel vm11, v60, v41  }
0xea: {  	v52 =	vmul.f32 v52, v24;
	v49 =	vadd.f32 v62, v49;
	v62 =	vmul.f32 v53, v17  }
0xeb: {  	v51 =	vadd.f32 v57, v51;
	v57 =	vmul.f32 v61, v13;
	v53 =	vmul.f32 v53, v25  }
0xec: {  	v60 =	vmul.f32 v55, v18;
	v50 =	vadd.f32 v62, v50;
	v62 =	vor.u32 $0x6, v33  }
0xed: {  	v51 =	vadd.f32 v57, v51;
	v57 =	vmul.f32 v59, v14;
	v52 =	vadd.f32 v53, v52  }
0xee: {  	v53 =	vmul.f32 v55, v26;
	v50 =	vadd.f32 v60, v50;
	v60 =	vmul.f32 v56, v19  }
0xef: {  	v49 =	vadd.f32 v63, v49;
	v63 =	vmul.f32 v61, v21;
	v55 =	vbroadcast v35, $0x7  }
0xf0: {  	v51 =	vadd.f32 v57, v51;
	v57 =	vmul.f32 v58, v20;
	v50 =	vadd.f32 v60, v50  }
0xf1: {  	vm12 =	vgt.f32 v49, v48;
	v52 =	vadd.f32 v53, v52;
	v60 =	vmul.f32 v54, v15  }
0xf2: {  	v53 =	vbroadcast v40, $0x7;
	v48 =	vsel vm12, v49, v48;
	v49 =	vadd.f32 v57, v50  }
0xf3: {  	v51 =	vadd.f32 v60, v51;
	v57 =	vmul.f32 v56, v27;
	v60 =	vmul.f32 v59, v22  }
0xf4: {  	v47 =	vsel vm12, v62, v47;
	v56 =	vmul.f32 v54, v23;
	v50 =	vbroadcast v39, $0x7  }
0xf5: {  	v49 =	vadd.f32 v63, v49;
	v52 =	vadd.f32 v57, v52;
	v63 =	vmul.f32 v58, v28  }
0xf6: {  	vm13 =	vgt.f32 v51, v46;
	v58 =	vmul.f32 v61, v29;
	v61 =	vmul.f32 v53, v0  }
0xf7: {  	v46 =	vsel vm13, v51, v46;
	v49 =	vadd.f32 v60, v49;
	v57 =	vadd.f32 v63, v52  }
0xf8: {  	v45 =	vsel vm13, v62, v45;
	v60 =	vmul.f32 v59, v30;
	v63 =	vmul.f32 v50, v1  }
0xf9: {  	v49 =	vadd.f32 v56, v49;
	v51 =	vadd.f32 v58, v57;
	v57 =	vbroadcast v38, $0x7  }
0xfa: {  	v58 =	vmul.f32 v54, v31;
	v54 =	vbroadcast v37, $0x7;
	v59 =	vadd.f32 v63, v61  }
0xfb: {  	v56 =	vbroadcast v34, $0x7;
	v51 =	vadd.f32 v60, v51;
	v60 =	vmul.f32 v57, v2  }
0xfc: {  	v63 =	vmul.f32 v53, v8;
	vm14 =	vgt.f32 v49, v44;
	v61 =	vmul.f32 v54, v3  }
0xfd: {  	v44 =	vsel vm14, v49, v44;
	v51 =	vadd.f32 v58, v51;
	v49 =	vadd.f32 v60, v59  }
0xfe: {  	v52 =	vmul.f32 v56, v5;
	v43 =	vsel vm14, v62, v43;
	v60 =	vmul.f32 v50, v9  }
0xff: {  	v59 =	vmul.f32 v57, v10;
	vm15 =	vgt.f32 v51, v42;
	v49 =	vadd.f32 v61, v49  }
0x100: {  	v61 =	vmul.f32 v55, v4;
	v58 =	vadd.f32 v60, v63;
	v60 =	vmul.f32 v50, v17  }
0x101: {  	v63 =	vbroadcast v32, $0x7;
	v50 =	vmul.f32 v50, v25;
	v42 =	vsel vm15, v51, v42  }
0x102: {  	v51 =	vmul.f32 v53, v16;
	v41 =	vsel vm15, v62, v41;
	v53 =	vmul.f32 v53, v24  }
0x103: {  	v49 =	vadd.f32 v61, v49;
	v61 =	vbroadcast v36, $0x7;
	v58 =	vadd.f32 v59, v58  }
0x104: {  	v59 =	vmul.f32 v54, v11;
	v51 =	vadd.f32 v60, v51;
	v50 =	vadd.f32 v50, v53  }
0x105: {  	v49 =	vadd.f32 v52, v49;
	v52 =	vmul.f32 v57, v18;
	v60 =	vmul.f32 v61, v6  }
0x106: {  	v53 =	vbroadcast v39, $0x8;
	v58 =	vadd.f32 v59, v58;
	v59 =	vmul.f32 v55, v12  }
0x107: {  	v51 =	vadd.f32 v52, v51;
	v52 =	vmul.f32 v54, v19;
	v49 =	vadd.f32 v60, v49  }
0x108: {  	v58 =	vadd.f32 v59, v58;
	v59 =	vmul.f32 v56, v13;
	v60 =	vmul.f32 v63, v7  }
0x109: {  	v62 =	vmul.f32 v61, v22;
	v51 =	vadd.f32 v52, v51;
	v52 =	vmul.f32 v55, v20  }
0x10a: {  	v58 =	vadd.f32 v59, v58;
	v59 =	vmul.f32 v61, v14;
	v49 =	vadd.f32 v60, v49  }
0x10b: {  	v60 =	vor.u32 $0x7, v33;
	v51 =	vadd.f32 v52, v51;
	v52 =	vmul.f32 v56, v21  }
0x10c: {  	v58 =	vadd.f32 v59, v58;
	v59 =	vmul.f32 v63, v15;
	vm4 =	vgt.f32 v49, v48  }
0x10d: {  	v61 =	vmul.f32 v61, v30;
	v48 =	vsel vm4, v49, v48;
	v51 =	vadd.f32 v52, v51  }
0x10e: {  	v47 =	vsel vm4, v60, v47;
	v58 =	vadd.f32 v59, v58;
	v59 =	vmul.f32 v57, v26  }
0x10f: {  	v52 =	vbroadcast v40, $0x8;
	v49 =	vadd.f32 v62, v51;
	v62 =	vmul.f32 v63, v23  }
0x110: {  	v57 =	vmul.f32 v55, v28;
	v55 =	vbroadcast v38, $0x8;
	vm5 =	vgt.f32 v58, v46  }
0x111: {  	v50 =	vadd.f32 v59, v50;
	v49 =	vadd.f32 v62, v49;
	v62 =	vmul.f32 v54, v27  }
0x112: {  	v59 =	vmul.f32 v53, v1;
	v51 =	vmul.f32 v56, v29;
	v46 =	vsel vm5, v58, v46  }
0x113: {  	v58 =	vmul.f32 v52, v0;
	vm6 =	vgt.f32 v49, v44;
	v50 =	vadd.f32 v62, v50  }
0x114: {  	v56 =	vbroadcast v37, $0x8;
	v62 =	vmul.f32 v55, v2;
	v44 =	vsel vm6, v49, v44  }
0x115: {  	v49 =	vadd.f32 v59, v58;
	v58 =	vbroadcast v35, $0x8;
	v50 =	vadd.f32 v57, v50  }
0x116: {  	v45 =	vsel vm5, v60, v45;
	v59 =	vmul.f32 v53, v9;
	v57 =	vmul.f32 v63, v31  }
0x117: {  	v49 =	vadd.f32 v62, v49;
	v62 =	vmul.f32 v56, v3;
	v50 =	vadd.f32 v51, v50  }
0x118: {  	v43 =	vsel vm6, v60, v43;
	v54 =	vmul.f32 v58, v4;
	v51 =	vmul.f32 v52, v8  }
0x119: {  	v49 =	vadd.f32 v62, v49;
	v50 =	vadd.f32 v61, v50;
	v61 =	vbroadcast v34, $0x8  }
0x11a: {  	v63 =	vmul.f32 v55, v10;
	v51 =	vadd.f32 v59, v51;
	v59 =	vbroadcast v36, $0x8  }
0x11b: {  	v49 =	vadd.f32 v54, v49;
	v50 =	vadd.f32 v57, v50;
	v62 =	vmul.f32 v61, v5  }
0x11c: {  	v54 =	vbroadcast v32, $0x8;
	v51 =	vadd.f32 v63, v51;
	v63 =	vmul.f32 v56, v11  }
0x11d: {  	v57 =	vmul.f32 v58, v12;
	vm7 =	vgt.f32 v50, v42;
	v49 =	vadd.f32 v62, v49  }
0x11e: {  	v62 =	vmul.f32 v59, v6;
	v51 =	vadd.f32 v63, v51;
	v63 =	vmul.f32 v54, v7  }
0x11f: {  	v42 =	vsel vm7, v50, v42;
	v50 =	vmul.f32 v52, v16;
	v41 =	vsel vm7, v60, v41  }
0x120: {  	v52 =	vmul.f32 v52, v24;
	v49 =	vadd.f32 v62, v49;
	v62 =	vmul.f32 v53, v17  }
0x121: {  	v51 =	vadd.f32 v57, v51;
	v57 =	vmul.f32 v61, v13;
	v53 =	vmul.f32 v53, v25  }
0x122: {  	v60 =	vmul.f32 v55, v18;
	v50 =	vadd.f32 v62, v50;
	v62 =	vor.u32 $0x8, v33  }
0x123: {  	v51 =	vadd.f32 v57, v51;
	v57 =	vmul.f32 v59, v14;
	v52 =	vadd.f32 v53, v52  }
0x124: {  	v53 =	vmul.f32 v55, v26;
	v50 =	vadd.f32 v60, v50;
	v60 =	vmul.f32 v56, v19  }
0x125: {  	v49 =	vadd.f32 v63, v49;
	v63 =	vmul.f32 v61, v21;
	v55 =	vbroadcast v35, $0x9  }
0x126: {  	v51 =	vadd.f32 v57, v51;
	v57 =	vmul.f32 v58, v20;
	v50 =	vadd.f32 v60, v50  }
0x127: {  	vm8 =	vgt.f32 v49, v48;
	v52 =	vadd.f32 v53, v52;
	v60 =	vmul.f32 v54, v15  }
0x128: {  	v53 =	vbroadcast v40, $0x9;
	v48 =	vsel vm8, v49, v48;
	v49 =	vadd.f32 v57, v50  }
0x129: {  	v51 =	vadd.f32 v60, v51;
	v57 =	vmul.f32 v56, v27;
	v60 =	vmul.f32 v59, v22  }
0x12a: {  	v47 =	vsel vm8, v62, v47;
	v56 =	vmul.f32 v54, v23;
	v50 =	vbroadcast v39, $0x9  }
0x12b: {  	v49 =	vadd.f32 v63, v49;
	v52 =	vadd.f32 v57, v52;
	v63 =	vmul.f32 v58, v28  }
0x12c: {  	vm9 =	vgt.f32 v51, v46;
	v58 =	vmul.f32 v61, v29;
	v61 =	vmul.f32 v53, v0  }
0x12d: {  	v46 =	vsel vm9, v51, v46;
	v49 =	vadd.f32 v60, v49;
	v57 =	vadd.f32 v63, v52  }
0x12e: {  	v45 =	vsel vm9, v62, v45;
	v60 =	vmul.f32 v59, v30;
	v63 =	vmul.f32 v50, v1  }
0x12f: {  	v49 =	vadd.f32 v56, v49;
	v51 =	vadd.f32 v58, v57;
	v57 =	vbroadcast v38, $0x9  }
0x130: {  	v58 =	vmul.f32 v54, v31;
	v54 =	vbroadcast v37, $0x9;
	v59 =	vadd.f32 v63, v61  }
0x131: {  	v56 =	vbroadcast v34, $0x9;
	v51 =	vadd.f32 v60, v51;
	v60 =	vmul.f32 v57, v2  }
0x132: {  	v63 =	vmul.f32 v53, v8;
	vm10 =	vgt.f32 v49, v44;
	v61 =	vmul.f32 v54, v3  }
0x133: {  	v44 =	vsel vm10, v49, v44;
	v51 =	vadd.f32 v58, v51;
	v49 =	vadd.f32 v60, v59  }
0x134: {  	v52 =	vmul.f32 v56, v5;
	v43 =	vsel vm10, v62, v43;
	v60 =	vmul.f32 v50, v9  }
0x135: {  	v59 =	vmul.f32 v57, v10;
	vm11 =	vgt.f32 v51, v42;
	v49 =	vadd.f32 v61, v49  }
0x136: {  	v61 =	vmul.f32 v55, v4;
	v58 =	vadd.f32 v60, v63;
	v60 =	vmul.f32 v50, v17  }
0x137: {  	v63 =	vbroadcast v32, $0x9;
	v50 =	vmul.f32 v50, v25;
	v42 =	vsel vm11, v51, v42  }
0x138: {  	v51 =	vmul.f32 v53, v16;
	v41 =	vsel vm11, v62, v41;
	v53 =	vmul.f32 v53, v24  }
0x139: {  	v49 =	vadd.f32 v61, v49;
	v61 =	vbroadcast v36, $0x9;
	v58 =	vadd.f32 v59, v58  }
0x13a: {  	v59 =	vmul.f32 v54, v11;
	v51 =	vadd.f32 v60, v51;
	v50 =	vadd.f32 v50, v53  }
0x13b: {  	v49 =	vadd.f32 v52, v49;
	v52 =	vmul.f32 v57, v18;
	v60 =	vmul.f32 v61, v6  }
0x13c: {  	v53 =	vbroadcast v39, $0xA;
	v58 =	vadd.f32 v59, v58;
	v59 =	vmul.f32 v55, v12  }
0x13d: {  	v51 =	vadd.f32 v52, v51;
	v52 =	vmul.f32 v54, v19;
	v49 =	vadd.f32 v60, v49  }
0x13e: {  	v58 =	vadd.f32 v59, v58;
	v59 =	vmul.f32 v56, v13;
	v60 =	vmul.f32 v63, v7  }
0x13f: {  	v62 =	vmul.f32 v61, v22;
	v51 =	vadd.f32 v52, v51;
	v52 =	vmul.f32 v55, v20  }
0x140: {  	v58 =	vadd.f32 v59, v58;
	v59 =	vmul.f32 v61, v14;
	v49 =	vadd.f32 v60, v49  }
0x141: {  	v60 =	vor.u32 $0x9, v33;
	v51 =	vadd.f32 v52, v51;
	v52 =	vmul.f32 v56, v21  }
0x142: {  	v58 =	vadd.f32 v59, v58;
	v59 =	vmul.f32 v63, v15;
	vm12 =	vgt.f32 v49, v48  }
0x143: {  	v61 =	vmul.f32 v61, v30;
	v48 =	vsel vm12, v49, v48;
	v51 =	vadd.f32 v52, v51  }
0x144: {  	v47 =	vsel vm12, v60, v47;
	v58 =	vadd.f32 v59, v58;
	v59 =	vmul.f32 v57, v26  }
0x145: {  	v52 =	vbroadcast v40, $0xA;
	v49 =	vadd.f32 v62, v51;
	v62 =	vmul.f32 v63, v23  }
0x146: {  	v57 =	vmul.f32 v55, v28;
	v55 =	vbroadcast v38, $0xA;
	vm13 =	vgt.f32 v58, v46  }
0x147: {  	v50 =	vadd.f32 v59, v50;
	v49 =	vadd.f32 v62, v49;
	v62 =	vmul.f32 v54, v27  }
0x148: {  	v59 =	vmul.f32 v53, v1;
	v51 =	vmul.f32 v56, v29;
	v46 =	vsel vm13, v58, v46  }
0x149: {  	v58 =	vmul.f32 v52, v0;
	vm14 =	vgt.f32 v49, v44;
	v50 =	vadd.f32 v62, v50  }
0x14a: {  	v56 =	vbroadcast v37, $0xA;
	v62 =	vmul.f32 v55, v2;
	v44 =	vsel vm14, v49, v44  }
0x14b: {  	v49 =	vadd.f32 v59, v58;
	v58 =	vbroadcast v35, $0xA;
	v50 =	vadd.f32 v57, v50  }
0x14c: {  	v45 =	vsel vm13, v60, v45;
	v59 =	vmul.f32 v53, v9;
	v57 =	vmul.f32 v63, v31  }
0x14d: {  	v49 =	vadd.f32 v62, v49;
	v62 =	vmul.f32 v56, v3;
	v50 =	vadd.f32 v51, v50  }
0x14e: {  	v43 =	vsel vm14, v60, v43;
	v54 =	vmul.f32 v58, v4;
	v51 =	vmul.f32 v52, v8  }
0x14f: {  	v49 =	vadd.f32 v62, v49;
	v50 =	vadd.f32 v61, v50;
	v61 =	vbroadcast v34, $0xA  }
0x150: {  	v63 =	vmul.f32 v55, v10;
	v51 =	vadd.f32 v59, v51;
	v59 =	vbroadcast v36, $0xA  }
0x151: {  	v49 =	vadd.f32 v54, v49;
	v50 =	vadd.f32 v57, v50;
	v62 =	vmul.f32 v61, v5  }
0x152: {  	v54 =	vbroadcast v32, $0xA;
	v51 =	vadd.f32 v63, v51;
	v63 =	vmul.f32 v56, v11  }
0x153: {  	v57 =	vmul.f32 v58, v12;
	vm15 =	vgt.f32 v50, v42;
	v49 =	vadd.f32 v62, v49  }
0x154: {  	v62 =	vmul.f32 v59, v6;
	v51 =	vadd.f32 v63, v51;
	v63 =	vmul.f32 v54, v7  }
0x155: {  	v42 =	vsel vm15, v50, v42;
	v50 =	vmul.f32 v52, v16;
	v41 =	vsel vm15, v60, v41  }
0x156: {  	v52 =	vmul.f32 v52, v24;
	v49 =	vadd.f32 v62, v49;
	v62 =	vmul.f32 v53, v17  }
0x157: {  	v51 =	vadd.f32 v57, v51;
	v57 =	vmul.f32 v61, v13;
	v53 =	vmul.f32 v53, v25  }
0x158: {  	v60 =	vmul.f32 v55, v18;
	v50 =	vadd.f32 v62, v50;
	v62 =	vor.u32 $0xA, v33  }
0x159: {  	v51 =	vadd.f32 v57, v51;
	v57 =	vmul.f32 v59, v14;
	v52 =	vadd.f32 v53, v52  }
0x15a: {  	v53 =	vmul.f32 v55, v26;
	v50 =	vadd.f32 v60, v50;
	v60 =	vmul.f32 v56, v19  }
0x15b: {  	v49 =	vadd.f32 v63, v49;
	v63 =	vmul.f32 v61, v21;
	v55 =	vbroadcast v35, $0xB  }
0x15c: {  	v51 =	vadd.f32 v57, v51;
	v57 =	vmul.f32 v58, v20;
	v50 =	vadd.f32 v60, v50  }
0x15d: {  	vm4 =	vgt.f32 v49, v48;
	v52 =	vadd.f32 v53, v52;
	v60 =	vmul.f32 v54, v15  }
0x15e: {  	v53 =	vbroadcast v40, $0xB;
	v48 =	vsel vm4, v49, v48;
	v49 =	vadd.f32 v57, v50  }
0x15f: {  	v51 =	vadd.f32 v60, v51;
	v57 =	vmul.f32 v56, v27;
	v60 =	vmul.f32 v59, v22  }
0x160: {  	v47 =	vsel vm4, v62, v47;
	v56 =	vmul.f32 v54, v23;
	v50 =	vbroadcast v39, $0xB  }
0x161: {  	v49 =	vadd.f32 v63, v49;
	v52 =	vadd.f32 v57, v52;
	v63 =	vmul.f32 v58, v28  }
0x162: {  	vm5 =	vgt.f32 v51, v46;
	v58 =	vmul.f32 v61, v29;
	v61 =	vmul.f32 v53, v0  }
0x163: {  	v46 =	vsel vm5, v51, v46;
	v49 =	vadd.f32 v60, v49;
	v57 =	vadd.f32 v63, v52  }
0x164: {  	v45 =	vsel vm5, v62, v45;
	v60 =	vmul.f32 v59, v30;
	v63 =	vmul.f32 v50, v1  }
0x165: {  	v49 =	vadd.f32 v56, v49;
	v51 =	vadd.f32 v58, v57;
	v57 =	vbroadcast v38, $0xB  }
0x166: {  	v58 =	vmul.f32 v54, v31;
	v54 =	vbroadcast v37, $0xB;
	v59 =	vadd.f32 v63, v61  }
0x167: {  	v56 =	vbroadcast v34, $0xB;
	v51 =	vadd.f32 v60, v51;
	v60 =	vmul.f32 v57, v2  }
0x168: {  	v63 =	vmul.f32 v53, v8;
	vm6 =	vgt.f32 v49, v44;
	v61 =	vmul.f32 v54, v3  }
0x169: {  	v44 =	vsel vm6, v49, v44;
	v51 =	vadd.f32 v58, v51;
	v49 =	vadd.f32 v60, v59  }
0x16a: {  	v52 =	vmul.f32 v56, v5;
	v43 =	vsel vm6, v62, v43;
	v60 =	vmul.f32 v50, v9  }
0x16b: {  	v59 =	vmul.f32 v57, v10;
	vm7 =	vgt.f32 v51, v42;
	v49 =	vadd.f32 v61, v49  }
0x16c: {  	v61 =	vmul.f32 v55, v4;
	v58 =	vadd.f32 v60, v63;
	v60 =	vmul.f32 v50, v17  }
0x16d: {  	v63 =	vbroadcast v32, $0xB;
	v50 =	vmul.f32 v50, v25;
	v42 =	vsel vm7, v51, v42  }
0x16e: {  	v51 =	vmul.f32 v53, v16;
	v41 =	vsel vm7, v62, v41;
	v53 =	vmul.f32 v53, v24  }
0x16f: {  	v49 =	vadd.f32 v61, v49;
	v61 =	vbroadcast v36, $0xB;
	v58 =	vadd.f32 v59, v58  }
0x170: {  	v59 =	vmul.f32 v54, v11;
	v51 =	vadd.f32 v60, v51;
	v50 =	vadd.f32 v50, v53  }
0x171: {  	v49 =	vadd.f32 v52, v49;
	v52 =	vmul.f32 v57, v18;
	v60 =	vmul.f32 v61, v6  }
0x172: {  	v53 =	vbroadcast v39, $0xC;
	v58 =	vadd.f32 v59, v58;
	v59 =	vmul.f32 v55, v12  }
0x173: {  	v51 =	vadd.f32 v52, v51;
	v52 =	vmul.f32 v54, v19;
	v49 =	vadd.f32 v60, v49  }
0x174: {  	v58 =	vadd.f32 v59, v58;
	v59 =	vmul.f32 v56, v13;
	v60 =	vmul.f32 v63, v7  }
0x175: {  	v62 =	vmul.f32 v61, v22;
	v51 =	vadd.f32 v52, v51;
	v52 =	vmul.f32 v55, v20  }
0x176: {  	v58 =	vadd.f32 v59, v58;
	v59 =	vmul.f32 v61, v14;
	v49 =	vadd.f32 v60, v49  }
0x177: {  	v60 =	vor.u32 $0xB, v33;
	v51 =	vadd.f32 v52, v51;
	v52 =	vmul.f32 v56, v21  }
0x178: {  	v58 =	vadd.f32 v59, v58;
	v59 =	vmul.f32 v63, v15;
	vm8 =	vgt.f32 v49, v48  }
0x179: {  	v61 =	vmul.f32 v61, v30;
	v48 =	vsel vm8, v49, v48;
	v51 =	vadd.f32 v52, v51  }
0x17a: {  	v47 =	vsel vm8, v60, v47;
	v58 =	vadd.f32 v59, v58;
	v59 =	vmul.f32 v57, v26  }
0x17b: {  	v52 =	vbroadcast v40, $0xC;
	v49 =	vadd.f32 v62, v51;
	v62 =	vmul.f32 v63, v23  }
0x17c: {  	v57 =	vmul.f32 v55, v28;
	v55 =	vbroadcast v38, $0xC;
	vm9 =	vgt.f32 v58, v46  }
0x17d: {  	v50 =	vadd.f32 v59, v50;
	v49 =	vadd.f32 v62, v49;
	v62 =	vmul.f32 v54, v27  }
0x17e: {  	v59 =	vmul.f32 v53, v1;
	v51 =	vmul.f32 v56, v29;
	v46 =	vsel vm9, v58, v46  }
0x17f: {  	v58 =	vmul.f32 v52, v0;
	vm10 =	vgt.f32 v49, v44;
	v50 =	vadd.f32 v62, v50  }
0x180: {  	v56 =	vbroadcast v37, $0xC;
	v62 =	vmul.f32 v55, v2;
	v44 =	vsel vm10, v49, v44  }
0x181: {  	v49 =	vadd.f32 v59, v58;
	v58 =	vbroadcast v35, $0xC;
	v50 =	vadd.f32 v57, v50  }
0x182: {  	v45 =	vsel vm9, v60, v45;
	v59 =	vmul.f32 v53, v9;
	v57 =	vmul.f32 v63, v31  }
0x183: {  	v49 =	vadd.f32 v62, v49;
	v62 =	vmul.f32 v56, v3;
	v50 =	vadd.f32 v51, v50  }
0x184: {  	v43 =	vsel vm10, v60, v43;
	v54 =	vmul.f32 v58, v4;
	v51 =	vmul.f32 v52, v8  }
0x185: {  	v49 =	vadd.f32 v62, v49;
	v50 =	vadd.f32 v61, v50;
	v61 =	vbroadcast v34, $0xC  }
0x186: {  	v63 =	vmul.f32 v55, v10;
	v51 =	vadd.f32 v59, v51;
	v59 =	vbroadcast v36, $0xC  }
0x187: {  	v49 =	vadd.f32 v54, v49;
	v50 =	vadd.f32 v57, v50;
	v62 =	vmul.f32 v61, v5  }
0x188: {  	v54 =	vbroadcast v32, $0xC;
	v51 =	vadd.f32 v63, v51;
	v63 =	vmul.f32 v56, v11  }
0x189: {  	v57 =	vmul.f32 v58, v12;
	vm11 =	vgt.f32 v50, v42;
	v49 =	vadd.f32 v62, v49  }
0x18a: {  	v62 =	vmul.f32 v59, v6;
	v51 =	vadd.f32 v63, v51;
	v63 =	vmul.f32 v54, v7  }
0x18b: {  	v42 =	vsel vm11, v50, v42;
	v50 =	vmul.f32 v52, v16;
	v41 =	vsel vm11, v60, v41  }
0x18c: {  	v52 =	vmul.f32 v52, v24;
	v49 =	vadd.f32 v62, v49;
	v62 =	vmul.f32 v53, v17  }
0x18d: {  	v51 =	vadd.f32 v57, v51;
	v57 =	vmul.f32 v61, v13;
	v53 =	vmul.f32 v53, v25  }
0x18e: {  	v60 =	vmul.f32 v55, v18;
	v50 =	vadd.f32 v62, v50;
	v62 =	vor.u32 $0xC, v33  }
0x18f: {  	v51 =	vadd.f32 v57, v51;
	v57 =	vmul.f32 v59, v14;
	v52 =	vadd.f32 v53, v52  }
0x190: {  	v53 =	vmul.f32 v55, v26;
	v50 =	vadd.f32 v60, v50;
	v60 =	vmul.f32 v56, v19  }
0x191: {  	v49 =	vadd.f32 v63, v49;
	v63 =	vmul.f32 v61, v21;
	v55 =	vbroadcast v37, $0xD  }
0x192: {  	v51 =	vadd.f32 v57, v51;
	v57 =	vmul.f32 v58, v20;
	v50 =	vadd.f32 v60, v50  }
0x193: {  	vm12 =	vgt.f32 v49, v48;
	v52 =	vadd.f32 v53, v52;
	v60 =	vmul.f32 v54, v15  }
0x194: {  	v53 =	vbroadcast v40, $0xD;
	v48 =	vsel vm12, v49, v48;
	v49 =	vadd.f32 v57, v50  }
0x195: {  	v51 =	vadd.f32 v60, v51;
	v57 =	vmul.f32 v56, v27;
	v60 =	vmul.f32 v59, v22  }
0x196: {  	v47 =	vsel vm12, v62, v47;
	v56 =	vmul.f32 v54, v23;
	v50 =	vbroadcast v39, $0xD  }
0x197: {  	v49 =	vadd.f32 v63, v49;
	v52 =	vadd.f32 v57, v52;
	v63 =	vmul.f32 v58, v28  }
0x198: {  	vm13 =	vgt.f32 v51, v46;
	v58 =	vmul.f32 v61, v29;
	v61 =	vmul.f32 v53, v0  }
0x199: {  	v46 =	vsel vm13, v51, v46;
	v49 =	vadd.f32 v60, v49;
	v57 =	vadd.f32 v63, v52  }
0x19a: {  	v45 =	vsel vm13, v62, v45;
	v60 =	vmul.f32 v59, v30;
	v63 =	vmul.f32 v50, v1  }
0x19b: {  	v49 =	vadd.f32 v56, v49;
	v51 =	vadd.f32 v58, v57;
	v57 =	vbroadcast v38, $0xD  }
0x19c: {  	v52 =	vadd.f32 v63, v61;
	v63 =	vmul.f32 v53, v8;
	v58 =	vbroadcast v35, $0xD  }
0x19d: {  	v56 =	vmul.f32 v55, v11;
	v59 =	vadd.f32 v60, v51;
	v60 =	vmul.f32 v54, v31  }
0x19e: {  	vm14 =	vgt.f32 v49, v44;
	v61 =	vmul.f32 v57, v2;
	v54 =	vbroadcast v34, $0xD  }
0x19f: {  	v44 =	vsel vm14, v49, v44;
	v49 =	vadd.f32 v60, v59;
	v60 =	vmul.f32 v50, v9  }
0x1a0: {  	v43 =	vsel vm14, v62, v43;
	v52 =	vadd.f32 v61, v52;
	v61 =	vmul.f32 v55, v3  }
0x1a1: {  	v59 =	vmul.f32 v50, v17;
	v50 =	vmul.f32 v50, v25;
	v51 =	vadd.f32 v60, v63  }
0x1a2: {  	v63 =	vmul.f32 v57, v10;
	v60 =	vadd.f32 v61, v52;
	v61 =	vmul.f32 v58, v4  }
0x1a3: {  	vm15 =	vgt.f32 v49, v42;
	v52 =	vmul.f32 v53, v16;
	v53 =	vmul.f32 v53, v24  }
0x1a4: {  	v42 =	vsel vm15, v49, v42;
	v41 =	vsel vm15, v62, v41;
	v51 =	vadd.f32 v63, v51  }
0x1a5: {  	v49 =	vadd.f32 v61, v60;
	v60 =	vmul.f32 v54, v5;
	v61 =	vbroadcast v36, $0xD  }
0x1a6: {  	v52 =	vadd.f32 v59, v52;
	v59 =	vmul.f32 v57, v18;
	v63 =	vbroadcast v32, $0xD  }
0x1a7: {  	v50 =	vadd.f32 v50, v53;
	v57 =	vmul.f32 v57, v26;
	v51 =	vadd.f32 v56, v51  }
0x1a8: {  	v56 =	vmul.f32 v58, v12;
	v52 =	vadd.f32 v59, v52;
	v59 =	vmul.f32 v55, v19  }
0x1a9: {  	v53 =	vbroadcast v39, $0xE;
	v49 =	vadd.f32 v60, v49;
	v60 =	vmul.f32 v61, v6  }
0x1aa: {  	v51 =	vadd.f32 v56, v51;
	v56 =	vmul.f32 v54, v13;
	v52 =	vadd.f32 v59, v52  }
0x1ab: {  	v59 =	vmul.f32 v58, v20;
	v49 =	vadd.f32 v60, v49;
	v60 =	vmul.f32 v63, v7  }
0x1ac: {  	v39 =	vbroadcast v39, $0xF;
	v51 =	vadd.f32 v56, v51;
	v56 =	vmul.f32 v61, v14  }
0x1ad: {  	v52 =	vadd.f32 v59, v52;
	v59 =	vmul.f32 v54, v21;
	v49 =	vadd.f32 v60, v49  }
0x1ae: {  	v62 =	vmul.f32 v61, v22;
	v50 =	vadd.f32 v57, v50;
	v51 =	vadd.f32 v56, v51  }
0x1af: {  	v56 =	vmul.f32 v63, v15;
	v52 =	vadd.f32 v59, v52;
	vm4 =	vgt.f32 v49, v48  }
0x1b0: {  	v57 =	vmul.f32 v63, v31;
	v59 =	vmul.f32 v55, v27;
	v48 =	vsel vm4, v49, v48  }
0x1b1: {  	v51 =	vadd.f32 v56, v51;
	v62 =	vadd.f32 v62, v52;
	v52 =	vbroadcast v40, $0xE  }
0x1b2: {  	v56 =	vmul.f32 v63, v23;
	v50 =	vadd.f32 v59, v50;
	v59 =	vmul.f32 v54, v29  }
0x1b3: {  	v40 =	vbroadcast v40, $0xF;
	vm5 =	vgt.f32 v51, v46;
	v55 =	vmul.f32 v52, v0  }
0x1b4: {  	v49 =	vadd.f32 v56, v62;
	v62 =	vmul.f32 v53, v1;
	v56 =	vbroadcast v38, $0xE  }
0x1b5: {  	v38 =	vbroadcast v38, $0xF;
	v46 =	vsel vm5, v51, v46;
	v51 =	vmul.f32 v58, v28  }
0x1b6: {  	v58 =	vbroadcast v35, $0xE;
	v35 =	vbroadcast v35, $0xF;
	vm6 =	vgt.f32 v49, v44  }
0x1b7: {  	v54 =	vmul.f32 v56, v2;
	v44 =	vsel vm6, v49, v44;
	v50 =	vadd.f32 v51, v50  }
0x1b8: {  	v49 =	vadd.f32 v62, v55;
	v55 =	vbroadcast v37, $0xE;
	v62 =	vmul.f32 v61, v30  }
0x1b9: {  	v60 =	vor.u32 $0xD, v33;
	v51 =	vmul.f32 v52, v8;
	v37 =	vbroadcast v37, $0xF  }
0x1ba: {  	v50 =	vadd.f32 v59, v50;
	v49 =	vadd.f32 v54, v49;
	v61 =	vmul.f32 v55, v3  }
0x1bb: {  	v47 =	vsel vm4, v60, v47;
	v59 =	vmul.f32 v53, v9;
	v54 =	vmul.f32 v58, v4  }
0x1bc: {  	v50 =	vadd.f32 v62, v50;
	v49 =	vadd.f32 v61, v49;
	v61 =	vbroadcast v34, $0xE  }
0x1bd: {  	v51 =	vadd.f32 v59, v51;
	v62 =	vmul.f32 v56, v10;
	v59 =	vbroadcast v36, $0xE  }
0x1be: {  	v45 =	vsel vm5, v60, v45;
	v34 =	vbroadcast v34, $0xF;
	v36 =	vbroadcast v36, $0xF  }
0x1bf: {  	v50 =	vadd.f32 v57, v50;
	v49 =	vadd.f32 v54, v49;
	v63 =	vmul.f32 v61, v5  }
0x1c0: {  	v51 =	vadd.f32 v62, v51;
	v62 =	vmul.f32 v55, v11;
	v54 =	vbroadcast v32, $0xE  }
0x1c1: {  	v43 =	vsel vm6, v60, v43;
	v57 =	vmul.f32 v58, v12;
	v32 =	vbroadcast v32, $0xF  }
0x1c2: {  	vm7 =	vgt.f32 v50, v42;
	v49 =	vadd.f32 v63, v49;
	v51 =	vadd.f32 v62, v51  }
0x1c3: {  	v62 =	vmul.f32 v53, v17;
	v42 =	vsel vm7, v50, v42;
	v50 =	vmul.f32 v59, v6  }
0x1c4: {  	v41 =	vsel vm7, v60, v41;
	v60 =	vmul.f32 v52, v16;
	v51 =	vadd.f32 v57, v51  }
0x1c5: {  	v57 =	vmul.f32 v61, v13;
	v49 =	vadd.f32 v50, v49;
	v50 =	vmul.f32 v54, v7  }
0x1c6: {  	v63 =	vmul.f32 v53, v25;
	v60 =	vadd.f32 v62, v60;
	v62 =	vmul.f32 v56, v18  }
0x1c7: {  	v51 =	vadd.f32 v57, v51;
	v49 =	vadd.f32 v50, v49;
	v50 =	vmul.f32 v52, v24  }
0x1c8: {  	v57 =	vmul.f32 v39, v1;
	v60 =	vadd.f32 v62, v60;
	v62 =	vmul.f32 v55, v19  }
0x1c9: {  	vm8 =	vgt.f32 v49, v48;
	v50 =	vadd.f32 v63, v50;
	v63 =	vmul.f32 v56, v26  }
0x1ca: {  	v56 =	vmul.f32 v59, v14;
	v53 =	vadd.f32 v62, v60;
	v60 =	vmul.f32 v58, v20  }
0x1cb: {  	v48 =	vsel vm8, v49, v48;
	v62 =	vadd.f32 v63, v50;
	v63 =	vmul.f32 v55, v27  }
0x1cc: {  	v51 =	vadd.f32 v56, v51;
	v52 =	vadd.f32 v60, v53;
	v60 =	vmul.f32 v61, v21  }
0x1cd: {  	v55 =	vor.u32 $0xE, v33;
	v56 =	vmul.f32 v40, v0;
	v33 =	vor.u32 $0xF, v33  }
0x1ce: {  	v49 =	vadd.f32 v63, v62;
	v62 =	vmul.f32 v58, v28;
	v63 =	vmul.f32 v54, v15  }
0x1cf: {  	v52 =	vadd.f32 v60, v52;
	v58 =	vmul.f32 v59, v22;
	v60 =	vmul.f32 v61, v29  }
0x1d0: {  	v61 =	vmul.f32 v54, v23;
	v49 =	vadd.f32 v62, v49;
	v51 =	vadd.f32 v63, v51  }
0x1d1: {  	v52 =	vadd.f32 v58, v52;
	v62 =	vmul.f32 v59, v30;
	v63 =	vmul.f32 v54, v31  }
0x1d2: {  	v58 =	vadd.f32 v57, v56;
	v59 =	vmul.f32 v38, v2;
	v56 =	vmul.f32 v38, v10  }
0x1d3: {  	v47 =	vsel vm8, v55, v47;
	v57 =	vmul.f32 v34, v5;
	v54 =	vmul.f32 v34, v21  }
0x1d4: {  	v49 =	vadd.f32 v60, v49;
	vm9 =	vgt.f32 v51, v46;
	v52 =	vadd.f32 v61, v52  }
0x1d5: {  	v50 =	vadd.f32 v59, v58;
	v60 =	vmul.f32 v37, v3;
	v61 =	vmul.f32 v40, v8  }
0x1d6: {  	v58 =	vmul.f32 v36, v6;
	v59 =	vmul.f32 v37, v11;
	v49 =	vadd.f32 v62, v49  }
0x1d7: {  	v46 =	vsel vm9, v51, v46;
	v45 =	vsel vm9, v55, v45;
	v62 =	vmul.f32 v39, v9  }
0x1d8: {  	v50 =	vadd.f32 v60, v50;
	v49 =	vadd.f32 v63, v49;
	v63 =	vmul.f32 v35, v4  }
0x1d9: {  	vm10 =	vgt.f32 v52, v44;
	v60 =	vmul.f32 v40, v16;
	v40 =	vmul.f32 v40, v24  }
0x1da: {  	v43 =	vsel vm10, v55, v43;
	vm11 =	vgt.f32 v49, v42;
	v50 =	vadd.f32 v63, v50  }
0x1db: {  	v42 =	vsel vm11, v49, v42;
	v49 =	vadd.f32 v62, v61;
	v61 =	vmul.f32 v39, v17  }
0x1dc: {  	v63 =	vmul.f32 v38, v18;
	v39 =	vmul.f32 v39, v25;
	v50 =	vadd.f32 v57, v50  }
0x1dd: {  	v38 =	vmul.f32 v38, v26;
	v49 =	vadd.f32 v56, v49;
	v51 =	vadd.f32 v61, v60  }
0x1de: {  	v62 =	vmul.f32 v35, v12;
	v39 =	vadd.f32 v39, v40;
	v50 =	vadd.f32 v58, v50  }
0x1df: {  	v49 =	vadd.f32 v59, v49;
	v58 =	vadd.f32 v63, v51;
	v59 =	vmul.f32 v37, v19  }
0x1e0: {  	v41 =	vsel vm11, v55, v41;
	v38 =	vadd.f32 v38, v39;
	v37 =	vmul.f32 v37, v27  }
0x1e1: {  	v57 =	vadd.f32 v62, v49;
	v61 =	vadd.f32 v59, v58;
	v62 =	vmul.f32 v35, v20  }
0x1e2: {  	v60 =	vmul.f32 v34, v13;
	v37 =	vadd.f32 v37, v38;
	v35 =	vmul.f32 v35, v28  }
0x1e3: {  	v55 =	vmul.f32 v32, v7;
	v34 =	vmul.f32 v34, v29;
	v39 =	vadd.f32 v62, v61  }
0x1e4: {  	v63 =	vmul.f32 v36, v14;
	v40 =	vadd.f32 v60, v57;
	v35 =	vadd.f32 v35, v37  }
0x1e5: {  	v58 =	vmul.f32 v36, v22;
	v59 =	vmul.f32 v32, v15;
	v57 =	vadd.f32 v54, v39  }
0x1e6: {  	v60 =	vmul.f32 v36, v30;
	v56 =	vadd.f32 v63, v40;
	v34 =	vadd.f32 v34, v35  }
0x1e7: {  	v61 =	vadd.f32 v55, v50;
	v62 =	vmul.f32 v32, v23;
	v38 =	vadd.f32 v58, v57  }
0x1e8: {  	p0 =	sne.s32 s14, $0x1F0;
	v32 =	vmul.f32 v32, v31;
	v37 =	vadd.f32 v59, v56;
	v34 =	vadd.f32 v60, v34  }
.Ltmp0:
0x1e9: {  	v44 =	vsel vm10, v52, v44;
	vm12 =	vgt.f32 v61, v48;
	v63 =	vadd.f32 v62, v38;
	(pc) =	sbr.rel @p0 .LBB2_2-.Ltmp0, $4  }
0x1ea: {  	v48 =	vsel vm12, v61, v48;
	vm13 =	vgt.f32 v37, v46;
	v32 =	vadd.f32 v32, v34  }
0x1eb: {  	v47 =	vsel vm12, v33, v47;
	v46 =	vsel vm13, v37, v46;
	vm14 =	vgt.f32 v63, v44  }
0x1ec: {  	v45 =	vsel vm13, v33, v45;
	vm15 =	vgt.f32 v32, v42;
	v44 =	vsel vm14, v63, v44  }
0x1ed: {  	s13 =	sadd.s32 $0x80, s13;
	s14 =	sadd.s32 $0x10, s14;
	v43 =	vsel vm14, v33, v43;
	v42 =	vsel vm15, v32, v42;
	v41 =	vsel vm15, v33, v41  }
0x1ee: {  	v0 =	vld [tilespmem:$0x1040]  }
0x1ef: {  	v1 =	vld [tilespmem:$0x10C0]  }
0x1f0: {  	v2 =	vld [tilespmem:$0x1140]  }
0x1f1: {  	v3 =	vld [tilespmem:$0x11C0]  }
0x1f2: {  	v4 =	vld [tilespmem:$0x1240]  }
0x1f3: {  	v5 =	vld [tilespmem:$0x12C0]  }
0x1f4: {  	v6 =	vld [tilespmem:$0x1340]  }
0x1f5: {  	v7 =	vld [tilespmem:$0x13C0]  }
0x1f6: {  	v8 =	vld [tilespmem:$0x1050]  }
0x1f7: {  	v9 =	vld [tilespmem:$0x10D0]  }
0x1f8: {  	v10 =	vld [tilespmem:$0x1150]  }
0x1f9: {  	v11 =	vld [tilespmem:$0x11D0]  }
0x1fa: {  	v12 =	vld [tilespmem:$0x1250]  }
0x1fb: {  	v13 =	vld [tilespmem:$0x12D0]  }
0x1fc: {  	v14 =	vld [tilespmem:$0x1350]  }
0x1fd: {  	v15 =	vld [tilespmem:$0x13D0]  }
0x1fe: {  	v16 =	vld [tilespmem:$0x1060]  }
0x1ff: {  	v17 =	vld [tilespmem:$0x10E0]  }
0x200: {  	v18 =	vld [tilespmem:$0x1160]  }
0x201: {  	v19 =	vld [tilespmem:$0x11E0]  }
0x202: {  	v20 =	vld [tilespmem:$0x1260]  }
0x203: {  	v21 =	vld [tilespmem:$0x12E0]  }
0x204: {  	v22 =	vld [tilespmem:$0x1360]  }
0x205: {  	v23 =	vld [tilespmem:$0x13E0]  }
0x206: {  	[tilespmem:$0x1400] =	vst v48;
	v24 =	vld [tilespmem:$0x1070]  }
0x207: {  	[tilespmem:$0x1480] =	vst v47;
	v25 =	vld [tilespmem:$0x10F0]  }
0x208: {  	[tilespmem:$0x1410] =	vst v46;
	v26 =	vld [tilespmem:$0x1170]  }
0x209: {  	[tilespmem:$0x1490] =	vst v45;
	v27 =	vld [tilespmem:$0x11F0]  }
0x20a: {  	[tilespmem:$0x1420] =	vst v44;
	v28 =	vld [tilespmem:$0x1270]  }
0x20b: {  	[tilespmem:$0x14A0] =	vst v43;
	v29 =	vld [tilespmem:$0x12F0];
	v44 =	vimm.f32 $-Inf;
	v43 =	vimm.s32 $0x0  }
0x20c: {  	[tilespmem:$0x1430] =	vst v42;
	v30 =	vld [tilespmem:$0x1370];
	v42 =	vimm.s32 $0x0;
	v45 =	vimm.f32 $-Inf;
	v46 =	vimm.s32 $0x0  }
0x20d: {  	[tilespmem:$0x14B0] =	vst v41;
	s13 =	simm.s32 $0x0;
	v31 =	vld [tilespmem:$0x13F0];
	s14 =	simm.s32 $0x0;
	v41 =	vimm.f32 $-Inf;
	v47 =	vimm.s32 $0x0;
	v48 =	vimm.f32 $-Inf  }
.LBB2_4:
0x20e: {  	s15 =	sand.u32 $0x70, s14;
	s16 =	sand.u32 $0xC00, s13  }
0x20f: {  	s15 =	sor.u32 s15, s16  }
0x210: {  	v40 =	vld [tilespmem:s15+$0x0]  }
0x211: {  	v39 =	vld [tilespmem:s15+$0x80]  }
0x212: {  	v38 =	vld [tilespmem:s15+$0x100];
	_ =	sdelay $0x2  }
0x213: {  	v37 =	vld [tilespmem:s15+$0x180]  }
0x214: {  	v49 =	vbroadcast v40, $0x0;
	v50 =	vbroadcast v39, $0x0  }
0x215: {  	v35 =	vld [tilespmem:s15+$0x200];
	v51 =	vbroadcast v38, $0x0  }
0x216: {  	v32 =	vmul.f32 v49, v0;
	v33 =	vmul.f32 v50, v1  }
0x217: {  	v34 =	vld [tilespmem:s15+$0x280]  }
0x218: {  	v52 =	vbroadcast v37, $0x0;
	v60 =	vmul.f32 v51, v2;
	v32 =	vadd.f32 v33, v32  }
0x219: {  	s31 =	sor.u32 s13, s14;
	v36 =	vld [tilespmem:s15+$0x300];
	v55 =	vmul.f32 v49, v8;
	v56 =	vmul.f32 v50, v9  }
0x21a: {  	s15 =	sor.u32 $0x380, s31;
	v54 =	vbroadcast v35, $0x0;
	v53 =	vmul.f32 v52, v3;
	v33 =	vadd.f32 v60, v32  }
0x21b: {  	v62 =	vmul.f32 v51, v10;
	v55 =	vadd.f32 v56, v55;
	v32 =	vld [tilespmem:s15+$0x0]  }
0x21c: {  	v57 =	vbroadcast v34, $0x0;
	v61 =	vmul.f32 v54, v4;
	v33 =	vadd.f32 v53, v33  }
0x21d: {  	v55 =	vadd.f32 v62, v55;
	v60 =	vmul.f32 v52, v11  }
0x21e: {  	v58 =	vbroadcast v36, $0x0;
	v63 =	vmul.f32 v57, v5;
	v33 =	vadd.f32 v61, v33  }
0x21f: {  	v56 =	vmul.f32 v54, v12;
	v55 =	vadd.f32 v60, v55  }
0x220: {  	v61 =	vmul.f32 v58, v6;
	v59 =	vbroadcast v32, $0x0;
	v33 =	vadd.f32 v63, v33  }
0x221: {  	v60 =	vmul.f32 v50, v17;
	v55 =	vadd.f32 v56, v55;
	v56 =	vmul.f32 v57, v13  }
0x222: {  	v53 =	vadd.f32 v61, v33;
	v33 =	vmul.f32 v49, v16;
	v61 =	vmul.f32 v59, v7  }
0x223: {  	v55 =	vadd.f32 v56, v55;
	v56 =	vmul.f32 v58, v14  }
0x224: {  	v62 =	vmul.f32 v51, v18;
	v60 =	vadd.f32 v60, v33;
	v53 =	vadd.f32 v61, v53  }
0x225: {  	v50 =	vmul.f32 v50, v25;
	v49 =	vmul.f32 v49, v24;
	v55 =	vadd.f32 v56, v55  }
0x226: {  	v61 =	vmul.f32 v52, v19;
	v60 =	vadd.f32 v62, v60;
	vm0 =	vgt.f32 v53, v48  }
0x227: {  	v49 =	vadd.f32 v50, v49;
	v62 =	vmul.f32 v51, v26;
	v48 =	vsel vm0, v53, v48  }
0x228: {  	v53 =	vbroadcast v40, $0x1;
	v56 =	vadd.f32 v61, v60;
	v60 =	vmul.f32 v54, v20  }
0x229: {  	v33 =	vmov s14;
	v61 =	vmul.f32 v59, v15;
	v49 =	vadd.f32 v62, v49  }
0x22a: {  	v62 =	vmul.f32 v58, v22;
	v50 =	vmul.f32 v53, v16;
	v63 =	vadd.f32 v60, v56  }
0x22b: {  	v60 =	vmul.f32 v57, v21;
	v55 =	vadd.f32 v61, v55;
	v61 =	vmul.f32 v52, v27  }
0x22c: {  	v47 =	vsel vm0, s14, v47;
	v56 =	vmul.f32 v59, v23;
	v57 =	vmul.f32 v57, v29  }
0x22d: {  	v51 =	vadd.f32 v60, v63;
	v49 =	vadd.f32 v61, v49;
	v63 =	vmul.f32 v54, v28  }
0x22e: {  	v52 =	vbroadcast v39, $0x1;
	vm14 =	vgt.f32 v55, v41;
	v60 =	vmul.f32 v58, v30  }
0x22f: {  	v61 =	vmul.f32 v53, v0;
	v51 =	vadd.f32 v62, v51;
	v49 =	vadd.f32 v63, v49  }
0x230: {  	v54 =	vbroadcast v35, $0x1;
	v41 =	vsel vm14, v55, v41;
	v55 =	vbroadcast v34, $0x1  }
0x231: {  	v62 =	vmul.f32 v52, v1;
	v51 =	vadd.f32 v56, v51;
	v49 =	vadd.f32 v57, v49  }
0x232: {  	v46 =	vsel vm14, s14, v46;
	v56 =	vbroadcast v38, $0x1;
	v57 =	vbroadcast v37, $0x1  }
0x233: {  	v63 =	vmul.f32 v59, v31;
	vm15 =	vgt.f32 v51, v45;
	v49 =	vadd.f32 v60, v49  }
0x234: {  	v60 =	vadd.f32 v62, v61;
	v61 =	vmul.f32 v56, v2;
	v62 =	vmul.f32 v57, v3  }
0x235: {  	v59 =	vmul.f32 v56, v10;
	v45 =	vsel vm15, v51, v45;
	v49 =	vadd.f32 v63, v49  }
0x236: {  	v42 =	vsel vm15, s14, v42;
	v51 =	vadd.f32 v61, v60;
	v63 =	vmul.f32 v53, v8  }
0x237: {  	v60 =	vmul.f32 v52, v9;
	v53 =	vmul.f32 v53, v24;
	vm4 =	vgt.f32 v49, v44  }
0x238: {  	v61 =	vadd.f32 v62, v51;
	v62 =	vmul.f32 v54, v4;
	v51 =	vmul.f32 v55, v5  }
0x239: {  	v58 =	vadd.f32 v60, v63;
	v60 =	vmul.f32 v52, v17;
	v63 =	vmul.f32 v54, v20  }
0x23a: {  	v52 =	vmul.f32 v52, v25;
	v44 =	vsel vm4, v49, v44;
	v49 =	vadd.f32 v62, v61  }
0x23b: {  	v61 =	vbroadcast v36, $0x1;
	v58 =	vadd.f32 v59, v58;
	v59 =	vmul.f32 v57, v11  }
0x23c: {  	v50 =	vadd.f32 v60, v50;
	v49 =	vadd.f32 v51, v49;
	v51 =	vmul.f32 v56, v18  }
0x23d: {  	v62 =	vbroadcast v32, $0x1;
	v58 =	vadd.f32 v59, v58;
	v59 =	vmul.f32 v54, v12  }
0x23e: {  	v60 =	vmul.f32 v61, v6;
	v50 =	vadd.f32 v51, v50;
	v51 =	vmul.f32 v57, v19  }
0x23f: {  	v43 =	vsel vm4, s14, v43;
	v58 =	vadd.f32 v59, v58;
	v59 =	vmul.f32 v55, v13  }
0x240: {  	v49 =	vadd.f32 v60, v49;
	v60 =	vmul.f32 v62, v7;
	v50 =	vadd.f32 v51, v50  }
0x241: {  	v56 =	vmul.f32 v56, v26;
	v58 =	vadd.f32 v59, v58;
	v59 =	vmul.f32 v61, v14  }
0x242: {  	v49 =	vadd.f32 v60, v49;
	v51 =	vmul.f32 v55, v21;
	v50 =	vadd.f32 v63, v50  }
0x243: {  	v60 =	vor.u32 $0x1, v33;
	v58 =	vadd.f32 v59, v58;
	v59 =	vmul.f32 v62, v15  }
0x244: {  	vm5 =	vgt.f32 v49, v48;
	v63 =	vmul.f32 v61, v22;
	v50 =	vadd.f32 v51, v50  }
0x245: {  	v61 =	vmul.f32 v61, v30;
	v48 =	vsel vm5, v49, v48;
	v58 =	vadd.f32 v59, v58  }
0x246: {  	v59 =	vmul.f32 v62, v23;
	v51 =	vmul.f32 v54, v28;
	v49 =	vadd.f32 v63, v50  }
0x247: {  	vm1 =	vgt.f32 v58, v41;
	v63 =	vadd.f32 v52, v53;
	v52 =	vbroadcast v40, $0x2  }
0x248: {  	v53 =	vbroadcast v39, $0x2;
	v41 =	vsel vm1, v58, v41;
	v49 =	vadd.f32 v59, v49  }
0x249: {  	v58 =	vadd.f32 v56, v63;
	v59 =	vmul.f32 v57, v27;
	v54 =	vmul.f32 v52, v0  }
0x24a: {  	v47 =	vsel vm5, v60, v47;
	v63 =	vmul.f32 v53, v1;
	v56 =	vbroadcast v38, $0x2  }
0x24b: {  	v57 =	vmul.f32 v62, v31;
	vm6 =	vgt.f32 v49, v45;
	v50 =	vadd.f32 v59, v58  }
0x24c: {  	v59 =	vmul.f32 v55, v29;
	v55 =	vbroadcast v37, $0x2;
	v45 =	vsel vm6, v49, v45  }
0x24d: {  	v49 =	vadd.f32 v63, v54;
	v63 =	vmul.f32 v56, v2;
	v50 =	vadd.f32 v51, v50  }
0x24e: {  	v46 =	vsel vm1, v60, v46;
	v58 =	vbroadcast v35, $0x2;
	v62 =	vmul.f32 v55, v3  }
0x24f: {  	v51 =	vmul.f32 v52, v8;
	v49 =	vadd.f32 v63, v49;
	v50 =	vadd.f32 v59, v50  }
0x250: {  	v42 =	vsel vm6, v60, v42;
	v54 =	vmul.f32 v58, v4;
	v59 =	vmul.f32 v53, v9  }
0x251: {  	v49 =	vadd.f32 v62, v49;
	v50 =	vadd.f32 v61, v50;
	v61 =	vbroadcast v34, $0x2  }
0x252: {  	v63 =	vmul.f32 v56, v10;
	v51 =	vadd.f32 v59, v51;
	v59 =	vbroadcast v36, $0x2  }
0x253: {  	v49 =	vadd.f32 v54, v49;
	v50 =	vadd.f32 v57, v50;
	v62 =	vmul.f32 v61, v5  }
0x254: {  	v54 =	vbroadcast v32, $0x2;
	v51 =	vadd.f32 v63, v51;
	v63 =	vmul.f32 v55, v11  }
0x255: {  	v57 =	vmul.f32 v58, v12;
	vm7 =	vgt.f32 v50, v44;
	v49 =	vadd.f32 v62, v49  }
0x256: {  	v62 =	vmul.f32 v59, v6;
	v51 =	vadd.f32 v63, v51;
	v63 =	vmul.f32 v54, v7  }
0x257: {  	v44 =	vsel vm7, v50, v44;
	v50 =	vmul.f32 v52, v16;
	v43 =	vsel vm7, v60, v43  }
0x258: {  	v60 =	vmul.f32 v56, v18;
	v49 =	vadd.f32 v62, v49;
	v62 =	vmul.f32 v53, v17  }
0x259: {  	v52 =	vmul.f32 v52, v24;
	v51 =	vadd.f32 v57, v51;
	v57 =	vmul.f32 v61, v13  }
0x25a: {  	v53 =	vmul.f32 v53, v25;
	v50 =	vadd.f32 v62, v50;
	v62 =	vor.u32 $0x2, v33  }
0x25b: {  	v49 =	vadd.f32 v63, v49;
	v51 =	vadd.f32 v57, v51;
	v57 =	vmul.f32 v59, v14  }
0x25c: {  	v52 =	vadd.f32 v53, v52;
	v50 =	vadd.f32 v60, v50;
	v60 =	vmul.f32 v55, v19  }
0x25d: {  	v53 =	vmul.f32 v56, v26;
	v56 =	vmul.f32 v61, v21;
	vm8 =	vgt.f32 v49, v48  }
0x25e: {  	v51 =	vadd.f32 v57, v51;
	v57 =	vmul.f32 v58, v20;
	v50 =	vadd.f32 v60, v50  }
0x25f: {  	v52 =	vadd.f32 v53, v52;
	v53 =	vbroadcast v40, $0x3;
	v60 =	vmul.f32 v54, v15  }
0x260: {  	v48 =	vsel vm8, v49, v48;
	v47 =	vsel vm8, v62, v47;
	v63 =	vadd.f32 v57, v50  }
0x261: {  	v51 =	vadd.f32 v60, v51;
	v57 =	vmul.f32 v55, v27;
	v60 =	vmul.f32 v59, v22  }
0x262: {  	v50 =	vbroadcast v39, $0x3;
	v55 =	vbroadcast v35, $0x3;
	v49 =	vadd.f32 v56, v63  }
0x263: {  	v52 =	vadd.f32 v57, v52;
	v63 =	vmul.f32 v58, v28;
	v56 =	vmul.f32 v54, v23  }
0x264: {  	vm9 =	vgt.f32 v51, v41;
	v58 =	vmul.f32 v61, v29;
	v61 =	vmul.f32 v53, v0  }
0x265: {  	v41 =	vsel vm9, v51, v41;
	v49 =	vadd.f32 v60, v49;
	v57 =	vadd.f32 v63, v52  }
0x266: {  	v46 =	vsel vm9, v62, v46;
	v60 =	vmul.f32 v59, v30;
	v63 =	vmul.f32 v50, v1  }
0x267: {  	v49 =	vadd.f32 v56, v49;
	v51 =	vadd.f32 v58, v57;
	v57 =	vbroadcast v38, $0x3  }
0x268: {  	v58 =	vmul.f32 v54, v31;
	v54 =	vbroadcast v37, $0x3;
	v59 =	vadd.f32 v63, v61  }
0x269: {  	v56 =	vbroadcast v34, $0x3;
	v51 =	vadd.f32 v60, v51;
	v60 =	vmul.f32 v57, v2  }
0x26a: {  	v63 =	vmul.f32 v53, v8;
	vm10 =	vgt.f32 v49, v45;
	v61 =	vmul.f32 v54, v3  }
0x26b: {  	v45 =	vsel vm10, v49, v45;
	v51 =	vadd.f32 v58, v51;
	v49 =	vadd.f32 v60, v59  }
0x26c: {  	v52 =	vmul.f32 v56, v5;
	v42 =	vsel vm10, v62, v42;
	v60 =	vmul.f32 v50, v9  }
0x26d: {  	v59 =	vmul.f32 v57, v10;
	vm11 =	vgt.f32 v51, v44;
	v49 =	vadd.f32 v61, v49  }
0x26e: {  	v61 =	vmul.f32 v55, v4;
	v58 =	vadd.f32 v60, v63;
	v60 =	vmul.f32 v50, v17  }
0x26f: {  	v63 =	vbroadcast v32, $0x3;
	v50 =	vmul.f32 v50, v25;
	v44 =	vsel vm11, v51, v44  }
0x270: {  	v51 =	vmul.f32 v53, v16;
	v43 =	vsel vm11, v62, v43;
	v53 =	vmul.f32 v53, v24  }
0x271: {  	v49 =	vadd.f32 v61, v49;
	v61 =	vbroadcast v36, $0x3;
	v58 =	vadd.f32 v59, v58  }
0x272: {  	v59 =	vmul.f32 v54, v11;
	v51 =	vadd.f32 v60, v51;
	v50 =	vadd.f32 v50, v53  }
0x273: {  	v49 =	vadd.f32 v52, v49;
	v52 =	vmul.f32 v57, v18;
	v60 =	vmul.f32 v61, v6  }
0x274: {  	v53 =	vbroadcast v39, $0x4;
	v58 =	vadd.f32 v59, v58;
	v59 =	vmul.f32 v55, v12  }
0x275: {  	v51 =	vadd.f32 v52, v51;
	v52 =	vmul.f32 v54, v19;
	v49 =	vadd.f32 v60, v49  }
0x276: {  	v58 =	vadd.f32 v59, v58;
	v59 =	vmul.f32 v56, v13;
	v60 =	vmul.f32 v63, v7  }
0x277: {  	v62 =	vmul.f32 v61, v22;
	v51 =	vadd.f32 v52, v51;
	v52 =	vmul.f32 v55, v20  }
0x278: {  	v58 =	vadd.f32 v59, v58;
	v59 =	vmul.f32 v61, v14;
	v49 =	vadd.f32 v60, v49  }
0x279: {  	v60 =	vor.u32 $0x3, v33;
	v51 =	vadd.f32 v52, v51;
	v52 =	vmul.f32 v56, v21  }
0x27a: {  	v58 =	vadd.f32 v59, v58;
	v59 =	vmul.f32 v63, v15;
	vm12 =	vgt.f32 v49, v48  }
0x27b: {  	v61 =	vmul.f32 v61, v30;
	v48 =	vsel vm12, v49, v48;
	v51 =	vadd.f32 v52, v51  }
0x27c: {  	v47 =	vsel vm12, v60, v47;
	v58 =	vadd.f32 v59, v58;
	v59 =	vmul.f32 v57, v26  }
0x27d: {  	v52 =	vbroadcast v40, $0x4;
	v49 =	vadd.f32 v62, v51;
	v62 =	vmul.f32 v63, v23  }
0x27e: {  	v57 =	vmul.f32 v55, v28;
	v55 =	vbroadcast v38, $0x4;
	vm13 =	vgt.f32 v58, v41  }
0x27f: {  	v50 =	vadd.f32 v59, v50;
	v49 =	vadd.f32 v62, v49;
	v62 =	vmul.f32 v54, v27  }
0x280: {  	v59 =	vmul.f32 v53, v1;
	v51 =	vmul.f32 v56, v29;
	v41 =	vsel vm13, v58, v41  }
0x281: {  	v58 =	vmul.f32 v52, v0;
	vm14 =	vgt.f32 v49, v45;
	v50 =	vadd.f32 v62, v50  }
0x282: {  	v56 =	vbroadcast v37, $0x4;
	v62 =	vmul.f32 v55, v2;
	v45 =	vsel vm14, v49, v45  }
0x283: {  	v49 =	vadd.f32 v59, v58;
	v58 =	vbroadcast v35, $0x4;
	v50 =	vadd.f32 v57, v50  }
0x284: {  	v46 =	vsel vm13, v60, v46;
	v59 =	vmul.f32 v53, v9;
	v57 =	vmul.f32 v63, v31  }
0x285: {  	v49 =	vadd.f32 v62, v49;
	v62 =	vmul.f32 v56, v3;
	v50 =	vadd.f32 v51, v50  }
0x286: {  	v42 =	vsel vm14, v60, v42;
	v54 =	vmul.f32 v58, v4;
	v51 =	vmul.f32 v52, v8  }
0x287: {  	v49 =	vadd.f32 v62, v49;
	v50 =	vadd.f32 v61, v50;
	v61 =	vbroadcast v34, $0x4  }
0x288: {  	v63 =	vmul.f32 v55, v10;
	v51 =	vadd.f32 v59, v51;
	v59 =	vbroadcast v36, $0x4  }
0x289: {  	v49 =	vadd.f32 v54, v49;
	v50 =	vadd.f32 v57, v50;
	v62 =	vmul.f32 v61, v5  }
0x28a: {  	v54 =	vbroadcast v32, $0x4;
	v51 =	vadd.f32 v63, v51;
	v63 =	vmul.f32 v56, v11  }
0x28b: {  	v57 =	vmul.f32 v58, v12;
	vm15 =	vgt.f32 v50, v44;
	v49 =	vadd.f32 v62, v49  }
0x28c: {  	v62 =	vmul.f32 v59, v6;
	v51 =	vadd.f32 v63, v51;
	v63 =	vmul.f32 v54, v7  }
0x28d: {  	v44 =	vsel vm15, v50, v44;
	v50 =	vmul.f32 v52, v16;
	v43 =	vsel vm15, v60, v43  }
0x28e: {  	v52 =	vmul.f32 v52, v24;
	v49 =	vadd.f32 v62, v49;
	v62 =	vmul.f32 v53, v17  }
0x28f: {  	v51 =	vadd.f32 v57, v51;
	v57 =	vmul.f32 v61, v13;
	v53 =	vmul.f32 v53, v25  }
0x290: {  	v60 =	vmul.f32 v55, v18;
	v50 =	vadd.f32 v62, v50;
	v62 =	vor.u32 $0x4, v33  }
0x291: {  	v51 =	vadd.f32 v57, v51;
	v57 =	vmul.f32 v59, v14;
	v52 =	vadd.f32 v53, v52  }
0x292: {  	v53 =	vmul.f32 v55, v26;
	v50 =	vadd.f32 v60, v50;
	v60 =	vmul.f32 v56, v19  }
0x293: {  	v49 =	vadd.f32 v63, v49;
	v63 =	vmul.f32 v61, v21;
	v55 =	vbroadcast v35, $0x5  }
0x294: {  	v51 =	vadd.f32 v57, v51;
	v57 =	vmul.f32 v58, v20;
	v50 =	vadd.f32 v60, v50  }
0x295: {  	vm4 =	vgt.f32 v49, v48;
	v52 =	vadd.f32 v53, v52;
	v60 =	vmul.f32 v54, v15  }
0x296: {  	v53 =	vbroadcast v40, $0x5;
	v48 =	vsel vm4, v49, v48;
	v49 =	vadd.f32 v57, v50  }
0x297: {  	v51 =	vadd.f32 v60, v51;
	v57 =	vmul.f32 v56, v27;
	v60 =	vmul.f32 v59, v22  }
0x298: {  	v47 =	vsel vm4, v62, v47;
	v56 =	vmul.f32 v54, v23;
	v50 =	vbroadcast v39, $0x5  }
0x299: {  	v49 =	vadd.f32 v63, v49;
	v52 =	vadd.f32 v57, v52;
	v63 =	vmul.f32 v58, v28  }
0x29a: {  	vm5 =	vgt.f32 v51, v41;
	v58 =	vmul.f32 v61, v29;
	v61 =	vmul.f32 v53, v0  }
0x29b: {  	v41 =	vsel vm5, v51, v41;
	v49 =	vadd.f32 v60, v49;
	v57 =	vadd.f32 v63, v52  }
0x29c: {  	v46 =	vsel vm5, v62, v46;
	v60 =	vmul.f32 v59, v30;
	v63 =	vmul.f32 v50, v1  }
0x29d: {  	v49 =	vadd.f32 v56, v49;
	v51 =	vadd.f32 v58, v57;
	v57 =	vbroadcast v38, $0x5  }
0x29e: {  	v58 =	vmul.f32 v54, v31;
	v54 =	vbroadcast v37, $0x5;
	v59 =	vadd.f32 v63, v61  }
0x29f: {  	v56 =	vbroadcast v34, $0x5;
	v51 =	vadd.f32 v60, v51;
	v60 =	vmul.f32 v57, v2  }
0x2a0: {  	v63 =	vmul.f32 v53, v8;
	vm6 =	vgt.f32 v49, v45;
	v61 =	vmul.f32 v54, v3  }
0x2a1: {  	v45 =	vsel vm6, v49, v45;
	v51 =	vadd.f32 v58, v51;
	v49 =	vadd.f32 v60, v59  }
0x2a2: {  	v52 =	vmul.f32 v56, v5;
	v42 =	vsel vm6, v62, v42;
	v60 =	vmul.f32 v50, v9  }
0x2a3: {  	v59 =	vmul.f32 v57, v10;
	vm7 =	vgt.f32 v51, v44;
	v49 =	vadd.f32 v61, v49  }
0x2a4: {  	v61 =	vmul.f32 v55, v4;
	v58 =	vadd.f32 v60, v63;
	v60 =	vmul.f32 v50, v17  }
0x2a5: {  	v63 =	vbroadcast v32, $0x5;
	v50 =	vmul.f32 v50, v25;
	v44 =	vsel vm7, v51, v44  }
0x2a6: {  	v51 =	vmul.f32 v53, v16;
	v43 =	vsel vm7, v62, v43;
	v53 =	vmul.f32 v53, v24  }
0x2a7: {  	v49 =	vadd.f32 v61, v49;
	v61 =	vbroadcast v36, $0x5;
	v58 =	vadd.f32 v59, v58  }
0x2a8: {  	v59 =	vmul.f32 v54, v11;
	v51 =	vadd.f32 v60, v51;
	v50 =	vadd.f32 v50, v53  }
0x2a9: {  	v49 =	vadd.f32 v52, v49;
	v52 =	vmul.f32 v57, v18;
	v60 =	vmul.f32 v61, v6  }
0x2aa: {  	v53 =	vbroadcast v39, $0x6;
	v58 =	vadd.f32 v59, v58;
	v59 =	vmul.f32 v55, v12  }
0x2ab: {  	v51 =	vadd.f32 v52, v51;
	v52 =	vmul.f32 v54, v19;
	v49 =	vadd.f32 v60, v49  }
0x2ac: {  	v58 =	vadd.f32 v59, v58;
	v59 =	vmul.f32 v56, v13;
	v60 =	vmul.f32 v63, v7  }
0x2ad: {  	v62 =	vmul.f32 v61, v22;
	v51 =	vadd.f32 v52, v51;
	v52 =	vmul.f32 v55, v20  }
0x2ae: {  	v58 =	vadd.f32 v59, v58;
	v59 =	vmul.f32 v61, v14;
	v49 =	vadd.f32 v60, v49  }
0x2af: {  	v60 =	vor.u32 $0x5, v33;
	v51 =	vadd.f32 v52, v51;
	v52 =	vmul.f32 v56, v21  }
0x2b0: {  	v58 =	vadd.f32 v59, v58;
	v59 =	vmul.f32 v63, v15;
	vm8 =	vgt.f32 v49, v48  }
0x2b1: {  	v61 =	vmul.f32 v61, v30;
	v48 =	vsel vm8, v49, v48;
	v51 =	vadd.f32 v52, v51  }
0x2b2: {  	v47 =	vsel vm8, v60, v47;
	v58 =	vadd.f32 v59, v58;
	v59 =	vmul.f32 v57, v26  }
0x2b3: {  	v52 =	vbroadcast v40, $0x6;
	v49 =	vadd.f32 v62, v51;
	v62 =	vmul.f32 v63, v23  }
0x2b4: {  	v57 =	vmul.f32 v55, v28;
	v55 =	vbroadcast v38, $0x6;
	vm9 =	vgt.f32 v58, v41  }
0x2b5: {  	v50 =	vadd.f32 v59, v50;
	v49 =	vadd.f32 v62, v49;
	v62 =	vmul.f32 v54, v27  }
0x2b6: {  	v59 =	vmul.f32 v53, v1;
	v51 =	vmul.f32 v56, v29;
	v41 =	vsel vm9, v58, v41  }
0x2b7: {  	v58 =	vmul.f32 v52, v0;
	vm10 =	vgt.f32 v49, v45;
	v50 =	vadd.f32 v62, v50  }
0x2b8: {  	v56 =	vbroadcast v37, $0x6;
	v62 =	vmul.f32 v55, v2;
	v45 =	vsel vm10, v49, v45  }
0x2b9: {  	v49 =	vadd.f32 v59, v58;
	v58 =	vbroadcast v35, $0x6;
	v50 =	vadd.f32 v57, v50  }
0x2ba: {  	v46 =	vsel vm9, v60, v46;
	v59 =	vmul.f32 v53, v9;
	v57 =	vmul.f32 v63, v31  }
0x2bb: {  	v49 =	vadd.f32 v62, v49;
	v62 =	vmul.f32 v56, v3;
	v50 =	vadd.f32 v51, v50  }
0x2bc: {  	v42 =	vsel vm10, v60, v42;
	v54 =	vmul.f32 v58, v4;
	v51 =	vmul.f32 v52, v8  }
0x2bd: {  	v49 =	vadd.f32 v62, v49;
	v50 =	vadd.f32 v61, v50;
	v61 =	vbroadcast v34, $0x6  }
0x2be: {  	v63 =	vmul.f32 v55, v10;
	v51 =	vadd.f32 v59, v51;
	v59 =	vbroadcast v36, $0x6  }
0x2bf: {  	v49 =	vadd.f32 v54, v49;
	v50 =	vadd.f32 v57, v50;
	v62 =	vmul.f32 v61, v5  }
0x2c0: {  	v54 =	vbroadcast v32, $0x6;
	v51 =	vadd.f32 v63, v51;
	v63 =	vmul.f32 v56, v11  }
0x2c1: {  	v57 =	vmul.f32 v58, v12;
	vm11 =	vgt.f32 v50, v44;
	v49 =	vadd.f32 v62, v49  }
0x2c2: {  	v62 =	vmul.f32 v59, v6;
	v51 =	vadd.f32 v63, v51;
	v63 =	vmul.f32 v54, v7  }
0x2c3: {  	v44 =	vsel vm11, v50, v44;
	v50 =	vmul.f32 v52, v16;
	v43 =	vsel vm11, v60, v43  }
0x2c4: {  	v52 =	vmul.f32 v52, v24;
	v49 =	vadd.f32 v62, v49;
	v62 =	vmul.f32 v53, v17  }
0x2c5: {  	v51 =	vadd.f32 v57, v51;
	v57 =	vmul.f32 v61, v13;
	v53 =	vmul.f32 v53, v25  }
0x2c6: {  	v60 =	vmul.f32 v55, v18;
	v50 =	vadd.f32 v62, v50;
	v62 =	vor.u32 $0x6, v33  }
0x2c7: {  	v51 =	vadd.f32 v57, v51;
	v57 =	vmul.f32 v59, v14;
	v52 =	vadd.f32 v53, v52  }
0x2c8: {  	v53 =	vmul.f32 v55, v26;
	v50 =	vadd.f32 v60, v50;
	v60 =	vmul.f32 v56, v19  }
0x2c9: {  	v49 =	vadd.f32 v63, v49;
	v63 =	vmul.f32 v61, v21;
	v55 =	vbroadcast v35, $0x7  }
0x2ca: {  	v51 =	vadd.f32 v57, v51;
	v57 =	vmul.f32 v58, v20;
	v50 =	vadd.f32 v60, v50  }
0x2cb: {  	vm12 =	vgt.f32 v49, v48;
	v52 =	vadd.f32 v53, v52;
	v60 =	vmul.f32 v54, v15  }
0x2cc: {  	v53 =	vbroadcast v40, $0x7;
	v48 =	vsel vm12, v49, v48;
	v49 =	vadd.f32 v57, v50  }
0x2cd: {  	v51 =	vadd.f32 v60, v51;
	v57 =	vmul.f32 v56, v27;
	v60 =	vmul.f32 v59, v22  }
0x2ce: {  	v47 =	vsel vm12, v62, v47;
	v56 =	vmul.f32 v54, v23;
	v50 =	vbroadcast v39, $0x7  }
0x2cf: {  	v49 =	vadd.f32 v63, v49;
	v52 =	vadd.f32 v57, v52;
	v63 =	vmul.f32 v58, v28  }
0x2d0: {  	vm13 =	vgt.f32 v51, v41;
	v58 =	vmul.f32 v61, v29;
	v61 =	vmul.f32 v53, v0  }
0x2d1: {  	v41 =	vsel vm13, v51, v41;
	v49 =	vadd.f32 v60, v49;
	v57 =	vadd.f32 v63, v52  }
0x2d2: {  	v46 =	vsel vm13, v62, v46;
	v60 =	vmul.f32 v59, v30;
	v63 =	vmul.f32 v50, v1  }
0x2d3: {  	v49 =	vadd.f32 v56, v49;
	v51 =	vadd.f32 v58, v57;
	v57 =	vbroadcast v38, $0x7  }
0x2d4: {  	v58 =	vmul.f32 v54, v31;
	v54 =	vbroadcast v37, $0x7;
	v59 =	vadd.f32 v63, v61  }
0x2d5: {  	v56 =	vbroadcast v34, $0x7;
	v51 =	vadd.f32 v60, v51;
	v60 =	vmul.f32 v57, v2  }
0x2d6: {  	v63 =	vmul.f32 v53, v8;
	vm14 =	vgt.f32 v49, v45;
	v61 =	vmul.f32 v54, v3  }
0x2d7: {  	v45 =	vsel vm14, v49, v45;
	v51 =	vadd.f32 v58, v51;
	v49 =	vadd.f32 v60, v59  }
0x2d8: {  	v52 =	vmul.f32 v56, v5;
	v42 =	vsel vm14, v62, v42;
	v60 =	vmul.f32 v50, v9  }
0x2d9: {  	v59 =	vmul.f32 v57, v10;
	vm15 =	vgt.f32 v51, v44;
	v49 =	vadd.f32 v61, v49  }
0x2da: {  	v61 =	vmul.f32 v55, v4;
	v58 =	vadd.f32 v60, v63;
	v60 =	vmul.f32 v50, v17  }
0x2db: {  	v63 =	vbroadcast v32, $0x7;
	v50 =	vmul.f32 v50, v25;
	v44 =	vsel vm15, v51, v44  }
0x2dc: {  	v51 =	vmul.f32 v53, v16;
	v43 =	vsel vm15, v62, v43;
	v53 =	vmul.f32 v53, v24  }
0x2dd: {  	v49 =	vadd.f32 v61, v49;
	v61 =	vbroadcast v36, $0x7;
	v58 =	vadd.f32 v59, v58  }
0x2de: {  	v59 =	vmul.f32 v54, v11;
	v51 =	vadd.f32 v60, v51;
	v50 =	vadd.f32 v50, v53  }
0x2df: {  	v49 =	vadd.f32 v52, v49;
	v52 =	vmul.f32 v57, v18;
	v60 =	vmul.f32 v61, v6  }
0x2e0: {  	v53 =	vbroadcast v39, $0x8;
	v58 =	vadd.f32 v59, v58;
	v59 =	vmul.f32 v55, v12  }
0x2e1: {  	v51 =	vadd.f32 v52, v51;
	v52 =	vmul.f32 v54, v19;
	v49 =	vadd.f32 v60, v49  }
0x2e2: {  	v58 =	vadd.f32 v59, v58;
	v59 =	vmul.f32 v56, v13;
	v60 =	vmul.f32 v63, v7  }
0x2e3: {  	v62 =	vmul.f32 v61, v22;
	v51 =	vadd.f32 v52, v51;
	v52 =	vmul.f32 v55, v20  }
0x2e4: {  	v58 =	vadd.f32 v59, v58;
	v59 =	vmul.f32 v61, v14;
	v49 =	vadd.f32 v60, v49  }
0x2e5: {  	v60 =	vor.u32 $0x7, v33;
	v51 =	vadd.f32 v52, v51;
	v52 =	vmul.f32 v56, v21  }
0x2e6: {  	v58 =	vadd.f32 v59, v58;
	v59 =	vmul.f32 v63, v15;
	vm4 =	vgt.f32 v49, v48  }
0x2e7: {  	v61 =	vmul.f32 v61, v30;
	v48 =	vsel vm4, v49, v48;
	v51 =	vadd.f32 v52, v51  }
0x2e8: {  	v47 =	vsel vm4, v60, v47;
	v58 =	vadd.f32 v59, v58;
	v59 =	vmul.f32 v57, v26  }
0x2e9: {  	v52 =	vbroadcast v40, $0x8;
	v49 =	vadd.f32 v62, v51;
	v62 =	vmul.f32 v63, v23  }
0x2ea: {  	v57 =	vmul.f32 v55, v28;
	v55 =	vbroadcast v38, $0x8;
	vm5 =	vgt.f32 v58, v41  }
0x2eb: {  	v50 =	vadd.f32 v59, v50;
	v49 =	vadd.f32 v62, v49;
	v62 =	vmul.f32 v54, v27  }
0x2ec: {  	v59 =	vmul.f32 v53, v1;
	v51 =	vmul.f32 v56, v29;
	v41 =	vsel vm5, v58, v41  }
0x2ed: {  	v58 =	vmul.f32 v52, v0;
	vm6 =	vgt.f32 v49, v45;
	v50 =	vadd.f32 v62, v50  }
0x2ee: {  	v56 =	vbroadcast v37, $0x8;
	v62 =	vmul.f32 v55, v2;
	v45 =	vsel vm6, v49, v45  }
0x2ef: {  	v49 =	vadd.f32 v59, v58;
	v58 =	vbroadcast v35, $0x8;
	v50 =	vadd.f32 v57, v50  }
0x2f0: {  	v46 =	vsel vm5, v60, v46;
	v59 =	vmul.f32 v53, v9;
	v57 =	vmul.f32 v63, v31  }
0x2f1: {  	v49 =	vadd.f32 v62, v49;
	v62 =	vmul.f32 v56, v3;
	v50 =	vadd.f32 v51, v50  }
0x2f2: {  	v42 =	vsel vm6, v60, v42;
	v54 =	vmul.f32 v58, v4;
	v51 =	vmul.f32 v52, v8  }
0x2f3: {  	v49 =	vadd.f32 v62, v49;
	v50 =	vadd.f32 v61, v50;
	v61 =	vbroadcast v34, $0x8  }
0x2f4: {  	v63 =	vmul.f32 v55, v10;
	v51 =	vadd.f32 v59, v51;
	v59 =	vbroadcast v36, $0x8  }
0x2f5: {  	v49 =	vadd.f32 v54, v49;
	v50 =	vadd.f32 v57, v50;
	v62 =	vmul.f32 v61, v5  }
0x2f6: {  	v54 =	vbroadcast v32, $0x8;
	v51 =	vadd.f32 v63, v51;
	v63 =	vmul.f32 v56, v11  }
0x2f7: {  	v57 =	vmul.f32 v58, v12;
	vm7 =	vgt.f32 v50, v44;
	v49 =	vadd.f32 v62, v49  }
0x2f8: {  	v62 =	vmul.f32 v59, v6;
	v51 =	vadd.f32 v63, v51;
	v63 =	vmul.f32 v54, v7  }
0x2f9: {  	v44 =	vsel vm7, v50, v44;
	v50 =	vmul.f32 v52, v16;
	v43 =	vsel vm7, v60, v43  }
0x2fa: {  	v52 =	vmul.f32 v52, v24;
	v49 =	vadd.f32 v62, v49;
	v62 =	vmul.f32 v53, v17  }
0x2fb: {  	v51 =	vadd.f32 v57, v51;
	v57 =	vmul.f32 v61, v13;
	v53 =	vmul.f32 v53, v25  }
0x2fc: {  	v60 =	vmul.f32 v55, v18;
	v50 =	vadd.f32 v62, v50;
	v62 =	vor.u32 $0x8, v33  }
0x2fd: {  	v51 =	vadd.f32 v57, v51;
	v57 =	vmul.f32 v59, v14;
	v52 =	vadd.f32 v53, v52  }
0x2fe: {  	v53 =	vmul.f32 v55, v26;
	v50 =	vadd.f32 v60, v50;
	v60 =	vmul.f32 v56, v19  }
0x2ff: {  	v49 =	vadd.f32 v63, v49;
	v63 =	vmul.f32 v61, v21;
	v55 =	vbroadcast v35, $0x9  }
0x300: {  	v51 =	vadd.f32 v57, v51;
	v57 =	vmul.f32 v58, v20;
	v50 =	vadd.f32 v60, v50  }
0x301: {  	vm8 =	vgt.f32 v49, v48;
	v52 =	vadd.f32 v53, v52;
	v60 =	vmul.f32 v54, v15  }
0x302: {  	v53 =	vbroadcast v40, $0x9;
	v48 =	vsel vm8, v49, v48;
	v49 =	vadd.f32 v57, v50  }
0x303: {  	v51 =	vadd.f32 v60, v51;
	v57 =	vmul.f32 v56, v27;
	v60 =	vmul.f32 v59, v22  }
0x304: {  	v47 =	vsel vm8, v62, v47;
	v56 =	vmul.f32 v54, v23;
	v50 =	vbroadcast v39, $0x9  }
0x305: {  	v49 =	vadd.f32 v63, v49;
	v52 =	vadd.f32 v57, v52;
	v63 =	vmul.f32 v58, v28  }
0x306: {  	vm9 =	vgt.f32 v51, v41;
	v58 =	vmul.f32 v61, v29;
	v61 =	vmul.f32 v53, v0  }
0x307: {  	v41 =	vsel vm9, v51, v41;
	v49 =	vadd.f32 v60, v49;
	v57 =	vadd.f32 v63, v52  }
0x308: {  	v46 =	vsel vm9, v62, v46;
	v60 =	vmul.f32 v59, v30;
	v63 =	vmul.f32 v50, v1  }
0x309: {  	v49 =	vadd.f32 v56, v49;
	v51 =	vadd.f32 v58, v57;
	v57 =	vbroadcast v38, $0x9  }
0x30a: {  	v58 =	vmul.f32 v54, v31;
	v54 =	vbroadcast v37, $0x9;
	v59 =	vadd.f32 v63, v61  }
0x30b: {  	v56 =	vbroadcast v34, $0x9;
	v51 =	vadd.f32 v60, v51;
	v60 =	vmul.f32 v57, v2  }
0x30c: {  	v63 =	vmul.f32 v53, v8;
	vm10 =	vgt.f32 v49, v45;
	v61 =	vmul.f32 v54, v3  }
0x30d: {  	v45 =	vsel vm10, v49, v45;
	v51 =	vadd.f32 v58, v51;
	v49 =	vadd.f32 v60, v59  }
0x30e: {  	v52 =	vmul.f32 v56, v5;
	v42 =	vsel vm10, v62, v42;
	v60 =	vmul.f32 v50, v9  }
0x30f: {  	v59 =	vmul.f32 v57, v10;
	vm11 =	vgt.f32 v51, v44;
	v49 =	vadd.f32 v61, v49  }
0x310: {  	v61 =	vmul.f32 v55, v4;
	v58 =	vadd.f32 v60, v63;
	v60 =	vmul.f32 v50, v17  }
0x311: {  	v63 =	vbroadcast v32, $0x9;
	v50 =	vmul.f32 v50, v25;
	v44 =	vsel vm11, v51, v44  }
0x312: {  	v51 =	vmul.f32 v53, v16;
	v43 =	vsel vm11, v62, v43;
	v53 =	vmul.f32 v53, v24  }
0x313: {  	v49 =	vadd.f32 v61, v49;
	v61 =	vbroadcast v36, $0x9;
	v58 =	vadd.f32 v59, v58  }
0x314: {  	v59 =	vmul.f32 v54, v11;
	v51 =	vadd.f32 v60, v51;
	v50 =	vadd.f32 v50, v53  }
0x315: {  	v49 =	vadd.f32 v52, v49;
	v52 =	vmul.f32 v57, v18;
	v60 =	vmul.f32 v61, v6  }
0x316: {  	v53 =	vbroadcast v39, $0xA;
	v58 =	vadd.f32 v59, v58;
	v59 =	vmul.f32 v55, v12  }
0x317: {  	v51 =	vadd.f32 v52, v51;
	v52 =	vmul.f32 v54, v19;
	v49 =	vadd.f32 v60, v49  }
0x318: {  	v58 =	vadd.f32 v59, v58;
	v59 =	vmul.f32 v56, v13;
	v60 =	vmul.f32 v63, v7  }
0x319: {  	v62 =	vmul.f32 v61, v22;
	v51 =	vadd.f32 v52, v51;
	v52 =	vmul.f32 v55, v20  }
0x31a: {  	v58 =	vadd.f32 v59, v58;
	v59 =	vmul.f32 v61, v14;
	v49 =	vadd.f32 v60, v49  }
0x31b: {  	v60 =	vor.u32 $0x9, v33;
	v51 =	vadd.f32 v52, v51;
	v52 =	vmul.f32 v56, v21  }
0x31c: {  	v58 =	vadd.f32 v59, v58;
	v59 =	vmul.f32 v63, v15;
	vm12 =	vgt.f32 v49, v48  }
0x31d: {  	v61 =	vmul.f32 v61, v30;
	v48 =	vsel vm12, v49, v48;
	v51 =	vadd.f32 v52, v51  }
0x31e: {  	v47 =	vsel vm12, v60, v47;
	v58 =	vadd.f32 v59, v58;
	v59 =	vmul.f32 v57, v26  }
0x31f: {  	v52 =	vbroadcast v40, $0xA;
	v49 =	vadd.f32 v62, v51;
	v62 =	vmul.f32 v63, v23  }
0x320: {  	v57 =	vmul.f32 v55, v28;
	v55 =	vbroadcast v38, $0xA;
	vm13 =	vgt.f32 v58, v41  }
0x321: {  	v50 =	vadd.f32 v59, v50;
	v49 =	vadd.f32 v62, v49;
	v62 =	vmul.f32 v54, v27  }
0x322: {  	v59 =	vmul.f32 v53, v1;
	v51 =	vmul.f32 v56, v29;
	v41 =	vsel vm13, v58, v41  }
0x323: {  	v58 =	vmul.f32 v52, v0;
	vm14 =	vgt.f32 v49, v45;
	v50 =	vadd.f32 v62, v50  }
0x324: {  	v56 =	vbroadcast v37, $0xA;
	v62 =	vmul.f32 v55, v2;
	v45 =	vsel vm14, v49, v45  }
0x325: {  	v49 =	vadd.f32 v59, v58;
	v58 =	vbroadcast v35, $0xA;
	v50 =	vadd.f32 v57, v50  }
0x326: {  	v46 =	vsel vm13, v60, v46;
	v59 =	vmul.f32 v53, v9;
	v57 =	vmul.f32 v63, v31  }
0x327: {  	v49 =	vadd.f32 v62, v49;
	v62 =	vmul.f32 v56, v3;
	v50 =	vadd.f32 v51, v50  }
0x328: {  	v42 =	vsel vm14, v60, v42;
	v54 =	vmul.f32 v58, v4;
	v51 =	vmul.f32 v52, v8  }
0x329: {  	v49 =	vadd.f32 v62, v49;
	v50 =	vadd.f32 v61, v50;
	v61 =	vbroadcast v34, $0xA  }
0x32a: {  	v63 =	vmul.f32 v55, v10;
	v51 =	vadd.f32 v59, v51;
	v59 =	vbroadcast v36, $0xA  }
0x32b: {  	v49 =	vadd.f32 v54, v49;
	v50 =	vadd.f32 v57, v50;
	v62 =	vmul.f32 v61, v5  }
0x32c: {  	v54 =	vbroadcast v32, $0xA;
	v51 =	vadd.f32 v63, v51;
	v63 =	vmul.f32 v56, v11  }
0x32d: {  	v57 =	vmul.f32 v58, v12;
	vm15 =	vgt.f32 v50, v44;
	v49 =	vadd.f32 v62, v49  }
0x32e: {  	v62 =	vmul.f32 v59, v6;
	v51 =	vadd.f32 v63, v51;
	v63 =	vmul.f32 v54, v7  }
0x32f: {  	v44 =	vsel vm15, v50, v44;
	v50 =	vmul.f32 v52, v16;
	v43 =	vsel vm15, v60, v43  }
0x330: {  	v52 =	vmul.f32 v52, v24;
	v49 =	vadd.f32 v62, v49;
	v62 =	vmul.f32 v53, v17  }
0x331: {  	v51 =	vadd.f32 v57, v51;
	v57 =	vmul.f32 v61, v13;
	v53 =	vmul.f32 v53, v25  }
0x332: {  	v60 =	vmul.f32 v55, v18;
	v50 =	vadd.f32 v62, v50;
	v62 =	vor.u32 $0xA, v33  }
0x333: {  	v51 =	vadd.f32 v57, v51;
	v57 =	vmul.f32 v59, v14;
	v52 =	vadd.f32 v53, v52  }
0x334: {  	v53 =	vmul.f32 v55, v26;
	v50 =	vadd.f32 v60, v50;
	v60 =	vmul.f32 v56, v19  }
0x335: {  	v49 =	vadd.f32 v63, v49;
	v63 =	vmul.f32 v61, v21;
	v55 =	vbroadcast v35, $0xB  }
0x336: {  	v51 =	vadd.f32 v57, v51;
	v57 =	vmul.f32 v58, v20;
	v50 =	vadd.f32 v60, v50  }
0x337: {  	vm4 =	vgt.f32 v49, v48;
	v52 =	vadd.f32 v53, v52;
	v60 =	vmul.f32 v54, v15  }
0x338: {  	v53 =	vbroadcast v40, $0xB;
	v48 =	vsel vm4, v49, v48;
	v49 =	vadd.f32 v57, v50  }
0x339: {  	v51 =	vadd.f32 v60, v51;
	v57 =	vmul.f32 v56, v27;
	v60 =	vmul.f32 v59, v22  }
0x33a: {  	v47 =	vsel vm4, v62, v47;
	v56 =	vmul.f32 v54, v23;
	v50 =	vbroadcast v39, $0xB  }
0x33b: {  	v49 =	vadd.f32 v63, v49;
	v52 =	vadd.f32 v57, v52;
	v63 =	vmul.f32 v58, v28  }
0x33c: {  	vm5 =	vgt.f32 v51, v41;
	v58 =	vmul.f32 v61, v29;
	v61 =	vmul.f32 v53, v0  }
0x33d: {  	v41 =	vsel vm5, v51, v41;
	v49 =	vadd.f32 v60, v49;
	v57 =	vadd.f32 v63, v52  }
0x33e: {  	v46 =	vsel vm5, v62, v46;
	v60 =	vmul.f32 v59, v30;
	v63 =	vmul.f32 v50, v1  }
0x33f: {  	v49 =	vadd.f32 v56, v49;
	v51 =	vadd.f32 v58, v57;
	v57 =	vbroadcast v38, $0xB  }
0x340: {  	v58 =	vmul.f32 v54, v31;
	v54 =	vbroadcast v37, $0xB;
	v59 =	vadd.f32 v63, v61  }
0x341: {  	v56 =	vbroadcast v34, $0xB;
	v51 =	vadd.f32 v60, v51;
	v60 =	vmul.f32 v57, v2  }
0x342: {  	v63 =	vmul.f32 v53, v8;
	vm6 =	vgt.f32 v49, v45;
	v61 =	vmul.f32 v54, v3  }
0x343: {  	v45 =	vsel vm6, v49, v45;
	v51 =	vadd.f32 v58, v51;
	v49 =	vadd.f32 v60, v59  }
0x344: {  	v52 =	vmul.f32 v56, v5;
	v42 =	vsel vm6, v62, v42;
	v60 =	vmul.f32 v50, v9  }
0x345: {  	v59 =	vmul.f32 v57, v10;
	vm7 =	vgt.f32 v51, v44;
	v49 =	vadd.f32 v61, v49  }
0x346: {  	v61 =	vmul.f32 v55, v4;
	v58 =	vadd.f32 v60, v63;
	v60 =	vmul.f32 v50, v17  }
0x347: {  	v63 =	vbroadcast v32, $0xB;
	v50 =	vmul.f32 v50, v25;
	v44 =	vsel vm7, v51, v44  }
0x348: {  	v51 =	vmul.f32 v53, v16;
	v43 =	vsel vm7, v62, v43;
	v53 =	vmul.f32 v53, v24  }
0x349: {  	v49 =	vadd.f32 v61, v49;
	v61 =	vbroadcast v36, $0xB;
	v58 =	vadd.f32 v59, v58  }
0x34a: {  	v59 =	vmul.f32 v54, v11;
	v51 =	vadd.f32 v60, v51;
	v50 =	vadd.f32 v50, v53  }
0x34b: {  	v49 =	vadd.f32 v52, v49;
	v52 =	vmul.f32 v57, v18;
	v60 =	vmul.f32 v61, v6  }
0x34c: {  	v53 =	vbroadcast v39, $0xC;
	v58 =	vadd.f32 v59, v58;
	v59 =	vmul.f32 v55, v12  }
0x34d: {  	v51 =	vadd.f32 v52, v51;
	v52 =	vmul.f32 v54, v19;
	v49 =	vadd.f32 v60, v49  }
0x34e: {  	v58 =	vadd.f32 v59, v58;
	v59 =	vmul.f32 v56, v13;
	v60 =	vmul.f32 v63, v7  }
0x34f: {  	v62 =	vmul.f32 v61, v22;
	v51 =	vadd.f32 v52, v51;
	v52 =	vmul.f32 v55, v20  }
0x350: {  	v58 =	vadd.f32 v59, v58;
	v59 =	vmul.f32 v61, v14;
	v49 =	vadd.f32 v60, v49  }
0x351: {  	v60 =	vor.u32 $0xB, v33;
	v51 =	vadd.f32 v52, v51;
	v52 =	vmul.f32 v56, v21  }
0x352: {  	v58 =	vadd.f32 v59, v58;
	v59 =	vmul.f32 v63, v15;
	vm8 =	vgt.f32 v49, v48  }
0x353: {  	v61 =	vmul.f32 v61, v30;
	v48 =	vsel vm8, v49, v48;
	v51 =	vadd.f32 v52, v51  }
0x354: {  	v47 =	vsel vm8, v60, v47;
	v58 =	vadd.f32 v59, v58;
	v59 =	vmul.f32 v57, v26  }
0x355: {  	v52 =	vbroadcast v40, $0xC;
	v49 =	vadd.f32 v62, v51;
	v62 =	vmul.f32 v63, v23  }
0x356: {  	v57 =	vmul.f32 v55, v28;
	v55 =	vbroadcast v38, $0xC;
	vm9 =	vgt.f32 v58, v41  }
0x357: {  	v50 =	vadd.f32 v59, v50;
	v49 =	vadd.f32 v62, v49;
	v62 =	vmul.f32 v54, v27  }
0x358: {  	v59 =	vmul.f32 v53, v1;
	v51 =	vmul.f32 v56, v29;
	v41 =	vsel vm9, v58, v41  }
0x359: {  	v58 =	vmul.f32 v52, v0;
	vm10 =	vgt.f32 v49, v45;
	v50 =	vadd.f32 v62, v50  }
0x35a: {  	v56 =	vbroadcast v37, $0xC;
	v62 =	vmul.f32 v55, v2;
	v45 =	vsel vm10, v49, v45  }
0x35b: {  	v49 =	vadd.f32 v59, v58;
	v58 =	vbroadcast v35, $0xC;
	v50 =	vadd.f32 v57, v50  }
0x35c: {  	v46 =	vsel vm9, v60, v46;
	v59 =	vmul.f32 v53, v9;
	v57 =	vmul.f32 v63, v31  }
0x35d: {  	v49 =	vadd.f32 v62, v49;
	v62 =	vmul.f32 v56, v3;
	v50 =	vadd.f32 v51, v50  }
0x35e: {  	v42 =	vsel vm10, v60, v42;
	v54 =	vmul.f32 v58, v4;
	v51 =	vmul.f32 v52, v8  }
0x35f: {  	v49 =	vadd.f32 v62, v49;
	v50 =	vadd.f32 v61, v50;
	v61 =	vbroadcast v34, $0xC  }
0x360: {  	v63 =	vmul.f32 v55, v10;
	v51 =	vadd.f32 v59, v51;
	v59 =	vbroadcast v36, $0xC  }
0x361: {  	v49 =	vadd.f32 v54, v49;
	v50 =	vadd.f32 v57, v50;
	v62 =	vmul.f32 v61, v5  }
0x362: {  	v54 =	vbroadcast v32, $0xC;
	v51 =	vadd.f32 v63, v51;
	v63 =	vmul.f32 v56, v11  }
0x363: {  	v57 =	vmul.f32 v58, v12;
	vm11 =	vgt.f32 v50, v44;
	v49 =	vadd.f32 v62, v49  }
0x364: {  	v62 =	vmul.f32 v59, v6;
	v51 =	vadd.f32 v63, v51;
	v63 =	vmul.f32 v54, v7  }
0x365: {  	v44 =	vsel vm11, v50, v44;
	v50 =	vmul.f32 v52, v16;
	v43 =	vsel vm11, v60, v43  }
0x366: {  	v52 =	vmul.f32 v52, v24;
	v49 =	vadd.f32 v62, v49;
	v62 =	vmul.f32 v53, v17  }
0x367: {  	v51 =	vadd.f32 v57, v51;
	v57 =	vmul.f32 v61, v13;
	v53 =	vmul.f32 v53, v25  }
0x368: {  	v60 =	vmul.f32 v55, v18;
	v50 =	vadd.f32 v62, v50;
	v62 =	vor.u32 $0xC, v33  }
0x369: {  	v51 =	vadd.f32 v57, v51;
	v57 =	vmul.f32 v59, v14;
	v52 =	vadd.f32 v53, v52  }
0x36a: {  	v53 =	vmul.f32 v55, v26;
	v50 =	vadd.f32 v60, v50;
	v60 =	vmul.f32 v56, v19  }
0x36b: {  	v49 =	vadd.f32 v63, v49;
	v63 =	vmul.f32 v61, v21;
	v55 =	vbroadcast v37, $0xD  }
0x36c: {  	v51 =	vadd.f32 v57, v51;
	v57 =	vmul.f32 v58, v20;
	v50 =	vadd.f32 v60, v50  }
0x36d: {  	vm12 =	vgt.f32 v49, v48;
	v52 =	vadd.f32 v53, v52;
	v60 =	vmul.f32 v54, v15  }
0x36e: {  	v53 =	vbroadcast v40, $0xD;
	v48 =	vsel vm12, v49, v48;
	v49 =	vadd.f32 v57, v50  }
0x36f: {  	v51 =	vadd.f32 v60, v51;
	v57 =	vmul.f32 v56, v27;
	v60 =	vmul.f32 v59, v22  }
0x370: {  	v47 =	vsel vm12, v62, v47;
	v56 =	vmul.f32 v54, v23;
	v50 =	vbroadcast v39, $0xD  }
0x371: {  	v49 =	vadd.f32 v63, v49;
	v52 =	vadd.f32 v57, v52;
	v63 =	vmul.f32 v58, v28  }
0x372: {  	vm13 =	vgt.f32 v51, v41;
	v58 =	vmul.f32 v61, v29;
	v61 =	vmul.f32 v53, v0  }
0x373: {  	v41 =	vsel vm13, v51, v41;
	v49 =	vadd.f32 v60, v49;
	v57 =	vadd.f32 v63, v52  }
0x374: {  	v46 =	vsel vm13, v62, v46;
	v60 =	vmul.f32 v59, v30;
	v63 =	vmul.f32 v50, v1  }
0x375: {  	v49 =	vadd.f32 v56, v49;
	v51 =	vadd.f32 v58, v57;
	v57 =	vbroadcast v38, $0xD  }
0x376: {  	v52 =	vadd.f32 v63, v61;
	v63 =	vmul.f32 v53, v8;
	v58 =	vbroadcast v35, $0xD  }
0x377: {  	v56 =	vmul.f32 v55, v11;
	v59 =	vadd.f32 v60, v51;
	v60 =	vmul.f32 v54, v31  }
0x378: {  	vm14 =	vgt.f32 v49, v45;
	v61 =	vmul.f32 v57, v2;
	v54 =	vbroadcast v34, $0xD  }
0x379: {  	v45 =	vsel vm14, v49, v45;
	v49 =	vadd.f32 v60, v59;
	v60 =	vmul.f32 v50, v9  }
0x37a: {  	v42 =	vsel vm14, v62, v42;
	v52 =	vadd.f32 v61, v52;
	v61 =	vmul.f32 v55, v3  }
0x37b: {  	v59 =	vmul.f32 v50, v17;
	v50 =	vmul.f32 v50, v25;
	v51 =	vadd.f32 v60, v63  }
0x37c: {  	v63 =	vmul.f32 v57, v10;
	v60 =	vadd.f32 v61, v52;
	v61 =	vmul.f32 v58, v4  }
0x37d: {  	vm15 =	vgt.f32 v49, v44;
	v52 =	vmul.f32 v53, v16;
	v53 =	vmul.f32 v53, v24  }
0x37e: {  	v44 =	vsel vm15, v49, v44;
	v43 =	vsel vm15, v62, v43;
	v51 =	vadd.f32 v63, v51  }
0x37f: {  	v49 =	vadd.f32 v61, v60;
	v60 =	vmul.f32 v54, v5;
	v61 =	vbroadcast v36, $0xD  }
0x380: {  	v52 =	vadd.f32 v59, v52;
	v59 =	vmul.f32 v57, v18;
	v63 =	vbroadcast v32, $0xD  }
0x381: {  	v50 =	vadd.f32 v50, v53;
	v57 =	vmul.f32 v57, v26;
	v51 =	vadd.f32 v56, v51  }
0x382: {  	v56 =	vmul.f32 v58, v12;
	v52 =	vadd.f32 v59, v52;
	v59 =	vmul.f32 v55, v19  }
0x383: {  	v53 =	vbroadcast v39, $0xE;
	v49 =	vadd.f32 v60, v49;
	v60 =	vmul.f32 v61, v6  }
0x384: {  	v51 =	vadd.f32 v56, v51;
	v56 =	vmul.f32 v54, v13;
	v52 =	vadd.f32 v59, v52  }
0x385: {  	v59 =	vmul.f32 v58, v20;
	v49 =	vadd.f32 v60, v49;
	v60 =	vmul.f32 v63, v7  }
0x386: {  	v39 =	vbroadcast v39, $0xF;
	v51 =	vadd.f32 v56, v51;
	v56 =	vmul.f32 v61, v14  }
0x387: {  	v52 =	vadd.f32 v59, v52;
	v59 =	vmul.f32 v54, v21;
	v49 =	vadd.f32 v60, v49  }
0x388: {  	v62 =	vmul.f32 v61, v22;
	v50 =	vadd.f32 v57, v50;
	v51 =	vadd.f32 v56, v51  }
0x389: {  	v56 =	vmul.f32 v63, v15;
	v52 =	vadd.f32 v59, v52;
	vm4 =	vgt.f32 v49, v48  }
0x38a: {  	v57 =	vmul.f32 v63, v31;
	v59 =	vmul.f32 v55, v27;
	v48 =	vsel vm4, v49, v48  }
0x38b: {  	v51 =	vadd.f32 v56, v51;
	v62 =	vadd.f32 v62, v52;
	v52 =	vbroadcast v40, $0xE  }
0x38c: {  	v56 =	vmul.f32 v63, v23;
	v50 =	vadd.f32 v59, v50;
	v59 =	vmul.f32 v54, v29  }
0x38d: {  	v40 =	vbroadcast v40, $0xF;
	vm5 =	vgt.f32 v51, v41;
	v55 =	vmul.f32 v52, v0  }
0x38e: {  	v49 =	vadd.f32 v56, v62;
	v62 =	vmul.f32 v53, v1;
	v56 =	vbroadcast v38, $0xE  }
0x38f: {  	v38 =	vbroadcast v38, $0xF;
	v41 =	vsel vm5, v51, v41;
	v51 =	vmul.f32 v58, v28  }
0x390: {  	v58 =	vbroadcast v35, $0xE;
	v35 =	vbroadcast v35, $0xF;
	vm6 =	vgt.f32 v49, v45  }
0x391: {  	v54 =	vmul.f32 v56, v2;
	v45 =	vsel vm6, v49, v45;
	v50 =	vadd.f32 v51, v50  }
0x392: {  	v49 =	vadd.f32 v62, v55;
	v55 =	vbroadcast v37, $0xE;
	v62 =	vmul.f32 v61, v30  }
0x393: {  	v60 =	vor.u32 $0xD, v33;
	v51 =	vmul.f32 v52, v8;
	v37 =	vbroadcast v37, $0xF  }
0x394: {  	v50 =	vadd.f32 v59, v50;
	v49 =	vadd.f32 v54, v49;
	v61 =	vmul.f32 v55, v3  }
0x395: {  	v47 =	vsel vm4, v60, v47;
	v59 =	vmul.f32 v53, v9;
	v54 =	vmul.f32 v58, v4  }
0x396: {  	v50 =	vadd.f32 v62, v50;
	v49 =	vadd.f32 v61, v49;
	v61 =	vbroadcast v34, $0xE  }
0x397: {  	v51 =	vadd.f32 v59, v51;
	v62 =	vmul.f32 v56, v10;
	v59 =	vbroadcast v36, $0xE  }
0x398: {  	v46 =	vsel vm5, v60, v46;
	v34 =	vbroadcast v34, $0xF;
	v36 =	vbroadcast v36, $0xF  }
0x399: {  	v50 =	vadd.f32 v57, v50;
	v49 =	vadd.f32 v54, v49;
	v63 =	vmul.f32 v61, v5  }
0x39a: {  	v51 =	vadd.f32 v62, v51;
	v62 =	vmul.f32 v55, v11;
	v54 =	vbroadcast v32, $0xE  }
0x39b: {  	v42 =	vsel vm6, v60, v42;
	v57 =	vmul.f32 v58, v12;
	v32 =	vbroadcast v32, $0xF  }
0x39c: {  	vm7 =	vgt.f32 v50, v44;
	v49 =	vadd.f32 v63, v49;
	v51 =	vadd.f32 v62, v51  }
0x39d: {  	v62 =	vmul.f32 v53, v17;
	v44 =	vsel vm7, v50, v44;
	v50 =	vmul.f32 v59, v6  }
0x39e: {  	v43 =	vsel vm7, v60, v43;
	v60 =	vmul.f32 v52, v16;
	v51 =	vadd.f32 v57, v51  }
0x39f: {  	v57 =	vmul.f32 v61, v13;
	v49 =	vadd.f32 v50, v49;
	v50 =	vmul.f32 v54, v7  }
0x3a0: {  	v63 =	vmul.f32 v53, v25;
	v60 =	vadd.f32 v62, v60;
	v62 =	vmul.f32 v56, v18  }
0x3a1: {  	v51 =	vadd.f32 v57, v51;
	v49 =	vadd.f32 v50, v49;
	v50 =	vmul.f32 v52, v24  }
0x3a2: {  	v57 =	vmul.f32 v39, v1;
	v60 =	vadd.f32 v62, v60;
	v62 =	vmul.f32 v55, v19  }
0x3a3: {  	vm8 =	vgt.f32 v49, v48;
	v50 =	vadd.f32 v63, v50;
	v63 =	vmul.f32 v56, v26  }
0x3a4: {  	v56 =	vmul.f32 v59, v14;
	v53 =	vadd.f32 v62, v60;
	v60 =	vmul.f32 v58, v20  }
0x3a5: {  	v48 =	vsel vm8, v49, v48;
	v62 =	vadd.f32 v63, v50;
	v63 =	vmul.f32 v55, v27  }
0x3a6: {  	v51 =	vadd.f32 v56, v51;
	v52 =	vadd.f32 v60, v53;
	v60 =	vmul.f32 v61, v21  }
0x3a7: {  	v55 =	vor.u32 $0xE, v33;
	v56 =	vmul.f32 v40, v0;
	v33 =	vor.u32 $0xF, v33  }
0x3a8: {  	v49 =	vadd.f32 v63, v62;
	v62 =	vmul.f32 v58, v28;
	v63 =	vmul.f32 v54, v15  }
0x3a9: {  	v52 =	vadd.f32 v60, v52;
	v58 =	vmul.f32 v59, v22;
	v60 =	vmul.f32 v61, v29  }
0x3aa: {  	v61 =	vmul.f32 v54, v23;
	v49 =	vadd.f32 v62, v49;
	v51 =	vadd.f32 v63, v51  }
0x3ab: {  	v52 =	vadd.f32 v58, v52;
	v62 =	vmul.f32 v59, v30;
	v63 =	vmul.f32 v54, v31  }
0x3ac: {  	v58 =	vadd.f32 v57, v56;
	v59 =	vmul.f32 v38, v2;
	v56 =	vmul.f32 v38, v10  }
0x3ad: {  	v47 =	vsel vm8, v55, v47;
	v57 =	vmul.f32 v34, v5;
	v54 =	vmul.f32 v34, v21  }
0x3ae: {  	v49 =	vadd.f32 v60, v49;
	vm9 =	vgt.f32 v51, v41;
	v52 =	vadd.f32 v61, v52  }
0x3af: {  	v50 =	vadd.f32 v59, v58;
	v60 =	vmul.f32 v37, v3;
	v61 =	vmul.f32 v40, v8  }
0x3b0: {  	v58 =	vmul.f32 v36, v6;
	v59 =	vmul.f32 v37, v11;
	v49 =	vadd.f32 v62, v49  }
0x3b1: {  	v41 =	vsel vm9, v51, v41;
	v46 =	vsel vm9, v55, v46;
	v62 =	vmul.f32 v39, v9  }
0x3b2: {  	v50 =	vadd.f32 v60, v50;
	v49 =	vadd.f32 v63, v49;
	v63 =	vmul.f32 v35, v4  }
0x3b3: {  	vm10 =	vgt.f32 v52, v45;
	v60 =	vmul.f32 v40, v16;
	v40 =	vmul.f32 v40, v24  }
0x3b4: {  	v42 =	vsel vm10, v55, v42;
	vm11 =	vgt.f32 v49, v44;
	v50 =	vadd.f32 v63, v50  }
0x3b5: {  	v44 =	vsel vm11, v49, v44;
	v49 =	vadd.f32 v62, v61;
	v61 =	vmul.f32 v39, v17  }
0x3b6: {  	v63 =	vmul.f32 v38, v18;
	v39 =	vmul.f32 v39, v25;
	v50 =	vadd.f32 v57, v50  }
0x3b7: {  	v38 =	vmul.f32 v38, v26;
	v49 =	vadd.f32 v56, v49;
	v51 =	vadd.f32 v61, v60  }
0x3b8: {  	v62 =	vmul.f32 v35, v12;
	v39 =	vadd.f32 v39, v40;
	v50 =	vadd.f32 v58, v50  }
0x3b9: {  	v49 =	vadd.f32 v59, v49;
	v58 =	vadd.f32 v63, v51;
	v59 =	vmul.f32 v37, v19  }
0x3ba: {  	v43 =	vsel vm11, v55, v43;
	v38 =	vadd.f32 v38, v39;
	v37 =	vmul.f32 v37, v27  }
0x3bb: {  	v57 =	vadd.f32 v62, v49;
	v61 =	vadd.f32 v59, v58;
	v62 =	vmul.f32 v35, v20  }
0x3bc: {  	v60 =	vmul.f32 v34, v13;
	v37 =	vadd.f32 v37, v38;
	v35 =	vmul.f32 v35, v28  }
0x3bd: {  	v55 =	vmul.f32 v32, v7;
	v34 =	vmul.f32 v34, v29;
	v39 =	vadd.f32 v62, v61  }
0x3be: {  	v63 =	vmul.f32 v36, v14;
	v40 =	vadd.f32 v60, v57;
	v35 =	vadd.f32 v35, v37  }
0x3bf: {  	v58 =	vmul.f32 v36, v22;
	v59 =	vmul.f32 v32, v15;
	v57 =	vadd.f32 v54, v39  }
0x3c0: {  	v60 =	vmul.f32 v36, v30;
	v56 =	vadd.f32 v63, v40;
	v34 =	vadd.f32 v34, v35  }
0x3c1: {  	v61 =	vadd.f32 v55, v50;
	v62 =	vmul.f32 v32, v23;
	v38 =	vadd.f32 v58, v57  }
0x3c2: {  	p0 =	sne.s32 s14, $0x1F0;
	v32 =	vmul.f32 v32, v31;
	v37 =	vadd.f32 v59, v56;
	v34 =	vadd.f32 v60, v34  }
.Ltmp1:
0x3c3: {  	v45 =	vsel vm10, v52, v45;
	vm12 =	vgt.f32 v61, v48;
	v63 =	vadd.f32 v62, v38;
	(pc) =	sbr.rel @p0 .LBB2_4-.Ltmp1, $4  }
0x3c4: {  	v48 =	vsel vm12, v61, v48;
	vm13 =	vgt.f32 v37, v41;
	v32 =	vadd.f32 v32, v34  }
0x3c5: {  	v47 =	vsel vm12, v33, v47;
	v41 =	vsel vm13, v37, v41;
	vm14 =	vgt.f32 v63, v45  }
0x3c6: {  	v46 =	vsel vm13, v33, v46;
	vm15 =	vgt.f32 v32, v44;
	v45 =	vsel vm14, v63, v45  }
0x3c7: {  	s13 =	sadd.s32 $0x80, s13;
	s14 =	sadd.s32 $0x10, s14;
	v42 =	vsel vm14, v33, v42;
	v44 =	vsel vm15, v32, v44;
	v43 =	vsel vm15, v33, v43  }
0x3c8: {  	[tilespmem:$0x1440] =	vst v48  }
0x3c9: {  	[tilespmem:$0x14C0] =	vst v47  }
0x3ca: {  	[tilespmem:$0x1450] =	vst v41  }
0x3cb: {  	[tilespmem:$0x14D0] =	vst v46  }
0x3cc: {  	[tilespmem:$0x1460] =	vst v45  }
0x3cd: {  	[tilespmem:$0x14E0] =	vst v42  }
0x3ce: {  	[tilespmem:$0x1470] =	vst v44  }
0x3cf: {  	[tilespmem:$0x14F0] =	vst v43  }
0x3d0: {  	[hbm4b:s5+s3] =	stream.linear.scatter [tilespmem:s10], [sflag:$0x1], $0x80, $0x38;
	[tilespmem:$0x1500] =	vst v63  }
0x3d1: {  	s12 =	sadd.s32 $0x1, s12;
	_ =	swait.ge [sflag:s8], $0x80  }
0x3d2: {  	p0 =	sne.s32 s12, s7;
	[sflag:s8] =	ssyncset.done $0x0  }
.Ltmp2:
0x3d3: {  	[sflag:s8] =	ssyncadd.s32 $0xFFFFFF80;
	(pc) =	sbr.rel @p0 .LBB2_1-.Ltmp2, $4  }
0x3d4: {  	[hbm4b:s6+s3] =	stream.linear.scatter [tilespmem:s11], [sflag:$0x1], $0x80, $0x38;
	[tilespmem:$0x1500] =	vst v63  }
0x3d5: {  	_ =	swait.ge [sflag:s8], $0x80  }
0x3d6: {  	[sflag:s8] =	ssyncset.done $0x0  }
0x3d7: {  	[sflag:s8] =	ssyncadd.s32 $0xFFFFFF80  }
0x3d8: {  	_ =	sfence.sel $0x180000  }
0x3d9: {  	[bflag:$0x0] =	sbarrier.arrive $0xFFFF  }
0x3da: {  	p0 =	sne.s32 s1, $0x0;
	_ =	strace $0x90000047  }
0x3db: {  	s0 =	sadd.s32 @!p0 $0x100000, s0;
	[bflag:$0x2] =	sbarrier.arrive $0xFFFF  }
0x3dc: {  	[sflag:s0] =	ssyncadd.tile.s32 @!p0 $0x1;
	_ =	shalt  }
.Lfunc_end2:
_tile_overlayer_lowered:
.L_overlay_start_2:
0x3dd: {  	(tag) =	ssettag $0x2  }
0x3de: {  	s0 =	rddreg [dreg:$0x0];
	s2 =	stileid.u32  }
0x3df: {  	s1 =	rddreg [dreg:$0x1];
	p0 =	sne.s32 s2, $0x0  }
0x3e0: {  	s3 =	rddreg [dreg:$0x2];
	[bflag:$0x3] =	sbarrier.arrive $0xFFFF;
	s2 =	simm.s32 @!p0 $0x1C01  }
0x3e1: {  	[timem:s3], [sflag:s2] =	dma.local @!p0 [hbm:s0], s1  }
0x3e2: {  	s0 =	simm.s32 @!p0 $0x1  }
0x3e3: {  	_ =	swait.ge @!p0 [sflag:s0], s1  }
0x3e4: {  	s1 =	ssub.s32 @!p0 $0x0, s1;
	[sflag:s0] =	ssyncset.done @!p0 $0x0  }
0x3e5: {  	[sflag:s0] =	ssyncadd.s32 @!p0 s1  }
0x3e6: {  	[bflag:$0x3] =	sbarrier.arrive $0xFFFF  }
0x3e7: {  	_ =	shalt  }

</sc_bundles>
